<compile_context>
chip_gen: v7x
topology: tpu7x:2x2x1
jax: 0.10.2.dev20260603
libtpu: 0.0.44.dev20260713+nightly
codegen_flags: <defaults>
</compile_context>

<pallas_src>
import functools

import jax
import jax.numpy as jnp
from jax import lax
from jax.experimental import pallas as pl
from jax.experimental.pallas import tpu as pltpu
from jax.experimental.pallas import tpu_sc as plsc

N = 10000
D = 128
E = 320000
H = D // 2
NT = 16
CH = 128
EPT = -(-E // NT)
NCH = 2 * -(-EPT // (2 * CH))
EPT_PAD = NCH * CH
NP = 10240
RPT = NP // NT


def _sc_spmm3(x0, colp, rowp, valp, zeros):
    mesh = plsc.VectorSubcoreMesh(core_axis_name="c", subcore_axis_name="s")
    out = jax.ShapeDtypeStruct((2 * NP, H), jnp.float32)

    @functools.partial(
        pl.kernel,
        out_type=(out, out, out),
        mesh=mesh,
        compiler_params=pltpu.CompilerParams(
            needs_layout_passes=False, use_tc_tiling_on_sc=False),
        scratch_types=[
            pltpu.VMEM((NCH, CH), jnp.int32),
            pltpu.VMEM((NCH, CH), jnp.int32),
            pltpu.VMEM((NCH * CH,), jnp.float32),
            pltpu.VMEM((CH, H), jnp.float32),
            pltpu.VMEM((CH, H), jnp.float32),
            pltpu.VMEM_SHARED((NP, H), jnp.float32),
            pltpu.SemaphoreType.DMA,
            pltpu.SemaphoreType.DMA,
        ],
    )
    def k(x0_h, colp_h, rowp_h, valp_h, zeros_h, y1_h, y2_h, y3_h,
          col_v, row_v, val_v, rows_a, rows_b, acc, gsem_a, gsem_b):
        c = lax.axis_index("c")
        s = lax.axis_index("s")

        pltpu.sync_copy(colp_h.at[s], col_v)
        pltpu.sync_copy(rowp_h.at[s], row_v)
        pltpu.sync_copy(valp_h.at[s], val_v)

        off = jnp.full((16,), c * NP, jnp.int32)

        @pl.loop(0, NCH * CH // 16)
        def _offset(i):
            j = i // (CH // 16)
            k16 = (i % (CH // 16)) * 16
            col_v[j, pl.ds(k16, 16)] = col_v[j, pl.ds(k16, 16)] + off

        def scale(buf, j):
            vbase = jnp.full((16,), j * CH, jnp.int32)

            @pl.loop(0, CH // 16)
            def _scale(e16):
                e0 = e16 * 16
                vs = [plsc.load_gather(val_v, [vbase + (e0 + u)])
                      for u in range(16)]
                for u in range(16):
                    e = e0 + u
                    for kk in range(H // 16):
                        buf[e, pl.ds(kk * 16, 16)] = (
                            buf[e, pl.ds(kk * 16, 16)] * vs[u])

        for src_h, dst_h in ((x0_h, y1_h), (y1_h, y2_h), (y2_h, y3_h)):
            pltpu.sync_copy(zeros_h, acc.at[pl.ds(s * RPT, RPT)])
            plsc.subcore_barrier()

            pltpu.async_copy(src_h.at[col_v.at[0]], rows_a, gsem_a)
            pltpu.async_copy(src_h.at[col_v.at[1]], rows_b, gsem_b)

            @pl.loop(0, NCH // 2)
            def _pair(i):
                for off2, buf, gsem in ((0, rows_a, gsem_a),
                                        (1, rows_b, gsem_b)):
                    j = 2 * i + off2
                    pltpu.make_async_copy(
                        src_h.at[col_v.at[j]], buf, gsem).wait()
                    scale(buf, j)
                    pltpu.sync_copy(buf, acc.at[row_v.at[j]], add=True)

                    @pl.when(j + 2 < NCH)
                    def _prefetch():
                        pltpu.async_copy(
                            src_h.at[col_v.at[j + 2]], buf, gsem)

            plsc.subcore_barrier()
            pltpu.sync_copy(acc.at[pl.ds(s * RPT, RPT)],
                            dst_h.at[pl.ds(c * NP + s * RPT, RPT)])
            plsc.subcore_barrier()

    return k(x0, colp, rowp, valp, zeros)


def _assemble(item_emb, y1, y2, y3):
    BN = 1000

    def body(x0_r, y1_r, y2_r, y3_r, e1_r, e2_r, e3_r, tot_r):
        e1 = jnp.concatenate([y1_r[0], y1_r[1]], axis=-1)
        e2 = jnp.concatenate([y2_r[0], y2_r[1]], axis=-1)
        e3 = jnp.concatenate([y3_r[0], y3_r[1]], axis=-1)
        e1_r[...] = e1
        e2_r[...] = e2
        e3_r[...] = e3
        tot_r[...] = x0_r[...] + e1 + e2 + e3

    half = pl.BlockSpec((2, BN, H), lambda i: (0, i, 0))
    full = pl.BlockSpec((BN, D), lambda i: (i, 0))
    outs = jax.ShapeDtypeStruct((N, D), jnp.float32)
    return pl.pallas_call(
        body,
        grid=(N // BN,),
        in_specs=[full, half, half, half],
        out_specs=[full, full, full, full],
        out_shape=(outs, outs, outs, outs),
    )(item_emb,
      y1.reshape(2, NP, H), y2.reshape(2, NP, H), y3.reshape(2, NP, H))


def kernel(item_emb, edge_index, edge_vals):
    rpad = ((0, NP - N), (0, 0))
    x0 = jnp.concatenate([jnp.pad(item_emb[:, :H], rpad),
                          jnp.pad(item_emb[:, H:], rpad)], axis=0)

    pad = NT * EPT_PAD - E
    col = jnp.concatenate([edge_index[1], jnp.zeros((pad,), jnp.int32)])
    row = jnp.concatenate([edge_index[0], jnp.zeros((pad,), jnp.int32)])
    val = jnp.concatenate([edge_vals, jnp.zeros((pad,), jnp.float32)])
    colp = col.reshape(NT, NCH, CH)
    rowp = row.reshape(NT, NCH, CH)
    valp = val.reshape(NT, NCH * CH)
    zeros = jnp.zeros((RPT, H), jnp.float32)

    y1, y2, y3 = _sc_spmm3(x0, colp, rowp, valp, zeros)
    e1, e2, e3, total = _assemble(item_emb, y1, y2, y3)
    return (total, (item_emb, e1, e2, e3))

# --- scband reference (transcript-rebuilt; emitter-appended) ---
"""Pipeline reference for scband-graph-encoder-89429809037662 (READ-ONLY COPY).

The authoritative reference and input builder live on the scoring server;
editing this copy changes nothing except your own understanding.
"""

import jax, jax.numpy as jnp
import numpy as np

N = 10000
D = 128
E = 320000
L = 3

def setup_inputs(seed: int = 0) -> dict:
    key = jax.random.key(seed)
    k1, k2, k3 = jax.random.split(key, 3)
    # learned embedding table (xavier_uniform-like init)
    limit = float(np.sqrt(6.0 / (N + D)))
    item_emb = jax.random.uniform(k1, (N, D), dtype=jnp.float32, minval=-limit, maxval=limit)
    # sparse adjacency in COO form: adj[row, col] = val
    edge_index = jax.random.randint(k2, (2, E), 0, N, dtype=jnp.int32)
    edge_vals = jax.random.uniform(k3, (E,), dtype=jnp.float32)
    return {"item_emb": item_emb, "edge_index": edge_index, "edge_vals": edge_vals}

def _spmm(edge_index, edge_vals, x):
    # out[i] = sum_j adj[i, j] * x[j]  (torch.spmm equivalent)
    row = edge_index[0]
    col = edge_index[1]
    msgs = edge_vals[:, None] * jnp.take(x, col, axis=0)
    return jax.ops.segment_sum(msgs, row, num_segments=N)

def reference(item_emb, edge_index, edge_vals):
    embeds = [item_emb]
    for _ in range(L):
        embeds.append(_spmm(edge_index, edge_vals, embeds[-1]))
    total = embeds[0]
    for e in embeds[1:]:
        total = total + e
    return (total, tuple(embeds))

if __name__ == "__main__":
    import jax
    _d = setup_inputs()
    print(jax.jit(kernel)(*tuple(_d.values())))

</pallas_src>

<mosaic_0001>
#map = affine_map<(d0, d1) -> (0, 0)>
#map1 = affine_map<(d0, d1) -> (0, 0, 0)>
module attributes {stable_mosaic.version = 14 : i64} {
  func.func @k(%arg0: i32, %arg1: i32, %arg2: memref<20480x64xf32, #tpu.memory_space<hbm>>, %arg3: memref<16x158x128xi32, #tpu.memory_space<hbm>>, %arg4: memref<16x158x128xi32, #tpu.memory_space<hbm>>, %arg5: memref<16x20224xf32, #tpu.memory_space<hbm>>, %arg6: memref<640x64xf32, #tpu.memory_space<hbm>>, %arg7: memref<20480x64xf32, #tpu.memory_space<hbm>>, %arg8: memref<20480x64xf32, #tpu.memory_space<hbm>>, %arg9: memref<20480x64xf32, #tpu.memory_space<hbm>>, %arg10: memref<158x128xi32, #tpu.memory_space<vmem>>, %arg11: memref<158x128xi32, #tpu.memory_space<vmem>>, %arg12: memref<20224xf32, #tpu.memory_space<vmem>>, %arg13: memref<128x64xf32, #tpu.memory_space<vmem>>, %arg14: memref<128x64xf32, #tpu.memory_space<vmem>>, %arg15: memref<10240x64xf32, #tpu.memory_space<vmem_shared>>, %arg16: memref<!tpu.dma_semaphore, #tpu.memory_space<semaphore_mem>>, %arg17: memref<!tpu.dma_semaphore, #tpu.memory_space<semaphore_mem>>) attributes {dimension_semantics = [#tpu.dimension_semantics<core_parallel>, #tpu.dimension_semantics<subcore_parallel>], iteration_bounds = array<i64: 2, 16>, scalar_prefetch = 0 : i64, scratch_operands = 8 : i64, tpu.core_type = #tpu.core_type<sc_vector_subcore>, window_params = [{transform_indices = #map}, {transform_indices = #map1}, {transform_indices = #map1}, {transform_indices = #map}, {transform_indices = #map}, {transform_indices = #map}, {transform_indices = #map}, {transform_indices = #map}]} {
    "tpu.region"() ({
      %run_scoped3A = tpu.sem_alloc : memref<!tpu.dma_semaphore, #tpu.memory_space<semaphore_mem>>
      %dma_start3A_95 = arith.constant 0 : i32
      %dma_start3A_96 = arith.constant 0 : i32
      %dma_start3A_97 = tpu.memref_slice %arg3[%arg1, %dma_start3A_95, %dma_start3A_96] : memref<16x158x128xi32, #tpu.memory_space<hbm>> -> memref<1x158x128xi32, #tpu.memory_space<hbm>>
      %dma_start3A_98 = tpu.memref_squeeze %dma_start3A_97 : memref<1x158x128xi32, #tpu.memory_space<hbm>> -> memref<158x128xi32, #tpu.memory_space<hbm>>
      %dma_start3A_99 = arith.constant 0 : i32
      %dma_start3A_100 = arith.constant 0 : i32
      %dma_start3A_101 = tpu.memref_slice %arg3[%arg1, %dma_start3A_99, %dma_start3A_100] : memref<16x158x128xi32, #tpu.memory_space<hbm>> -> memref<1x158x128xi32, #tpu.memory_space<hbm>>
      %dma_start3A_102 = tpu.memref_squeeze %dma_start3A_101 : memref<1x158x128xi32, #tpu.memory_space<hbm>> -> memref<158x128xi32, #tpu.memory_space<hbm>>
      tpu.enqueue_dma source(%dma_start3A_102 : memref<158x128xi32, #tpu.memory_space<hbm>>) target(%arg10 : memref<158x128xi32, #tpu.memory_space<vmem>>) target_semaphore(%run_scoped3A : memref<!tpu.dma_semaphore, #tpu.memory_space<semaphore_mem>>)
      %dma_wait3A = arith.constant 0 : i32
      %dma_wait3A_103 = arith.constant 0 : i32
      %dma_wait3A_104 = tpu.memref_slice %arg3[%arg1, %dma_wait3A, %dma_wait3A_103] : memref<16x158x128xi32, #tpu.memory_space<hbm>> -> memref<1x158x128xi32, #tpu.memory_space<hbm>>
      %dma_wait3A_105 = tpu.memref_squeeze %dma_wait3A_104 : memref<1x158x128xi32, #tpu.memory_space<hbm>> -> memref<158x128xi32, #tpu.memory_space<hbm>>
      %dma_wait3A_106 = arith.constant 0 : i32
      %dma_wait3A_107 = arith.constant 0 : i32
      %dma_wait3A_108 = tpu.memref_slice %arg3[%arg1, %dma_wait3A_106, %dma_wait3A_107] : memref<16x158x128xi32, #tpu.memory_space<hbm>> -> memref<1x158x128xi32, #tpu.memory_space<hbm>>
      %dma_wait3A_109 = tpu.memref_squeeze %dma_wait3A_108 : memref<1x158x128xi32, #tpu.memory_space<hbm>> -> memref<158x128xi32, #tpu.memory_space<hbm>>
      tpu.wait_dma2 semaphore(%run_scoped3A : memref<!tpu.dma_semaphore, #tpu.memory_space<semaphore_mem>>) src(%dma_wait3A_109 : memref<158x128xi32, #tpu.memory_space<hbm>>) dst(%arg10 : memref<158x128xi32, #tpu.memory_space<vmem>>)
      tpu.yield
    }) : () -> ()
    "tpu.region"() ({
      %run_scoped3A = tpu.sem_alloc : memref<!tpu.dma_semaphore, #tpu.memory_space<semaphore_mem>>
      %dma_start3A_95 = arith.constant 0 : i32
      %dma_start3A_96 = arith.constant 0 : i32
      %dma_start3A_97 = tpu.memref_slice %arg4[%arg1, %dma_start3A_95, %dma_start3A_96] : memref<16x158x128xi32, #tpu.memory_space<hbm>> -> memref<1x158x128xi32, #tpu.memory_space<hbm>>
      %dma_start3A_98 = tpu.memref_squeeze %dma_start3A_97 : memref<1x158x128xi32, #tpu.memory_space<hbm>> -> memref<158x128xi32, #tpu.memory_space<hbm>>
      %dma_start3A_99 = arith.constant 0 : i32
      %dma_start3A_100 = arith.constant 0 : i32
      %dma_start3A_101 = tpu.memref_slice %arg4[%arg1, %dma_start3A_99, %dma_start3A_100] : memref<16x158x128xi32, #tpu.memory_space<hbm>> -> memref<1x158x128xi32, #tpu.memory_space<hbm>>
      %dma_start3A_102 = tpu.memref_squeeze %dma_start3A_101 : memref<1x158x128xi32, #tpu.memory_space<hbm>> -> memref<158x128xi32, #tpu.memory_space<hbm>>
      tpu.enqueue_dma source(%dma_start3A_102 : memref<158x128xi32, #tpu.memory_space<hbm>>) target(%arg11 : memref<158x128xi32, #tpu.memory_space<vmem>>) target_semaphore(%run_scoped3A : memref<!tpu.dma_semaphore, #tpu.memory_space<semaphore_mem>>)
      %dma_wait3A = arith.constant 0 : i32
      %dma_wait3A_103 = arith.constant 0 : i32
      %dma_wait3A_104 = tpu.memref_slice %arg4[%arg1, %dma_wait3A, %dma_wait3A_103] : memref<16x158x128xi32, #tpu.memory_space<hbm>> -> memref<1x158x128xi32, #tpu.memory_space<hbm>>
      %dma_wait3A_105 = tpu.memref_squeeze %dma_wait3A_104 : memref<1x158x128xi32, #tpu.memory_space<hbm>> -> memref<158x128xi32, #tpu.memory_space<hbm>>
      %dma_wait3A_106 = arith.constant 0 : i32
      %dma_wait3A_107 = arith.constant 0 : i32
      %dma_wait3A_108 = tpu.memref_slice %arg4[%arg1, %dma_wait3A_106, %dma_wait3A_107] : memref<16x158x128xi32, #tpu.memory_space<hbm>> -> memref<1x158x128xi32, #tpu.memory_space<hbm>>
      %dma_wait3A_109 = tpu.memref_squeeze %dma_wait3A_108 : memref<1x158x128xi32, #tpu.memory_space<hbm>> -> memref<158x128xi32, #tpu.memory_space<hbm>>
      tpu.wait_dma2 semaphore(%run_scoped3A : memref<!tpu.dma_semaphore, #tpu.memory_space<semaphore_mem>>) src(%dma_wait3A_109 : memref<158x128xi32, #tpu.memory_space<hbm>>) dst(%arg11 : memref<158x128xi32, #tpu.memory_space<vmem>>)
      tpu.yield
    }) : () -> ()
    "tpu.region"() ({
      %run_scoped3A = tpu.sem_alloc : memref<!tpu.dma_semaphore, #tpu.memory_space<semaphore_mem>>
      %dma_start3A_95 = arith.constant 0 : i32
      %dma_start3A_96 = tpu.memref_slice %arg5[%arg1, %dma_start3A_95] : memref<16x20224xf32, #tpu.memory_space<hbm>> -> memref<1x20224xf32, #tpu.memory_space<hbm>>
      %dma_start3A_97 = tpu.memref_squeeze %dma_start3A_96 : memref<1x20224xf32, #tpu.memory_space<hbm>> -> memref<20224xf32, #tpu.memory_space<hbm>>
      %dma_start3A_98 = arith.constant 0 : i32
      %dma_start3A_99 = tpu.memref_slice %arg5[%arg1, %dma_start3A_98] : memref<16x20224xf32, #tpu.memory_space<hbm>> -> memref<1x20224xf32, #tpu.memory_space<hbm>>
      %dma_start3A_100 = tpu.memref_squeeze %dma_start3A_99 : memref<1x20224xf32, #tpu.memory_space<hbm>> -> memref<20224xf32, #tpu.memory_space<hbm>>
      tpu.enqueue_dma source(%dma_start3A_100 : memref<20224xf32, #tpu.memory_space<hbm>>) target(%arg12 : memref<20224xf32, #tpu.memory_space<vmem>>) target_semaphore(%run_scoped3A : memref<!tpu.dma_semaphore, #tpu.memory_space<semaphore_mem>>)
      %dma_wait3A = arith.constant 0 : i32
      %dma_wait3A_101 = tpu.memref_slice %arg5[%arg1, %dma_wait3A] : memref<16x20224xf32, #tpu.memory_space<hbm>> -> memref<1x20224xf32, #tpu.memory_space<hbm>>
      %dma_wait3A_102 = tpu.memref_squeeze %dma_wait3A_101 : memref<1x20224xf32, #tpu.memory_space<hbm>> -> memref<20224xf32, #tpu.memory_space<hbm>>
      %dma_wait3A_103 = arith.constant 0 : i32
      %dma_wait3A_104 = tpu.memref_slice %arg5[%arg1, %dma_wait3A_103] : memref<16x20224xf32, #tpu.memory_space<hbm>> -> memref<1x20224xf32, #tpu.memory_space<hbm>>
      %dma_wait3A_105 = tpu.memref_squeeze %dma_wait3A_104 : memref<1x20224xf32, #tpu.memory_space<hbm>> -> memref<20224xf32, #tpu.memory_space<hbm>>
      tpu.wait_dma2 semaphore(%run_scoped3A : memref<!tpu.dma_semaphore, #tpu.memory_space<semaphore_mem>>) src(%dma_wait3A_105 : memref<20224xf32, #tpu.memory_space<hbm>>) dst(%arg12 : memref<20224xf32, #tpu.memory_space<vmem>>)
      tpu.yield
    }) : () -> ()
    %mul3A = arith.constant 10240 : i32
    %mul3A_0 = arith.muli %arg0, %mul3A : i32
    %broadcast_in_dim3A = vector.broadcast %mul3A_0 : i32 to vector<16xi32>
    %scan3A = arith.constant 0 : i32
    %scan3A_1 = arith.constant 1264 : i32
    %scan3A_2 = arith.addi %scan3A, %scan3A_1 : i32
    %scan3A_3 = arith.constant 1 : i32
    scf.for %scan3A_95 = %scan3A to %scan3A_2 step %scan3A_3  : i32 {
      %mul3A_96 = arith.constant 1 : i32
      %mul3A_97 = arith.muli %scan3A_95, %mul3A_96 : i32
      %add3A_98 = arith.constant 0 : i32
      %add3A_99 = arith.addi %add3A_98, %mul3A_97 : i32
      %jit3A = arith.constant 8 : i32
      %div3A = arith.divsi %add3A_99, %jit3A : i32
      %sign3A = arith.constant 0 : i32
      %sign3A_100 = arith.cmpi sgt, %add3A_99, %sign3A : i32
      %sign3A_101 = arith.extui %sign3A_100 : i1 to i32
      %sign3A_102 = arith.constant 0 : i32
      %sign3A_103 = arith.cmpi slt, %add3A_99, %sign3A_102 : i32
      %sign3A_104 = arith.extui %sign3A_103 : i1 to i32
      %sign3A_105 = arith.subi %sign3A_101, %sign3A_104 : i32
      %sign3A_106 = arith.constant 0 : i32
      %sign3A_107 = arith.cmpi sgt, %jit3A, %sign3A_106 : i32
      %sign3A_108 = arith.extui %sign3A_107 : i1 to i32
      %sign3A_109 = arith.constant 0 : i32
      %sign3A_110 = arith.cmpi slt, %jit3A, %sign3A_109 : i32
      %sign3A_111 = arith.extui %sign3A_110 : i1 to i32
      %sign3A_112 = arith.subi %sign3A_108, %sign3A_111 : i32
      %ne3A = arith.cmpi ne, %sign3A_105, %sign3A_112 : i32
      %rem3A = arith.remsi %add3A_99, %jit3A : i32
      %ne3A_113 = arith.constant 0 : i32
      %ne3A_114 = arith.cmpi ne, %rem3A, %ne3A_113 : i32
      %and3A = arith.andi %ne3A, %ne3A_114 : i1
      %sub3A = arith.constant 1 : i32
      %sub3A_115 = arith.subi %div3A, %sub3A : i32
      %select_n3A = arith.select %and3A, %sub3A_115, %div3A : i32
      %jit3A_116 = arith.constant 8 : i32
      %eq3A = arith.constant 0 : i32
      %eq3A_117 = arith.cmpi eq, %jit3A_116, %eq3A : i32
      %jit3A_118 = arith.constant 1 : i32
      %select_n3A_119 = arith.select %eq3A_117, %jit3A_118, %jit3A_116 : i32
      %rem3A_120 = arith.remsi %add3A_99, %select_n3A_119 : i32
      %ne3A_121 = arith.constant 0 : i32
      %ne3A_122 = arith.cmpi ne, %rem3A_120, %ne3A_121 : i32
      %lt3A = arith.constant 0 : i32
      %lt3A_123 = arith.cmpi slt, %rem3A_120, %lt3A : i32
      %lt3A_124 = arith.constant 0 : i32
      %lt3A_125 = arith.cmpi slt, %select_n3A_119, %lt3A_124 : i32
      %ne3A_126 = arith.xori %lt3A_123, %lt3A_125 : i1
      %and3A_127 = arith.andi %ne3A_126, %ne3A_122 : i1
      %add3A_128 = arith.addi %rem3A_120, %select_n3A_119 : i32
      %select_n3A_129 = arith.select %and3A_127, %add3A_128, %rem3A_120 : i32
      %mul3A_130 = arith.constant 16 : i32
      %mul3A_131 = arith.muli %select_n3A_129, %mul3A_130 : i32
      %get3A = arith.index_cast %select_n3A : i32 to index
      %get3A_132 = arith.index_cast %mul3A_131 : i32 to index
      %get3A_133 = tpu.vector_load %arg10[%get3A, %get3A_132] {strides = array<i32>} : memref<158x128xi32, #tpu.memory_space<vmem>>, vector<16xi32>,
      %add3A_134 = arith.addi %get3A_133, %broadcast_in_dim3A : vector<16xi32>
      %swap3A = arith.index_cast %select_n3A : i32 to index
      %swap3A_135 = arith.index_cast %mul3A_131 : i32 to index
      %swap3A_136 = tpu.vector_load %arg10[%swap3A, %swap3A_135] {strides = array<i32>} : memref<158x128xi32, #tpu.memory_space<vmem>>, vector<16xi32>,
      tpu.vector_store %arg10[%swap3A, %swap3A_135], %add3A_134 {strides = array<i32>} : memref<158x128xi32, #tpu.memory_space<vmem>>, vector<16xi32>,
    }
    %scan3A_4 = arith.constant 1264 : i32
    %mul3A_5 = arith.constant 640 : i32
    %mul3A_6 = arith.muli %arg1, %mul3A_5 : i32
    "tpu.region"() ({
      %run_scoped3A = tpu.sem_alloc : memref<!tpu.dma_semaphore, #tpu.memory_space<semaphore_mem>>
      %dma_start3A_95 = arith.constant 0 : i32
      %dma_start3A_96 = tpu.memref_slice %arg15[%mul3A_6, %dma_start3A_95] : memref<10240x64xf32, #tpu.memory_space<vmem_shared>> -> memref<640x64xf32, #tpu.memory_space<vmem_shared>>
      tpu.enqueue_dma source(%arg6 : memref<640x64xf32, #tpu.memory_space<hbm>>) target(%dma_start3A_96 : memref<640x64xf32, #tpu.memory_space<vmem_shared>>) target_semaphore(%run_scoped3A : memref<!tpu.dma_semaphore, #tpu.memory_space<semaphore_mem>>)
      %dma_wait3A = arith.constant 0 : i32
      %dma_wait3A_97 = tpu.memref_slice %arg15[%mul3A_6, %dma_wait3A] : memref<10240x64xf32, #tpu.memory_space<vmem_shared>> -> memref<640x64xf32, #tpu.memory_space<vmem_shared>>
      tpu.wait_dma2 semaphore(%run_scoped3A : memref<!tpu.dma_semaphore, #tpu.memory_space<semaphore_mem>>) src(%arg6 : memref<640x64xf32, #tpu.memory_space<hbm>>) dst(%dma_wait3A_97 : memref<640x64xf32, #tpu.memory_space<vmem_shared>>)
      tpu.yield
    }) : () -> ()
    %barrier3A = arith.constant 0 : index
    tpu.barrier barrier_id(%barrier3A)
    %dma_start3A = arith.constant 0 : i32
    %dma_start3A_7 = arith.constant 0 : i32
    %dma_start3A_8 = tpu.memref_slice %arg10[%dma_start3A, %dma_start3A_7] : memref<158x128xi32, #tpu.memory_space<vmem>> -> memref<1x128xi32, #tpu.memory_space<vmem>>
    %dma_start3A_9 = tpu.memref_squeeze %dma_start3A_8 : memref<1x128xi32, #tpu.memory_space<vmem>> -> memref<128xi32, #tpu.memory_space<vmem>>
    %dma_start3A_10 = arith.constant 0 : i32
    %dma_start3A_11 = arith.constant 0 : i32
    %dma_start3A_12 = tpu.memref_slice %arg2[%dma_start3A_10, %dma_start3A_11] : memref<20480x64xf32, #tpu.memory_space<hbm>> -> memref<20480x64xf32, #tpu.memory_space<hbm>>
    tpu.enqueue_indirect_dma source(%dma_start3A_12 : memref<20480x64xf32, #tpu.memory_space<hbm>>) target(%arg13 : memref<128x64xf32, #tpu.memory_space<vmem>>) offsets(%dma_start3A_9 : memref<128xi32, #tpu.memory_space<vmem>>) semaphore(%arg16 : memref<!tpu.dma_semaphore, #tpu.memory_space<semaphore_mem>>)
    %dma_start3A_13 = arith.constant 1 : i32
    %dma_start3A_14 = arith.constant 0 : i32
    %dma_start3A_15 = tpu.memref_slice %arg10[%dma_start3A_13, %dma_start3A_14] : memref<158x128xi32, #tpu.memory_space<vmem>> -> memref<1x128xi32, #tpu.memory_space<vmem>>
    %dma_start3A_16 = tpu.memref_squeeze %dma_start3A_15 : memref<1x128xi32, #tpu.memory_space<vmem>> -> memref<128xi32, #tpu.memory_space<vmem>>
    %dma_start3A_17 = arith.constant 0 : i32
    %dma_start3A_18 = arith.constant 0 : i32
    %dma_start3A_19 = tpu.memref_slice %arg2[%dma_start3A_17, %dma_start3A_18] : memref<20480x64xf32, #tpu.memory_space<hbm>> -> memref<20480x64xf32, #tpu.memory_space<hbm>>
    tpu.enqueue_indirect_dma source(%dma_start3A_19 : memref<20480x64xf32, #tpu.memory_space<hbm>>) target(%arg14 : memref<128x64xf32, #tpu.memory_space<vmem>>) offsets(%dma_start3A_16 : memref<128xi32, #tpu.memory_space<vmem>>) semaphore(%arg17 : memref<!tpu.dma_semaphore, #tpu.memory_space<semaphore_mem>>)
    %scan3A_20 = arith.constant 0 : i32
    %scan3A_21 = arith.constant 79 : i32
    %scan3A_22 = arith.addi %scan3A_20, %scan3A_21 : i32
    %scan3A_23 = arith.constant 1 : i32
    scf.for %scan3A_95 = %scan3A_20 to %scan3A_22 step %scan3A_23  : i32 {
      %mul3A_96 = arith.constant 1 : i32
      %mul3A_97 = arith.muli %scan3A_95, %mul3A_96 : i32
      %add3A_98 = arith.constant 0 : i32
      %add3A_99 = arith.addi %add3A_98, %mul3A_97 : i32
      %mul3A_100 = arith.constant 2 : i32
      %mul3A_101 = arith.muli %mul3A_100, %add3A_99 : i32
      %add3A_102 = arith.constant 0 : i32
      %add3A_103 = arith.addi %mul3A_101, %add3A_102 : i32
      %dma_wait3A = arith.constant 0 : i32
      %dma_wait3A_104 = tpu.memref_slice %arg10[%add3A_103, %dma_wait3A] : memref<158x128xi32, #tpu.memory_space<vmem>> -> memref<1x128xi32, #tpu.memory_space<vmem>>
      %dma_wait3A_105 = tpu.memref_squeeze %dma_wait3A_104 : memref<1x128xi32, #tpu.memory_space<vmem>> -> memref<128xi32, #tpu.memory_space<vmem>>
      %dma_wait3A_106 = arith.constant 0 : i32
      %dma_wait3A_107 = arith.constant 0 : i32
      %dma_wait3A_108 = tpu.memref_slice %arg2[%dma_wait3A_106, %dma_wait3A_107] : memref<20480x64xf32, #tpu.memory_space<hbm>> -> memref<20480x64xf32, #tpu.memory_space<hbm>>
      tpu.wait_indirect_dma semaphore(%arg16 : memref<!tpu.dma_semaphore, #tpu.memory_space<semaphore_mem>>) src(%dma_wait3A_108 : memref<20480x64xf32, #tpu.memory_space<hbm>>) dst(%arg13 : memref<128x64xf32, #tpu.memory_space<vmem>>)
      %mul3A_109 = arith.constant 128 : i32
      %mul3A_110 = arith.muli %add3A_103, %mul3A_109 : i32
      %broadcast_in_dim3A_111 = vector.broadcast %mul3A_110 : i32 to vector<16xi32>
      %scan3A_112 = arith.constant 0 : i32
      %scan3A_113 = arith.constant 8 : i32
      %scan3A_114 = arith.addi %scan3A_112, %scan3A_113 : i32
      %scan3A_115 = arith.constant 1 : i32
      scf.for %scan3A_146 = %scan3A_112 to %scan3A_114 step %scan3A_115  : i32 {
        %mul3A_147 = arith.constant 1 : i32
        %mul3A_148 = arith.muli %scan3A_146, %mul3A_147 : i32
        %add3A_149 = arith.constant 0 : i32
        %add3A_150 = arith.addi %add3A_149, %mul3A_148 : i32
        %mul3A_151 = arith.constant 16 : i32
        %mul3A_152 = arith.muli %add3A_150, %mul3A_151 : i32
        %add3A_153 = arith.constant 0 : i32
        %add3A_154 = arith.addi %mul3A_152, %add3A_153 : i32
        %add3A_155 = vector.broadcast %add3A_154 : i32 to vector<16xi32>
        %add3A_156 = arith.addi %broadcast_in_dim3A_111, %add3A_155 : vector<16xi32>
        %gather3A = tpu.vector_load_idx %arg12[%add3A_156] : memref<20224xf32, #tpu.memory_space<vmem>>[vector<16xi32>], vector<16xf32>,
        %add3A_157 = arith.constant 1 : i32
        %add3A_158 = arith.addi %mul3A_152, %add3A_157 : i32
        %add3A_159 = vector.broadcast %add3A_158 : i32 to vector<16xi32>
        %add3A_160 = arith.addi %broadcast_in_dim3A_111, %add3A_159 : vector<16xi32>
        %gather3A_161 = tpu.vector_load_idx %arg12[%add3A_160] : memref<20224xf32, #tpu.memory_space<vmem>>[vector<16xi32>], vector<16xf32>,
        %add3A_162 = arith.constant 2 : i32
        %add3A_163 = arith.addi %mul3A_152, %add3A_162 : i32
        %add3A_164 = vector.broadcast %add3A_163 : i32 to vector<16xi32>
        %add3A_165 = arith.addi %broadcast_in_dim3A_111, %add3A_164 : vector<16xi32>
        %gather3A_166 = tpu.vector_load_idx %arg12[%add3A_165] : memref<20224xf32, #tpu.memory_space<vmem>>[vector<16xi32>], vector<16xf32>,
        %add3A_167 = arith.constant 3 : i32
        %add3A_168 = arith.addi %mul3A_152, %add3A_167 : i32
        %add3A_169 = vector.broadcast %add3A_168 : i32 to vector<16xi32>
        %add3A_170 = arith.addi %broadcast_in_dim3A_111, %add3A_169 : vector<16xi32>
        %gather3A_171 = tpu.vector_load_idx %arg12[%add3A_170] : memref<20224xf32, #tpu.memory_space<vmem>>[vector<16xi32>], vector<16xf32>,
        %add3A_172 = arith.constant 4 : i32
        %add3A_173 = arith.addi %mul3A_152, %add3A_172 : i32
        %add3A_174 = vector.broadcast %add3A_173 : i32 to vector<16xi32>
        %add3A_175 = arith.addi %broadcast_in_dim3A_111, %add3A_174 : vector<16xi32>
        %gather3A_176 = tpu.vector_load_idx %arg12[%add3A_175] : memref<20224xf32, #tpu.memory_space<vmem>>[vector<16xi32>], vector<16xf32>,
        %add3A_177 = arith.constant 5 : i32
        %add3A_178 = arith.addi %mul3A_152, %add3A_177 : i32
        %add3A_179 = vector.broadcast %add3A_178 : i32 to vector<16xi32>
        %add3A_180 = arith.addi %broadcast_in_dim3A_111, %add3A_179 : vector<16xi32>
        %gather3A_181 = tpu.vector_load_idx %arg12[%add3A_180] : memref<20224xf32, #tpu.memory_space<vmem>>[vector<16xi32>], vector<16xf32>,
        %add3A_182 = arith.constant 6 : i32
        %add3A_183 = arith.addi %mul3A_152, %add3A_182 : i32
        %add3A_184 = vector.broadcast %add3A_183 : i32 to vector<16xi32>
        %add3A_185 = arith.addi %broadcast_in_dim3A_111, %add3A_184 : vector<16xi32>
        %gather3A_186 = tpu.vector_load_idx %arg12[%add3A_185] : memref<20224xf32, #tpu.memory_space<vmem>>[vector<16xi32>], vector<16xf32>,
        %add3A_187 = arith.constant 7 : i32
        %add3A_188 = arith.addi %mul3A_152, %add3A_187 : i32
        %add3A_189 = vector.broadcast %add3A_188 : i32 to vector<16xi32>
        %add3A_190 = arith.addi %broadcast_in_dim3A_111, %add3A_189 : vector<16xi32>
        %gather3A_191 = tpu.vector_load_idx %arg12[%add3A_190] : memref<20224xf32, #tpu.memory_space<vmem>>[vector<16xi32>], vector<16xf32>,
        %add3A_192 = arith.constant 8 : i32
        %add3A_193 = arith.addi %mul3A_152, %add3A_192 : i32
        %add3A_194 = vector.broadcast %add3A_193 : i32 to vector<16xi32>
        %add3A_195 = arith.addi %broadcast_in_dim3A_111, %add3A_194 : vector<16xi32>
        %gather3A_196 = tpu.vector_load_idx %arg12[%add3A_195] : memref<20224xf32, #tpu.memory_space<vmem>>[vector<16xi32>], vector<16xf32>,
        %add3A_197 = arith.constant 9 : i32
        %add3A_198 = arith.addi %mul3A_152, %add3A_197 : i32
        %add3A_199 = vector.broadcast %add3A_198 : i32 to vector<16xi32>
        %add3A_200 = arith.addi %broadcast_in_dim3A_111, %add3A_199 : vector<16xi32>
        %gather3A_201 = tpu.vector_load_idx %arg12[%add3A_200] : memref<20224xf32, #tpu.memory_space<vmem>>[vector<16xi32>], vector<16xf32>,
        %add3A_202 = arith.constant 10 : i32
        %add3A_203 = arith.addi %mul3A_152, %add3A_202 : i32
        %add3A_204 = vector.broadcast %add3A_203 : i32 to vector<16xi32>
        %add3A_205 = arith.addi %broadcast_in_dim3A_111, %add3A_204 : vector<16xi32>
        %gather3A_206 = tpu.vector_load_idx %arg12[%add3A_205] : memref<20224xf32, #tpu.memory_space<vmem>>[vector<16xi32>], vector<16xf32>,
        %add3A_207 = arith.constant 11 : i32
        %add3A_208 = arith.addi %mul3A_152, %add3A_207 : i32
        %add3A_209 = vector.broadcast %add3A_208 : i32 to vector<16xi32>
        %add3A_210 = arith.addi %broadcast_in_dim3A_111, %add3A_209 : vector<16xi32>
        %gather3A_211 = tpu.vector_load_idx %arg12[%add3A_210] : memref<20224xf32, #tpu.memory_space<vmem>>[vector<16xi32>], vector<16xf32>,
        %add3A_212 = arith.constant 12 : i32
        %add3A_213 = arith.addi %mul3A_152, %add3A_212 : i32
        %add3A_214 = vector.broadcast %add3A_213 : i32 to vector<16xi32>
        %add3A_215 = arith.addi %broadcast_in_dim3A_111, %add3A_214 : vector<16xi32>
        %gather3A_216 = tpu.vector_load_idx %arg12[%add3A_215] : memref<20224xf32, #tpu.memory_space<vmem>>[vector<16xi32>], vector<16xf32>,
        %add3A_217 = arith.constant 13 : i32
        %add3A_218 = arith.addi %mul3A_152, %add3A_217 : i32
        %add3A_219 = vector.broadcast %add3A_218 : i32 to vector<16xi32>
        %add3A_220 = arith.addi %broadcast_in_dim3A_111, %add3A_219 : vector<16xi32>
        %gather3A_221 = tpu.vector_load_idx %arg12[%add3A_220] : memref<20224xf32, #tpu.memory_space<vmem>>[vector<16xi32>], vector<16xf32>,
        %add3A_222 = arith.constant 14 : i32
        %add3A_223 = arith.addi %mul3A_152, %add3A_222 : i32
        %add3A_224 = vector.broadcast %add3A_223 : i32 to vector<16xi32>
        %add3A_225 = arith.addi %broadcast_in_dim3A_111, %add3A_224 : vector<16xi32>
        %gather3A_226 = tpu.vector_load_idx %arg12[%add3A_225] : memref<20224xf32, #tpu.memory_space<vmem>>[vector<16xi32>], vector<16xf32>,
        %add3A_227 = arith.constant 15 : i32
        %add3A_228 = arith.addi %mul3A_152, %add3A_227 : i32
        %add3A_229 = vector.broadcast %add3A_228 : i32 to vector<16xi32>
        %add3A_230 = arith.addi %broadcast_in_dim3A_111, %add3A_229 : vector<16xi32>
        %gather3A_231 = tpu.vector_load_idx %arg12[%add3A_230] : memref<20224xf32, #tpu.memory_space<vmem>>[vector<16xi32>], vector<16xf32>,
        %add3A_232 = arith.constant 0 : i32
        %add3A_233 = arith.addi %mul3A_152, %add3A_232 : i32
        %get3A = arith.index_cast %add3A_233 : i32 to index
        %get3A_234 = arith.constant 0 : index
        %get3A_235 = tpu.vector_load %arg13[%get3A, %get3A_234] {strides = array<i32>} : memref<128x64xf32, #tpu.memory_space<vmem>>, vector<16xf32>,
        %mul3A_236 = arith.mulf %get3A_235, %gather3A : vector<16xf32>
        %swap3A = arith.index_cast %add3A_233 : i32 to index
        %swap3A_237 = arith.constant 0 : index
        %swap3A_238 = tpu.vector_load %arg13[%swap3A, %swap3A_237] {strides = array<i32>} : memref<128x64xf32, #tpu.memory_space<vmem>>, vector<16xf32>,
        tpu.vector_store %arg13[%swap3A, %swap3A_237], %mul3A_236 {strides = array<i32>} : memref<128x64xf32, #tpu.memory_space<vmem>>, vector<16xf32>,
        %get3A_239 = arith.index_cast %add3A_233 : i32 to index
        %get3A_240 = arith.constant 16 : index
        %get3A_241 = tpu.vector_load %arg13[%get3A_239, %get3A_240] {strides = array<i32>} : memref<128x64xf32, #tpu.memory_space<vmem>>, vector<16xf32>,
        %mul3A_242 = arith.mulf %get3A_241, %gather3A : vector<16xf32>
        %swap3A_243 = arith.index_cast %add3A_233 : i32 to index
        %swap3A_244 = arith.constant 16 : index
        %swap3A_245 = tpu.vector_load %arg13[%swap3A_243, %swap3A_244] {strides = array<i32>} : memref<128x64xf32, #tpu.memory_space<vmem>>, vector<16xf32>,
        tpu.vector_store %arg13[%swap3A_243, %swap3A_244], %mul3A_242 {strides = array<i32>} : memref<128x64xf32, #tpu.memory_space<vmem>>, vector<16xf32>,
        %get3A_246 = arith.index_cast %add3A_233 : i32 to index
        %get3A_247 = arith.constant 32 : index
        %get3A_248 = tpu.vector_load %arg13[%get3A_246, %get3A_247] {strides = array<i32>} : memref<128x64xf32, #tpu.memory_space<vmem>>, vector<16xf32>,
        %mul3A_249 = arith.mulf %get3A_248, %gather3A : vector<16xf32>
        %swap3A_250 = arith.index_cast %add3A_233 : i32 to index
        %swap3A_251 = arith.constant 32 : index
        %swap3A_252 = tpu.vector_load %arg13[%swap3A_250, %swap3A_251] {strides = array<i32>} : memref<128x64xf32, #tpu.memory_space<vmem>>, vector<16xf32>,
        tpu.vector_store %arg13[%swap3A_250, %swap3A_251], %mul3A_249 {strides = array<i32>} : memref<128x64xf32, #tpu.memory_space<vmem>>, vector<16xf32>,
        %get3A_253 = arith.index_cast %add3A_233 : i32 to index
        %get3A_254 = arith.constant 48 : index
        %get3A_255 = tpu.vector_load %arg13[%get3A_253, %get3A_254] {strides = array<i32>} : memref<128x64xf32, #tpu.memory_space<vmem>>, vector<16xf32>,
        %mul3A_256 = arith.mulf %get3A_255, %gather3A : vector<16xf32>
        %swap3A_257 = arith.index_cast %add3A_233 : i32 to index
        %swap3A_258 = arith.constant 48 : index
        %swap3A_259 = tpu.vector_load %arg13[%swap3A_257, %swap3A_258] {strides = array<i32>} : memref<128x64xf32, #tpu.memory_space<vmem>>, vector<16xf32>,
        tpu.vector_store %arg13[%swap3A_257, %swap3A_258], %mul3A_256 {strides = array<i32>} : memref<128x64xf32, #tpu.memory_space<vmem>>, vector<16xf32>,
        %add3A_260 = arith.constant 1 : i32
        %add3A_261 = arith.addi %mul3A_152, %add3A_260 : i32
        %get3A_262 = arith.index_cast %add3A_261 : i32 to index
        %get3A_263 = arith.constant 0 : index
        %get3A_264 = tpu.vector_load %arg13[%get3A_262, %get3A_263] {strides = array<i32>} : memref<128x64xf32, #tpu.memory_space<vmem>>, vector<16xf32>,
        %mul3A_265 = arith.mulf %get3A_264, %gather3A_161 : vector<16xf32>
        %swap3A_266 = arith.index_cast %add3A_261 : i32 to index
        %swap3A_267 = arith.constant 0 : index
        %swap3A_268 = tpu.vector_load %arg13[%swap3A_266, %swap3A_267] {strides = array<i32>} : memref<128x64xf32, #tpu.memory_space<vmem>>, vector<16xf32>,
        tpu.vector_store %arg13[%swap3A_266, %swap3A_267], %mul3A_265 {strides = array<i32>} : memref<128x64xf32, #tpu.memory_space<vmem>>, vector<16xf32>,
        %get3A_269 = arith.index_cast %add3A_261 : i32 to index
        %get3A_270 = arith.constant 16 : index
        %get3A_271 = tpu.vector_load %arg13[%get3A_269, %get3A_270] {strides = array<i32>} : memref<128x64xf32, #tpu.memory_space<vmem>>, vector<16xf32>,
        %mul3A_272 = arith.mulf %get3A_271, %gather3A_161 : vector<16xf32>
        %swap3A_273 = arith.index_cast %add3A_261 : i32 to index
        %swap3A_274 = arith.constant 16 : index
        %swap3A_275 = tpu.vector_load %arg13[%swap3A_273, %swap3A_274] {strides = array<i32>} : memref<128x64xf32, #tpu.memory_space<vmem>>, vector<16xf32>,
        tpu.vector_store %arg13[%swap3A_273, %swap3A_274], %mul3A_272 {strides = array<i32>} : memref<128x64xf32, #tpu.memory_space<vmem>>, vector<16xf32>,
        %get3A_276 = arith.index_cast %add3A_261 : i32 to index
        %get3A_277 = arith.constant 32 : index
        %get3A_278 = tpu.vector_load %arg13[%get3A_276, %get3A_277] {strides = array<i32>} : memref<128x64xf32, #tpu.memory_space<vmem>>, vector<16xf32>,
        %mul3A_279 = arith.mulf %get3A_278, %gather3A_161 : vector<16xf32>
        %swap3A_280 = arith.index_cast %add3A_261 : i32 to index
        %swap3A_281 = arith.constant 32 : index
        %swap3A_282 = tpu.vector_load %arg13[%swap3A_280, %swap3A_281] {strides = array<i32>} : memref<128x64xf32, #tpu.memory_space<vmem>>, vector<16xf32>,
        tpu.vector_store %arg13[%swap3A_280, %swap3A_281], %mul3A_279 {strides = array<i32>} : memref<128x64xf32, #tpu.memory_space<vmem>>, vector<16xf32>,
        %get3A_283 = arith.index_cast %add3A_261 : i32 to index
        %get3A_284 = arith.constant 48 : index
        %get3A_285 = tpu.vector_load %arg13[%get3A_283, %get3A_284] {strides = array<i32>} : memref<128x64xf32, #tpu.memory_space<vmem>>, vector<16xf32>,
        %mul3A_286 = arith.mulf %get3A_285, %gather3A_161 : vector<16xf32>
        %swap3A_287 = arith.index_cast %add3A_261 : i32 to index
        %swap3A_288 = arith.constant 48 : index
        %swap3A_289 = tpu.vector_load %arg13[%swap3A_287, %swap3A_288] {strides = array<i32>} : memref<128x64xf32, #tpu.memory_space<vmem>>, vector<16xf32>,
        tpu.vector_store %arg13[%swap3A_287, %swap3A_288], %mul3A_286 {strides = array<i32>} : memref<128x64xf32, #tpu.memory_space<vmem>>, vector<16xf32>,
        %add3A_290 = arith.constant 2 : i32
        %add3A_291 = arith.addi %mul3A_152, %add3A_290 : i32
        %get3A_292 = arith.index_cast %add3A_291 : i32 to index
        %get3A_293 = arith.constant 0 : index
        %get3A_294 = tpu.vector_load %arg13[%get3A_292, %get3A_293] {strides = array<i32>} : memref<128x64xf32, #tpu.memory_space<vmem>>, vector<16xf32>,
        %mul3A_295 = arith.mulf %get3A_294, %gather3A_166 : vector<16xf32>
        %swap3A_296 = arith.index_cast %add3A_291 : i32 to index
        %swap3A_297 = arith.constant 0 : index
        %swap3A_298 = tpu.vector_load %arg13[%swap3A_296, %swap3A_297] {strides = array<i32>} : memref<128x64xf32, #tpu.memory_space<vmem>>, vector<16xf32>,
        tpu.vector_store %arg13[%swap3A_296, %swap3A_297], %mul3A_295 {strides = array<i32>} : memref<128x64xf32, #tpu.memory_space<vmem>>, vector<16xf32>,
        %get3A_299 = arith.index_cast %add3A_291 : i32 to index
        %get3A_300 = arith.constant 16 : index
        %get3A_301 = tpu.vector_load %arg13[%get3A_299, %get3A_300] {strides = array<i32>} : memref<128x64xf32, #tpu.memory_space<vmem>>, vector<16xf32>,
        %mul3A_302 = arith.mulf %get3A_301, %gather3A_166 : vector<16xf32>
        %swap3A_303 = arith.index_cast %add3A_291 : i32 to index
        %swap3A_304 = arith.constant 16 : index
        %swap3A_305 = tpu.vector_load %arg13[%swap3A_303, %swap3A_304] {strides = array<i32>} : memref<128x64xf32, #tpu.memory_space<vmem>>, vector<16xf32>,
        tpu.vector_store %arg13[%swap3A_303, %swap3A_304], %mul3A_302 {strides = array<i32>} : memref<128x64xf32, #tpu.memory_space<vmem>>, vector<16xf32>,
        %get3A_306 = arith.index_cast %add3A_291 : i32 to index
        %get3A_307 = arith.constant 32 : index
        %get3A_308 = tpu.vector_load %arg13[%get3A_306, %get3A_307] {strides = array<i32>} : memref<128x64xf32, #tpu.memory_space<vmem>>, vector<16xf32>,
        %mul3A_309 = arith.mulf %get3A_308, %gather3A_166 : vector<16xf32>
        %swap3A_310 = arith.index_cast %add3A_291 : i32 to index
        %swap3A_311 = arith.constant 32 : index
        %swap3A_312 = tpu.vector_load %arg13[%swap3A_310, %swap3A_311] {strides = array<i32>} : memref<128x64xf32, #tpu.memory_space<vmem>>, vector<16xf32>,
        tpu.vector_store %arg13[%swap3A_310, %swap3A_311], %mul3A_309 {strides = array<i32>} : memref<128x64xf32, #tpu.memory_space<vmem>>, vector<16xf32>,
        %get3A_313 = arith.index_cast %add3A_291 : i32 to index
        %get3A_314 = arith.constant 48 : index
        %get3A_315 = tpu.vector_load %arg13[%get3A_313, %get3A_314] {strides = array<i32>} : memref<128x64xf32, #tpu.memory_space<vmem>>, vector<16xf32>,
        %mul3A_316 = arith.mulf %get3A_315, %gather3A_166 : vector<16xf32>
        %swap3A_317 = arith.index_cast %add3A_291 : i32 to index
        %swap3A_318 = arith.constant 48 : index
        %swap3A_319 = tpu.vector_load %arg13[%swap3A_317, %swap3A_318] {strides = array<i32>} : memref<128x64xf32, #tpu.memory_space<vmem>>, vector<16xf32>,
        tpu.vector_store %arg13[%swap3A_317, %swap3A_318], %mul3A_316 {strides = array<i32>} : memref<128x64xf32, #tpu.memory_space<vmem>>, vector<16xf32>,
        %add3A_320 = arith.constant 3 : i32
        %add3A_321 = arith.addi %mul3A_152, %add3A_320 : i32
        %get3A_322 = arith.index_cast %add3A_321 : i32 to index
        %get3A_323 = arith.constant 0 : index
        %get3A_324 = tpu.vector_load %arg13[%get3A_322, %get3A_323] {strides = array<i32>} : memref<128x64xf32, #tpu.memory_space<vmem>>, vector<16xf32>,
        %mul3A_325 = arith.mulf %get3A_324, %gather3A_171 : vector<16xf32>
        %swap3A_326 = arith.index_cast %add3A_321 : i32 to index
        %swap3A_327 = arith.constant 0 : index
        %swap3A_328 = tpu.vector_load %arg13[%swap3A_326, %swap3A_327] {strides = array<i32>} : memref<128x64xf32, #tpu.memory_space<vmem>>, vector<16xf32>,
        tpu.vector_store %arg13[%swap3A_326, %swap3A_327], %mul3A_325 {strides = array<i32>} : memref<128x64xf32, #tpu.memory_space<vmem>>, vector<16xf32>,
        %get3A_329 = arith.index_cast %add3A_321 : i32 to index
        %get3A_330 = arith.constant 16 : index
        %get3A_331 = tpu.vector_load %arg13[%get3A_329, %get3A_330] {strides = array<i32>} : memref<128x64xf32, #tpu.memory_space<vmem>>, vector<16xf32>,
        %mul3A_332 = arith.mulf %get3A_331, %gather3A_171 : vector<16xf32>
        %swap3A_333 = arith.index_cast %add3A_321 : i32 to index
        %swap3A_334 = arith.constant 16 : index
        %swap3A_335 = tpu.vector_load %arg13[%swap3A_333, %swap3A_334] {strides = array<i32>} : memref<128x64xf32, #tpu.memory_space<vmem>>, vector<16xf32>,
        tpu.vector_store %arg13[%swap3A_333, %swap3A_334], %mul3A_332 {strides = array<i32>} : memref<128x64xf32, #tpu.memory_space<vmem>>, vector<16xf32>,
        %get3A_336 = arith.index_cast %add3A_321 : i32 to index
        %get3A_337 = arith.constant 32 : index
        %get3A_338 = tpu.vector_load %arg13[%get3A_336, %get3A_337] {strides = array<i32>} : memref<128x64xf32, #tpu.memory_space<vmem>>, vector<16xf32>,
        %mul3A_339 = arith.mulf %get3A_338, %gather3A_171 : vector<16xf32>
        %swap3A_340 = arith.index_cast %add3A_321 : i32 to index
        %swap3A_341 = arith.constant 32 : index
        %swap3A_342 = tpu.vector_load %arg13[%swap3A_340, %swap3A_341] {strides = array<i32>} : memref<128x64xf32, #tpu.memory_space<vmem>>, vector<16xf32>,
        tpu.vector_store %arg13[%swap3A_340, %swap3A_341], %mul3A_339 {strides = array<i32>} : memref<128x64xf32, #tpu.memory_space<vmem>>, vector<16xf32>,
        %get3A_343 = arith.index_cast %add3A_321 : i32 to index
        %get3A_344 = arith.constant 48 : index
        %get3A_345 = tpu.vector_load %arg13[%get3A_343, %get3A_344] {strides = array<i32>} : memref<128x64xf32, #tpu.memory_space<vmem>>, vector<16xf32>,
        %mul3A_346 = arith.mulf %get3A_345, %gather3A_171 : vector<16xf32>
        %swap3A_347 = arith.index_cast %add3A_321 : i32 to index
        %swap3A_348 = arith.constant 48 : index
        %swap3A_349 = tpu.vector_load %arg13[%swap3A_347, %swap3A_348] {strides = array<i32>} : memref<128x64xf32, #tpu.memory_space<vmem>>, vector<16xf32>,
        tpu.vector_store %arg13[%swap3A_347, %swap3A_348], %mul3A_346 {strides = array<i32>} : memref<128x64xf32, #tpu.memory_space<vmem>>, vector<16xf32>,
        %add3A_350 = arith.constant 4 : i32
        %add3A_351 = arith.addi %mul3A_152, %add3A_350 : i32
        %get3A_352 = arith.index_cast %add3A_351 : i32 to index
        %get3A_353 = arith.constant 0 : index
        %get3A_354 = tpu.vector_load %arg13[%get3A_352, %get3A_353] {strides = array<i32>} : memref<128x64xf32, #tpu.memory_space<vmem>>, vector<16xf32>,
        %mul3A_355 = arith.mulf %get3A_354, %gather3A_176 : vector<16xf32>
        %swap3A_356 = arith.index_cast %add3A_351 : i32 to index
        %swap3A_357 = arith.constant 0 : index
        %swap3A_358 = tpu.vector_load %arg13[%swap3A_356, %swap3A_357] {strides = array<i32>} : memref<128x64xf32, #tpu.memory_space<vmem>>, vector<16xf32>,
        tpu.vector_store %arg13[%swap3A_356, %swap3A_357], %mul3A_355 {strides = array<i32>} : memref<128x64xf32, #tpu.memory_space<vmem>>, vector<16xf32>,
        %get3A_359 = arith.index_cast %add3A_351 : i32 to index
        %get3A_360 = arith.constant 16 : index
        %get3A_361 = tpu.vector_load %arg13[%get3A_359, %get3A_360] {strides = array<i32>} : memref<128x64xf32, #tpu.memory_space<vmem>>, vector<16xf32>,
        %mul3A_362 = arith.mulf %get3A_361, %gather3A_176 : vector<16xf32>
        %swap3A_363 = arith.index_cast %add3A_351 : i32 to index
        %swap3A_364 = arith.constant 16 : index
        %swap3A_365 = tpu.vector_load %arg13[%swap3A_363, %swap3A_364] {strides = array<i32>} : memref<128x64xf32, #tpu.memory_space<vmem>>, vector<16xf32>,
        tpu.vector_store %arg13[%swap3A_363, %swap3A_364], %mul3A_362 {strides = array<i32>} : memref<128x64xf32, #tpu.memory_space<vmem>>, vector<16xf32>,
        %get3A_366 = arith.index_cast %add3A_351 : i32 to index
        %get3A_367 = arith.constant 32 : index
        %get3A_368 = tpu.vector_load %arg13[%get3A_366, %get3A_367] {strides = array<i32>} : memref<128x64xf32, #tpu.memory_space<vmem>>, vector<16xf32>,
        %mul3A_369 = arith.mulf %get3A_368, %gather3A_176 : vector<16xf32>
        %swap3A_370 = arith.index_cast %add3A_351 : i32 to index
        %swap3A_371 = arith.constant 32 : index
        %swap3A_372 = tpu.vector_load %arg13[%swap3A_370, %swap3A_371] {strides = array<i32>} : memref<128x64xf32, #tpu.memory_space<vmem>>, vector<16xf32>,
        tpu.vector_store %arg13[%swap3A_370, %swap3A_371], %mul3A_369 {strides = array<i32>} : memref<128x64xf32, #tpu.memory_space<vmem>>, vector<16xf32>,
        %get3A_373 = arith.index_cast %add3A_351 : i32 to index
        %get3A_374 = arith.constant 48 : index
        %get3A_375 = tpu.vector_load %arg13[%get3A_373, %get3A_374] {strides = array<i32>} : memref<128x64xf32, #tpu.memory_space<vmem>>, vector<16xf32>,
        %mul3A_376 = arith.mulf %get3A_375, %gather3A_176 : vector<16xf32>
        %swap3A_377 = arith.index_cast %add3A_351 : i32 to index
        %swap3A_378 = arith.constant 48 : index
        %swap3A_379 = tpu.vector_load %arg13[%swap3A_377, %swap3A_378] {strides = array<i32>} : memref<128x64xf32, #tpu.memory_space<vmem>>, vector<16xf32>,
        tpu.vector_store %arg13[%swap3A_377, %swap3A_378], %mul3A_376 {strides = array<i32>} : memref<128x64xf32, #tpu.memory_space<vmem>>, vector<16xf32>,
        %add3A_380 = arith.constant 5 : i32
        %add3A_381 = arith.addi %mul3A_152, %add3A_380 : i32
        %get3A_382 = arith.index_cast %add3A_381 : i32 to index
        %get3A_383 = arith.constant 0 : index
        %get3A_384 = tpu.vector_load %arg13[%get3A_382, %get3A_383] {strides = array<i32>} : memref<128x64xf32, #tpu.memory_space<vmem>>, vector<16xf32>,
        %mul3A_385 = arith.mulf %get3A_384, %gather3A_181 : vector<16xf32>
        %swap3A_386 = arith.index_cast %add3A_381 : i32 to index
        %swap3A_387 = arith.constant 0 : index
        %swap3A_388 = tpu.vector_load %arg13[%swap3A_386, %swap3A_387] {strides = array<i32>} : memref<128x64xf32, #tpu.memory_space<vmem>>, vector<16xf32>,
        tpu.vector_store %arg13[%swap3A_386, %swap3A_387], %mul3A_385 {strides = array<i32>} : memref<128x64xf32, #tpu.memory_space<vmem>>, vector<16xf32>,
        %get3A_389 = arith.index_cast %add3A_381 : i32 to index
        %get3A_390 = arith.constant 16 : index
        %get3A_391 = tpu.vector_load %arg13[%get3A_389, %get3A_390] {strides = array<i32>} : memref<128x64xf32, #tpu.memory_space<vmem>>, vector<16xf32>,
        %mul3A_392 = arith.mulf %get3A_391, %gather3A_181 : vector<16xf32>
        %swap3A_393 = arith.index_cast %add3A_381 : i32 to index
        %swap3A_394 = arith.constant 16 : index
        %swap3A_395 = tpu.vector_load %arg13[%swap3A_393, %swap3A_394] {strides = array<i32>} : memref<128x64xf32, #tpu.memory_space<vmem>>, vector<16xf32>,
        tpu.vector_store %arg13[%swap3A_393, %swap3A_394], %mul3A_392 {strides = array<i32>} : memref<128x64xf32, #tpu.memory_space<vmem>>, vector<16xf32>,
        %get3A_396 = arith.index_cast %add3A_381 : i32 to index
        %get3A_397 = arith.constant 32 : index
        %get3A_398 = tpu.vector_load %arg13[%get3A_396, %get3A_397] {strides = array<i32>} : memref<128x64xf32, #tpu.memory_space<vmem>>, vector<16xf32>,
        %mul3A_399 = arith.mulf %get3A_398, %gather3A_181 : vector<16xf32>
        %swap3A_400 = arith.index_cast %add3A_381 : i32 to index
        %swap3A_401 = arith.constant 32 : index
        %swap3A_402 = tpu.vector_load %arg13[%swap3A_400, %swap3A_401] {strides = array<i32>} : memref<128x64xf32, #tpu.memory_space<vmem>>, vector<16xf32>,
        tpu.vector_store %arg13[%swap3A_400, %swap3A_401], %mul3A_399 {strides = array<i32>} : memref<128x64xf32, #tpu.memory_space<vmem>>, vector<16xf32>,
        %get3A_403 = arith.index_cast %add3A_381 : i32 to index
        %get3A_404 = arith.constant 48 : index
        %get3A_405 = tpu.vector_load %arg13[%get3A_403, %get3A_404] {strides = array<i32>} : memref<128x64xf32, #tpu.memory_space<vmem>>, vector<16xf32>,
        %mul3A_406 = arith.mulf %get3A_405, %gather3A_181 : vector<16xf32>
        %swap3A_407 = arith.index_cast %add3A_381 : i32 to index
        %swap3A_408 = arith.constant 48 : index
        %swap3A_409 = tpu.vector_load %arg13[%swap3A_407, %swap3A_408] {strides = array<i32>} : memref<128x64xf32, #tpu.memory_space<vmem>>, vector<16xf32>,
        tpu.vector_store %arg13[%swap3A_407, %swap3A_408], %mul3A_406 {strides = array<i32>} : memref<128x64xf32, #tpu.memory_space<vmem>>, vector<16xf32>,
        %add3A_410 = arith.constant 6 : i32
        %add3A_411 = arith.addi %mul3A_152, %add3A_410 : i32
        %get3A_412 = arith.index_cast %add3A_411 : i32 to index
        %get3A_413 = arith.constant 0 : index
        %get3A_414 = tpu.vector_load %arg13[%get3A_412, %get3A_413] {strides = array<i32>} : memref<128x64xf32, #tpu.memory_space<vmem>>, vector<16xf32>,
        %mul3A_415 = arith.mulf %get3A_414, %gather3A_186 : vector<16xf32>
        %swap3A_416 = arith.index_cast %add3A_411 : i32 to index
        %swap3A_417 = arith.constant 0 : index
        %swap3A_418 = tpu.vector_load %arg13[%swap3A_416, %swap3A_417] {strides = array<i32>} : memref<128x64xf32, #tpu.memory_space<vmem>>, vector<16xf32>,
        tpu.vector_store %arg13[%swap3A_416, %swap3A_417], %mul3A_415 {strides = array<i32>} : memref<128x64xf32, #tpu.memory_space<vmem>>, vector<16xf32>,
        %get3A_419 = arith.index_cast %add3A_411 : i32 to index
        %get3A_420 = arith.constant 16 : index
        %get3A_421 = tpu.vector_load %arg13[%get3A_419, %get3A_420] {strides = array<i32>} : memref<128x64xf32, #tpu.memory_space<vmem>>, vector<16xf32>,
        %mul3A_422 = arith.mulf %get3A_421, %gather3A_186 : vector<16xf32>
        %swap3A_423 = arith.index_cast %add3A_411 : i32 to index
        %swap3A_424 = arith.constant 16 : index
        %swap3A_425 = tpu.vector_load %arg13[%swap3A_423, %swap3A_424] {strides = array<i32>} : memref<128x64xf32, #tpu.memory_space<vmem>>, vector<16xf32>,
        tpu.vector_store %arg13[%swap3A_423, %swap3A_424], %mul3A_422 {strides = array<i32>} : memref<128x64xf32, #tpu.memory_space<vmem>>, vector<16xf32>,
        %get3A_426 = arith.index_cast %add3A_411 : i32 to index
        %get3A_427 = arith.constant 32 : index
        %get3A_428 = tpu.vector_load %arg13[%get3A_426, %get3A_427] {strides = array<i32>} : memref<128x64xf32, #tpu.memory_space<vmem>>, vector<16xf32>,
        %mul3A_429 = arith.mulf %get3A_428, %gather3A_186 : vector<16xf32>
        %swap3A_430 = arith.index_cast %add3A_411 : i32 to index
        %swap3A_431 = arith.constant 32 : index
        %swap3A_432 = tpu.vector_load %arg13[%swap3A_430, %swap3A_431] {strides = array<i32>} : memref<128x64xf32, #tpu.memory_space<vmem>>, vector<16xf32>,
        tpu.vector_store %arg13[%swap3A_430, %swap3A_431], %mul3A_429 {strides = array<i32>} : memref<128x64xf32, #tpu.memory_space<vmem>>, vector<16xf32>,
        %get3A_433 = arith.index_cast %add3A_411 : i32 to index
        %get3A_434 = arith.constant 48 : index
        %get3A_435 = tpu.vector_load %arg13[%get3A_433, %get3A_434] {strides = array<i32>} : memref<128x64xf32, #tpu.memory_space<vmem>>, vector<16xf32>,
        %mul3A_436 = arith.mulf %get3A_435, %gather3A_186 : vector<16xf32>
        %swap3A_437 = arith.index_cast %add3A_411 : i32 to index
        %swap3A_438 = arith.constant 48 : index
        %swap3A_439 = tpu.vector_load %arg13[%swap3A_437, %swap3A_438] {strides = array<i32>} : memref<128x64xf32, #tpu.memory_space<vmem>>, vector<16xf32>,
        tpu.vector_store %arg13[%swap3A_437, %swap3A_438], %mul3A_436 {strides = array<i32>} : memref<128x64xf32, #tpu.memory_space<vmem>>, vector<16xf32>,
        %add3A_440 = arith.constant 7 : i32
        %add3A_441 = arith.addi %mul3A_152, %add3A_440 : i32
        %get3A_442 = arith.index_cast %add3A_441 : i32 to index
        %get3A_443 = arith.constant 0 : index
        %get3A_444 = tpu.vector_load %arg13[%get3A_442, %get3A_443] {strides = array<i32>} : memref<128x64xf32, #tpu.memory_space<vmem>>, vector<16xf32>,
        %mul3A_445 = arith.mulf %get3A_444, %gather3A_191 : vector<16xf32>
        %swap3A_446 = arith.index_cast %add3A_441 : i32 to index
        %swap3A_447 = arith.constant 0 : index
        %swap3A_448 = tpu.vector_load %arg13[%swap3A_446, %swap3A_447] {strides = array<i32>} : memref<128x64xf32, #tpu.memory_space<vmem>>, vector<16xf32>,
        tpu.vector_store %arg13[%swap3A_446, %swap3A_447], %mul3A_445 {strides = array<i32>} : memref<128x64xf32, #tpu.memory_space<vmem>>, vector<16xf32>,
        %get3A_449 = arith.index_cast %add3A_441 : i32 to index
        %get3A_450 = arith.constant 16 : index
        %get3A_451 = tpu.vector_load %arg13[%get3A_449, %get3A_450] {strides = array<i32>} : memref<128x64xf32, #tpu.memory_space<vmem>>, vector<16xf32>,
        %mul3A_452 = arith.mulf %get3A_451, %gather3A_191 : vector<16xf32>
        %swap3A_453 = arith.index_cast %add3A_441 : i32 to index
        %swap3A_454 = arith.constant 16 : index
        %swap3A_455 = tpu.vector_load %arg13[%swap3A_453, %swap3A_454] {strides = array<i32>} : memref<128x64xf32, #tpu.memory_space<vmem>>, vector<16xf32>,
        tpu.vector_store %arg13[%swap3A_453, %swap3A_454], %mul3A_452 {strides = array<i32>} : memref<128x64xf32, #tpu.memory_space<vmem>>, vector<16xf32>,
        %get3A_456 = arith.index_cast %add3A_441 : i32 to index
        %get3A_457 = arith.constant 32 : index
        %get3A_458 = tpu.vector_load %arg13[%get3A_456, %get3A_457] {strides = array<i32>} : memref<128x64xf32, #tpu.memory_space<vmem>>, vector<16xf32>,
        %mul3A_459 = arith.mulf %get3A_458, %gather3A_191 : vector<16xf32>
        %swap3A_460 = arith.index_cast %add3A_441 : i32 to index
        %swap3A_461 = arith.constant 32 : index
        %swap3A_462 = tpu.vector_load %arg13[%swap3A_460, %swap3A_461] {strides = array<i32>} : memref<128x64xf32, #tpu.memory_space<vmem>>, vector<16xf32>,
        tpu.vector_store %arg13[%swap3A_460, %swap3A_461], %mul3A_459 {strides = array<i32>} : memref<128x64xf32, #tpu.memory_space<vmem>>, vector<16xf32>,
        %get3A_463 = arith.index_cast %add3A_441 : i32 to index
        %get3A_464 = arith.constant 48 : index
        %get3A_465 = tpu.vector_load %arg13[%get3A_463, %get3A_464] {strides = array<i32>} : memref<128x64xf32, #tpu.memory_space<vmem>>, vector<16xf32>,
        %mul3A_466 = arith.mulf %get3A_465, %gather3A_191 : vector<16xf32>
        %swap3A_467 = arith.index_cast %add3A_441 : i32 to index
        %swap3A_468 = arith.constant 48 : index
        %swap3A_469 = tpu.vector_load %arg13[%swap3A_467, %swap3A_468] {strides = array<i32>} : memref<128x64xf32, #tpu.memory_space<vmem>>, vector<16xf32>,
        tpu.vector_store %arg13[%swap3A_467, %swap3A_468], %mul3A_466 {strides = array<i32>} : memref<128x64xf32, #tpu.memory_space<vmem>>, vector<16xf32>,
        %add3A_470 = arith.constant 8 : i32
        %add3A_471 = arith.addi %mul3A_152, %add3A_470 : i32
        %get3A_472 = arith.index_cast %add3A_471 : i32 to index
        %get3A_473 = arith.constant 0 : index
        %get3A_474 = tpu.vector_load %arg13[%get3A_472, %get3A_473] {strides = array<i32>} : memref<128x64xf32, #tpu.memory_space<vmem>>, vector<16xf32>,
        %mul3A_475 = arith.mulf %get3A_474, %gather3A_196 : vector<16xf32>
        %swap3A_476 = arith.index_cast %add3A_471 : i32 to index
        %swap3A_477 = arith.constant 0 : index
        %swap3A_478 = tpu.vector_load %arg13[%swap3A_476, %swap3A_477] {strides = array<i32>} : memref<128x64xf32, #tpu.memory_space<vmem>>, vector<16xf32>,
        tpu.vector_store %arg13[%swap3A_476, %swap3A_477], %mul3A_475 {strides = array<i32>} : memref<128x64xf32, #tpu.memory_space<vmem>>, vector<16xf32>,
        %get3A_479 = arith.index_cast %add3A_471 : i32 to index
        %get3A_480 = arith.constant 16 : index
        %get3A_481 = tpu.vector_load %arg13[%get3A_479, %get3A_480] {strides = array<i32>} : memref<128x64xf32, #tpu.memory_space<vmem>>, vector<16xf32>,
        %mul3A_482 = arith.mulf %get3A_481, %gather3A_196 : vector<16xf32>
        %swap3A_483 = arith.index_cast %add3A_471 : i32 to index
        %swap3A_484 = arith.constant 16 : index
        %swap3A_485 = tpu.vector_load %arg13[%swap3A_483, %swap3A_484] {strides = array<i32>} : memref<128x64xf32, #tpu.memory_space<vmem>>, vector<16xf32>,
        tpu.vector_store %arg13[%swap3A_483, %swap3A_484], %mul3A_482 {strides = array<i32>} : memref<128x64xf32, #tpu.memory_space<vmem>>, vector<16xf32>,
        %get3A_486 = arith.index_cast %add3A_471 : i32 to index
        %get3A_487 = arith.constant 32 : index
        %get3A_488 = tpu.vector_load %arg13[%get3A_486, %get3A_487] {strides = array<i32>} : memref<128x64xf32, #tpu.memory_space<vmem>>, vector<16xf32>,
        %mul3A_489 = arith.mulf %get3A_488, %gather3A_196 : vector<16xf32>
        %swap3A_490 = arith.index_cast %add3A_471 : i32 to index
        %swap3A_491 = arith.constant 32 : index
        %swap3A_492 = tpu.vector_load %arg13[%swap3A_490, %swap3A_491] {strides = array<i32>} : memref<128x64xf32, #tpu.memory_space<vmem>>, vector<16xf32>,
        tpu.vector_store %arg13[%swap3A_490, %swap3A_491], %mul3A_489 {strides = array<i32>} : memref<128x64xf32, #tpu.memory_space<vmem>>, vector<16xf32>,
        %get3A_493 = arith.index_cast %add3A_471 : i32 to index
        %get3A_494 = arith.constant 48 : index
        %get3A_495 = tpu.vector_load %arg13[%get3A_493, %get3A_494] {strides = array<i32>} : memref<128x64xf32, #tpu.memory_space<vmem>>, vector<16xf32>,
        %mul3A_496 = arith.mulf %get3A_495, %gather3A_196 : vector<16xf32>
        %swap3A_497 = arith.index_cast %add3A_471 : i32 to index
        %swap3A_498 = arith.constant 48 : index
        %swap3A_499 = tpu.vector_load %arg13[%swap3A_497, %swap3A_498] {strides = array<i32>} : memref<128x64xf32, #tpu.memory_space<vmem>>, vector<16xf32>,
        tpu.vector_store %arg13[%swap3A_497, %swap3A_498], %mul3A_496 {strides = array<i32>} : memref<128x64xf32, #tpu.memory_space<vmem>>, vector<16xf32>,
        %add3A_500 = arith.constant 9 : i32
        %add3A_501 = arith.addi %mul3A_152, %add3A_500 : i32
        %get3A_502 = arith.index_cast %add3A_501 : i32 to index
        %get3A_503 = arith.constant 0 : index
        %get3A_504 = tpu.vector_load %arg13[%get3A_502, %get3A_503] {strides = array<i32>} : memref<128x64xf32, #tpu.memory_space<vmem>>, vector<16xf32>,
        %mul3A_505 = arith.mulf %get3A_504, %gather3A_201 : vector<16xf32>
        %swap3A_506 = arith.index_cast %add3A_501 : i32 to index
        %swap3A_507 = arith.constant 0 : index
        %swap3A_508 = tpu.vector_load %arg13[%swap3A_506, %swap3A_507] {strides = array<i32>} : memref<128x64xf32, #tpu.memory_space<vmem>>, vector<16xf32>,
        tpu.vector_store %arg13[%swap3A_506, %swap3A_507], %mul3A_505 {strides = array<i32>} : memref<128x64xf32, #tpu.memory_space<vmem>>, vector<16xf32>,
        %get3A_509 = arith.index_cast %add3A_501 : i32 to index
        %get3A_510 = arith.constant 16 : index
        %get3A_511 = tpu.vector_load %arg13[%get3A_509, %get3A_510] {strides = array<i32>} : memref<128x64xf32, #tpu.memory_space<vmem>>, vector<16xf32>,
        %mul3A_512 = arith.mulf %get3A_511, %gather3A_201 : vector<16xf32>
        %swap3A_513 = arith.index_cast %add3A_501 : i32 to index
        %swap3A_514 = arith.constant 16 : index
        %swap3A_515 = tpu.vector_load %arg13[%swap3A_513, %swap3A_514] {strides = array<i32>} : memref<128x64xf32, #tpu.memory_space<vmem>>, vector<16xf32>,
        tpu.vector_store %arg13[%swap3A_513, %swap3A_514], %mul3A_512 {strides = array<i32>} : memref<128x64xf32, #tpu.memory_space<vmem>>, vector<16xf32>,
        %get3A_516 = arith.index_cast %add3A_501 : i32 to index
        %get3A_517 = arith.constant 32 : index
        %get3A_518 = tpu.vector_load %arg13[%get3A_516, %get3A_517] {strides = array<i32>} : memref<128x64xf32, #tpu.memory_space<vmem>>, vector<16xf32>,
        %mul3A_519 = arith.mulf %get3A_518, %gather3A_201 : vector<16xf32>
        %swap3A_520 = arith.index_cast %add3A_501 : i32 to index
        %swap3A_521 = arith.constant 32 : index
        %swap3A_522 = tpu.vector_load %arg13[%swap3A_520, %swap3A_521] {strides = array<i32>} : memref<128x64xf32, #tpu.memory_space<vmem>>, vector<16xf32>,
        tpu.vector_store %arg13[%swap3A_520, %swap3A_521], %mul3A_519 {strides = array<i32>} : memref<128x64xf32, #tpu.memory_space<vmem>>, vector<16xf32>,
        %get3A_523 = arith.index_cast %add3A_501 : i32 to index
        %get3A_524 = arith.constant 48 : index
        %get3A_525 = tpu.vector_load %arg13[%get3A_523, %get3A_524] {strides = array<i32>} : memref<128x64xf32, #tpu.memory_space<vmem>>, vector<16xf32>,
        %mul3A_526 = arith.mulf %get3A_525, %gather3A_201 : vector<16xf32>
        %swap3A_527 = arith.index_cast %add3A_501 : i32 to index
        %swap3A_528 = arith.constant 48 : index
        %swap3A_529 = tpu.vector_load %arg13[%swap3A_527, %swap3A_528] {strides = array<i32>} : memref<128x64xf32, #tpu.memory_space<vmem>>, vector<16xf32>,
        tpu.vector_store %arg13[%swap3A_527, %swap3A_528], %mul3A_526 {strides = array<i32>} : memref<128x64xf32, #tpu.memory_space<vmem>>, vector<16xf32>,
        %add3A_530 = arith.constant 10 : i32
        %add3A_531 = arith.addi %mul3A_152, %add3A_530 : i32
        %get3A_532 = arith.index_cast %add3A_531 : i32 to index
        %get3A_533 = arith.constant 0 : index
        %get3A_534 = tpu.vector_load %arg13[%get3A_532, %get3A_533] {strides = array<i32>} : memref<128x64xf32, #tpu.memory_space<vmem>>, vector<16xf32>,
        %mul3A_535 = arith.mulf %get3A_534, %gather3A_206 : vector<16xf32>
        %swap3A_536 = arith.index_cast %add3A_531 : i32 to index
        %swap3A_537 = arith.constant 0 : index
        %swap3A_538 = tpu.vector_load %arg13[%swap3A_536, %swap3A_537] {strides = array<i32>} : memref<128x64xf32, #tpu.memory_space<vmem>>, vector<16xf32>,
        tpu.vector_store %arg13[%swap3A_536, %swap3A_537], %mul3A_535 {strides = array<i32>} : memref<128x64xf32, #tpu.memory_space<vmem>>, vector<16xf32>,
        %get3A_539 = arith.index_cast %add3A_531 : i32 to index
        %get3A_540 = arith.constant 16 : index
        %get3A_541 = tpu.vector_load %arg13[%get3A_539, %get3A_540] {strides = array<i32>} : memref<128x64xf32, #tpu.memory_space<vmem>>, vector<16xf32>,
        %mul3A_542 = arith.mulf %get3A_541, %gather3A_206 : vector<16xf32>
        %swap3A_543 = arith.index_cast %add3A_531 : i32 to index
        %swap3A_544 = arith.constant 16 : index
        %swap3A_545 = tpu.vector_load %arg13[%swap3A_543, %swap3A_544] {strides = array<i32>} : memref<128x64xf32, #tpu.memory_space<vmem>>, vector<16xf32>,
        tpu.vector_store %arg13[%swap3A_543, %swap3A_544], %mul3A_542 {strides = array<i32>} : memref<128x64xf32, #tpu.memory_space<vmem>>, vector<16xf32>,
        %get3A_546 = arith.index_cast %add3A_531 : i32 to index
        %get3A_547 = arith.constant 32 : index
        %get3A_548 = tpu.vector_load %arg13[%get3A_546, %get3A_547] {strides = array<i32>} : memref<128x64xf32, #tpu.memory_space<vmem>>, vector<16xf32>,
        %mul3A_549 = arith.mulf %get3A_548, %gather3A_206 : vector<16xf32>
        %swap3A_550 = arith.index_cast %add3A_531 : i32 to index
        %swap3A_551 = arith.constant 32 : index
        %swap3A_552 = tpu.vector_load %arg13[%swap3A_550, %swap3A_551] {strides = array<i32>} : memref<128x64xf32, #tpu.memory_space<vmem>>, vector<16xf32>,
        tpu.vector_store %arg13[%swap3A_550, %swap3A_551], %mul3A_549 {strides = array<i32>} : memref<128x64xf32, #tpu.memory_space<vmem>>, vector<16xf32>,
        %get3A_553 = arith.index_cast %add3A_531 : i32 to index
        %get3A_554 = arith.constant 48 : index
        %get3A_555 = tpu.vector_load %arg13[%get3A_553, %get3A_554] {strides = array<i32>} : memref<128x64xf32, #tpu.memory_space<vmem>>, vector<16xf32>,
        %mul3A_556 = arith.mulf %get3A_555, %gather3A_206 : vector<16xf32>
        %swap3A_557 = arith.index_cast %add3A_531 : i32 to index
        %swap3A_558 = arith.constant 48 : index
        %swap3A_559 = tpu.vector_load %arg13[%swap3A_557, %swap3A_558] {strides = array<i32>} : memref<128x64xf32, #tpu.memory_space<vmem>>, vector<16xf32>,
        tpu.vector_store %arg13[%swap3A_557, %swap3A_558], %mul3A_556 {strides = array<i32>} : memref<128x64xf32, #tpu.memory_space<vmem>>, vector<16xf32>,
        %add3A_560 = arith.constant 11 : i32
        %add3A_561 = arith.addi %mul3A_152, %add3A_560 : i32
        %get3A_562 = arith.index_cast %add3A_561 : i32 to index
        %get3A_563 = arith.constant 0 : index
        %get3A_564 = tpu.vector_load %arg13[%get3A_562, %get3A_563] {strides = array<i32>} : memref<128x64xf32, #tpu.memory_space<vmem>>, vector<16xf32>,
        %mul3A_565 = arith.mulf %get3A_564, %gather3A_211 : vector<16xf32>
        %swap3A_566 = arith.index_cast %add3A_561 : i32 to index
        %swap3A_567 = arith.constant 0 : index
        %swap3A_568 = tpu.vector_load %arg13[%swap3A_566, %swap3A_567] {strides = array<i32>} : memref<128x64xf32, #tpu.memory_space<vmem>>, vector<16xf32>,
        tpu.vector_store %arg13[%swap3A_566, %swap3A_567], %mul3A_565 {strides = array<i32>} : memref<128x64xf32, #tpu.memory_space<vmem>>, vector<16xf32>,
        %get3A_569 = arith.index_cast %add3A_561 : i32 to index
        %get3A_570 = arith.constant 16 : index
        %get3A_571 = tpu.vector_load %arg13[%get3A_569, %get3A_570] {strides = array<i32>} : memref<128x64xf32, #tpu.memory_space<vmem>>, vector<16xf32>,
        %mul3A_572 = arith.mulf %get3A_571, %gather3A_211 : vector<16xf32>
        %swap3A_573 = arith.index_cast %add3A_561 : i32 to index
        %swap3A_574 = arith.constant 16 : index
        %swap3A_575 = tpu.vector_load %arg13[%swap3A_573, %swap3A_574] {strides = array<i32>} : memref<128x64xf32, #tpu.memory_space<vmem>>, vector<16xf32>,
        tpu.vector_store %arg13[%swap3A_573, %swap3A_574], %mul3A_572 {strides = array<i32>} : memref<128x64xf32, #tpu.memory_space<vmem>>, vector<16xf32>,
        %get3A_576 = arith.index_cast %add3A_561 : i32 to index
        %get3A_577 = arith.constant 32 : index
        %get3A_578 = tpu.vector_load %arg13[%get3A_576, %get3A_577] {strides = array<i32>} : memref<128x64xf32, #tpu.memory_space<vmem>>, vector<16xf32>,
        %mul3A_579 = arith.mulf %get3A_578, %gather3A_211 : vector<16xf32>
        %swap3A_580 = arith.index_cast %add3A_561 : i32 to index
        %swap3A_581 = arith.constant 32 : index
        %swap3A_582 = tpu.vector_load %arg13[%swap3A_580, %swap3A_581] {strides = array<i32>} : memref<128x64xf32, #tpu.memory_space<vmem>>, vector<16xf32>,
        tpu.vector_store %arg13[%swap3A_580, %swap3A_581], %mul3A_579 {strides = array<i32>} : memref<128x64xf32, #tpu.memory_space<vmem>>, vector<16xf32>,
        %get3A_583 = arith.index_cast %add3A_561 : i32 to index
        %get3A_584 = arith.constant 48 : index
        %get3A_585 = tpu.vector_load %arg13[%get3A_583, %get3A_584] {strides = array<i32>} : memref<128x64xf32, #tpu.memory_space<vmem>>, vector<16xf32>,
        %mul3A_586 = arith.mulf %get3A_585, %gather3A_211 : vector<16xf32>
        %swap3A_587 = arith.index_cast %add3A_561 : i32 to index
        %swap3A_588 = arith.constant 48 : index
        %swap3A_589 = tpu.vector_load %arg13[%swap3A_587, %swap3A_588] {strides = array<i32>} : memref<128x64xf32, #tpu.memory_space<vmem>>, vector<16xf32>,
        tpu.vector_store %arg13[%swap3A_587, %swap3A_588], %mul3A_586 {strides = array<i32>} : memref<128x64xf32, #tpu.memory_space<vmem>>, vector<16xf32>,
        %add3A_590 = arith.constant 12 : i32
        %add3A_591 = arith.addi %mul3A_152, %add3A_590 : i32
        %get3A_592 = arith.index_cast %add3A_591 : i32 to index
        %get3A_593 = arith.constant 0 : index
        %get3A_594 = tpu.vector_load %arg13[%get3A_592, %get3A_593] {strides = array<i32>} : memref<128x64xf32, #tpu.memory_space<vmem>>, vector<16xf32>,
        %mul3A_595 = arith.mulf %get3A_594, %gather3A_216 : vector<16xf32>
        %swap3A_596 = arith.index_cast %add3A_591 : i32 to index
        %swap3A_597 = arith.constant 0 : index
        %swap3A_598 = tpu.vector_load %arg13[%swap3A_596, %swap3A_597] {strides = array<i32>} : memref<128x64xf32, #tpu.memory_space<vmem>>, vector<16xf32>,
        tpu.vector_store %arg13[%swap3A_596, %swap3A_597], %mul3A_595 {strides = array<i32>} : memref<128x64xf32, #tpu.memory_space<vmem>>, vector<16xf32>,
        %get3A_599 = arith.index_cast %add3A_591 : i32 to index
        %get3A_600 = arith.constant 16 : index
        %get3A_601 = tpu.vector_load %arg13[%get3A_599, %get3A_600] {strides = array<i32>} : memref<128x64xf32, #tpu.memory_space<vmem>>, vector<16xf32>,
        %mul3A_602 = arith.mulf %get3A_601, %gather3A_216 : vector<16xf32>
        %swap3A_603 = arith.index_cast %add3A_591 : i32 to index
        %swap3A_604 = arith.constant 16 : index
        %swap3A_605 = tpu.vector_load %arg13[%swap3A_603, %swap3A_604] {strides = array<i32>} : memref<128x64xf32, #tpu.memory_space<vmem>>, vector<16xf32>,
        tpu.vector_store %arg13[%swap3A_603, %swap3A_604], %mul3A_602 {strides = array<i32>} : memref<128x64xf32, #tpu.memory_space<vmem>>, vector<16xf32>,
        %get3A_606 = arith.index_cast %add3A_591 : i32 to index
        %get3A_607 = arith.constant 32 : index
        %get3A_608 = tpu.vector_load %arg13[%get3A_606, %get3A_607] {strides = array<i32>} : memref<128x64xf32, #tpu.memory_space<vmem>>, vector<16xf32>,
        %mul3A_609 = arith.mulf %get3A_608, %gather3A_216 : vector<16xf32>
        %swap3A_610 = arith.index_cast %add3A_591 : i32 to index
        %swap3A_611 = arith.constant 32 : index
        %swap3A_612 = tpu.vector_load %arg13[%swap3A_610, %swap3A_611] {strides = array<i32>} : memref<128x64xf32, #tpu.memory_space<vmem>>, vector<16xf32>,
        tpu.vector_store %arg13[%swap3A_610, %swap3A_611], %mul3A_609 {strides = array<i32>} : memref<128x64xf32, #tpu.memory_space<vmem>>, vector<16xf32>,
        %get3A_613 = arith.index_cast %add3A_591 : i32 to index
        %get3A_614 = arith.constant 48 : index
        %get3A_615 = tpu.vector_load %arg13[%get3A_613, %get3A_614] {strides = array<i32>} : memref<128x64xf32, #tpu.memory_space<vmem>>, vector<16xf32>,
        %mul3A_616 = arith.mulf %get3A_615, %gather3A_216 : vector<16xf32>
        %swap3A_617 = arith.index_cast %add3A_591 : i32 to index
        %swap3A_618 = arith.constant 48 : index
        %swap3A_619 = tpu.vector_load %arg13[%swap3A_617, %swap3A_618] {strides = array<i32>} : memref<128x64xf32, #tpu.memory_space<vmem>>, vector<16xf32>,
        tpu.vector_store %arg13[%swap3A_617, %swap3A_618], %mul3A_616 {strides = array<i32>} : memref<128x64xf32, #tpu.memory_space<vmem>>, vector<16xf32>,
        %add3A_620 = arith.constant 13 : i32
        %add3A_621 = arith.addi %mul3A_152, %add3A_620 : i32
        %get3A_622 = arith.index_cast %add3A_621 : i32 to index
        %get3A_623 = arith.constant 0 : index
        %get3A_624 = tpu.vector_load %arg13[%get3A_622, %get3A_623] {strides = array<i32>} : memref<128x64xf32, #tpu.memory_space<vmem>>, vector<16xf32>,
        %mul3A_625 = arith.mulf %get3A_624, %gather3A_221 : vector<16xf32>
        %swap3A_626 = arith.index_cast %add3A_621 : i32 to index
        %swap3A_627 = arith.constant 0 : index
        %swap3A_628 = tpu.vector_load %arg13[%swap3A_626, %swap3A_627] {strides = array<i32>} : memref<128x64xf32, #tpu.memory_space<vmem>>, vector<16xf32>,
        tpu.vector_store %arg13[%swap3A_626, %swap3A_627], %mul3A_625 {strides = array<i32>} : memref<128x64xf32, #tpu.memory_space<vmem>>, vector<16xf32>,
        %get3A_629 = arith.index_cast %add3A_621 : i32 to index
        %get3A_630 = arith.constant 16 : index
        %get3A_631 = tpu.vector_load %arg13[%get3A_629, %get3A_630] {strides = array<i32>} : memref<128x64xf32, #tpu.memory_space<vmem>>, vector<16xf32>,
        %mul3A_632 = arith.mulf %get3A_631, %gather3A_221 : vector<16xf32>
        %swap3A_633 = arith.index_cast %add3A_621 : i32 to index
        %swap3A_634 = arith.constant 16 : index
        %swap3A_635 = tpu.vector_load %arg13[%swap3A_633, %swap3A_634] {strides = array<i32>} : memref<128x64xf32, #tpu.memory_space<vmem>>, vector<16xf32>,
        tpu.vector_store %arg13[%swap3A_633, %swap3A_634], %mul3A_632 {strides = array<i32>} : memref<128x64xf32, #tpu.memory_space<vmem>>, vector<16xf32>,
        %get3A_636 = arith.index_cast %add3A_621 : i32 to index
        %get3A_637 = arith.constant 32 : index
        %get3A_638 = tpu.vector_load %arg13[%get3A_636, %get3A_637] {strides = array<i32>} : memref<128x64xf32, #tpu.memory_space<vmem>>, vector<16xf32>,
        %mul3A_639 = arith.mulf %get3A_638, %gather3A_221 : vector<16xf32>
        %swap3A_640 = arith.index_cast %add3A_621 : i32 to index
        %swap3A_641 = arith.constant 32 : index
        %swap3A_642 = tpu.vector_load %arg13[%swap3A_640, %swap3A_641] {strides = array<i32>} : memref<128x64xf32, #tpu.memory_space<vmem>>, vector<16xf32>,
        tpu.vector_store %arg13[%swap3A_640, %swap3A_641], %mul3A_639 {strides = array<i32>} : memref<128x64xf32, #tpu.memory_space<vmem>>, vector<16xf32>,
        %get3A_643 = arith.index_cast %add3A_621 : i32 to index
        %get3A_644 = arith.constant 48 : index
        %get3A_645 = tpu.vector_load %arg13[%get3A_643, %get3A_644] {strides = array<i32>} : memref<128x64xf32, #tpu.memory_space<vmem>>, vector<16xf32>,
        %mul3A_646 = arith.mulf %get3A_645, %gather3A_221 : vector<16xf32>
        %swap3A_647 = arith.index_cast %add3A_621 : i32 to index
        %swap3A_648 = arith.constant 48 : index
        %swap3A_649 = tpu.vector_load %arg13[%swap3A_647, %swap3A_648] {strides = array<i32>} : memref<128x64xf32, #tpu.memory_space<vmem>>, vector<16xf32>,
        tpu.vector_store %arg13[%swap3A_647, %swap3A_648], %mul3A_646 {strides = array<i32>} : memref<128x64xf32, #tpu.memory_space<vmem>>, vector<16xf32>,
        %add3A_650 = arith.constant 14 : i32
        %add3A_651 = arith.addi %mul3A_152, %add3A_650 : i32
        %get3A_652 = arith.index_cast %add3A_651 : i32 to index
        %get3A_653 = arith.constant 0 : index
        %get3A_654 = tpu.vector_load %arg13[%get3A_652, %get3A_653] {strides = array<i32>} : memref<128x64xf32, #tpu.memory_space<vmem>>, vector<16xf32>,
        %mul3A_655 = arith.mulf %get3A_654, %gather3A_226 : vector<16xf32>
        %swap3A_656 = arith.index_cast %add3A_651 : i32 to index
        %swap3A_657 = arith.constant 0 : index
        %swap3A_658 = tpu.vector_load %arg13[%swap3A_656, %swap3A_657] {strides = array<i32>} : memref<128x64xf32, #tpu.memory_space<vmem>>, vector<16xf32>,
        tpu.vector_store %arg13[%swap3A_656, %swap3A_657], %mul3A_655 {strides = array<i32>} : memref<128x64xf32, #tpu.memory_space<vmem>>, vector<16xf32>,
        %get3A_659 = arith.index_cast %add3A_651 : i32 to index
        %get3A_660 = arith.constant 16 : index
        %get3A_661 = tpu.vector_load %arg13[%get3A_659, %get3A_660] {strides = array<i32>} : memref<128x64xf32, #tpu.memory_space<vmem>>, vector<16xf32>,
        %mul3A_662 = arith.mulf %get3A_661, %gather3A_226 : vector<16xf32>
        %swap3A_663 = arith.index_cast %add3A_651 : i32 to index
        %swap3A_664 = arith.constant 16 : index
        %swap3A_665 = tpu.vector_load %arg13[%swap3A_663, %swap3A_664] {strides = array<i32>} : memref<128x64xf32, #tpu.memory_space<vmem>>, vector<16xf32>,
        tpu.vector_store %arg13[%swap3A_663, %swap3A_664], %mul3A_662 {strides = array<i32>} : memref<128x64xf32, #tpu.memory_space<vmem>>, vector<16xf32>,
        %get3A_666 = arith.index_cast %add3A_651 : i32 to index
        %get3A_667 = arith.constant 32 : index
        %get3A_668 = tpu.vector_load %arg13[%get3A_666, %get3A_667] {strides = array<i32>} : memref<128x64xf32, #tpu.memory_space<vmem>>, vector<16xf32>,
        %mul3A_669 = arith.mulf %get3A_668, %gather3A_226 : vector<16xf32>
        %swap3A_670 = arith.index_cast %add3A_651 : i32 to index
        %swap3A_671 = arith.constant 32 : index
        %swap3A_672 = tpu.vector_load %arg13[%swap3A_670, %swap3A_671] {strides = array<i32>} : memref<128x64xf32, #tpu.memory_space<vmem>>, vector<16xf32>,
        tpu.vector_store %arg13[%swap3A_670, %swap3A_671], %mul3A_669 {strides = array<i32>} : memref<128x64xf32, #tpu.memory_space<vmem>>, vector<16xf32>,
        %get3A_673 = arith.index_cast %add3A_651 : i32 to index
        %get3A_674 = arith.constant 48 : index
        %get3A_675 = tpu.vector_load %arg13[%get3A_673, %get3A_674] {strides = array<i32>} : memref<128x64xf32, #tpu.memory_space<vmem>>, vector<16xf32>,
        %mul3A_676 = arith.mulf %get3A_675, %gather3A_226 : vector<16xf32>
        %swap3A_677 = arith.index_cast %add3A_651 : i32 to index
        %swap3A_678 = arith.constant 48 : index
        %swap3A_679 = tpu.vector_load %arg13[%swap3A_677, %swap3A_678] {strides = array<i32>} : memref<128x64xf32, #tpu.memory_space<vmem>>, vector<16xf32>,
        tpu.vector_store %arg13[%swap3A_677, %swap3A_678], %mul3A_676 {strides = array<i32>} : memref<128x64xf32, #tpu.memory_space<vmem>>, vector<16xf32>,
        %add3A_680 = arith.constant 15 : i32
        %add3A_681 = arith.addi %mul3A_152, %add3A_680 : i32
        %get3A_682 = arith.index_cast %add3A_681 : i32 to index
        %get3A_683 = arith.constant 0 : index
        %get3A_684 = tpu.vector_load %arg13[%get3A_682, %get3A_683] {strides = array<i32>} : memref<128x64xf32, #tpu.memory_space<vmem>>, vector<16xf32>,
        %mul3A_685 = arith.mulf %get3A_684, %gather3A_231 : vector<16xf32>
        %swap3A_686 = arith.index_cast %add3A_681 : i32 to index
        %swap3A_687 = arith.constant 0 : index
        %swap3A_688 = tpu.vector_load %arg13[%swap3A_686, %swap3A_687] {strides = array<i32>} : memref<128x64xf32, #tpu.memory_space<vmem>>, vector<16xf32>,
        tpu.vector_store %arg13[%swap3A_686, %swap3A_687], %mul3A_685 {strides = array<i32>} : memref<128x64xf32, #tpu.memory_space<vmem>>, vector<16xf32>,
        %get3A_689 = arith.index_cast %add3A_681 : i32 to index
        %get3A_690 = arith.constant 16 : index
        %get3A_691 = tpu.vector_load %arg13[%get3A_689, %get3A_690] {strides = array<i32>} : memref<128x64xf32, #tpu.memory_space<vmem>>, vector<16xf32>,
        %mul3A_692 = arith.mulf %get3A_691, %gather3A_231 : vector<16xf32>
        %swap3A_693 = arith.index_cast %add3A_681 : i32 to index
        %swap3A_694 = arith.constant 16 : index
        %swap3A_695 = tpu.vector_load %arg13[%swap3A_693, %swap3A_694] {strides = array<i32>} : memref<128x64xf32, #tpu.memory_space<vmem>>, vector<16xf32>,
        tpu.vector_store %arg13[%swap3A_693, %swap3A_694], %mul3A_692 {strides = array<i32>} : memref<128x64xf32, #tpu.memory_space<vmem>>, vector<16xf32>,
        %get3A_696 = arith.index_cast %add3A_681 : i32 to index
        %get3A_697 = arith.constant 32 : index
        %get3A_698 = tpu.vector_load %arg13[%get3A_696, %get3A_697] {strides = array<i32>} : memref<128x64xf32, #tpu.memory_space<vmem>>, vector<16xf32>,
        %mul3A_699 = arith.mulf %get3A_698, %gather3A_231 : vector<16xf32>
        %swap3A_700 = arith.index_cast %add3A_681 : i32 to index
        %swap3A_701 = arith.constant 32 : index
        %swap3A_702 = tpu.vector_load %arg13[%swap3A_700, %swap3A_701] {strides = array<i32>} : memref<128x64xf32, #tpu.memory_space<vmem>>, vector<16xf32>,
        tpu.vector_store %arg13[%swap3A_700, %swap3A_701], %mul3A_699 {strides = array<i32>} : memref<128x64xf32, #tpu.memory_space<vmem>>, vector<16xf32>,
        %get3A_703 = arith.index_cast %add3A_681 : i32 to index
        %get3A_704 = arith.constant 48 : index
        %get3A_705 = tpu.vector_load %arg13[%get3A_703, %get3A_704] {strides = array<i32>} : memref<128x64xf32, #tpu.memory_space<vmem>>, vector<16xf32>,
        %mul3A_706 = arith.mulf %get3A_705, %gather3A_231 : vector<16xf32>
        %swap3A_707 = arith.index_cast %add3A_681 : i32 to index
        %swap3A_708 = arith.constant 48 : index
        %swap3A_709 = tpu.vector_load %arg13[%swap3A_707, %swap3A_708] {strides = array<i32>} : memref<128x64xf32, #tpu.memory_space<vmem>>, vector<16xf32>,
        tpu.vector_store %arg13[%swap3A_707, %swap3A_708], %mul3A_706 {strides = array<i32>} : memref<128x64xf32, #tpu.memory_space<vmem>>, vector<16xf32>,
      }
      %scan3A_116 = arith.constant 8 : i32
      "tpu.region"() ({
        %run_scoped3A = tpu.sem_alloc : memref<!tpu.dma_semaphore, #tpu.memory_space<semaphore_mem>>
        %dma_start3A_146 = arith.constant 0 : i32
        %dma_start3A_147 = tpu.memref_slice %arg11[%add3A_103, %dma_start3A_146] : memref<158x128xi32, #tpu.memory_space<vmem>> -> memref<1x128xi32, #tpu.memory_space<vmem>>
        %dma_start3A_148 = tpu.memref_squeeze %dma_start3A_147 : memref<1x128xi32, #tpu.memory_space<vmem>> -> memref<128xi32, #tpu.memory_space<vmem>>
        %dma_start3A_149 = arith.constant 0 : i32
        %dma_start3A_150 = arith.constant 0 : i32
        %dma_start3A_151 = tpu.memref_slice %arg15[%dma_start3A_149, %dma_start3A_150] : memref<10240x64xf32, #tpu.memory_space<vmem_shared>> -> memref<10240x64xf32, #tpu.memory_space<vmem_shared>>
        tpu.enqueue_indirect_dma source(%arg13 : memref<128x64xf32, #tpu.memory_space<vmem>>) target(%dma_start3A_151 : memref<10240x64xf32, #tpu.memory_space<vmem_shared>>) offsets(%dma_start3A_148 : memref<128xi32, #tpu.memory_space<vmem>>) semaphore(%run_scoped3A : memref<!tpu.dma_semaphore, #tpu.memory_space<semaphore_mem>>) {add = true}
        %dma_wait3A_152 = arith.constant 0 : i32
        %dma_wait3A_153 = tpu.memref_slice %arg11[%add3A_103, %dma_wait3A_152] : memref<158x128xi32, #tpu.memory_space<vmem>> -> memref<1x128xi32, #tpu.memory_space<vmem>>
        %dma_wait3A_154 = tpu.memref_squeeze %dma_wait3A_153 : memref<1x128xi32, #tpu.memory_space<vmem>> -> memref<128xi32, #tpu.memory_space<vmem>>
        %dma_wait3A_155 = arith.constant 0 : i32
        %dma_wait3A_156 = arith.constant 0 : i32
        %dma_wait3A_157 = tpu.memref_slice %arg15[%dma_wait3A_155, %dma_wait3A_156] : memref<10240x64xf32, #tpu.memory_space<vmem_shared>> -> memref<10240x64xf32, #tpu.memory_space<vmem_shared>>
        tpu.wait_indirect_dma semaphore(%run_scoped3A : memref<!tpu.dma_semaphore, #tpu.memory_space<semaphore_mem>>) src(%arg13 : memref<128x64xf32, #tpu.memory_space<vmem>>) dst(%dma_wait3A_157 : memref<10240x64xf32, #tpu.memory_space<vmem_shared>>)
        tpu.yield
      }) : () -> ()
      %add3A_117 = arith.constant 2 : i32
      %add3A_118 = arith.addi %add3A_103, %add3A_117 : i32
      %lt3A = arith.constant 158 : i32
      %lt3A_119 = arith.cmpi slt, %add3A_118, %lt3A : i32
      %convert_element_type3A = arith.extui %lt3A_119 : i1 to i32
      %cond3A = arith.constant 0 : i32
      %cond3A_120 = arith.cmpi ne, %convert_element_type3A, %cond3A : i32
      scf.if %cond3A_120 {
        %add3A_146 = arith.constant 2 : i32
        %add3A_147 = arith.addi %add3A_103, %add3A_146 : i32
        %dma_start3A_148 = arith.constant 0 : i32
        %dma_start3A_149 = tpu.memref_slice %arg10[%add3A_147, %dma_start3A_148] : memref<158x128xi32, #tpu.memory_space<vmem>> -> memref<1x128xi32, #tpu.memory_space<vmem>>
        %dma_start3A_150 = tpu.memref_squeeze %dma_start3A_149 : memref<1x128xi32, #tpu.memory_space<vmem>> -> memref<128xi32, #tpu.memory_space<vmem>>
        %dma_start3A_151 = arith.constant 0 : i32
        %dma_start3A_152 = arith.constant 0 : i32
        %dma_start3A_153 = tpu.memref_slice %arg2[%dma_start3A_151, %dma_start3A_152] : memref<20480x64xf32, #tpu.memory_space<hbm>> -> memref<20480x64xf32, #tpu.memory_space<hbm>>
        tpu.enqueue_indirect_dma source(%dma_start3A_153 : memref<20480x64xf32, #tpu.memory_space<hbm>>) target(%arg13 : memref<128x64xf32, #tpu.memory_space<vmem>>) offsets(%dma_start3A_150 : memref<128xi32, #tpu.memory_space<vmem>>) semaphore(%arg16 : memref<!tpu.dma_semaphore, #tpu.memory_space<semaphore_mem>>)
      } else {
      }
      %mul3A_121 = arith.constant 2 : i32
      %mul3A_122 = arith.muli %mul3A_121, %add3A_99 : i32
      %add3A_123 = arith.constant 1 : i32
      %add3A_124 = arith.addi %mul3A_122, %add3A_123 : i32
      %dma_wait3A_125 = arith.constant 0 : i32
      %dma_wait3A_126 = tpu.memref_slice %arg10[%add3A_124, %dma_wait3A_125] : memref<158x128xi32, #tpu.memory_space<vmem>> -> memref<1x128xi32, #tpu.memory_space<vmem>>
      %dma_wait3A_127 = tpu.memref_squeeze %dma_wait3A_126 : memref<1x128xi32, #tpu.memory_space<vmem>> -> memref<128xi32, #tpu.memory_space<vmem>>
      %dma_wait3A_128 = arith.constant 0 : i32
      %dma_wait3A_129 = arith.constant 0 : i32
      %dma_wait3A_130 = tpu.memref_slice %arg2[%dma_wait3A_128, %dma_wait3A_129] : memref<20480x64xf32, #tpu.memory_space<hbm>> -> memref<20480x64xf32, #tpu.memory_space<hbm>>
      tpu.wait_indirect_dma semaphore(%arg17 : memref<!tpu.dma_semaphore, #tpu.memory_space<semaphore_mem>>) src(%dma_wait3A_130 : memref<20480x64xf32, #tpu.memory_space<hbm>>) dst(%arg14 : memref<128x64xf32, #tpu.memory_space<vmem>>)
      %mul3A_131 = arith.constant 128 : i32
      %mul3A_132 = arith.muli %add3A_124, %mul3A_131 : i32
      %broadcast_in_dim3A_133 = vector.broadcast %mul3A_132 : i32 to vector<16xi32>
      %scan3A_134 = arith.constant 0 : i32
      %scan3A_135 = arith.constant 8 : i32
      %scan3A_136 = arith.addi %scan3A_134, %scan3A_135 : i32
      %scan3A_137 = arith.constant 1 : i32
      scf.for %scan3A_146 = %scan3A_134 to %scan3A_136 step %scan3A_137  : i32 {
        %mul3A_147 = arith.constant 1 : i32
        %mul3A_148 = arith.muli %scan3A_146, %mul3A_147 : i32
        %add3A_149 = arith.constant 0 : i32
        %add3A_150 = arith.addi %add3A_149, %mul3A_148 : i32
        %mul3A_151 = arith.constant 16 : i32
        %mul3A_152 = arith.muli %add3A_150, %mul3A_151 : i32
        %add3A_153 = arith.constant 0 : i32
        %add3A_154 = arith.addi %mul3A_152, %add3A_153 : i32
        %add3A_155 = vector.broadcast %add3A_154 : i32 to vector<16xi32>
        %add3A_156 = arith.addi %broadcast_in_dim3A_133, %add3A_155 : vector<16xi32>
        %gather3A = tpu.vector_load_idx %arg12[%add3A_156] : memref<20224xf32, #tpu.memory_space<vmem>>[vector<16xi32>], vector<16xf32>,
        %add3A_157 = arith.constant 1 : i32
        %add3A_158 = arith.addi %mul3A_152, %add3A_157 : i32
        %add3A_159 = vector.broadcast %add3A_158 : i32 to vector<16xi32>
        %add3A_160 = arith.addi %broadcast_in_dim3A_133, %add3A_159 : vector<16xi32>
        %gather3A_161 = tpu.vector_load_idx %arg12[%add3A_160] : memref<20224xf32, #tpu.memory_space<vmem>>[vector<16xi32>], vector<16xf32>,
        %add3A_162 = arith.constant 2 : i32
        %add3A_163 = arith.addi %mul3A_152, %add3A_162 : i32
        %add3A_164 = vector.broadcast %add3A_163 : i32 to vector<16xi32>
        %add3A_165 = arith.addi %broadcast_in_dim3A_133, %add3A_164 : vector<16xi32>
        %gather3A_166 = tpu.vector_load_idx %arg12[%add3A_165] : memref<20224xf32, #tpu.memory_space<vmem>>[vector<16xi32>], vector<16xf32>,
        %add3A_167 = arith.constant 3 : i32
        %add3A_168 = arith.addi %mul3A_152, %add3A_167 : i32
        %add3A_169 = vector.broadcast %add3A_168 : i32 to vector<16xi32>
        %add3A_170 = arith.addi %broadcast_in_dim3A_133, %add3A_169 : vector<16xi32>
        %gather3A_171 = tpu.vector_load_idx %arg12[%add3A_170] : memref<20224xf32, #tpu.memory_space<vmem>>[vector<16xi32>], vector<16xf32>,
        %add3A_172 = arith.constant 4 : i32
        %add3A_173 = arith.addi %mul3A_152, %add3A_172 : i32
        %add3A_174 = vector.broadcast %add3A_173 : i32 to vector<16xi32>
        %add3A_175 = arith.addi %broadcast_in_dim3A_133, %add3A_174 : vector<16xi32>
        %gather3A_176 = tpu.vector_load_idx %arg12[%add3A_175] : memref<20224xf32, #tpu.memory_space<vmem>>[vector<16xi32>], vector<16xf32>,
        %add3A_177 = arith.constant 5 : i32
        %add3A_178 = arith.addi %mul3A_152, %add3A_177 : i32
        %add3A_179 = vector.broadcast %add3A_178 : i32 to vector<16xi32>
        %add3A_180 = arith.addi %broadcast_in_dim3A_133, %add3A_179 : vector<16xi32>
        %gather3A_181 = tpu.vector_load_idx %arg12[%add3A_180] : memref<20224xf32, #tpu.memory_space<vmem>>[vector<16xi32>], vector<16xf32>,
        %add3A_182 = arith.constant 6 : i32
        %add3A_183 = arith.addi %mul3A_152, %add3A_182 : i32
        %add3A_184 = vector.broadcast %add3A_183 : i32 to vector<16xi32>
        %add3A_185 = arith.addi %broadcast_in_dim3A_133, %add3A_184 : vector<16xi32>
        %gather3A_186 = tpu.vector_load_idx %arg12[%add3A_185] : memref<20224xf32, #tpu.memory_space<vmem>>[vector<16xi32>], vector<16xf32>,
        %add3A_187 = arith.constant 7 : i32
        %add3A_188 = arith.addi %mul3A_152, %add3A_187 : i32
        %add3A_189 = vector.broadcast %add3A_188 : i32 to vector<16xi32>
        %add3A_190 = arith.addi %broadcast_in_dim3A_133, %add3A_189 : vector<16xi32>
        %gather3A_191 = tpu.vector_load_idx %arg12[%add3A_190] : memref<20224xf32, #tpu.memory_space<vmem>>[vector<16xi32>], vector<16xf32>,
        %add3A_192 = arith.constant 8 : i32
        %add3A_193 = arith.addi %mul3A_152, %add3A_192 : i32
        %add3A_194 = vector.broadcast %add3A_193 : i32 to vector<16xi32>
        %add3A_195 = arith.addi %broadcast_in_dim3A_133, %add3A_194 : vector<16xi32>
        %gather3A_196 = tpu.vector_load_idx %arg12[%add3A_195] : memref<20224xf32, #tpu.memory_space<vmem>>[vector<16xi32>], vector<16xf32>,
        %add3A_197 = arith.constant 9 : i32
        %add3A_198 = arith.addi %mul3A_152, %add3A_197 : i32
        %add3A_199 = vector.broadcast %add3A_198 : i32 to vector<16xi32>
        %add3A_200 = arith.addi %broadcast_in_dim3A_133, %add3A_199 : vector<16xi32>
        %gather3A_201 = tpu.vector_load_idx %arg12[%add3A_200] : memref<20224xf32, #tpu.memory_space<vmem>>[vector<16xi32>], vector<16xf32>,
        %add3A_202 = arith.constant 10 : i32
        %add3A_203 = arith.addi %mul3A_152, %add3A_202 : i32
        %add3A_204 = vector.broadcast %add3A_203 : i32 to vector<16xi32>
        %add3A_205 = arith.addi %broadcast_in_dim3A_133, %add3A_204 : vector<16xi32>
        %gather3A_206 = tpu.vector_load_idx %arg12[%add3A_205] : memref<20224xf32, #tpu.memory_space<vmem>>[vector<16xi32>], vector<16xf32>,
        %add3A_207 = arith.constant 11 : i32
        %add3A_208 = arith.addi %mul3A_152, %add3A_207 : i32
        %add3A_209 = vector.broadcast %add3A_208 : i32 to vector<16xi32>
        %add3A_210 = arith.addi %broadcast_in_dim3A_133, %add3A_209 : vector<16xi32>
        %gather3A_211 = tpu.vector_load_idx %arg12[%add3A_210] : memref<20224xf32, #tpu.memory_space<vmem>>[vector<16xi32>], vector<16xf32>,
        %add3A_212 = arith.constant 12 : i32
        %add3A_213 = arith.addi %mul3A_152, %add3A_212 : i32
        %add3A_214 = vector.broadcast %add3A_213 : i32 to vector<16xi32>
        %add3A_215 = arith.addi %broadcast_in_dim3A_133, %add3A_214 : vector<16xi32>
        %gather3A_216 = tpu.vector_load_idx %arg12[%add3A_215] : memref<20224xf32, #tpu.memory_space<vmem>>[vector<16xi32>], vector<16xf32>,
        %add3A_217 = arith.constant 13 : i32
        %add3A_218 = arith.addi %mul3A_152, %add3A_217 : i32
        %add3A_219 = vector.broadcast %add3A_218 : i32 to vector<16xi32>
        %add3A_220 = arith.addi %broadcast_in_dim3A_133, %add3A_219 : vector<16xi32>
        %gather3A_221 = tpu.vector_load_idx %arg12[%add3A_220] : memref<20224xf32, #tpu.memory_space<vmem>>[vector<16xi32>], vector<16xf32>,
        %add3A_222 = arith.constant 14 : i32
        %add3A_223 = arith.addi %mul3A_152, %add3A_222 : i32
        %add3A_224 = vector.broadcast %add3A_223 : i32 to vector<16xi32>
        %add3A_225 = arith.addi %broadcast_in_dim3A_133, %add3A_224 : vector<16xi32>
        %gather3A_226 = tpu.vector_load_idx %arg12[%add3A_225] : memref<20224xf32, #tpu.memory_space<vmem>>[vector<16xi32>], vector<16xf32>,
        %add3A_227 = arith.constant 15 : i32
        %add3A_228 = arith.addi %mul3A_152, %add3A_227 : i32
        %add3A_229 = vector.broadcast %add3A_228 : i32 to vector<16xi32>
        %add3A_230 = arith.addi %broadcast_in_dim3A_133, %add3A_229 : vector<16xi32>
        %gather3A_231 = tpu.vector_load_idx %arg12[%add3A_230] : memref<20224xf32, #tpu.memory_space<vmem>>[vector<16xi32>], vector<16xf32>,
        %add3A_232 = arith.constant 0 : i32
        %add3A_233 = arith.addi %mul3A_152, %add3A_232 : i32
        %get3A = arith.index_cast %add3A_233 : i32 to index
        %get3A_234 = arith.constant 0 : index
        %get3A_235 = tpu.vector_load %arg14[%get3A, %get3A_234] {strides = array<i32>} : memref<128x64xf32, #tpu.memory_space<vmem>>, vector<16xf32>,
        %mul3A_236 = arith.mulf %get3A_235, %gather3A : vector<16xf32>
        %swap3A = arith.index_cast %add3A_233 : i32 to index
        %swap3A_237 = arith.constant 0 : index
        %swap3A_238 = tpu.vector_load %arg14[%swap3A, %swap3A_237] {strides = array<i32>} : memref<128x64xf32, #tpu.memory_space<vmem>>, vector<16xf32>,
        tpu.vector_store %arg14[%swap3A, %swap3A_237], %mul3A_236 {strides = array<i32>} : memref<128x64xf32, #tpu.memory_space<vmem>>, vector<16xf32>,
        %get3A_239 = arith.index_cast %add3A_233 : i32 to index
        %get3A_240 = arith.constant 16 : index
        %get3A_241 = tpu.vector_load %arg14[%get3A_239, %get3A_240] {strides = array<i32>} : memref<128x64xf32, #tpu.memory_space<vmem>>, vector<16xf32>,
        %mul3A_242 = arith.mulf %get3A_241, %gather3A : vector<16xf32>
        %swap3A_243 = arith.index_cast %add3A_233 : i32 to index
        %swap3A_244 = arith.constant 16 : index
        %swap3A_245 = tpu.vector_load %arg14[%swap3A_243, %swap3A_244] {strides = array<i32>} : memref<128x64xf32, #tpu.memory_space<vmem>>, vector<16xf32>,
        tpu.vector_store %arg14[%swap3A_243, %swap3A_244], %mul3A_242 {strides = array<i32>} : memref<128x64xf32, #tpu.memory_space<vmem>>, vector<16xf32>,
        %get3A_246 = arith.index_cast %add3A_233 : i32 to index
        %get3A_247 = arith.constant 32 : index
        %get3A_248 = tpu.vector_load %arg14[%get3A_246, %get3A_247] {strides = array<i32>} : memref<128x64xf32, #tpu.memory_space<vmem>>, vector<16xf32>,
        %mul3A_249 = arith.mulf %get3A_248, %gather3A : vector<16xf32>
        %swap3A_250 = arith.index_cast %add3A_233 : i32 to index
        %swap3A_251 = arith.constant 32 : index
        %swap3A_252 = tpu.vector_load %arg14[%swap3A_250, %swap3A_251] {strides = array<i32>} : memref<128x64xf32, #tpu.memory_space<vmem>>, vector<16xf32>,
        tpu.vector_store %arg14[%swap3A_250, %swap3A_251], %mul3A_249 {strides = array<i32>} : memref<128x64xf32, #tpu.memory_space<vmem>>, vector<16xf32>,
        %get3A_253 = arith.index_cast %add3A_233 : i32 to index
        %get3A_254 = arith.constant 48 : index
        %get3A_255 = tpu.vector_load %arg14[%get3A_253, %get3A_254] {strides = array<i32>} : memref<128x64xf32, #tpu.memory_space<vmem>>, vector<16xf32>,
        %mul3A_256 = arith.mulf %get3A_255, %gather3A : vector<16xf32>
        %swap3A_257 = arith.index_cast %add3A_233 : i32 to index
        %swap3A_258 = arith.constant 48 : index
        %swap3A_259 = tpu.vector_load %arg14[%swap3A_257, %swap3A_258] {strides = array<i32>} : memref<128x64xf32, #tpu.memory_space<vmem>>, vector<16xf32>,
        tpu.vector_store %arg14[%swap3A_257, %swap3A_258], %mul3A_256 {strides = array<i32>} : memref<128x64xf32, #tpu.memory_space<vmem>>, vector<16xf32>,
        %add3A_260 = arith.constant 1 : i32
        %add3A_261 = arith.addi %mul3A_152, %add3A_260 : i32
        %get3A_262 = arith.index_cast %add3A_261 : i32 to index
        %get3A_263 = arith.constant 0 : index
        %get3A_264 = tpu.vector_load %arg14[%get3A_262, %get3A_263] {strides = array<i32>} : memref<128x64xf32, #tpu.memory_space<vmem>>, vector<16xf32>,
        %mul3A_265 = arith.mulf %get3A_264, %gather3A_161 : vector<16xf32>
        %swap3A_266 = arith.index_cast %add3A_261 : i32 to index
        %swap3A_267 = arith.constant 0 : index
        %swap3A_268 = tpu.vector_load %arg14[%swap3A_266, %swap3A_267] {strides = array<i32>} : memref<128x64xf32, #tpu.memory_space<vmem>>, vector<16xf32>,
        tpu.vector_store %arg14[%swap3A_266, %swap3A_267], %mul3A_265 {strides = array<i32>} : memref<128x64xf32, #tpu.memory_space<vmem>>, vector<16xf32>,
        %get3A_269 = arith.index_cast %add3A_261 : i32 to index
        %get3A_270 = arith.constant 16 : index
        %get3A_271 = tpu.vector_load %arg14[%get3A_269, %get3A_270] {strides = array<i32>} : memref<128x64xf32, #tpu.memory_space<vmem>>, vector<16xf32>,
        %mul3A_272 = arith.mulf %get3A_271, %gather3A_161 : vector<16xf32>
        %swap3A_273 = arith.index_cast %add3A_261 : i32 to index
        %swap3A_274 = arith.constant 16 : index
        %swap3A_275 = tpu.vector_load %arg14[%swap3A_273, %swap3A_274] {strides = array<i32>} : memref<128x64xf32, #tpu.memory_space<vmem>>, vector<16xf32>,
        tpu.vector_store %arg14[%swap3A_273, %swap3A_274], %mul3A_272 {strides = array<i32>} : memref<128x64xf32, #tpu.memory_space<vmem>>, vector<16xf32>,
        %get3A_276 = arith.index_cast %add3A_261 : i32 to index
        %get3A_277 = arith.constant 32 : index
        %get3A_278 = tpu.vector_load %arg14[%get3A_276, %get3A_277] {strides = array<i32>} : memref<128x64xf32, #tpu.memory_space<vmem>>, vector<16xf32>,
        %mul3A_279 = arith.mulf %get3A_278, %gather3A_161 : vector<16xf32>
        %swap3A_280 = arith.index_cast %add3A_261 : i32 to index
        %swap3A_281 = arith.constant 32 : index
        %swap3A_282 = tpu.vector_load %arg14[%swap3A_280, %swap3A_281] {strides = array<i32>} : memref<128x64xf32, #tpu.memory_space<vmem>>, vector<16xf32>,
        tpu.vector_store %arg14[%swap3A_280, %swap3A_281], %mul3A_279 {strides = array<i32>} : memref<128x64xf32, #tpu.memory_space<vmem>>, vector<16xf32>,
        %get3A_283 = arith.index_cast %add3A_261 : i32 to index
        %get3A_284 = arith.constant 48 : index
        %get3A_285 = tpu.vector_load %arg14[%get3A_283, %get3A_284] {strides = array<i32>} : memref<128x64xf32, #tpu.memory_space<vmem>>, vector<16xf32>,
        %mul3A_286 = arith.mulf %get3A_285, %gather3A_161 : vector<16xf32>
        %swap3A_287 = arith.index_cast %add3A_261 : i32 to index
        %swap3A_288 = arith.constant 48 : index
        %swap3A_289 = tpu.vector_load %arg14[%swap3A_287, %swap3A_288] {strides = array<i32>} : memref<128x64xf32, #tpu.memory_space<vmem>>, vector<16xf32>,
        tpu.vector_store %arg14[%swap3A_287, %swap3A_288], %mul3A_286 {strides = array<i32>} : memref<128x64xf32, #tpu.memory_space<vmem>>, vector<16xf32>,
        %add3A_290 = arith.constant 2 : i32
        %add3A_291 = arith.addi %mul3A_152, %add3A_290 : i32
        %get3A_292 = arith.index_cast %add3A_291 : i32 to index
        %get3A_293 = arith.constant 0 : index
        %get3A_294 = tpu.vector_load %arg14[%get3A_292, %get3A_293] {strides = array<i32>} : memref<128x64xf32, #tpu.memory_space<vmem>>, vector<16xf32>,
        %mul3A_295 = arith.mulf %get3A_294, %gather3A_166 : vector<16xf32>
        %swap3A_296 = arith.index_cast %add3A_291 : i32 to index
        %swap3A_297 = arith.constant 0 : index
        %swap3A_298 = tpu.vector_load %arg14[%swap3A_296, %swap3A_297] {strides = array<i32>} : memref<128x64xf32, #tpu.memory_space<vmem>>, vector<16xf32>,
        tpu.vector_store %arg14[%swap3A_296, %swap3A_297], %mul3A_295 {strides = array<i32>} : memref<128x64xf32, #tpu.memory_space<vmem>>, vector<16xf32>,
        %get3A_299 = arith.index_cast %add3A_291 : i32 to index
        %get3A_300 = arith.constant 16 : index
        %get3A_301 = tpu.vector_load %arg14[%get3A_299, %get3A_300] {strides = array<i32>} : memref<128x64xf32, #tpu.memory_space<vmem>>, vector<16xf32>,
        %mul3A_302 = arith.mulf %get3A_301, %gather3A_166 : vector<16xf32>
        %swap3A_303 = arith.index_cast %add3A_291 : i32 to index
        %swap3A_304 = arith.constant 16 : index
        %swap3A_305 = tpu.vector_load %arg14[%swap3A_303, %swap3A_304] {strides = array<i32>} : memref<128x64xf32, #tpu.memory_space<vmem>>, vector<16xf32>,
        tpu.vector_store %arg14[%swap3A_303, %swap3A_304], %mul3A_302 {strides = array<i32>} : memref<128x64xf32, #tpu.memory_space<vmem>>, vector<16xf32>,
        %get3A_306 = arith.index_cast %add3A_291 : i32 to index
        %get3A_307 = arith.constant 32 : index
        %get3A_308 = tpu.vector_load %arg14[%get3A_306, %get3A_307] {strides = array<i32>} : memref<128x64xf32, #tpu.memory_space<vmem>>, vector<16xf32>,
        %mul3A_309 = arith.mulf %get3A_308, %gather3A_166 : vector<16xf32>
        %swap3A_310 = arith.index_cast %add3A_291 : i32 to index
        %swap3A_311 = arith.constant 32 : index
        %swap3A_312 = tpu.vector_load %arg14[%swap3A_310, %swap3A_311] {strides = array<i32>} : memref<128x64xf32, #tpu.memory_space<vmem>>, vector<16xf32>,
        tpu.vector_store %arg14[%swap3A_310, %swap3A_311], %mul3A_309 {strides = array<i32>} : memref<128x64xf32, #tpu.memory_space<vmem>>, vector<16xf32>,
        %get3A_313 = arith.index_cast %add3A_291 : i32 to index
        %get3A_314 = arith.constant 48 : index
        %get3A_315 = tpu.vector_load %arg14[%get3A_313, %get3A_314] {strides = array<i32>} : memref<128x64xf32, #tpu.memory_space<vmem>>, vector<16xf32>,
        %mul3A_316 = arith.mulf %get3A_315, %gather3A_166 : vector<16xf32>
        %swap3A_317 = arith.index_cast %add3A_291 : i32 to index
        %swap3A_318 = arith.constant 48 : index
        %swap3A_319 = tpu.vector_load %arg14[%swap3A_317, %swap3A_318] {strides = array<i32>} : memref<128x64xf32, #tpu.memory_space<vmem>>, vector<16xf32>,
        tpu.vector_store %arg14[%swap3A_317, %swap3A_318], %mul3A_316 {strides = array<i32>} : memref<128x64xf32, #tpu.memory_space<vmem>>, vector<16xf32>,
        %add3A_320 = arith.constant 3 : i32
        %add3A_321 = arith.addi %mul3A_152, %add3A_320 : i32
        %get3A_322 = arith.index_cast %add3A_321 : i32 to index
        %get3A_323 = arith.constant 0 : index
        %get3A_324 = tpu.vector_load %arg14[%get3A_322, %get3A_323] {strides = array<i32>} : memref<128x64xf32, #tpu.memory_space<vmem>>, vector<16xf32>,
        %mul3A_325 = arith.mulf %get3A_324, %gather3A_171 : vector<16xf32>
        %swap3A_326 = arith.index_cast %add3A_321 : i32 to index
        %swap3A_327 = arith.constant 0 : index
        %swap3A_328 = tpu.vector_load %arg14[%swap3A_326, %swap3A_327] {strides = array<i32>} : memref<128x64xf32, #tpu.memory_space<vmem>>, vector<16xf32>,
        tpu.vector_store %arg14[%swap3A_326, %swap3A_327], %mul3A_325 {strides = array<i32>} : memref<128x64xf32, #tpu.memory_space<vmem>>, vector<16xf32>,
        %get3A_329 = arith.index_cast %add3A_321 : i32 to index
        %get3A_330 = arith.constant 16 : index
        %get3A_331 = tpu.vector_load %arg14[%get3A_329, %get3A_330] {strides = array<i32>} : memref<128x64xf32, #tpu.memory_space<vmem>>, vector<16xf32>,
        %mul3A_332 = arith.mulf %get3A_331, %gather3A_171 : vector<16xf32>
        %swap3A_333 = arith.index_cast %add3A_321 : i32 to index
        %swap3A_334 = arith.constant 16 : index
        %swap3A_335 = tpu.vector_load %arg14[%swap3A_333, %swap3A_334] {strides = array<i32>} : memref<128x64xf32, #tpu.memory_space<vmem>>, vector<16xf32>,
        tpu.vector_store %arg14[%swap3A_333, %swap3A_334], %mul3A_332 {strides = array<i32>} : memref<128x64xf32, #tpu.memory_space<vmem>>, vector<16xf32>,
        %get3A_336 = arith.index_cast %add3A_321 : i32 to index
        %get3A_337 = arith.constant 32 : index
        %get3A_338 = tpu.vector_load %arg14[%get3A_336, %get3A_337] {strides = array<i32>} : memref<128x64xf32, #tpu.memory_space<vmem>>, vector<16xf32>,
        %mul3A_339 = arith.mulf %get3A_338, %gather3A_171 : vector<16xf32>
        %swap3A_340 = arith.index_cast %add3A_321 : i32 to index
        %swap3A_341 = arith.constant 32 : index
        %swap3A_342 = tpu.vector_load %arg14[%swap3A_340, %swap3A_341] {strides = array<i32>} : memref<128x64xf32, #tpu.memory_space<vmem>>, vector<16xf32>,
        tpu.vector_store %arg14[%swap3A_340, %swap3A_341], %mul3A_339 {strides = array<i32>} : memref<128x64xf32, #tpu.memory_space<vmem>>, vector<16xf32>,
        %get3A_343 = arith.index_cast %add3A_321 : i32 to index
        %get3A_344 = arith.constant 48 : index
        %get3A_345 = tpu.vector_load %arg14[%get3A_343, %get3A_344] {strides = array<i32>} : memref<128x64xf32, #tpu.memory_space<vmem>>, vector<16xf32>,
        %mul3A_346 = arith.mulf %get3A_345, %gather3A_171 : vector<16xf32>
        %swap3A_347 = arith.index_cast %add3A_321 : i32 to index
        %swap3A_348 = arith.constant 48 : index
        %swap3A_349 = tpu.vector_load %arg14[%swap3A_347, %swap3A_348] {strides = array<i32>} : memref<128x64xf32, #tpu.memory_space<vmem>>, vector<16xf32>,
        tpu.vector_store %arg14[%swap3A_347, %swap3A_348], %mul3A_346 {strides = array<i32>} : memref<128x64xf32, #tpu.memory_space<vmem>>, vector<16xf32>,
        %add3A_350 = arith.constant 4 : i32
        %add3A_351 = arith.addi %mul3A_152, %add3A_350 : i32
        %get3A_352 = arith.index_cast %add3A_351 : i32 to index
        %get3A_353 = arith.constant 0 : index
        %get3A_354 = tpu.vector_load %arg14[%get3A_352, %get3A_353] {strides = array<i32>} : memref<128x64xf32, #tpu.memory_space<vmem>>, vector<16xf32>,
        %mul3A_355 = arith.mulf %get3A_354, %gather3A_176 : vector<16xf32>
        %swap3A_356 = arith.index_cast %add3A_351 : i32 to index
        %swap3A_357 = arith.constant 0 : index
        %swap3A_358 = tpu.vector_load %arg14[%swap3A_356, %swap3A_357] {strides = array<i32>} : memref<128x64xf32, #tpu.memory_space<vmem>>, vector<16xf32>,
        tpu.vector_store %arg14[%swap3A_356, %swap3A_357], %mul3A_355 {strides = array<i32>} : memref<128x64xf32, #tpu.memory_space<vmem>>, vector<16xf32>,
        %get3A_359 = arith.index_cast %add3A_351 : i32 to index
        %get3A_360 = arith.constant 16 : index
        %get3A_361 = tpu.vector_load %arg14[%get3A_359, %get3A_360] {strides = array<i32>} : memref<128x64xf32, #tpu.memory_space<vmem>>, vector<16xf32>,
        %mul3A_362 = arith.mulf %get3A_361, %gather3A_176 : vector<16xf32>
        %swap3A_363 = arith.index_cast %add3A_351 : i32 to index
        %swap3A_364 = arith.constant 16 : index
        %swap3A_365 = tpu.vector_load %arg14[%swap3A_363, %swap3A_364] {strides = array<i32>} : memref<128x64xf32, #tpu.memory_space<vmem>>, vector<16xf32>,
        tpu.vector_store %arg14[%swap3A_363, %swap3A_364], %mul3A_362 {strides = array<i32>} : memref<128x64xf32, #tpu.memory_space<vmem>>, vector<16xf32>,
        %get3A_366 = arith.index_cast %add3A_351 : i32 to index
        %get3A_367 = arith.constant 32 : index
        %get3A_368 = tpu.vector_load %arg14[%get3A_366, %get3A_367] {strides = array<i32>} : memref<128x64xf32, #tpu.memory_space<vmem>>, vector<16xf32>,
        %mul3A_369 = arith.mulf %get3A_368, %gather3A_176 : vector<16xf32>
        %swap3A_370 = arith.index_cast %add3A_351 : i32 to index
        %swap3A_371 = arith.constant 32 : index
        %swap3A_372 = tpu.vector_load %arg14[%swap3A_370, %swap3A_371] {strides = array<i32>} : memref<128x64xf32, #tpu.memory_space<vmem>>, vector<16xf32>,
        tpu.vector_store %arg14[%swap3A_370, %swap3A_371], %mul3A_369 {strides = array<i32>} : memref<128x64xf32, #tpu.memory_space<vmem>>, vector<16xf32>,
        %get3A_373 = arith.index_cast %add3A_351 : i32 to index
        %get3A_374 = arith.constant 48 : index
        %get3A_375 = tpu.vector_load %arg14[%get3A_373, %get3A_374] {strides = array<i32>} : memref<128x64xf32, #tpu.memory_space<vmem>>, vector<16xf32>,
        %mul3A_376 = arith.mulf %get3A_375, %gather3A_176 : vector<16xf32>
        %swap3A_377 = arith.index_cast %add3A_351 : i32 to index
        %swap3A_378 = arith.constant 48 : index
        %swap3A_379 = tpu.vector_load %arg14[%swap3A_377, %swap3A_378] {strides = array<i32>} : memref<128x64xf32, #tpu.memory_space<vmem>>, vector<16xf32>,
        tpu.vector_store %arg14[%swap3A_377, %swap3A_378], %mul3A_376 {strides = array<i32>} : memref<128x64xf32, #tpu.memory_space<vmem>>, vector<16xf32>,
        %add3A_380 = arith.constant 5 : i32
        %add3A_381 = arith.addi %mul3A_152, %add3A_380 : i32
        %get3A_382 = arith.index_cast %add3A_381 : i32 to index
        %get3A_383 = arith.constant 0 : index
        %get3A_384 = tpu.vector_load %arg14[%get3A_382, %get3A_383] {strides = array<i32>} : memref<128x64xf32, #tpu.memory_space<vmem>>, vector<16xf32>,
        %mul3A_385 = arith.mulf %get3A_384, %gather3A_181 : vector<16xf32>
        %swap3A_386 = arith.index_cast %add3A_381 : i32 to index
        %swap3A_387 = arith.constant 0 : index
        %swap3A_388 = tpu.vector_load %arg14[%swap3A_386, %swap3A_387] {strides = array<i32>} : memref<128x64xf32, #tpu.memory_space<vmem>>, vector<16xf32>,
        tpu.vector_store %arg14[%swap3A_386, %swap3A_387], %mul3A_385 {strides = array<i32>} : memref<128x64xf32, #tpu.memory_space<vmem>>, vector<16xf32>,
        %get3A_389 = arith.index_cast %add3A_381 : i32 to index
        %get3A_390 = arith.constant 16 : index
        %get3A_391 = tpu.vector_load %arg14[%get3A_389, %get3A_390] {strides = array<i32>} : memref<128x64xf32, #tpu.memory_space<vmem>>, vector<16xf32>,
        %mul3A_392 = arith.mulf %get3A_391, %gather3A_181 : vector<16xf32>
        %swap3A_393 = arith.index_cast %add3A_381 : i32 to index
        %swap3A_394 = arith.constant 16 : index
        %swap3A_395 = tpu.vector_load %arg14[%swap3A_393, %swap3A_394] {strides = array<i32>} : memref<128x64xf32, #tpu.memory_space<vmem>>, vector<16xf32>,
        tpu.vector_store %arg14[%swap3A_393, %swap3A_394], %mul3A_392 {strides = array<i32>} : memref<128x64xf32, #tpu.memory_space<vmem>>, vector<16xf32>,
        %get3A_396 = arith.index_cast %add3A_381 : i32 to index
        %get3A_397 = arith.constant 32 : index
        %get3A_398 = tpu.vector_load %arg14[%get3A_396, %get3A_397] {strides = array<i32>} : memref<128x64xf32, #tpu.memory_space<vmem>>, vector<16xf32>,
        %mul3A_399 = arith.mulf %get3A_398, %gather3A_181 : vector<16xf32>
        %swap3A_400 = arith.index_cast %add3A_381 : i32 to index
        %swap3A_401 = arith.constant 32 : index
        %swap3A_402 = tpu.vector_load %arg14[%swap3A_400, %swap3A_401] {strides = array<i32>} : memref<128x64xf32, #tpu.memory_space<vmem>>, vector<16xf32>,
        tpu.vector_store %arg14[%swap3A_400, %swap3A_401], %mul3A_399 {strides = array<i32>} : memref<128x64xf32, #tpu.memory_space<vmem>>, vector<16xf32>,
        %get3A_403 = arith.index_cast %add3A_381 : i32 to index
        %get3A_404 = arith.constant 48 : index
        %get3A_405 = tpu.vector_load %arg14[%get3A_403, %get3A_404] {strides = array<i32>} : memref<128x64xf32, #tpu.memory_space<vmem>>, vector<16xf32>,
        %mul3A_406 = arith.mulf %get3A_405, %gather3A_181 : vector<16xf32>
        %swap3A_407 = arith.index_cast %add3A_381 : i32 to index
        %swap3A_408 = arith.constant 48 : index
        %swap3A_409 = tpu.vector_load %arg14[%swap3A_407, %swap3A_408] {strides = array<i32>} : memref<128x64xf32, #tpu.memory_space<vmem>>, vector<16xf32>,
        tpu.vector_store %arg14[%swap3A_407, %swap3A_408], %mul3A_406 {strides = array<i32>} : memref<128x64xf32, #tpu.memory_space<vmem>>, vector<16xf32>,
        %add3A_410 = arith.constant 6 : i32
        %add3A_411 = arith.addi %mul3A_152, %add3A_410 : i32
        %get3A_412 = arith.index_cast %add3A_411 : i32 to index
        %get3A_413 = arith.constant 0 : index
        %get3A_414 = tpu.vector_load %arg14[%get3A_412, %get3A_413] {strides = array<i32>} : memref<128x64xf32, #tpu.memory_space<vmem>>, vector<16xf32>,
        %mul3A_415 = arith.mulf %get3A_414, %gather3A_186 : vector<16xf32>
        %swap3A_416 = arith.index_cast %add3A_411 : i32 to index
        %swap3A_417 = arith.constant 0 : index
        %swap3A_418 = tpu.vector_load %arg14[%swap3A_416, %swap3A_417] {strides = array<i32>} : memref<128x64xf32, #tpu.memory_space<vmem>>, vector<16xf32>,
        tpu.vector_store %arg14[%swap3A_416, %swap3A_417], %mul3A_415 {strides = array<i32>} : memref<128x64xf32, #tpu.memory_space<vmem>>, vector<16xf32>,
        %get3A_419 = arith.index_cast %add3A_411 : i32 to index
        %get3A_420 = arith.constant 16 : index
        %get3A_421 = tpu.vector_load %arg14[%get3A_419, %get3A_420] {strides = array<i32>} : memref<128x64xf32, #tpu.memory_space<vmem>>, vector<16xf32>,
        %mul3A_422 = arith.mulf %get3A_421, %gather3A_186 : vector<16xf32>
        %swap3A_423 = arith.index_cast %add3A_411 : i32 to index
        %swap3A_424 = arith.constant 16 : index
        %swap3A_425 = tpu.vector_load %arg14[%swap3A_423, %swap3A_424] {strides = array<i32>} : memref<128x64xf32, #tpu.memory_space<vmem>>, vector<16xf32>,
        tpu.vector_store %arg14[%swap3A_423, %swap3A_424], %mul3A_422 {strides = array<i32>} : memref<128x64xf32, #tpu.memory_space<vmem>>, vector<16xf32>,
        %get3A_426 = arith.index_cast %add3A_411 : i32 to index
        %get3A_427 = arith.constant 32 : index
        %get3A_428 = tpu.vector_load %arg14[%get3A_426, %get3A_427] {strides = array<i32>} : memref<128x64xf32, #tpu.memory_space<vmem>>, vector<16xf32>,
        %mul3A_429 = arith.mulf %get3A_428, %gather3A_186 : vector<16xf32>
        %swap3A_430 = arith.index_cast %add3A_411 : i32 to index
        %swap3A_431 = arith.constant 32 : index
        %swap3A_432 = tpu.vector_load %arg14[%swap3A_430, %swap3A_431] {strides = array<i32>} : memref<128x64xf32, #tpu.memory_space<vmem>>, vector<16xf32>,
        tpu.vector_store %arg14[%swap3A_430, %swap3A_431], %mul3A_429 {strides = array<i32>} : memref<128x64xf32, #tpu.memory_space<vmem>>, vector<16xf32>,
        %get3A_433 = arith.index_cast %add3A_411 : i32 to index
        %get3A_434 = arith.constant 48 : index
        %get3A_435 = tpu.vector_load %arg14[%get3A_433, %get3A_434] {strides = array<i32>} : memref<128x64xf32, #tpu.memory_space<vmem>>, vector<16xf32>,
        %mul3A_436 = arith.mulf %get3A_435, %gather3A_186 : vector<16xf32>
        %swap3A_437 = arith.index_cast %add3A_411 : i32 to index
        %swap3A_438 = arith.constant 48 : index
        %swap3A_439 = tpu.vector_load %arg14[%swap3A_437, %swap3A_438] {strides = array<i32>} : memref<128x64xf32, #tpu.memory_space<vmem>>, vector<16xf32>,
        tpu.vector_store %arg14[%swap3A_437, %swap3A_438], %mul3A_436 {strides = array<i32>} : memref<128x64xf32, #tpu.memory_space<vmem>>, vector<16xf32>,
        %add3A_440 = arith.constant 7 : i32
        %add3A_441 = arith.addi %mul3A_152, %add3A_440 : i32
        %get3A_442 = arith.index_cast %add3A_441 : i32 to index
        %get3A_443 = arith.constant 0 : index
        %get3A_444 = tpu.vector_load %arg14[%get3A_442, %get3A_443] {strides = array<i32>} : memref<128x64xf32, #tpu.memory_space<vmem>>, vector<16xf32>,
        %mul3A_445 = arith.mulf %get3A_444, %gather3A_191 : vector<16xf32>
        %swap3A_446 = arith.index_cast %add3A_441 : i32 to index
        %swap3A_447 = arith.constant 0 : index
        %swap3A_448 = tpu.vector_load %arg14[%swap3A_446, %swap3A_447] {strides = array<i32>} : memref<128x64xf32, #tpu.memory_space<vmem>>, vector<16xf32>,
        tpu.vector_store %arg14[%swap3A_446, %swap3A_447], %mul3A_445 {strides = array<i32>} : memref<128x64xf32, #tpu.memory_space<vmem>>, vector<16xf32>,
        %get3A_449 = arith.index_cast %add3A_441 : i32 to index
        %get3A_450 = arith.constant 16 : index
        %get3A_451 = tpu.vector_load %arg14[%get3A_449, %get3A_450] {strides = array<i32>} : memref<128x64xf32, #tpu.memory_space<vmem>>, vector<16xf32>,
        %mul3A_452 = arith.mulf %get3A_451, %gather3A_191 : vector<16xf32>
        %swap3A_453 = arith.index_cast %add3A_441 : i32 to index
        %swap3A_454 = arith.constant 16 : index
        %swap3A_455 = tpu.vector_load %arg14[%swap3A_453, %swap3A_454] {strides = array<i32>} : memref<128x64xf32, #tpu.memory_space<vmem>>, vector<16xf32>,
        tpu.vector_store %arg14[%swap3A_453, %swap3A_454], %mul3A_452 {strides = array<i32>} : memref<128x64xf32, #tpu.memory_space<vmem>>, vector<16xf32>,
        %get3A_456 = arith.index_cast %add3A_441 : i32 to index
        %get3A_457 = arith.constant 32 : index
        %get3A_458 = tpu.vector_load %arg14[%get3A_456, %get3A_457] {strides = array<i32>} : memref<128x64xf32, #tpu.memory_space<vmem>>, vector<16xf32>,
        %mul3A_459 = arith.mulf %get3A_458, %gather3A_191 : vector<16xf32>
        %swap3A_460 = arith.index_cast %add3A_441 : i32 to index
        %swap3A_461 = arith.constant 32 : index
        %swap3A_462 = tpu.vector_load %arg14[%swap3A_460, %swap3A_461] {strides = array<i32>} : memref<128x64xf32, #tpu.memory_space<vmem>>, vector<16xf32>,
        tpu.vector_store %arg14[%swap3A_460, %swap3A_461], %mul3A_459 {strides = array<i32>} : memref<128x64xf32, #tpu.memory_space<vmem>>, vector<16xf32>,
        %get3A_463 = arith.index_cast %add3A_441 : i32 to index
        %get3A_464 = arith.constant 48 : index
        %get3A_465 = tpu.vector_load %arg14[%get3A_463, %get3A_464] {strides = array<i32>} : memref<128x64xf32, #tpu.memory_space<vmem>>, vector<16xf32>,
        %mul3A_466 = arith.mulf %get3A_465, %gather3A_191 : vector<16xf32>
        %swap3A_467 = arith.index_cast %add3A_441 : i32 to index
        %swap3A_468 = arith.constant 48 : index
        %swap3A_469 = tpu.vector_load %arg14[%swap3A_467, %swap3A_468] {strides = array<i32>} : memref<128x64xf32, #tpu.memory_space<vmem>>, vector<16xf32>,
        tpu.vector_store %arg14[%swap3A_467, %swap3A_468], %mul3A_466 {strides = array<i32>} : memref<128x64xf32, #tpu.memory_space<vmem>>, vector<16xf32>,
        %add3A_470 = arith.constant 8 : i32
        %add3A_471 = arith.addi %mul3A_152, %add3A_470 : i32
        %get3A_472 = arith.index_cast %add3A_471 : i32 to index
        %get3A_473 = arith.constant 0 : index
        %get3A_474 = tpu.vector_load %arg14[%get3A_472, %get3A_473] {strides = array<i32>} : memref<128x64xf32, #tpu.memory_space<vmem>>, vector<16xf32>,
        %mul3A_475 = arith.mulf %get3A_474, %gather3A_196 : vector<16xf32>
        %swap3A_476 = arith.index_cast %add3A_471 : i32 to index
        %swap3A_477 = arith.constant 0 : index
        %swap3A_478 = tpu.vector_load %arg14[%swap3A_476, %swap3A_477] {strides = array<i32>} : memref<128x64xf32, #tpu.memory_space<vmem>>, vector<16xf32>,
        tpu.vector_store %arg14[%swap3A_476, %swap3A_477], %mul3A_475 {strides = array<i32>} : memref<128x64xf32, #tpu.memory_space<vmem>>, vector<16xf32>,
        %get3A_479 = arith.index_cast %add3A_471 : i32 to index
        %get3A_480 = arith.constant 16 : index
        %get3A_481 = tpu.vector_load %arg14[%get3A_479, %get3A_480] {strides = array<i32>} : memref<128x64xf32, #tpu.memory_space<vmem>>, vector<16xf32>,
        %mul3A_482 = arith.mulf %get3A_481, %gather3A_196 : vector<16xf32>
        %swap3A_483 = arith.index_cast %add3A_471 : i32 to index
        %swap3A_484 = arith.constant 16 : index
        %swap3A_485 = tpu.vector_load %arg14[%swap3A_483, %swap3A_484] {strides = array<i32>} : memref<128x64xf32, #tpu.memory_space<vmem>>, vector<16xf32>,
        tpu.vector_store %arg14[%swap3A_483, %swap3A_484], %mul3A_482 {strides = array<i32>} : memref<128x64xf32, #tpu.memory_space<vmem>>, vector<16xf32>,
        %get3A_486 = arith.index_cast %add3A_471 : i32 to index
        %get3A_487 = arith.constant 32 : index
        %get3A_488 = tpu.vector_load %arg14[%get3A_486, %get3A_487] {strides = array<i32>} : memref<128x64xf32, #tpu.memory_space<vmem>>, vector<16xf32>,
        %mul3A_489 = arith.mulf %get3A_488, %gather3A_196 : vector<16xf32>
        %swap3A_490 = arith.index_cast %add3A_471 : i32 to index
        %swap3A_491 = arith.constant 32 : index
        %swap3A_492 = tpu.vector_load %arg14[%swap3A_490, %swap3A_491] {strides = array<i32>} : memref<128x64xf32, #tpu.memory_space<vmem>>, vector<16xf32>,
        tpu.vector_store %arg14[%swap3A_490, %swap3A_491], %mul3A_489 {strides = array<i32>} : memref<128x64xf32, #tpu.memory_space<vmem>>, vector<16xf32>,
        %get3A_493 = arith.index_cast %add3A_471 : i32 to index
        %get3A_494 = arith.constant 48 : index
        %get3A_495 = tpu.vector_load %arg14[%get3A_493, %get3A_494] {strides = array<i32>} : memref<128x64xf32, #tpu.memory_space<vmem>>, vector<16xf32>,
        %mul3A_496 = arith.mulf %get3A_495, %gather3A_196 : vector<16xf32>
        %swap3A_497 = arith.index_cast %add3A_471 : i32 to index
        %swap3A_498 = arith.constant 48 : index
        %swap3A_499 = tpu.vector_load %arg14[%swap3A_497, %swap3A_498] {strides = array<i32>} : memref<128x64xf32, #tpu.memory_space<vmem>>, vector<16xf32>,
        tpu.vector_store %arg14[%swap3A_497, %swap3A_498], %mul3A_496 {strides = array<i32>} : memref<128x64xf32, #tpu.memory_space<vmem>>, vector<16xf32>,
        %add3A_500 = arith.constant 9 : i32
        %add3A_501 = arith.addi %mul3A_152, %add3A_500 : i32
        %get3A_502 = arith.index_cast %add3A_501 : i32 to index
        %get3A_503 = arith.constant 0 : index
        %get3A_504 = tpu.vector_load %arg14[%get3A_502, %get3A_503] {strides = array<i32>} : memref<128x64xf32, #tpu.memory_space<vmem>>, vector<16xf32>,
        %mul3A_505 = arith.mulf %get3A_504, %gather3A_201 : vector<16xf32>
        %swap3A_506 = arith.index_cast %add3A_501 : i32 to index
        %swap3A_507 = arith.constant 0 : index
        %swap3A_508 = tpu.vector_load %arg14[%swap3A_506, %swap3A_507] {strides = array<i32>} : memref<128x64xf32, #tpu.memory_space<vmem>>, vector<16xf32>,
        tpu.vector_store %arg14[%swap3A_506, %swap3A_507], %mul3A_505 {strides = array<i32>} : memref<128x64xf32, #tpu.memory_space<vmem>>, vector<16xf32>,
        %get3A_509 = arith.index_cast %add3A_501 : i32 to index
        %get3A_510 = arith.constant 16 : index
        %get3A_511 = tpu.vector_load %arg14[%get3A_509, %get3A_510] {strides = array<i32>} : memref<128x64xf32, #tpu.memory_space<vmem>>, vector<16xf32>,
        %mul3A_512 = arith.mulf %get3A_511, %gather3A_201 : vector<16xf32>
        %swap3A_513 = arith.index_cast %add3A_501 : i32 to index
        %swap3A_514 = arith.constant 16 : index
        %swap3A_515 = tpu.vector_load %arg14[%swap3A_513, %swap3A_514] {strides = array<i32>} : memref<128x64xf32, #tpu.memory_space<vmem>>, vector<16xf32>,
        tpu.vector_store %arg14[%swap3A_513, %swap3A_514], %mul3A_512 {strides = array<i32>} : memref<128x64xf32, #tpu.memory_space<vmem>>, vector<16xf32>,
        %get3A_516 = arith.index_cast %add3A_501 : i32 to index
        %get3A_517 = arith.constant 32 : index
        %get3A_518 = tpu.vector_load %arg14[%get3A_516, %get3A_517] {strides = array<i32>} : memref<128x64xf32, #tpu.memory_space<vmem>>, vector<16xf32>,
        %mul3A_519 = arith.mulf %get3A_518, %gather3A_201 : vector<16xf32>
        %swap3A_520 = arith.index_cast %add3A_501 : i32 to index
        %swap3A_521 = arith.constant 32 : index
        %swap3A_522 = tpu.vector_load %arg14[%swap3A_520, %swap3A_521] {strides = array<i32>} : memref<128x64xf32, #tpu.memory_space<vmem>>, vector<16xf32>,
        tpu.vector_store %arg14[%swap3A_520, %swap3A_521], %mul3A_519 {strides = array<i32>} : memref<128x64xf32, #tpu.memory_space<vmem>>, vector<16xf32>,
        %get3A_523 = arith.index_cast %add3A_501 : i32 to index
        %get3A_524 = arith.constant 48 : index
        %get3A_525 = tpu.vector_load %arg14[%get3A_523, %get3A_524] {strides = array<i32>} : memref<128x64xf32, #tpu.memory_space<vmem>>, vector<16xf32>,
        %mul3A_526 = arith.mulf %get3A_525, %gather3A_201 : vector<16xf32>
        %swap3A_527 = arith.index_cast %add3A_501 : i32 to index
        %swap3A_528 = arith.constant 48 : index
        %swap3A_529 = tpu.vector_load %arg14[%swap3A_527, %swap3A_528] {strides = array<i32>} : memref<128x64xf32, #tpu.memory_space<vmem>>, vector<16xf32>,
        tpu.vector_store %arg14[%swap3A_527, %swap3A_528], %mul3A_526 {strides = array<i32>} : memref<128x64xf32, #tpu.memory_space<vmem>>, vector<16xf32>,
        %add3A_530 = arith.constant 10 : i32
        %add3A_531 = arith.addi %mul3A_152, %add3A_530 : i32
        %get3A_532 = arith.index_cast %add3A_531 : i32 to index
        %get3A_533 = arith.constant 0 : index
        %get3A_534 = tpu.vector_load %arg14[%get3A_532, %get3A_533] {strides = array<i32>} : memref<128x64xf32, #tpu.memory_space<vmem>>, vector<16xf32>,
        %mul3A_535 = arith.mulf %get3A_534, %gather3A_206 : vector<16xf32>
        %swap3A_536 = arith.index_cast %add3A_531 : i32 to index
        %swap3A_537 = arith.constant 0 : index
        %swap3A_538 = tpu.vector_load %arg14[%swap3A_536, %swap3A_537] {strides = array<i32>} : memref<128x64xf32, #tpu.memory_space<vmem>>, vector<16xf32>,
        tpu.vector_store %arg14[%swap3A_536, %swap3A_537], %mul3A_535 {strides = array<i32>} : memref<128x64xf32, #tpu.memory_space<vmem>>, vector<16xf32>,
        %get3A_539 = arith.index_cast %add3A_531 : i32 to index
        %get3A_540 = arith.constant 16 : index
        %get3A_541 = tpu.vector_load %arg14[%get3A_539, %get3A_540] {strides = array<i32>} : memref<128x64xf32, #tpu.memory_space<vmem>>, vector<16xf32>,
        %mul3A_542 = arith.mulf %get3A_541, %gather3A_206 : vector<16xf32>
        %swap3A_543 = arith.index_cast %add3A_531 : i32 to index
        %swap3A_544 = arith.constant 16 : index
        %swap3A_545 = tpu.vector_load %arg14[%swap3A_543, %swap3A_544] {strides = array<i32>} : memref<128x64xf32, #tpu.memory_space<vmem>>, vector<16xf32>,
        tpu.vector_store %arg14[%swap3A_543, %swap3A_544], %mul3A_542 {strides = array<i32>} : memref<128x64xf32, #tpu.memory_space<vmem>>, vector<16xf32>,
        %get3A_546 = arith.index_cast %add3A_531 : i32 to index
        %get3A_547 = arith.constant 32 : index
        %get3A_548 = tpu.vector_load %arg14[%get3A_546, %get3A_547] {strides = array<i32>} : memref<128x64xf32, #tpu.memory_space<vmem>>, vector<16xf32>,
        %mul3A_549 = arith.mulf %get3A_548, %gather3A_206 : vector<16xf32>
        %swap3A_550 = arith.index_cast %add3A_531 : i32 to index
        %swap3A_551 = arith.constant 32 : index
        %swap3A_552 = tpu.vector_load %arg14[%swap3A_550, %swap3A_551] {strides = array<i32>} : memref<128x64xf32, #tpu.memory_space<vmem>>, vector<16xf32>,
        tpu.vector_store %arg14[%swap3A_550, %swap3A_551], %mul3A_549 {strides = array<i32>} : memref<128x64xf32, #tpu.memory_space<vmem>>, vector<16xf32>,
        %get3A_553 = arith.index_cast %add3A_531 : i32 to index
        %get3A_554 = arith.constant 48 : index
        %get3A_555 = tpu.vector_load %arg14[%get3A_553, %get3A_554] {strides = array<i32>} : memref<128x64xf32, #tpu.memory_space<vmem>>, vector<16xf32>,
        %mul3A_556 = arith.mulf %get3A_555, %gather3A_206 : vector<16xf32>
        %swap3A_557 = arith.index_cast %add3A_531 : i32 to index
        %swap3A_558 = arith.constant 48 : index
        %swap3A_559 = tpu.vector_load %arg14[%swap3A_557, %swap3A_558] {strides = array<i32>} : memref<128x64xf32, #tpu.memory_space<vmem>>, vector<16xf32>,
        tpu.vector_store %arg14[%swap3A_557, %swap3A_558], %mul3A_556 {strides = array<i32>} : memref<128x64xf32, #tpu.memory_space<vmem>>, vector<16xf32>,
        %add3A_560 = arith.constant 11 : i32
        %add3A_561 = arith.addi %mul3A_152, %add3A_560 : i32
        %get3A_562 = arith.index_cast %add3A_561 : i32 to index
        %get3A_563 = arith.constant 0 : index
        %get3A_564 = tpu.vector_load %arg14[%get3A_562, %get3A_563] {strides = array<i32>} : memref<128x64xf32, #tpu.memory_space<vmem>>, vector<16xf32>,
        %mul3A_565 = arith.mulf %get3A_564, %gather3A_211 : vector<16xf32>
        %swap3A_566 = arith.index_cast %add3A_561 : i32 to index
        %swap3A_567 = arith.constant 0 : index
        %swap3A_568 = tpu.vector_load %arg14[%swap3A_566, %swap3A_567] {strides = array<i32>} : memref<128x64xf32, #tpu.memory_space<vmem>>, vector<16xf32>,
        tpu.vector_store %arg14[%swap3A_566, %swap3A_567], %mul3A_565 {strides = array<i32>} : memref<128x64xf32, #tpu.memory_space<vmem>>, vector<16xf32>,
        %get3A_569 = arith.index_cast %add3A_561 : i32 to index
        %get3A_570 = arith.constant 16 : index
        %get3A_571 = tpu.vector_load %arg14[%get3A_569, %get3A_570] {strides = array<i32>} : memref<128x64xf32, #tpu.memory_space<vmem>>, vector<16xf32>,
        %mul3A_572 = arith.mulf %get3A_571, %gather3A_211 : vector<16xf32>
        %swap3A_573 = arith.index_cast %add3A_561 : i32 to index
        %swap3A_574 = arith.constant 16 : index
        %swap3A_575 = tpu.vector_load %arg14[%swap3A_573, %swap3A_574] {strides = array<i32>} : memref<128x64xf32, #tpu.memory_space<vmem>>, vector<16xf32>,
        tpu.vector_store %arg14[%swap3A_573, %swap3A_574], %mul3A_572 {strides = array<i32>} : memref<128x64xf32, #tpu.memory_space<vmem>>, vector<16xf32>,
        %get3A_576 = arith.index_cast %add3A_561 : i32 to index
        %get3A_577 = arith.constant 32 : index
        %get3A_578 = tpu.vector_load %arg14[%get3A_576, %get3A_577] {strides = array<i32>} : memref<128x64xf32, #tpu.memory_space<vmem>>, vector<16xf32>,
        %mul3A_579 = arith.mulf %get3A_578, %gather3A_211 : vector<16xf32>
        %swap3A_580 = arith.index_cast %add3A_561 : i32 to index
        %swap3A_581 = arith.constant 32 : index
        %swap3A_582 = tpu.vector_load %arg14[%swap3A_580, %swap3A_581] {strides = array<i32>} : memref<128x64xf32, #tpu.memory_space<vmem>>, vector<16xf32>,
        tpu.vector_store %arg14[%swap3A_580, %swap3A_581], %mul3A_579 {strides = array<i32>} : memref<128x64xf32, #tpu.memory_space<vmem>>, vector<16xf32>,
        %get3A_583 = arith.index_cast %add3A_561 : i32 to index
        %get3A_584 = arith.constant 48 : index
        %get3A_585 = tpu.vector_load %arg14[%get3A_583, %get3A_584] {strides = array<i32>} : memref<128x64xf32, #tpu.memory_space<vmem>>, vector<16xf32>,
        %mul3A_586 = arith.mulf %get3A_585, %gather3A_211 : vector<16xf32>
        %swap3A_587 = arith.index_cast %add3A_561 : i32 to index
        %swap3A_588 = arith.constant 48 : index
        %swap3A_589 = tpu.vector_load %arg14[%swap3A_587, %swap3A_588] {strides = array<i32>} : memref<128x64xf32, #tpu.memory_space<vmem>>, vector<16xf32>,
        tpu.vector_store %arg14[%swap3A_587, %swap3A_588], %mul3A_586 {strides = array<i32>} : memref<128x64xf32, #tpu.memory_space<vmem>>, vector<16xf32>,
        %add3A_590 = arith.constant 12 : i32
        %add3A_591 = arith.addi %mul3A_152, %add3A_590 : i32
        %get3A_592 = arith.index_cast %add3A_591 : i32 to index
        %get3A_593 = arith.constant 0 : index
        %get3A_594 = tpu.vector_load %arg14[%get3A_592, %get3A_593] {strides = array<i32>} : memref<128x64xf32, #tpu.memory_space<vmem>>, vector<16xf32>,
        %mul3A_595 = arith.mulf %get3A_594, %gather3A_216 : vector<16xf32>
        %swap3A_596 = arith.index_cast %add3A_591 : i32 to index
        %swap3A_597 = arith.constant 0 : index
        %swap3A_598 = tpu.vector_load %arg14[%swap3A_596, %swap3A_597] {strides = array<i32>} : memref<128x64xf32, #tpu.memory_space<vmem>>, vector<16xf32>,
        tpu.vector_store %arg14[%swap3A_596, %swap3A_597], %mul3A_595 {strides = array<i32>} : memref<128x64xf32, #tpu.memory_space<vmem>>, vector<16xf32>,
        %get3A_599 = arith.index_cast %add3A_591 : i32 to index
        %get3A_600 = arith.constant 16 : index
        %get3A_601 = tpu.vector_load %arg14[%get3A_599, %get3A_600] {strides = array<i32>} : memref<128x64xf32, #tpu.memory_space<vmem>>, vector<16xf32>,
        %mul3A_602 = arith.mulf %get3A_601, %gather3A_216 : vector<16xf32>
        %swap3A_603 = arith.index_cast %add3A_591 : i32 to index
        %swap3A_604 = arith.constant 16 : index
        %swap3A_605 = tpu.vector_load %arg14[%swap3A_603, %swap3A_604] {strides = array<i32>} : memref<128x64xf32, #tpu.memory_space<vmem>>, vector<16xf32>,
        tpu.vector_store %arg14[%swap3A_603, %swap3A_604], %mul3A_602 {strides = array<i32>} : memref<128x64xf32, #tpu.memory_space<vmem>>, vector<16xf32>,
        %get3A_606 = arith.index_cast %add3A_591 : i32 to index
        %get3A_607 = arith.constant 32 : index
        %get3A_608 = tpu.vector_load %arg14[%get3A_606, %get3A_607] {strides = array<i32>} : memref<128x64xf32, #tpu.memory_space<vmem>>, vector<16xf32>,
        %mul3A_609 = arith.mulf %get3A_608, %gather3A_216 : vector<16xf32>
        %swap3A_610 = arith.index_cast %add3A_591 : i32 to index
        %swap3A_611 = arith.constant 32 : index
        %swap3A_612 = tpu.vector_load %arg14[%swap3A_610, %swap3A_611] {strides = array<i32>} : memref<128x64xf32, #tpu.memory_space<vmem>>, vector<16xf32>,
        tpu.vector_store %arg14[%swap3A_610, %swap3A_611], %mul3A_609 {strides = array<i32>} : memref<128x64xf32, #tpu.memory_space<vmem>>, vector<16xf32>,
        %get3A_613 = arith.index_cast %add3A_591 : i32 to index
        %get3A_614 = arith.constant 48 : index
        %get3A_615 = tpu.vector_load %arg14[%get3A_613, %get3A_614] {strides = array<i32>} : memref<128x64xf32, #tpu.memory_space<vmem>>, vector<16xf32>,
        %mul3A_616 = arith.mulf %get3A_615, %gather3A_216 : vector<16xf32>
        %swap3A_617 = arith.index_cast %add3A_591 : i32 to index
        %swap3A_618 = arith.constant 48 : index
        %swap3A_619 = tpu.vector_load %arg14[%swap3A_617, %swap3A_618] {strides = array<i32>} : memref<128x64xf32, #tpu.memory_space<vmem>>, vector<16xf32>,
        tpu.vector_store %arg14[%swap3A_617, %swap3A_618], %mul3A_616 {strides = array<i32>} : memref<128x64xf32, #tpu.memory_space<vmem>>, vector<16xf32>,
        %add3A_620 = arith.constant 13 : i32
        %add3A_621 = arith.addi %mul3A_152, %add3A_620 : i32
        %get3A_622 = arith.index_cast %add3A_621 : i32 to index
        %get3A_623 = arith.constant 0 : index
        %get3A_624 = tpu.vector_load %arg14[%get3A_622, %get3A_623] {strides = array<i32>} : memref<128x64xf32, #tpu.memory_space<vmem>>, vector<16xf32>,
        %mul3A_625 = arith.mulf %get3A_624, %gather3A_221 : vector<16xf32>
        %swap3A_626 = arith.index_cast %add3A_621 : i32 to index
        %swap3A_627 = arith.constant 0 : index
        %swap3A_628 = tpu.vector_load %arg14[%swap3A_626, %swap3A_627] {strides = array<i32>} : memref<128x64xf32, #tpu.memory_space<vmem>>, vector<16xf32>,
        tpu.vector_store %arg14[%swap3A_626, %swap3A_627], %mul3A_625 {strides = array<i32>} : memref<128x64xf32, #tpu.memory_space<vmem>>, vector<16xf32>,
        %get3A_629 = arith.index_cast %add3A_621 : i32 to index
        %get3A_630 = arith.constant 16 : index
        %get3A_631 = tpu.vector_load %arg14[%get3A_629, %get3A_630] {strides = array<i32>} : memref<128x64xf32, #tpu.memory_space<vmem>>, vector<16xf32>,
        %mul3A_632 = arith.mulf %get3A_631, %gather3A_221 : vector<16xf32>
        %swap3A_633 = arith.index_cast %add3A_621 : i32 to index
        %swap3A_634 = arith.constant 16 : index
        %swap3A_635 = tpu.vector_load %arg14[%swap3A_633, %swap3A_634] {strides = array<i32>} : memref<128x64xf32, #tpu.memory_space<vmem>>, vector<16xf32>,
        tpu.vector_store %arg14[%swap3A_633, %swap3A_634], %mul3A_632 {strides = array<i32>} : memref<128x64xf32, #tpu.memory_space<vmem>>, vector<16xf32>,
        %get3A_636 = arith.index_cast %add3A_621 : i32 to index
        %get3A_637 = arith.constant 32 : index
        %get3A_638 = tpu.vector_load %arg14[%get3A_636, %get3A_637] {strides = array<i32>} : memref<128x64xf32, #tpu.memory_space<vmem>>, vector<16xf32>,
        %mul3A_639 = arith.mulf %get3A_638, %gather3A_221 : vector<16xf32>
        %swap3A_640 = arith.index_cast %add3A_621 : i32 to index
        %swap3A_641 = arith.constant 32 : index
        %swap3A_642 = tpu.vector_load %arg14[%swap3A_640, %swap3A_641] {strides = array<i32>} : memref<128x64xf32, #tpu.memory_space<vmem>>, vector<16xf32>,
        tpu.vector_store %arg14[%swap3A_640, %swap3A_641], %mul3A_639 {strides = array<i32>} : memref<128x64xf32, #tpu.memory_space<vmem>>, vector<16xf32>,
        %get3A_643 = arith.index_cast %add3A_621 : i32 to index
        %get3A_644 = arith.constant 48 : index
        %get3A_645 = tpu.vector_load %arg14[%get3A_643, %get3A_644] {strides = array<i32>} : memref<128x64xf32, #tpu.memory_space<vmem>>, vector<16xf32>,
        %mul3A_646 = arith.mulf %get3A_645, %gather3A_221 : vector<16xf32>
        %swap3A_647 = arith.index_cast %add3A_621 : i32 to index
        %swap3A_648 = arith.constant 48 : index
        %swap3A_649 = tpu.vector_load %arg14[%swap3A_647, %swap3A_648] {strides = array<i32>} : memref<128x64xf32, #tpu.memory_space<vmem>>, vector<16xf32>,
        tpu.vector_store %arg14[%swap3A_647, %swap3A_648], %mul3A_646 {strides = array<i32>} : memref<128x64xf32, #tpu.memory_space<vmem>>, vector<16xf32>,
        %add3A_650 = arith.constant 14 : i32
        %add3A_651 = arith.addi %mul3A_152, %add3A_650 : i32
        %get3A_652 = arith.index_cast %add3A_651 : i32 to index
        %get3A_653 = arith.constant 0 : index
        %get3A_654 = tpu.vector_load %arg14[%get3A_652, %get3A_653] {strides = array<i32>} : memref<128x64xf32, #tpu.memory_space<vmem>>, vector<16xf32>,
        %mul3A_655 = arith.mulf %get3A_654, %gather3A_226 : vector<16xf32>
        %swap3A_656 = arith.index_cast %add3A_651 : i32 to index
        %swap3A_657 = arith.constant 0 : index
        %swap3A_658 = tpu.vector_load %arg14[%swap3A_656, %swap3A_657] {strides = array<i32>} : memref<128x64xf32, #tpu.memory_space<vmem>>, vector<16xf32>,
        tpu.vector_store %arg14[%swap3A_656, %swap3A_657], %mul3A_655 {strides = array<i32>} : memref<128x64xf32, #tpu.memory_space<vmem>>, vector<16xf32>,
        %get3A_659 = arith.index_cast %add3A_651 : i32 to index
        %get3A_660 = arith.constant 16 : index
        %get3A_661 = tpu.vector_load %arg14[%get3A_659, %get3A_660] {strides = array<i32>} : memref<128x64xf32, #tpu.memory_space<vmem>>, vector<16xf32>,
        %mul3A_662 = arith.mulf %get3A_661, %gather3A_226 : vector<16xf32>
        %swap3A_663 = arith.index_cast %add3A_651 : i32 to index
        %swap3A_664 = arith.constant 16 : index
        %swap3A_665 = tpu.vector_load %arg14[%swap3A_663, %swap3A_664] {strides = array<i32>} : memref<128x64xf32, #tpu.memory_space<vmem>>, vector<16xf32>,
        tpu.vector_store %arg14[%swap3A_663, %swap3A_664], %mul3A_662 {strides = array<i32>} : memref<128x64xf32, #tpu.memory_space<vmem>>, vector<16xf32>,
        %get3A_666 = arith.index_cast %add3A_651 : i32 to index
        %get3A_667 = arith.constant 32 : index
        %get3A_668 = tpu.vector_load %arg14[%get3A_666, %get3A_667] {strides = array<i32>} : memref<128x64xf32, #tpu.memory_space<vmem>>, vector<16xf32>,
        %mul3A_669 = arith.mulf %get3A_668, %gather3A_226 : vector<16xf32>
        %swap3A_670 = arith.index_cast %add3A_651 : i32 to index
        %swap3A_671 = arith.constant 32 : index
        %swap3A_672 = tpu.vector_load %arg14[%swap3A_670, %swap3A_671] {strides = array<i32>} : memref<128x64xf32, #tpu.memory_space<vmem>>, vector<16xf32>,
        tpu.vector_store %arg14[%swap3A_670, %swap3A_671], %mul3A_669 {strides = array<i32>} : memref<128x64xf32, #tpu.memory_space<vmem>>, vector<16xf32>,
        %get3A_673 = arith.index_cast %add3A_651 : i32 to index
        %get3A_674 = arith.constant 48 : index
        %get3A_675 = tpu.vector_load %arg14[%get3A_673, %get3A_674] {strides = array<i32>} : memref<128x64xf32, #tpu.memory_space<vmem>>, vector<16xf32>,
        %mul3A_676 = arith.mulf %get3A_675, %gather3A_226 : vector<16xf32>
        %swap3A_677 = arith.index_cast %add3A_651 : i32 to index
        %swap3A_678 = arith.constant 48 : index
        %swap3A_679 = tpu.vector_load %arg14[%swap3A_677, %swap3A_678] {strides = array<i32>} : memref<128x64xf32, #tpu.memory_space<vmem>>, vector<16xf32>,
        tpu.vector_store %arg14[%swap3A_677, %swap3A_678], %mul3A_676 {strides = array<i32>} : memref<128x64xf32, #tpu.memory_space<vmem>>, vector<16xf32>,
        %add3A_680 = arith.constant 15 : i32
        %add3A_681 = arith.addi %mul3A_152, %add3A_680 : i32
        %get3A_682 = arith.index_cast %add3A_681 : i32 to index
        %get3A_683 = arith.constant 0 : index
        %get3A_684 = tpu.vector_load %arg14[%get3A_682, %get3A_683] {strides = array<i32>} : memref<128x64xf32, #tpu.memory_space<vmem>>, vector<16xf32>,
        %mul3A_685 = arith.mulf %get3A_684, %gather3A_231 : vector<16xf32>
        %swap3A_686 = arith.index_cast %add3A_681 : i32 to index
        %swap3A_687 = arith.constant 0 : index
        %swap3A_688 = tpu.vector_load %arg14[%swap3A_686, %swap3A_687] {strides = array<i32>} : memref<128x64xf32, #tpu.memory_space<vmem>>, vector<16xf32>,
        tpu.vector_store %arg14[%swap3A_686, %swap3A_687], %mul3A_685 {strides = array<i32>} : memref<128x64xf32, #tpu.memory_space<vmem>>, vector<16xf32>,
        %get3A_689 = arith.index_cast %add3A_681 : i32 to index
        %get3A_690 = arith.constant 16 : index
        %get3A_691 = tpu.vector_load %arg14[%get3A_689, %get3A_690] {strides = array<i32>} : memref<128x64xf32, #tpu.memory_space<vmem>>, vector<16xf32>,
        %mul3A_692 = arith.mulf %get3A_691, %gather3A_231 : vector<16xf32>
        %swap3A_693 = arith.index_cast %add3A_681 : i32 to index
        %swap3A_694 = arith.constant 16 : index
        %swap3A_695 = tpu.vector_load %arg14[%swap3A_693, %swap3A_694] {strides = array<i32>} : memref<128x64xf32, #tpu.memory_space<vmem>>, vector<16xf32>,
        tpu.vector_store %arg14[%swap3A_693, %swap3A_694], %mul3A_692 {strides = array<i32>} : memref<128x64xf32, #tpu.memory_space<vmem>>, vector<16xf32>,
        %get3A_696 = arith.index_cast %add3A_681 : i32 to index
        %get3A_697 = arith.constant 32 : index
        %get3A_698 = tpu.vector_load %arg14[%get3A_696, %get3A_697] {strides = array<i32>} : memref<128x64xf32, #tpu.memory_space<vmem>>, vector<16xf32>,
        %mul3A_699 = arith.mulf %get3A_698, %gather3A_231 : vector<16xf32>
        %swap3A_700 = arith.index_cast %add3A_681 : i32 to index
        %swap3A_701 = arith.constant 32 : index
        %swap3A_702 = tpu.vector_load %arg14[%swap3A_700, %swap3A_701] {strides = array<i32>} : memref<128x64xf32, #tpu.memory_space<vmem>>, vector<16xf32>,
        tpu.vector_store %arg14[%swap3A_700, %swap3A_701], %mul3A_699 {strides = array<i32>} : memref<128x64xf32, #tpu.memory_space<vmem>>, vector<16xf32>,
        %get3A_703 = arith.index_cast %add3A_681 : i32 to index
        %get3A_704 = arith.constant 48 : index
        %get3A_705 = tpu.vector_load %arg14[%get3A_703, %get3A_704] {strides = array<i32>} : memref<128x64xf32, #tpu.memory_space<vmem>>, vector<16xf32>,
        %mul3A_706 = arith.mulf %get3A_705, %gather3A_231 : vector<16xf32>
        %swap3A_707 = arith.index_cast %add3A_681 : i32 to index
        %swap3A_708 = arith.constant 48 : index
        %swap3A_709 = tpu.vector_load %arg14[%swap3A_707, %swap3A_708] {strides = array<i32>} : memref<128x64xf32, #tpu.memory_space<vmem>>, vector<16xf32>,
        tpu.vector_store %arg14[%swap3A_707, %swap3A_708], %mul3A_706 {strides = array<i32>} : memref<128x64xf32, #tpu.memory_space<vmem>>, vector<16xf32>,
      }
      %scan3A_138 = arith.constant 8 : i32
      "tpu.region"() ({
        %run_scoped3A = tpu.sem_alloc : memref<!tpu.dma_semaphore, #tpu.memory_space<semaphore_mem>>
        %dma_start3A_146 = arith.constant 0 : i32
        %dma_start3A_147 = tpu.memref_slice %arg11[%add3A_124, %dma_start3A_146] : memref<158x128xi32, #tpu.memory_space<vmem>> -> memref<1x128xi32, #tpu.memory_space<vmem>>
        %dma_start3A_148 = tpu.memref_squeeze %dma_start3A_147 : memref<1x128xi32, #tpu.memory_space<vmem>> -> memref<128xi32, #tpu.memory_space<vmem>>
        %dma_start3A_149 = arith.constant 0 : i32
        %dma_start3A_150 = arith.constant 0 : i32
        %dma_start3A_151 = tpu.memref_slice %arg15[%dma_start3A_149, %dma_start3A_150] : memref<10240x64xf32, #tpu.memory_space<vmem_shared>> -> memref<10240x64xf32, #tpu.memory_space<vmem_shared>>
        tpu.enqueue_indirect_dma source(%arg14 : memref<128x64xf32, #tpu.memory_space<vmem>>) target(%dma_start3A_151 : memref<10240x64xf32, #tpu.memory_space<vmem_shared>>) offsets(%dma_start3A_148 : memref<128xi32, #tpu.memory_space<vmem>>) semaphore(%run_scoped3A : memref<!tpu.dma_semaphore, #tpu.memory_space<semaphore_mem>>) {add = true}
        %dma_wait3A_152 = arith.constant 0 : i32
        %dma_wait3A_153 = tpu.memref_slice %arg11[%add3A_124, %dma_wait3A_152] : memref<158x128xi32, #tpu.memory_space<vmem>> -> memref<1x128xi32, #tpu.memory_space<vmem>>
        %dma_wait3A_154 = tpu.memref_squeeze %dma_wait3A_153 : memref<1x128xi32, #tpu.memory_space<vmem>> -> memref<128xi32, #tpu.memory_space<vmem>>
        %dma_wait3A_155 = arith.constant 0 : i32
        %dma_wait3A_156 = arith.constant 0 : i32
        %dma_wait3A_157 = tpu.memref_slice %arg15[%dma_wait3A_155, %dma_wait3A_156] : memref<10240x64xf32, #tpu.memory_space<vmem_shared>> -> memref<10240x64xf32, #tpu.memory_space<vmem_shared>>
        tpu.wait_indirect_dma semaphore(%run_scoped3A : memref<!tpu.dma_semaphore, #tpu.memory_space<semaphore_mem>>) src(%arg14 : memref<128x64xf32, #tpu.memory_space<vmem>>) dst(%dma_wait3A_157 : memref<10240x64xf32, #tpu.memory_space<vmem_shared>>)
        tpu.yield
      }) : () -> ()
      %add3A_139 = arith.constant 2 : i32
      %add3A_140 = arith.addi %add3A_124, %add3A_139 : i32
      %lt3A_141 = arith.constant 158 : i32
      %lt3A_142 = arith.cmpi slt, %add3A_140, %lt3A_141 : i32
      %convert_element_type3A_143 = arith.extui %lt3A_142 : i1 to i32
      %cond3A_144 = arith.constant 0 : i32
      %cond3A_145 = arith.cmpi ne, %convert_element_type3A_143, %cond3A_144 : i32
      scf.if %cond3A_145 {
        %add3A_146 = arith.constant 2 : i32
        %add3A_147 = arith.addi %add3A_124, %add3A_146 : i32
        %dma_start3A_148 = arith.constant 0 : i32
        %dma_start3A_149 = tpu.memref_slice %arg10[%add3A_147, %dma_start3A_148] : memref<158x128xi32, #tpu.memory_space<vmem>> -> memref<1x128xi32, #tpu.memory_space<vmem>>
        %dma_start3A_150 = tpu.memref_squeeze %dma_start3A_149 : memref<1x128xi32, #tpu.memory_space<vmem>> -> memref<128xi32, #tpu.memory_space<vmem>>
        %dma_start3A_151 = arith.constant 0 : i32
        %dma_start3A_152 = arith.constant 0 : i32
        %dma_start3A_153 = tpu.memref_slice %arg2[%dma_start3A_151, %dma_start3A_152] : memref<20480x64xf32, #tpu.memory_space<hbm>> -> memref<20480x64xf32, #tpu.memory_space<hbm>>
        tpu.enqueue_indirect_dma source(%dma_start3A_153 : memref<20480x64xf32, #tpu.memory_space<hbm>>) target(%arg14 : memref<128x64xf32, #tpu.memory_space<vmem>>) offsets(%dma_start3A_150 : memref<128xi32, #tpu.memory_space<vmem>>) semaphore(%arg17 : memref<!tpu.dma_semaphore, #tpu.memory_space<semaphore_mem>>)
      } else {
      }
    }
    %scan3A_24 = arith.constant 79 : i32
    %barrier3A_25 = arith.constant 0 : index
    tpu.barrier barrier_id(%barrier3A_25)
    %mul3A_26 = arith.constant 640 : i32
    %mul3A_27 = arith.muli %arg1, %mul3A_26 : i32
    %mul3A_28 = arith.constant 10240 : i32
    %mul3A_29 = arith.muli %arg0, %mul3A_28 : i32
    %mul3A_30 = arith.constant 640 : i32
    %mul3A_31 = arith.muli %arg1, %mul3A_30 : i32
    %add3A = arith.addi %mul3A_29, %mul3A_31 : i32
    "tpu.region"() ({
      %run_scoped3A = tpu.sem_alloc : memref<!tpu.dma_semaphore, #tpu.memory_space<semaphore_mem>>
      %dma_start3A_95 = arith.constant 0 : i32
      %dma_start3A_96 = tpu.memref_slice %arg7[%add3A, %dma_start3A_95] : memref<20480x64xf32, #tpu.memory_space<hbm>> -> memref<640x64xf32, #tpu.memory_space<hbm>>
      %dma_start3A_97 = arith.constant 0 : i32
      %dma_start3A_98 = tpu.memref_slice %arg15[%mul3A_27, %dma_start3A_97] : memref<10240x64xf32, #tpu.memory_space<vmem_shared>> -> memref<640x64xf32, #tpu.memory_space<vmem_shared>>
      tpu.enqueue_dma source(%dma_start3A_98 : memref<640x64xf32, #tpu.memory_space<vmem_shared>>) target(%dma_start3A_96 : memref<640x64xf32, #tpu.memory_space<hbm>>) target_semaphore(%run_scoped3A : memref<!tpu.dma_semaphore, #tpu.memory_space<semaphore_mem>>)
      %dma_wait3A = arith.constant 0 : i32
      %dma_wait3A_99 = tpu.memref_slice %arg7[%add3A, %dma_wait3A] : memref<20480x64xf32, #tpu.memory_space<hbm>> -> memref<640x64xf32, #tpu.memory_space<hbm>>
      %dma_wait3A_100 = arith.constant 0 : i32
      %dma_wait3A_101 = tpu.memref_slice %arg15[%mul3A_27, %dma_wait3A_100] : memref<10240x64xf32, #tpu.memory_space<vmem_shared>> -> memref<640x64xf32, #tpu.memory_space<vmem_shared>>
      tpu.wait_dma2 semaphore(%run_scoped3A : memref<!tpu.dma_semaphore, #tpu.memory_space<semaphore_mem>>) src(%dma_wait3A_101 : memref<640x64xf32, #tpu.memory_space<vmem_shared>>) dst(%dma_wait3A_99 : memref<640x64xf32, #tpu.memory_space<hbm>>)
      tpu.yield
    }) : () -> ()
    %barrier3A_32 = arith.constant 0 : index
    tpu.barrier barrier_id(%barrier3A_32)
    %mul3A_33 = arith.constant 640 : i32
    %mul3A_34 = arith.muli %arg1, %mul3A_33 : i32
    "tpu.region"() ({
      %run_scoped3A = tpu.sem_alloc : memref<!tpu.dma_semaphore, #tpu.memory_space<semaphore_mem>>
      %dma_start3A_95 = arith.constant 0 : i32
      %dma_start3A_96 = tpu.memref_slice %arg15[%mul3A_34, %dma_start3A_95] : memref<10240x64xf32, #tpu.memory_space<vmem_shared>> -> memref<640x64xf32, #tpu.memory_space<vmem_shared>>
      tpu.enqueue_dma source(%arg6 : memref<640x64xf32, #tpu.memory_space<hbm>>) target(%dma_start3A_96 : memref<640x64xf32, #tpu.memory_space<vmem_shared>>) target_semaphore(%run_scoped3A : memref<!tpu.dma_semaphore, #tpu.memory_space<semaphore_mem>>)
      %dma_wait3A = arith.constant 0 : i32
      %dma_wait3A_97 = tpu.memref_slice %arg15[%mul3A_34, %dma_wait3A] : memref<10240x64xf32, #tpu.memory_space<vmem_shared>> -> memref<640x64xf32, #tpu.memory_space<vmem_shared>>
      tpu.wait_dma2 semaphore(%run_scoped3A : memref<!tpu.dma_semaphore, #tpu.memory_space<semaphore_mem>>) src(%arg6 : memref<640x64xf32, #tpu.memory_space<hbm>>) dst(%dma_wait3A_97 : memref<640x64xf32, #tpu.memory_space<vmem_shared>>)
      tpu.yield
    }) : () -> ()
    %barrier3A_35 = arith.constant 0 : index
    tpu.barrier barrier_id(%barrier3A_35)
    %dma_start3A_36 = arith.constant 0 : i32
    %dma_start3A_37 = arith.constant 0 : i32
    %dma_start3A_38 = tpu.memref_slice %arg10[%dma_start3A_36, %dma_start3A_37] : memref<158x128xi32, #tpu.memory_space<vmem>> -> memref<1x128xi32, #tpu.memory_space<vmem>>
    %dma_start3A_39 = tpu.memref_squeeze %dma_start3A_38 : memref<1x128xi32, #tpu.memory_space<vmem>> -> memref<128xi32, #tpu.memory_space<vmem>>
    %dma_start3A_40 = arith.constant 0 : i32
    %dma_start3A_41 = arith.constant 0 : i32
    %dma_start3A_42 = tpu.memref_slice %arg7[%dma_start3A_40, %dma_start3A_41] : memref<20480x64xf32, #tpu.memory_space<hbm>> -> memref<20480x64xf32, #tpu.memory_space<hbm>>
    tpu.enqueue_indirect_dma source(%dma_start3A_42 : memref<20480x64xf32, #tpu.memory_space<hbm>>) target(%arg13 : memref<128x64xf32, #tpu.memory_space<vmem>>) offsets(%dma_start3A_39 : memref<128xi32, #tpu.memory_space<vmem>>) semaphore(%arg16 : memref<!tpu.dma_semaphore, #tpu.memory_space<semaphore_mem>>)
    %dma_start3A_43 = arith.constant 1 : i32
    %dma_start3A_44 = arith.constant 0 : i32
    %dma_start3A_45 = tpu.memref_slice %arg10[%dma_start3A_43, %dma_start3A_44] : memref<158x128xi32, #tpu.memory_space<vmem>> -> memref<1x128xi32, #tpu.memory_space<vmem>>
    %dma_start3A_46 = tpu.memref_squeeze %dma_start3A_45 : memref<1x128xi32, #tpu.memory_space<vmem>> -> memref<128xi32, #tpu.memory_space<vmem>>
    %dma_start3A_47 = arith.constant 0 : i32
    %dma_start3A_48 = arith.constant 0 : i32
    %dma_start3A_49 = tpu.memref_slice %arg7[%dma_start3A_47, %dma_start3A_48] : memref<20480x64xf32, #tpu.memory_space<hbm>> -> memref<20480x64xf32, #tpu.memory_space<hbm>>
    tpu.enqueue_indirect_dma source(%dma_start3A_49 : memref<20480x64xf32, #tpu.memory_space<hbm>>) target(%arg14 : memref<128x64xf32, #tpu.memory_space<vmem>>) offsets(%dma_start3A_46 : memref<128xi32, #tpu.memory_space<vmem>>) semaphore(%arg17 : memref<!tpu.dma_semaphore, #tpu.memory_space<semaphore_mem>>)
    %scan3A_50 = arith.constant 0 : i32
    %scan3A_51 = arith.constant 79 : i32
    %scan3A_52 = arith.addi %scan3A_50, %scan3A_51 : i32
    %scan3A_53 = arith.constant 1 : i32
    scf.for %scan3A_95 = %scan3A_50 to %scan3A_52 step %scan3A_53  : i32 {
      %mul3A_96 = arith.constant 1 : i32
      %mul3A_97 = arith.muli %scan3A_95, %mul3A_96 : i32
      %add3A_98 = arith.constant 0 : i32
      %add3A_99 = arith.addi %add3A_98, %mul3A_97 : i32
      %mul3A_100 = arith.constant 2 : i32
      %mul3A_101 = arith.muli %mul3A_100, %add3A_99 : i32
      %add3A_102 = arith.constant 0 : i32
      %add3A_103 = arith.addi %mul3A_101, %add3A_102 : i32
      %dma_wait3A = arith.constant 0 : i32
      %dma_wait3A_104 = tpu.memref_slice %arg10[%add3A_103, %dma_wait3A] : memref<158x128xi32, #tpu.memory_space<vmem>> -> memref<1x128xi32, #tpu.memory_space<vmem>>
      %dma_wait3A_105 = tpu.memref_squeeze %dma_wait3A_104 : memref<1x128xi32, #tpu.memory_space<vmem>> -> memref<128xi32, #tpu.memory_space<vmem>>
      %dma_wait3A_106 = arith.constant 0 : i32
      %dma_wait3A_107 = arith.constant 0 : i32
      %dma_wait3A_108 = tpu.memref_slice %arg7[%dma_wait3A_106, %dma_wait3A_107] : memref<20480x64xf32, #tpu.memory_space<hbm>> -> memref<20480x64xf32, #tpu.memory_space<hbm>>
      tpu.wait_indirect_dma semaphore(%arg16 : memref<!tpu.dma_semaphore, #tpu.memory_space<semaphore_mem>>) src(%dma_wait3A_108 : memref<20480x64xf32, #tpu.memory_space<hbm>>) dst(%arg13 : memref<128x64xf32, #tpu.memory_space<vmem>>)
      %mul3A_109 = arith.constant 128 : i32
      %mul3A_110 = arith.muli %add3A_103, %mul3A_109 : i32
      %broadcast_in_dim3A_111 = vector.broadcast %mul3A_110 : i32 to vector<16xi32>
      %scan3A_112 = arith.constant 0 : i32
      %scan3A_113 = arith.constant 8 : i32
      %scan3A_114 = arith.addi %scan3A_112, %scan3A_113 : i32
      %scan3A_115 = arith.constant 1 : i32
      scf.for %scan3A_146 = %scan3A_112 to %scan3A_114 step %scan3A_115  : i32 {
        %mul3A_147 = arith.constant 1 : i32
        %mul3A_148 = arith.muli %scan3A_146, %mul3A_147 : i32
        %add3A_149 = arith.constant 0 : i32
        %add3A_150 = arith.addi %add3A_149, %mul3A_148 : i32
        %mul3A_151 = arith.constant 16 : i32
        %mul3A_152 = arith.muli %add3A_150, %mul3A_151 : i32
        %add3A_153 = arith.constant 0 : i32
        %add3A_154 = arith.addi %mul3A_152, %add3A_153 : i32
        %add3A_155 = vector.broadcast %add3A_154 : i32 to vector<16xi32>
        %add3A_156 = arith.addi %broadcast_in_dim3A_111, %add3A_155 : vector<16xi32>
        %gather3A = tpu.vector_load_idx %arg12[%add3A_156] : memref<20224xf32, #tpu.memory_space<vmem>>[vector<16xi32>], vector<16xf32>,
        %add3A_157 = arith.constant 1 : i32
        %add3A_158 = arith.addi %mul3A_152, %add3A_157 : i32
        %add3A_159 = vector.broadcast %add3A_158 : i32 to vector<16xi32>
        %add3A_160 = arith.addi %broadcast_in_dim3A_111, %add3A_159 : vector<16xi32>
        %gather3A_161 = tpu.vector_load_idx %arg12[%add3A_160] : memref<20224xf32, #tpu.memory_space<vmem>>[vector<16xi32>], vector<16xf32>,
        %add3A_162 = arith.constant 2 : i32
        %add3A_163 = arith.addi %mul3A_152, %add3A_162 : i32
        %add3A_164 = vector.broadcast %add3A_163 : i32 to vector<16xi32>
        %add3A_165 = arith.addi %broadcast_in_dim3A_111, %add3A_164 : vector<16xi32>
        %gather3A_166 = tpu.vector_load_idx %arg12[%add3A_165] : memref<20224xf32, #tpu.memory_space<vmem>>[vector<16xi32>], vector<16xf32>,
        %add3A_167 = arith.constant 3 : i32
        %add3A_168 = arith.addi %mul3A_152, %add3A_167 : i32
        %add3A_169 = vector.broadcast %add3A_168 : i32 to vector<16xi32>
        %add3A_170 = arith.addi %broadcast_in_dim3A_111, %add3A_169 : vector<16xi32>
        %gather3A_171 = tpu.vector_load_idx %arg12[%add3A_170] : memref<20224xf32, #tpu.memory_space<vmem>>[vector<16xi32>], vector<16xf32>,
        %add3A_172 = arith.constant 4 : i32
        %add3A_173 = arith.addi %mul3A_152, %add3A_172 : i32
        %add3A_174 = vector.broadcast %add3A_173 : i32 to vector<16xi32>
        %add3A_175 = arith.addi %broadcast_in_dim3A_111, %add3A_174 : vector<16xi32>
        %gather3A_176 = tpu.vector_load_idx %arg12[%add3A_175] : memref<20224xf32, #tpu.memory_space<vmem>>[vector<16xi32>], vector<16xf32>,
        %add3A_177 = arith.constant 5 : i32
        %add3A_178 = arith.addi %mul3A_152, %add3A_177 : i32
        %add3A_179 = vector.broadcast %add3A_178 : i32 to vector<16xi32>
        %add3A_180 = arith.addi %broadcast_in_dim3A_111, %add3A_179 : vector<16xi32>
        %gather3A_181 = tpu.vector_load_idx %arg12[%add3A_180] : memref<20224xf32, #tpu.memory_space<vmem>>[vector<16xi32>], vector<16xf32>,
        %add3A_182 = arith.constant 6 : i32
        %add3A_183 = arith.addi %mul3A_152, %add3A_182 : i32
        %add3A_184 = vector.broadcast %add3A_183 : i32 to vector<16xi32>
        %add3A_185 = arith.addi %broadcast_in_dim3A_111, %add3A_184 : vector<16xi32>
        %gather3A_186 = tpu.vector_load_idx %arg12[%add3A_185] : memref<20224xf32, #tpu.memory_space<vmem>>[vector<16xi32>], vector<16xf32>,
        %add3A_187 = arith.constant 7 : i32
        %add3A_188 = arith.addi %mul3A_152, %add3A_187 : i32
        %add3A_189 = vector.broadcast %add3A_188 : i32 to vector<16xi32>
        %add3A_190 = arith.addi %broadcast_in_dim3A_111, %add3A_189 : vector<16xi32>
        %gather3A_191 = tpu.vector_load_idx %arg12[%add3A_190] : memref<20224xf32, #tpu.memory_space<vmem>>[vector<16xi32>], vector<16xf32>,
        %add3A_192 = arith.constant 8 : i32
        %add3A_193 = arith.addi %mul3A_152, %add3A_192 : i32
        %add3A_194 = vector.broadcast %add3A_193 : i32 to vector<16xi32>
        %add3A_195 = arith.addi %broadcast_in_dim3A_111, %add3A_194 : vector<16xi32>
        %gather3A_196 = tpu.vector_load_idx %arg12[%add3A_195] : memref<20224xf32, #tpu.memory_space<vmem>>[vector<16xi32>], vector<16xf32>,
        %add3A_197 = arith.constant 9 : i32
        %add3A_198 = arith.addi %mul3A_152, %add3A_197 : i32
        %add3A_199 = vector.broadcast %add3A_198 : i32 to vector<16xi32>
        %add3A_200 = arith.addi %broadcast_in_dim3A_111, %add3A_199 : vector<16xi32>
        %gather3A_201 = tpu.vector_load_idx %arg12[%add3A_200] : memref<20224xf32, #tpu.memory_space<vmem>>[vector<16xi32>], vector<16xf32>,
        %add3A_202 = arith.constant 10 : i32
        %add3A_203 = arith.addi %mul3A_152, %add3A_202 : i32
        %add3A_204 = vector.broadcast %add3A_203 : i32 to vector<16xi32>
        %add3A_205 = arith.addi %broadcast_in_dim3A_111, %add3A_204 : vector<16xi32>
        %gather3A_206 = tpu.vector_load_idx %arg12[%add3A_205] : memref<20224xf32, #tpu.memory_space<vmem>>[vector<16xi32>], vector<16xf32>,
        %add3A_207 = arith.constant 11 : i32
        %add3A_208 = arith.addi %mul3A_152, %add3A_207 : i32
        %add3A_209 = vector.broadcast %add3A_208 : i32 to vector<16xi32>
        %add3A_210 = arith.addi %broadcast_in_dim3A_111, %add3A_209 : vector<16xi32>
        %gather3A_211 = tpu.vector_load_idx %arg12[%add3A_210] : memref<20224xf32, #tpu.memory_space<vmem>>[vector<16xi32>], vector<16xf32>,
        %add3A_212 = arith.constant 12 : i32
        %add3A_213 = arith.addi %mul3A_152, %add3A_212 : i32
        %add3A_214 = vector.broadcast %add3A_213 : i32 to vector<16xi32>
        %add3A_215 = arith.addi %broadcast_in_dim3A_111, %add3A_214 : vector<16xi32>
        %gather3A_216 = tpu.vector_load_idx %arg12[%add3A_215] : memref<20224xf32, #tpu.memory_space<vmem>>[vector<16xi32>], vector<16xf32>,
        %add3A_217 = arith.constant 13 : i32
        %add3A_218 = arith.addi %mul3A_152, %add3A_217 : i32
        %add3A_219 = vector.broadcast %add3A_218 : i32 to vector<16xi32>
        %add3A_220 = arith.addi %broadcast_in_dim3A_111, %add3A_219 : vector<16xi32>
        %gather3A_221 = tpu.vector_load_idx %arg12[%add3A_220] : memref<20224xf32, #tpu.memory_space<vmem>>[vector<16xi32>], vector<16xf32>,
        %add3A_222 = arith.constant 14 : i32
        %add3A_223 = arith.addi %mul3A_152, %add3A_222 : i32
        %add3A_224 = vector.broadcast %add3A_223 : i32 to vector<16xi32>
        %add3A_225 = arith.addi %broadcast_in_dim3A_111, %add3A_224 : vector<16xi32>
        %gather3A_226 = tpu.vector_load_idx %arg12[%add3A_225] : memref<20224xf32, #tpu.memory_space<vmem>>[vector<16xi32>], vector<16xf32>,
        %add3A_227 = arith.constant 15 : i32
        %add3A_228 = arith.addi %mul3A_152, %add3A_227 : i32
        %add3A_229 = vector.broadcast %add3A_228 : i32 to vector<16xi32>
        %add3A_230 = arith.addi %broadcast_in_dim3A_111, %add3A_229 : vector<16xi32>
        %gather3A_231 = tpu.vector_load_idx %arg12[%add3A_230] : memref<20224xf32, #tpu.memory_space<vmem>>[vector<16xi32>], vector<16xf32>,
        %add3A_232 = arith.constant 0 : i32
        %add3A_233 = arith.addi %mul3A_152, %add3A_232 : i32
        %get3A = arith.index_cast %add3A_233 : i32 to index
        %get3A_234 = arith.constant 0 : index
        %get3A_235 = tpu.vector_load %arg13[%get3A, %get3A_234] {strides = array<i32>} : memref<128x64xf32, #tpu.memory_space<vmem>>, vector<16xf32>,
        %mul3A_236 = arith.mulf %get3A_235, %gather3A : vector<16xf32>
        %swap3A = arith.index_cast %add3A_233 : i32 to index
        %swap3A_237 = arith.constant 0 : index
        %swap3A_238 = tpu.vector_load %arg13[%swap3A, %swap3A_237] {strides = array<i32>} : memref<128x64xf32, #tpu.memory_space<vmem>>, vector<16xf32>,
        tpu.vector_store %arg13[%swap3A, %swap3A_237], %mul3A_236 {strides = array<i32>} : memref<128x64xf32, #tpu.memory_space<vmem>>, vector<16xf32>,
        %get3A_239 = arith.index_cast %add3A_233 : i32 to index
        %get3A_240 = arith.constant 16 : index
        %get3A_241 = tpu.vector_load %arg13[%get3A_239, %get3A_240] {strides = array<i32>} : memref<128x64xf32, #tpu.memory_space<vmem>>, vector<16xf32>,
        %mul3A_242 = arith.mulf %get3A_241, %gather3A : vector<16xf32>
        %swap3A_243 = arith.index_cast %add3A_233 : i32 to index
        %swap3A_244 = arith.constant 16 : index
        %swap3A_245 = tpu.vector_load %arg13[%swap3A_243, %swap3A_244] {strides = array<i32>} : memref<128x64xf32, #tpu.memory_space<vmem>>, vector<16xf32>,
        tpu.vector_store %arg13[%swap3A_243, %swap3A_244], %mul3A_242 {strides = array<i32>} : memref<128x64xf32, #tpu.memory_space<vmem>>, vector<16xf32>,
        %get3A_246 = arith.index_cast %add3A_233 : i32 to index
        %get3A_247 = arith.constant 32 : index
        %get3A_248 = tpu.vector_load %arg13[%get3A_246, %get3A_247] {strides = array<i32>} : memref<128x64xf32, #tpu.memory_space<vmem>>, vector<16xf32>,
        %mul3A_249 = arith.mulf %get3A_248, %gather3A : vector<16xf32>
        %swap3A_250 = arith.index_cast %add3A_233 : i32 to index
        %swap3A_251 = arith.constant 32 : index
        %swap3A_252 = tpu.vector_load %arg13[%swap3A_250, %swap3A_251] {strides = array<i32>} : memref<128x64xf32, #tpu.memory_space<vmem>>, vector<16xf32>,
        tpu.vector_store %arg13[%swap3A_250, %swap3A_251], %mul3A_249 {strides = array<i32>} : memref<128x64xf32, #tpu.memory_space<vmem>>, vector<16xf32>,
        %get3A_253 = arith.index_cast %add3A_233 : i32 to index
        %get3A_254 = arith.constant 48 : index
        %get3A_255 = tpu.vector_load %arg13[%get3A_253, %get3A_254] {strides = array<i32>} : memref<128x64xf32, #tpu.memory_space<vmem>>, vector<16xf32>,
        %mul3A_256 = arith.mulf %get3A_255, %gather3A : vector<16xf32>
        %swap3A_257 = arith.index_cast %add3A_233 : i32 to index
        %swap3A_258 = arith.constant 48 : index
        %swap3A_259 = tpu.vector_load %arg13[%swap3A_257, %swap3A_258] {strides = array<i32>} : memref<128x64xf32, #tpu.memory_space<vmem>>, vector<16xf32>,
        tpu.vector_store %arg13[%swap3A_257, %swap3A_258], %mul3A_256 {strides = array<i32>} : memref<128x64xf32, #tpu.memory_space<vmem>>, vector<16xf32>,
        %add3A_260 = arith.constant 1 : i32
        %add3A_261 = arith.addi %mul3A_152, %add3A_260 : i32
        %get3A_262 = arith.index_cast %add3A_261 : i32 to index
        %get3A_263 = arith.constant 0 : index
        %get3A_264 = tpu.vector_load %arg13[%get3A_262, %get3A_263] {strides = array<i32>} : memref<128x64xf32, #tpu.memory_space<vmem>>, vector<16xf32>,
        %mul3A_265 = arith.mulf %get3A_264, %gather3A_161 : vector<16xf32>
        %swap3A_266 = arith.index_cast %add3A_261 : i32 to index
        %swap3A_267 = arith.constant 0 : index
        %swap3A_268 = tpu.vector_load %arg13[%swap3A_266, %swap3A_267] {strides = array<i32>} : memref<128x64xf32, #tpu.memory_space<vmem>>, vector<16xf32>,
        tpu.vector_store %arg13[%swap3A_266, %swap3A_267], %mul3A_265 {strides = array<i32>} : memref<128x64xf32, #tpu.memory_space<vmem>>, vector<16xf32>,
        %get3A_269 = arith.index_cast %add3A_261 : i32 to index
        %get3A_270 = arith.constant 16 : index
        %get3A_271 = tpu.vector_load %arg13[%get3A_269, %get3A_270] {strides = array<i32>} : memref<128x64xf32, #tpu.memory_space<vmem>>, vector<16xf32>,
        %mul3A_272 = arith.mulf %get3A_271, %gather3A_161 : vector<16xf32>
        %swap3A_273 = arith.index_cast %add3A_261 : i32 to index
        %swap3A_274 = arith.constant 16 : index
        %swap3A_275 = tpu.vector_load %arg13[%swap3A_273, %swap3A_274] {strides = array<i32>} : memref<128x64xf32, #tpu.memory_space<vmem>>, vector<16xf32>,
        tpu.vector_store %arg13[%swap3A_273, %swap3A_274], %mul3A_272 {strides = array<i32>} : memref<128x64xf32, #tpu.memory_space<vmem>>, vector<16xf32>,
        %get3A_276 = arith.index_cast %add3A_261 : i32 to index
        %get3A_277 = arith.constant 32 : index
        %get3A_278 = tpu.vector_load %arg13[%get3A_276, %get3A_277] {strides = array<i32>} : memref<128x64xf32, #tpu.memory_space<vmem>>, vector<16xf32>,
        %mul3A_279 = arith.mulf %get3A_278, %gather3A_161 : vector<16xf32>
        %swap3A_280 = arith.index_cast %add3A_261 : i32 to index
        %swap3A_281 = arith.constant 32 : index
        %swap3A_282 = tpu.vector_load %arg13[%swap3A_280, %swap3A_281] {strides = array<i32>} : memref<128x64xf32, #tpu.memory_space<vmem>>, vector<16xf32>,
        tpu.vector_store %arg13[%swap3A_280, %swap3A_281], %mul3A_279 {strides = array<i32>} : memref<128x64xf32, #tpu.memory_space<vmem>>, vector<16xf32>,
        %get3A_283 = arith.index_cast %add3A_261 : i32 to index
        %get3A_284 = arith.constant 48 : index
        %get3A_285 = tpu.vector_load %arg13[%get3A_283, %get3A_284] {strides = array<i32>} : memref<128x64xf32, #tpu.memory_space<vmem>>, vector<16xf32>,
        %mul3A_286 = arith.mulf %get3A_285, %gather3A_161 : vector<16xf32>
        %swap3A_287 = arith.index_cast %add3A_261 : i32 to index
        %swap3A_288 = arith.constant 48 : index
        %swap3A_289 = tpu.vector_load %arg13[%swap3A_287, %swap3A_288] {strides = array<i32>} : memref<128x64xf32, #tpu.memory_space<vmem>>, vector<16xf32>,
        tpu.vector_store %arg13[%swap3A_287, %swap3A_288], %mul3A_286 {strides = array<i32>} : memref<128x64xf32, #tpu.memory_space<vmem>>, vector<16xf32>,
        %add3A_290 = arith.constant 2 : i32
        %add3A_291 = arith.addi %mul3A_152, %add3A_290 : i32
        %get3A_292 = arith.index_cast %add3A_291 : i32 to index
        %get3A_293 = arith.constant 0 : index
        %get3A_294 = tpu.vector_load %arg13[%get3A_292, %get3A_293] {strides = array<i32>} : memref<128x64xf32, #tpu.memory_space<vmem>>, vector<16xf32>,
        %mul3A_295 = arith.mulf %get3A_294, %gather3A_166 : vector<16xf32>
        %swap3A_296 = arith.index_cast %add3A_291 : i32 to index
        %swap3A_297 = arith.constant 0 : index
        %swap3A_298 = tpu.vector_load %arg13[%swap3A_296, %swap3A_297] {strides = array<i32>} : memref<128x64xf32, #tpu.memory_space<vmem>>, vector<16xf32>,
        tpu.vector_store %arg13[%swap3A_296, %swap3A_297], %mul3A_295 {strides = array<i32>} : memref<128x64xf32, #tpu.memory_space<vmem>>, vector<16xf32>,
        %get3A_299 = arith.index_cast %add3A_291 : i32 to index
        %get3A_300 = arith.constant 16 : index
        %get3A_301 = tpu.vector_load %arg13[%get3A_299, %get3A_300] {strides = array<i32>} : memref<128x64xf32, #tpu.memory_space<vmem>>, vector<16xf32>,
        %mul3A_302 = arith.mulf %get3A_301, %gather3A_166 : vector<16xf32>
        %swap3A_303 = arith.index_cast %add3A_291 : i32 to index
        %swap3A_304 = arith.constant 16 : index
        %swap3A_305 = tpu.vector_load %arg13[%swap3A_303, %swap3A_304] {strides = array<i32>} : memref<128x64xf32, #tpu.memory_space<vmem>>, vector<16xf32>,
        tpu.vector_store %arg13[%swap3A_303, %swap3A_304], %mul3A_302 {strides = array<i32>} : memref<128x64xf32, #tpu.memory_space<vmem>>, vector<16xf32>,
        %get3A_306 = arith.index_cast %add3A_291 : i32 to index
        %get3A_307 = arith.constant 32 : index
        %get3A_308 = tpu.vector_load %arg13[%get3A_306, %get3A_307] {strides = array<i32>} : memref<128x64xf32, #tpu.memory_space<vmem>>, vector<16xf32>,
        %mul3A_309 = arith.mulf %get3A_308, %gather3A_166 : vector<16xf32>
        %swap3A_310 = arith.index_cast %add3A_291 : i32 to index
        %swap3A_311 = arith.constant 32 : index
        %swap3A_312 = tpu.vector_load %arg13[%swap3A_310, %swap3A_311] {strides = array<i32>} : memref<128x64xf32, #tpu.memory_space<vmem>>, vector<16xf32>,
        tpu.vector_store %arg13[%swap3A_310, %swap3A_311], %mul3A_309 {strides = array<i32>} : memref<128x64xf32, #tpu.memory_space<vmem>>, vector<16xf32>,
        %get3A_313 = arith.index_cast %add3A_291 : i32 to index
        %get3A_314 = arith.constant 48 : index
        %get3A_315 = tpu.vector_load %arg13[%get3A_313, %get3A_314] {strides = array<i32>} : memref<128x64xf32, #tpu.memory_space<vmem>>, vector<16xf32>,
        %mul3A_316 = arith.mulf %get3A_315, %gather3A_166 : vector<16xf32>
        %swap3A_317 = arith.index_cast %add3A_291 : i32 to index
        %swap3A_318 = arith.constant 48 : index
        %swap3A_319 = tpu.vector_load %arg13[%swap3A_317, %swap3A_318] {strides = array<i32>} : memref<128x64xf32, #tpu.memory_space<vmem>>, vector<16xf32>,
        tpu.vector_store %arg13[%swap3A_317, %swap3A_318], %mul3A_316 {strides = array<i32>} : memref<128x64xf32, #tpu.memory_space<vmem>>, vector<16xf32>,
        %add3A_320 = arith.constant 3 : i32
        %add3A_321 = arith.addi %mul3A_152, %add3A_320 : i32
        %get3A_322 = arith.index_cast %add3A_321 : i32 to index
        %get3A_323 = arith.constant 0 : index
        %get3A_324 = tpu.vector_load %arg13[%get3A_322, %get3A_323] {strides = array<i32>} : memref<128x64xf32, #tpu.memory_space<vmem>>, vector<16xf32>,
        %mul3A_325 = arith.mulf %get3A_324, %gather3A_171 : vector<16xf32>
        %swap3A_326 = arith.index_cast %add3A_321 : i32 to index
        %swap3A_327 = arith.constant 0 : index
        %swap3A_328 = tpu.vector_load %arg13[%swap3A_326, %swap3A_327] {strides = array<i32>} : memref<128x64xf32, #tpu.memory_space<vmem>>, vector<16xf32>,
        tpu.vector_store %arg13[%swap3A_326, %swap3A_327], %mul3A_325 {strides = array<i32>} : memref<128x64xf32, #tpu.memory_space<vmem>>, vector<16xf32>,
        %get3A_329 = arith.index_cast %add3A_321 : i32 to index
        %get3A_330 = arith.constant 16 : index
        %get3A_331 = tpu.vector_load %arg13[%get3A_329, %get3A_330] {strides = array<i32>} : memref<128x64xf32, #tpu.memory_space<vmem>>, vector<16xf32>,
        %mul3A_332 = arith.mulf %get3A_331, %gather3A_171 : vector<16xf32>
        %swap3A_333 = arith.index_cast %add3A_321 : i32 to index
        %swap3A_334 = arith.constant 16 : index
        %swap3A_335 = tpu.vector_load %arg13[%swap3A_333, %swap3A_334] {strides = array<i32>} : memref<128x64xf32, #tpu.memory_space<vmem>>, vector<16xf32>,
        tpu.vector_store %arg13[%swap3A_333, %swap3A_334], %mul3A_332 {strides = array<i32>} : memref<128x64xf32, #tpu.memory_space<vmem>>, vector<16xf32>,
        %get3A_336 = arith.index_cast %add3A_321 : i32 to index
        %get3A_337 = arith.constant 32 : index
        %get3A_338 = tpu.vector_load %arg13[%get3A_336, %get3A_337] {strides = array<i32>} : memref<128x64xf32, #tpu.memory_space<vmem>>, vector<16xf32>,
        %mul3A_339 = arith.mulf %get3A_338, %gather3A_171 : vector<16xf32>
        %swap3A_340 = arith.index_cast %add3A_321 : i32 to index
        %swap3A_341 = arith.constant 32 : index
        %swap3A_342 = tpu.vector_load %arg13[%swap3A_340, %swap3A_341] {strides = array<i32>} : memref<128x64xf32, #tpu.memory_space<vmem>>, vector<16xf32>,
        tpu.vector_store %arg13[%swap3A_340, %swap3A_341], %mul3A_339 {strides = array<i32>} : memref<128x64xf32, #tpu.memory_space<vmem>>, vector<16xf32>,
        %get3A_343 = arith.index_cast %add3A_321 : i32 to index
        %get3A_344 = arith.constant 48 : index
        %get3A_345 = tpu.vector_load %arg13[%get3A_343, %get3A_344] {strides = array<i32>} : memref<128x64xf32, #tpu.memory_space<vmem>>, vector<16xf32>,
        %mul3A_346 = arith.mulf %get3A_345, %gather3A_171 : vector<16xf32>
        %swap3A_347 = arith.index_cast %add3A_321 : i32 to index
        %swap3A_348 = arith.constant 48 : index
        %swap3A_349 = tpu.vector_load %arg13[%swap3A_347, %swap3A_348] {strides = array<i32>} : memref<128x64xf32, #tpu.memory_space<vmem>>, vector<16xf32>,
        tpu.vector_store %arg13[%swap3A_347, %swap3A_348], %mul3A_346 {strides = array<i32>} : memref<128x64xf32, #tpu.memory_space<vmem>>, vector<16xf32>,
        %add3A_350 = arith.constant 4 : i32
        %add3A_351 = arith.addi %mul3A_152, %add3A_350 : i32
        %get3A_352 = arith.index_cast %add3A_351 : i32 to index
        %get3A_353 = arith.constant 0 : index
        %get3A_354 = tpu.vector_load %arg13[%get3A_352, %get3A_353] {strides = array<i32>} : memref<128x64xf32, #tpu.memory_space<vmem>>, vector<16xf32>,
        %mul3A_355 = arith.mulf %get3A_354, %gather3A_176 : vector<16xf32>
        %swap3A_356 = arith.index_cast %add3A_351 : i32 to index
        %swap3A_357 = arith.constant 0 : index
        %swap3A_358 = tpu.vector_load %arg13[%swap3A_356, %swap3A_357] {strides = array<i32>} : memref<128x64xf32, #tpu.memory_space<vmem>>, vector<16xf32>,
        tpu.vector_store %arg13[%swap3A_356, %swap3A_357], %mul3A_355 {strides = array<i32>} : memref<128x64xf32, #tpu.memory_space<vmem>>, vector<16xf32>,
        %get3A_359 = arith.index_cast %add3A_351 : i32 to index
        %get3A_360 = arith.constant 16 : index
        %get3A_361 = tpu.vector_load %arg13[%get3A_359, %get3A_360] {strides = array<i32>} : memref<128x64xf32, #tpu.memory_space<vmem>>, vector<16xf32>,
        %mul3A_362 = arith.mulf %get3A_361, %gather3A_176 : vector<16xf32>
        %swap3A_363 = arith.index_cast %add3A_351 : i32 to index
        %swap3A_364 = arith.constant 16 : index
        %swap3A_365 = tpu.vector_load %arg13[%swap3A_363, %swap3A_364] {strides = array<i32>} : memref<128x64xf32, #tpu.memory_space<vmem>>, vector<16xf32>,
        tpu.vector_store %arg13[%swap3A_363, %swap3A_364], %mul3A_362 {strides = array<i32>} : memref<128x64xf32, #tpu.memory_space<vmem>>, vector<16xf32>,
        %get3A_366 = arith.index_cast %add3A_351 : i32 to index
        %get3A_367 = arith.constant 32 : index
        %get3A_368 = tpu.vector_load %arg13[%get3A_366, %get3A_367] {strides = array<i32>} : memref<128x64xf32, #tpu.memory_space<vmem>>, vector<16xf32>,
        %mul3A_369 = arith.mulf %get3A_368, %gather3A_176 : vector<16xf32>
        %swap3A_370 = arith.index_cast %add3A_351 : i32 to index
        %swap3A_371 = arith.constant 32 : index
        %swap3A_372 = tpu.vector_load %arg13[%swap3A_370, %swap3A_371] {strides = array<i32>} : memref<128x64xf32, #tpu.memory_space<vmem>>, vector<16xf32>,
        tpu.vector_store %arg13[%swap3A_370, %swap3A_371], %mul3A_369 {strides = array<i32>} : memref<128x64xf32, #tpu.memory_space<vmem>>, vector<16xf32>,
        %get3A_373 = arith.index_cast %add3A_351 : i32 to index
        %get3A_374 = arith.constant 48 : index
        %get3A_375 = tpu.vector_load %arg13[%get3A_373, %get3A_374] {strides = array<i32>} : memref<128x64xf32, #tpu.memory_space<vmem>>, vector<16xf32>,
        %mul3A_376 = arith.mulf %get3A_375, %gather3A_176 : vector<16xf32>
        %swap3A_377 = arith.index_cast %add3A_351 : i32 to index
        %swap3A_378 = arith.constant 48 : index
        %swap3A_379 = tpu.vector_load %arg13[%swap3A_377, %swap3A_378] {strides = array<i32>} : memref<128x64xf32, #tpu.memory_space<vmem>>, vector<16xf32>,
        tpu.vector_store %arg13[%swap3A_377, %swap3A_378], %mul3A_376 {strides = array<i32>} : memref<128x64xf32, #tpu.memory_space<vmem>>, vector<16xf32>,
        %add3A_380 = arith.constant 5 : i32
        %add3A_381 = arith.addi %mul3A_152, %add3A_380 : i32
        %get3A_382 = arith.index_cast %add3A_381 : i32 to index
        %get3A_383 = arith.constant 0 : index
        %get3A_384 = tpu.vector_load %arg13[%get3A_382, %get3A_383] {strides = array<i32>} : memref<128x64xf32, #tpu.memory_space<vmem>>, vector<16xf32>,
        %mul3A_385 = arith.mulf %get3A_384, %gather3A_181 : vector<16xf32>
        %swap3A_386 = arith.index_cast %add3A_381 : i32 to index
        %swap3A_387 = arith.constant 0 : index
        %swap3A_388 = tpu.vector_load %arg13[%swap3A_386, %swap3A_387] {strides = array<i32>} : memref<128x64xf32, #tpu.memory_space<vmem>>, vector<16xf32>,
        tpu.vector_store %arg13[%swap3A_386, %swap3A_387], %mul3A_385 {strides = array<i32>} : memref<128x64xf32, #tpu.memory_space<vmem>>, vector<16xf32>,
        %get3A_389 = arith.index_cast %add3A_381 : i32 to index
        %get3A_390 = arith.constant 16 : index
        %get3A_391 = tpu.vector_load %arg13[%get3A_389, %get3A_390] {strides = array<i32>} : memref<128x64xf32, #tpu.memory_space<vmem>>, vector<16xf32>,
        %mul3A_392 = arith.mulf %get3A_391, %gather3A_181 : vector<16xf32>
        %swap3A_393 = arith.index_cast %add3A_381 : i32 to index
        %swap3A_394 = arith.constant 16 : index
        %swap3A_395 = tpu.vector_load %arg13[%swap3A_393, %swap3A_394] {strides = array<i32>} : memref<128x64xf32, #tpu.memory_space<vmem>>, vector<16xf32>,
        tpu.vector_store %arg13[%swap3A_393, %swap3A_394], %mul3A_392 {strides = array<i32>} : memref<128x64xf32, #tpu.memory_space<vmem>>, vector<16xf32>,
        %get3A_396 = arith.index_cast %add3A_381 : i32 to index
        %get3A_397 = arith.constant 32 : index
        %get3A_398 = tpu.vector_load %arg13[%get3A_396, %get3A_397] {strides = array<i32>} : memref<128x64xf32, #tpu.memory_space<vmem>>, vector<16xf32>,
        %mul3A_399 = arith.mulf %get3A_398, %gather3A_181 : vector<16xf32>
        %swap3A_400 = arith.index_cast %add3A_381 : i32 to index
        %swap3A_401 = arith.constant 32 : index
        %swap3A_402 = tpu.vector_load %arg13[%swap3A_400, %swap3A_401] {strides = array<i32>} : memref<128x64xf32, #tpu.memory_space<vmem>>, vector<16xf32>,
        tpu.vector_store %arg13[%swap3A_400, %swap3A_401], %mul3A_399 {strides = array<i32>} : memref<128x64xf32, #tpu.memory_space<vmem>>, vector<16xf32>,
        %get3A_403 = arith.index_cast %add3A_381 : i32 to index
        %get3A_404 = arith.constant 48 : index
        %get3A_405 = tpu.vector_load %arg13[%get3A_403, %get3A_404] {strides = array<i32>} : memref<128x64xf32, #tpu.memory_space<vmem>>, vector<16xf32>,
        %mul3A_406 = arith.mulf %get3A_405, %gather3A_181 : vector<16xf32>
        %swap3A_407 = arith.index_cast %add3A_381 : i32 to index
        %swap3A_408 = arith.constant 48 : index
        %swap3A_409 = tpu.vector_load %arg13[%swap3A_407, %swap3A_408] {strides = array<i32>} : memref<128x64xf32, #tpu.memory_space<vmem>>, vector<16xf32>,
        tpu.vector_store %arg13[%swap3A_407, %swap3A_408], %mul3A_406 {strides = array<i32>} : memref<128x64xf32, #tpu.memory_space<vmem>>, vector<16xf32>,
        %add3A_410 = arith.constant 6 : i32
        %add3A_411 = arith.addi %mul3A_152, %add3A_410 : i32
        %get3A_412 = arith.index_cast %add3A_411 : i32 to index
        %get3A_413 = arith.constant 0 : index
        %get3A_414 = tpu.vector_load %arg13[%get3A_412, %get3A_413] {strides = array<i32>} : memref<128x64xf32, #tpu.memory_space<vmem>>, vector<16xf32>,
        %mul3A_415 = arith.mulf %get3A_414, %gather3A_186 : vector<16xf32>
        %swap3A_416 = arith.index_cast %add3A_411 : i32 to index
        %swap3A_417 = arith.constant 0 : index
        %swap3A_418 = tpu.vector_load %arg13[%swap3A_416, %swap3A_417] {strides = array<i32>} : memref<128x64xf32, #tpu.memory_space<vmem>>, vector<16xf32>,
        tpu.vector_store %arg13[%swap3A_416, %swap3A_417], %mul3A_415 {strides = array<i32>} : memref<128x64xf32, #tpu.memory_space<vmem>>, vector<16xf32>,
        %get3A_419 = arith.index_cast %add3A_411 : i32 to index
        %get3A_420 = arith.constant 16 : index
        %get3A_421 = tpu.vector_load %arg13[%get3A_419, %get3A_420] {strides = array<i32>} : memref<128x64xf32, #tpu.memory_space<vmem>>, vector<16xf32>,
        %mul3A_422 = arith.mulf %get3A_421, %gather3A_186 : vector<16xf32>
        %swap3A_423 = arith.index_cast %add3A_411 : i32 to index
        %swap3A_424 = arith.constant 16 : index
        %swap3A_425 = tpu.vector_load %arg13[%swap3A_423, %swap3A_424] {strides = array<i32>} : memref<128x64xf32, #tpu.memory_space<vmem>>, vector<16xf32>,
        tpu.vector_store %arg13[%swap3A_423, %swap3A_424], %mul3A_422 {strides = array<i32>} : memref<128x64xf32, #tpu.memory_space<vmem>>, vector<16xf32>,
        %get3A_426 = arith.index_cast %add3A_411 : i32 to index
        %get3A_427 = arith.constant 32 : index
        %get3A_428 = tpu.vector_load %arg13[%get3A_426, %get3A_427] {strides = array<i32>} : memref<128x64xf32, #tpu.memory_space<vmem>>, vector<16xf32>,
        %mul3A_429 = arith.mulf %get3A_428, %gather3A_186 : vector<16xf32>
        %swap3A_430 = arith.index_cast %add3A_411 : i32 to index
        %swap3A_431 = arith.constant 32 : index
        %swap3A_432 = tpu.vector_load %arg13[%swap3A_430, %swap3A_431] {strides = array<i32>} : memref<128x64xf32, #tpu.memory_space<vmem>>, vector<16xf32>,
        tpu.vector_store %arg13[%swap3A_430, %swap3A_431], %mul3A_429 {strides = array<i32>} : memref<128x64xf32, #tpu.memory_space<vmem>>, vector<16xf32>,
        %get3A_433 = arith.index_cast %add3A_411 : i32 to index
        %get3A_434 = arith.constant 48 : index
        %get3A_435 = tpu.vector_load %arg13[%get3A_433, %get3A_434] {strides = array<i32>} : memref<128x64xf32, #tpu.memory_space<vmem>>, vector<16xf32>,
        %mul3A_436 = arith.mulf %get3A_435, %gather3A_186 : vector<16xf32>
        %swap3A_437 = arith.index_cast %add3A_411 : i32 to index
        %swap3A_438 = arith.constant 48 : index
        %swap3A_439 = tpu.vector_load %arg13[%swap3A_437, %swap3A_438] {strides = array<i32>} : memref<128x64xf32, #tpu.memory_space<vmem>>, vector<16xf32>,
        tpu.vector_store %arg13[%swap3A_437, %swap3A_438], %mul3A_436 {strides = array<i32>} : memref<128x64xf32, #tpu.memory_space<vmem>>, vector<16xf32>,
        %add3A_440 = arith.constant 7 : i32
        %add3A_441 = arith.addi %mul3A_152, %add3A_440 : i32
        %get3A_442 = arith.index_cast %add3A_441 : i32 to index
        %get3A_443 = arith.constant 0 : index
        %get3A_444 = tpu.vector_load %arg13[%get3A_442, %get3A_443] {strides = array<i32>} : memref<128x64xf32, #tpu.memory_space<vmem>>, vector<16xf32>,
        %mul3A_445 = arith.mulf %get3A_444, %gather3A_191 : vector<16xf32>
        %swap3A_446 = arith.index_cast %add3A_441 : i32 to index
        %swap3A_447 = arith.constant 0 : index
        %swap3A_448 = tpu.vector_load %arg13[%swap3A_446, %swap3A_447] {strides = array<i32>} : memref<128x64xf32, #tpu.memory_space<vmem>>, vector<16xf32>,
        tpu.vector_store %arg13[%swap3A_446, %swap3A_447], %mul3A_445 {strides = array<i32>} : memref<128x64xf32, #tpu.memory_space<vmem>>, vector<16xf32>,
        %get3A_449 = arith.index_cast %add3A_441 : i32 to index
        %get3A_450 = arith.constant 16 : index
        %get3A_451 = tpu.vector_load %arg13[%get3A_449, %get3A_450] {strides = array<i32>} : memref<128x64xf32, #tpu.memory_space<vmem>>, vector<16xf32>,
        %mul3A_452 = arith.mulf %get3A_451, %gather3A_191 : vector<16xf32>
        %swap3A_453 = arith.index_cast %add3A_441 : i32 to index
        %swap3A_454 = arith.constant 16 : index
        %swap3A_455 = tpu.vector_load %arg13[%swap3A_453, %swap3A_454] {strides = array<i32>} : memref<128x64xf32, #tpu.memory_space<vmem>>, vector<16xf32>,
        tpu.vector_store %arg13[%swap3A_453, %swap3A_454], %mul3A_452 {strides = array<i32>} : memref<128x64xf32, #tpu.memory_space<vmem>>, vector<16xf32>,
        %get3A_456 = arith.index_cast %add3A_441 : i32 to index
        %get3A_457 = arith.constant 32 : index
        %get3A_458 = tpu.vector_load %arg13[%get3A_456, %get3A_457] {strides = array<i32>} : memref<128x64xf32, #tpu.memory_space<vmem>>, vector<16xf32>,
        %mul3A_459 = arith.mulf %get3A_458, %gather3A_191 : vector<16xf32>
        %swap3A_460 = arith.index_cast %add3A_441 : i32 to index
        %swap3A_461 = arith.constant 32 : index
        %swap3A_462 = tpu.vector_load %arg13[%swap3A_460, %swap3A_461] {strides = array<i32>} : memref<128x64xf32, #tpu.memory_space<vmem>>, vector<16xf32>,
        tpu.vector_store %arg13[%swap3A_460, %swap3A_461], %mul3A_459 {strides = array<i32>} : memref<128x64xf32, #tpu.memory_space<vmem>>, vector<16xf32>,
        %get3A_463 = arith.index_cast %add3A_441 : i32 to index
        %get3A_464 = arith.constant 48 : index
        %get3A_465 = tpu.vector_load %arg13[%get3A_463, %get3A_464] {strides = array<i32>} : memref<128x64xf32, #tpu.memory_space<vmem>>, vector<16xf32>,
        %mul3A_466 = arith.mulf %get3A_465, %gather3A_191 : vector<16xf32>
        %swap3A_467 = arith.index_cast %add3A_441 : i32 to index
        %swap3A_468 = arith.constant 48 : index
        %swap3A_469 = tpu.vector_load %arg13[%swap3A_467, %swap3A_468] {strides = array<i32>} : memref<128x64xf32, #tpu.memory_space<vmem>>, vector<16xf32>,
        tpu.vector_store %arg13[%swap3A_467, %swap3A_468], %mul3A_466 {strides = array<i32>} : memref<128x64xf32, #tpu.memory_space<vmem>>, vector<16xf32>,
        %add3A_470 = arith.constant 8 : i32
        %add3A_471 = arith.addi %mul3A_152, %add3A_470 : i32
        %get3A_472 = arith.index_cast %add3A_471 : i32 to index
        %get3A_473 = arith.constant 0 : index
        %get3A_474 = tpu.vector_load %arg13[%get3A_472, %get3A_473] {strides = array<i32>} : memref<128x64xf32, #tpu.memory_space<vmem>>, vector<16xf32>,
        %mul3A_475 = arith.mulf %get3A_474, %gather3A_196 : vector<16xf32>
        %swap3A_476 = arith.index_cast %add3A_471 : i32 to index
        %swap3A_477 = arith.constant 0 : index
        %swap3A_478 = tpu.vector_load %arg13[%swap3A_476, %swap3A_477] {strides = array<i32>} : memref<128x64xf32, #tpu.memory_space<vmem>>, vector<16xf32>,
        tpu.vector_store %arg13[%swap3A_476, %swap3A_477], %mul3A_475 {strides = array<i32>} : memref<128x64xf32, #tpu.memory_space<vmem>>, vector<16xf32>,
        %get3A_479 = arith.index_cast %add3A_471 : i32 to index
        %get3A_480 = arith.constant 16 : index
        %get3A_481 = tpu.vector_load %arg13[%get3A_479, %get3A_480] {strides = array<i32>} : memref<128x64xf32, #tpu.memory_space<vmem>>, vector<16xf32>,
        %mul3A_482 = arith.mulf %get3A_481, %gather3A_196 : vector<16xf32>
        %swap3A_483 = arith.index_cast %add3A_471 : i32 to index
        %swap3A_484 = arith.constant 16 : index
        %swap3A_485 = tpu.vector_load %arg13[%swap3A_483, %swap3A_484] {strides = array<i32>} : memref<128x64xf32, #tpu.memory_space<vmem>>, vector<16xf32>,
        tpu.vector_store %arg13[%swap3A_483, %swap3A_484], %mul3A_482 {strides = array<i32>} : memref<128x64xf32, #tpu.memory_space<vmem>>, vector<16xf32>,
        %get3A_486 = arith.index_cast %add3A_471 : i32 to index
        %get3A_487 = arith.constant 32 : index
        %get3A_488 = tpu.vector_load %arg13[%get3A_486, %get3A_487] {strides = array<i32>} : memref<128x64xf32, #tpu.memory_space<vmem>>, vector<16xf32>,
        %mul3A_489 = arith.mulf %get3A_488, %gather3A_196 : vector<16xf32>
        %swap3A_490 = arith.index_cast %add3A_471 : i32 to index
        %swap3A_491 = arith.constant 32 : index
        %swap3A_492 = tpu.vector_load %arg13[%swap3A_490, %swap3A_491] {strides = array<i32>} : memref<128x64xf32, #tpu.memory_space<vmem>>, vector<16xf32>,
        tpu.vector_store %arg13[%swap3A_490, %swap3A_491], %mul3A_489 {strides = array<i32>} : memref<128x64xf32, #tpu.memory_space<vmem>>, vector<16xf32>,
        %get3A_493 = arith.index_cast %add3A_471 : i32 to index
        %get3A_494 = arith.constant 48 : index
        %get3A_495 = tpu.vector_load %arg13[%get3A_493, %get3A_494] {strides = array<i32>} : memref<128x64xf32, #tpu.memory_space<vmem>>, vector<16xf32>,
        %mul3A_496 = arith.mulf %get3A_495, %gather3A_196 : vector<16xf32>
        %swap3A_497 = arith.index_cast %add3A_471 : i32 to index
        %swap3A_498 = arith.constant 48 : index
        %swap3A_499 = tpu.vector_load %arg13[%swap3A_497, %swap3A_498] {strides = array<i32>} : memref<128x64xf32, #tpu.memory_space<vmem>>, vector<16xf32>,
        tpu.vector_store %arg13[%swap3A_497, %swap3A_498], %mul3A_496 {strides = array<i32>} : memref<128x64xf32, #tpu.memory_space<vmem>>, vector<16xf32>,
        %add3A_500 = arith.constant 9 : i32
        %add3A_501 = arith.addi %mul3A_152, %add3A_500 : i32
        %get3A_502 = arith.index_cast %add3A_501 : i32 to index
        %get3A_503 = arith.constant 0 : index
        %get3A_504 = tpu.vector_load %arg13[%get3A_502, %get3A_503] {strides = array<i32>} : memref<128x64xf32, #tpu.memory_space<vmem>>, vector<16xf32>,
        %mul3A_505 = arith.mulf %get3A_504, %gather3A_201 : vector<16xf32>
        %swap3A_506 = arith.index_cast %add3A_501 : i32 to index
        %swap3A_507 = arith.constant 0 : index
        %swap3A_508 = tpu.vector_load %arg13[%swap3A_506, %swap3A_507] {strides = array<i32>} : memref<128x64xf32, #tpu.memory_space<vmem>>, vector<16xf32>,
        tpu.vector_store %arg13[%swap3A_506, %swap3A_507], %mul3A_505 {strides = array<i32>} : memref<128x64xf32, #tpu.memory_space<vmem>>, vector<16xf32>,
        %get3A_509 = arith.index_cast %add3A_501 : i32 to index
        %get3A_510 = arith.constant 16 : index
        %get3A_511 = tpu.vector_load %arg13[%get3A_509, %get3A_510] {strides = array<i32>} : memref<128x64xf32, #tpu.memory_space<vmem>>, vector<16xf32>,
        %mul3A_512 = arith.mulf %get3A_511, %gather3A_201 : vector<16xf32>
        %swap3A_513 = arith.index_cast %add3A_501 : i32 to index
        %swap3A_514 = arith.constant 16 : index
        %swap3A_515 = tpu.vector_load %arg13[%swap3A_513, %swap3A_514] {strides = array<i32>} : memref<128x64xf32, #tpu.memory_space<vmem>>, vector<16xf32>,
        tpu.vector_store %arg13[%swap3A_513, %swap3A_514], %mul3A_512 {strides = array<i32>} : memref<128x64xf32, #tpu.memory_space<vmem>>, vector<16xf32>,
        %get3A_516 = arith.index_cast %add3A_501 : i32 to index
        %get3A_517 = arith.constant 32 : index
        %get3A_518 = tpu.vector_load %arg13[%get3A_516, %get3A_517] {strides = array<i32>} : memref<128x64xf32, #tpu.memory_space<vmem>>, vector<16xf32>,
        %mul3A_519 = arith.mulf %get3A_518, %gather3A_201 : vector<16xf32>
        %swap3A_520 = arith.index_cast %add3A_501 : i32 to index
        %swap3A_521 = arith.constant 32 : index
        %swap3A_522 = tpu.vector_load %arg13[%swap3A_520, %swap3A_521] {strides = array<i32>} : memref<128x64xf32, #tpu.memory_space<vmem>>, vector<16xf32>,
        tpu.vector_store %arg13[%swap3A_520, %swap3A_521], %mul3A_519 {strides = array<i32>} : memref<128x64xf32, #tpu.memory_space<vmem>>, vector<16xf32>,
        %get3A_523 = arith.index_cast %add3A_501 : i32 to index
        %get3A_524 = arith.constant 48 : index
        %get3A_525 = tpu.vector_load %arg13[%get3A_523, %get3A_524] {strides = array<i32>} : memref<128x64xf32, #tpu.memory_space<vmem>>, vector<16xf32>,
        %mul3A_526 = arith.mulf %get3A_525, %gather3A_201 : vector<16xf32>
        %swap3A_527 = arith.index_cast %add3A_501 : i32 to index
        %swap3A_528 = arith.constant 48 : index
        %swap3A_529 = tpu.vector_load %arg13[%swap3A_527, %swap3A_528] {strides = array<i32>} : memref<128x64xf32, #tpu.memory_space<vmem>>, vector<16xf32>,
        tpu.vector_store %arg13[%swap3A_527, %swap3A_528], %mul3A_526 {strides = array<i32>} : memref<128x64xf32, #tpu.memory_space<vmem>>, vector<16xf32>,
        %add3A_530 = arith.constant 10 : i32
        %add3A_531 = arith.addi %mul3A_152, %add3A_530 : i32
        %get3A_532 = arith.index_cast %add3A_531 : i32 to index
        %get3A_533 = arith.constant 0 : index
        %get3A_534 = tpu.vector_load %arg13[%get3A_532, %get3A_533] {strides = array<i32>} : memref<128x64xf32, #tpu.memory_space<vmem>>, vector<16xf32>,
        %mul3A_535 = arith.mulf %get3A_534, %gather3A_206 : vector<16xf32>
        %swap3A_536 = arith.index_cast %add3A_531 : i32 to index
        %swap3A_537 = arith.constant 0 : index
        %swap3A_538 = tpu.vector_load %arg13[%swap3A_536, %swap3A_537] {strides = array<i32>} : memref<128x64xf32, #tpu.memory_space<vmem>>, vector<16xf32>,
        tpu.vector_store %arg13[%swap3A_536, %swap3A_537], %mul3A_535 {strides = array<i32>} : memref<128x64xf32, #tpu.memory_space<vmem>>, vector<16xf32>,
        %get3A_539 = arith.index_cast %add3A_531 : i32 to index
        %get3A_540 = arith.constant 16 : index
        %get3A_541 = tpu.vector_load %arg13[%get3A_539, %get3A_540] {strides = array<i32>} : memref<128x64xf32, #tpu.memory_space<vmem>>, vector<16xf32>,
        %mul3A_542 = arith.mulf %get3A_541, %gather3A_206 : vector<16xf32>
        %swap3A_543 = arith.index_cast %add3A_531 : i32 to index
        %swap3A_544 = arith.constant 16 : index
        %swap3A_545 = tpu.vector_load %arg13[%swap3A_543, %swap3A_544] {strides = array<i32>} : memref<128x64xf32, #tpu.memory_space<vmem>>, vector<16xf32>,
        tpu.vector_store %arg13[%swap3A_543, %swap3A_544], %mul3A_542 {strides = array<i32>} : memref<128x64xf32, #tpu.memory_space<vmem>>, vector<16xf32>,
        %get3A_546 = arith.index_cast %add3A_531 : i32 to index
        %get3A_547 = arith.constant 32 : index
        %get3A_548 = tpu.vector_load %arg13[%get3A_546, %get3A_547] {strides = array<i32>} : memref<128x64xf32, #tpu.memory_space<vmem>>, vector<16xf32>,
        %mul3A_549 = arith.mulf %get3A_548, %gather3A_206 : vector<16xf32>
        %swap3A_550 = arith.index_cast %add3A_531 : i32 to index
        %swap3A_551 = arith.constant 32 : index
        %swap3A_552 = tpu.vector_load %arg13[%swap3A_550, %swap3A_551] {strides = array<i32>} : memref<128x64xf32, #tpu.memory_space<vmem>>, vector<16xf32>,
        tpu.vector_store %arg13[%swap3A_550, %swap3A_551], %mul3A_549 {strides = array<i32>} : memref<128x64xf32, #tpu.memory_space<vmem>>, vector<16xf32>,
        %get3A_553 = arith.index_cast %add3A_531 : i32 to index
        %get3A_554 = arith.constant 48 : index
        %get3A_555 = tpu.vector_load %arg13[%get3A_553, %get3A_554] {strides = array<i32>} : memref<128x64xf32, #tpu.memory_space<vmem>>, vector<16xf32>,
        %mul3A_556 = arith.mulf %get3A_555, %gather3A_206 : vector<16xf32>
        %swap3A_557 = arith.index_cast %add3A_531 : i32 to index
        %swap3A_558 = arith.constant 48 : index
        %swap3A_559 = tpu.vector_load %arg13[%swap3A_557, %swap3A_558] {strides = array<i32>} : memref<128x64xf32, #tpu.memory_space<vmem>>, vector<16xf32>,
        tpu.vector_store %arg13[%swap3A_557, %swap3A_558], %mul3A_556 {strides = array<i32>} : memref<128x64xf32, #tpu.memory_space<vmem>>, vector<16xf32>,
        %add3A_560 = arith.constant 11 : i32
        %add3A_561 = arith.addi %mul3A_152, %add3A_560 : i32
        %get3A_562 = arith.index_cast %add3A_561 : i32 to index
        %get3A_563 = arith.constant 0 : index
        %get3A_564 = tpu.vector_load %arg13[%get3A_562, %get3A_563] {strides = array<i32>} : memref<128x64xf32, #tpu.memory_space<vmem>>, vector<16xf32>,
        %mul3A_565 = arith.mulf %get3A_564, %gather3A_211 : vector<16xf32>
        %swap3A_566 = arith.index_cast %add3A_561 : i32 to index
        %swap3A_567 = arith.constant 0 : index
        %swap3A_568 = tpu.vector_load %arg13[%swap3A_566, %swap3A_567] {strides = array<i32>} : memref<128x64xf32, #tpu.memory_space<vmem>>, vector<16xf32>,
        tpu.vector_store %arg13[%swap3A_566, %swap3A_567], %mul3A_565 {strides = array<i32>} : memref<128x64xf32, #tpu.memory_space<vmem>>, vector<16xf32>,
        %get3A_569 = arith.index_cast %add3A_561 : i32 to index
        %get3A_570 = arith.constant 16 : index
        %get3A_571 = tpu.vector_load %arg13[%get3A_569, %get3A_570] {strides = array<i32>} : memref<128x64xf32, #tpu.memory_space<vmem>>, vector<16xf32>,
        %mul3A_572 = arith.mulf %get3A_571, %gather3A_211 : vector<16xf32>
        %swap3A_573 = arith.index_cast %add3A_561 : i32 to index
        %swap3A_574 = arith.constant 16 : index
        %swap3A_575 = tpu.vector_load %arg13[%swap3A_573, %swap3A_574] {strides = array<i32>} : memref<128x64xf32, #tpu.memory_space<vmem>>, vector<16xf32>,
        tpu.vector_store %arg13[%swap3A_573, %swap3A_574], %mul3A_572 {strides = array<i32>} : memref<128x64xf32, #tpu.memory_space<vmem>>, vector<16xf32>,
        %get3A_576 = arith.index_cast %add3A_561 : i32 to index
        %get3A_577 = arith.constant 32 : index
        %get3A_578 = tpu.vector_load %arg13[%get3A_576, %get3A_577] {strides = array<i32>} : memref<128x64xf32, #tpu.memory_space<vmem>>, vector<16xf32>,
        %mul3A_579 = arith.mulf %get3A_578, %gather3A_211 : vector<16xf32>
        %swap3A_580 = arith.index_cast %add3A_561 : i32 to index
        %swap3A_581 = arith.constant 32 : index
        %swap3A_582 = tpu.vector_load %arg13[%swap3A_580, %swap3A_581] {strides = array<i32>} : memref<128x64xf32, #tpu.memory_space<vmem>>, vector<16xf32>,
        tpu.vector_store %arg13[%swap3A_580, %swap3A_581], %mul3A_579 {strides = array<i32>} : memref<128x64xf32, #tpu.memory_space<vmem>>, vector<16xf32>,
        %get3A_583 = arith.index_cast %add3A_561 : i32 to index
        %get3A_584 = arith.constant 48 : index
        %get3A_585 = tpu.vector_load %arg13[%get3A_583, %get3A_584] {strides = array<i32>} : memref<128x64xf32, #tpu.memory_space<vmem>>, vector<16xf32>,
        %mul3A_586 = arith.mulf %get3A_585, %gather3A_211 : vector<16xf32>
        %swap3A_587 = arith.index_cast %add3A_561 : i32 to index
        %swap3A_588 = arith.constant 48 : index
        %swap3A_589 = tpu.vector_load %arg13[%swap3A_587, %swap3A_588] {strides = array<i32>} : memref<128x64xf32, #tpu.memory_space<vmem>>, vector<16xf32>,
        tpu.vector_store %arg13[%swap3A_587, %swap3A_588], %mul3A_586 {strides = array<i32>} : memref<128x64xf32, #tpu.memory_space<vmem>>, vector<16xf32>,
        %add3A_590 = arith.constant 12 : i32
        %add3A_591 = arith.addi %mul3A_152, %add3A_590 : i32
        %get3A_592 = arith.index_cast %add3A_591 : i32 to index
        %get3A_593 = arith.constant 0 : index
        %get3A_594 = tpu.vector_load %arg13[%get3A_592, %get3A_593] {strides = array<i32>} : memref<128x64xf32, #tpu.memory_space<vmem>>, vector<16xf32>,
        %mul3A_595 = arith.mulf %get3A_594, %gather3A_216 : vector<16xf32>
        %swap3A_596 = arith.index_cast %add3A_591 : i32 to index
        %swap3A_597 = arith.constant 0 : index
        %swap3A_598 = tpu.vector_load %arg13[%swap3A_596, %swap3A_597] {strides = array<i32>} : memref<128x64xf32, #tpu.memory_space<vmem>>, vector<16xf32>,
        tpu.vector_store %arg13[%swap3A_596, %swap3A_597], %mul3A_595 {strides = array<i32>} : memref<128x64xf32, #tpu.memory_space<vmem>>, vector<16xf32>,
        %get3A_599 = arith.index_cast %add3A_591 : i32 to index
        %get3A_600 = arith.constant 16 : index
        %get3A_601 = tpu.vector_load %arg13[%get3A_599, %get3A_600] {strides = array<i32>} : memref<128x64xf32, #tpu.memory_space<vmem>>, vector<16xf32>,
        %mul3A_602 = arith.mulf %get3A_601, %gather3A_216 : vector<16xf32>
        %swap3A_603 = arith.index_cast %add3A_591 : i32 to index
        %swap3A_604 = arith.constant 16 : index
        %swap3A_605 = tpu.vector_load %arg13[%swap3A_603, %swap3A_604] {strides = array<i32>} : memref<128x64xf32, #tpu.memory_space<vmem>>, vector<16xf32>,
        tpu.vector_store %arg13[%swap3A_603, %swap3A_604], %mul3A_602 {strides = array<i32>} : memref<128x64xf32, #tpu.memory_space<vmem>>, vector<16xf32>,
        %get3A_606 = arith.index_cast %add3A_591 : i32 to index
        %get3A_607 = arith.constant 32 : index
        %get3A_608 = tpu.vector_load %arg13[%get3A_606, %get3A_607] {strides = array<i32>} : memref<128x64xf32, #tpu.memory_space<vmem>>, vector<16xf32>,
        %mul3A_609 = arith.mulf %get3A_608, %gather3A_216 : vector<16xf32>
        %swap3A_610 = arith.index_cast %add3A_591 : i32 to index
        %swap3A_611 = arith.constant 32 : index
        %swap3A_612 = tpu.vector_load %arg13[%swap3A_610, %swap3A_611] {strides = array<i32>} : memref<128x64xf32, #tpu.memory_space<vmem>>, vector<16xf32>,
        tpu.vector_store %arg13[%swap3A_610, %swap3A_611], %mul3A_609 {strides = array<i32>} : memref<128x64xf32, #tpu.memory_space<vmem>>, vector<16xf32>,
        %get3A_613 = arith.index_cast %add3A_591 : i32 to index
        %get3A_614 = arith.constant 48 : index
        %get3A_615 = tpu.vector_load %arg13[%get3A_613, %get3A_614] {strides = array<i32>} : memref<128x64xf32, #tpu.memory_space<vmem>>, vector<16xf32>,
        %mul3A_616 = arith.mulf %get3A_615, %gather3A_216 : vector<16xf32>
        %swap3A_617 = arith.index_cast %add3A_591 : i32 to index
        %swap3A_618 = arith.constant 48 : index
        %swap3A_619 = tpu.vector_load %arg13[%swap3A_617, %swap3A_618] {strides = array<i32>} : memref<128x64xf32, #tpu.memory_space<vmem>>, vector<16xf32>,
        tpu.vector_store %arg13[%swap3A_617, %swap3A_618], %mul3A_616 {strides = array<i32>} : memref<128x64xf32, #tpu.memory_space<vmem>>, vector<16xf32>,
        %add3A_620 = arith.constant 13 : i32
        %add3A_621 = arith.addi %mul3A_152, %add3A_620 : i32
        %get3A_622 = arith.index_cast %add3A_621 : i32 to index
        %get3A_623 = arith.constant 0 : index
        %get3A_624 = tpu.vector_load %arg13[%get3A_622, %get3A_623] {strides = array<i32>} : memref<128x64xf32, #tpu.memory_space<vmem>>, vector<16xf32>,
        %mul3A_625 = arith.mulf %get3A_624, %gather3A_221 : vector<16xf32>
        %swap3A_626 = arith.index_cast %add3A_621 : i32 to index
        %swap3A_627 = arith.constant 0 : index
        %swap3A_628 = tpu.vector_load %arg13[%swap3A_626, %swap3A_627] {strides = array<i32>} : memref<128x64xf32, #tpu.memory_space<vmem>>, vector<16xf32>,
        tpu.vector_store %arg13[%swap3A_626, %swap3A_627], %mul3A_625 {strides = array<i32>} : memref<128x64xf32, #tpu.memory_space<vmem>>, vector<16xf32>,
        %get3A_629 = arith.index_cast %add3A_621 : i32 to index
        %get3A_630 = arith.constant 16 : index
        %get3A_631 = tpu.vector_load %arg13[%get3A_629, %get3A_630] {strides = array<i32>} : memref<128x64xf32, #tpu.memory_space<vmem>>, vector<16xf32>,
        %mul3A_632 = arith.mulf %get3A_631, %gather3A_221 : vector<16xf32>
        %swap3A_633 = arith.index_cast %add3A_621 : i32 to index
        %swap3A_634 = arith.constant 16 : index
        %swap3A_635 = tpu.vector_load %arg13[%swap3A_633, %swap3A_634] {strides = array<i32>} : memref<128x64xf32, #tpu.memory_space<vmem>>, vector<16xf32>,
        tpu.vector_store %arg13[%swap3A_633, %swap3A_634], %mul3A_632 {strides = array<i32>} : memref<128x64xf32, #tpu.memory_space<vmem>>, vector<16xf32>,
        %get3A_636 = arith.index_cast %add3A_621 : i32 to index
        %get3A_637 = arith.constant 32 : index
        %get3A_638 = tpu.vector_load %arg13[%get3A_636, %get3A_637] {strides = array<i32>} : memref<128x64xf32, #tpu.memory_space<vmem>>, vector<16xf32>,
        %mul3A_639 = arith.mulf %get3A_638, %gather3A_221 : vector<16xf32>
        %swap3A_640 = arith.index_cast %add3A_621 : i32 to index
        %swap3A_641 = arith.constant 32 : index
        %swap3A_642 = tpu.vector_load %arg13[%swap3A_640, %swap3A_641] {strides = array<i32>} : memref<128x64xf32, #tpu.memory_space<vmem>>, vector<16xf32>,
        tpu.vector_store %arg13[%swap3A_640, %swap3A_641], %mul3A_639 {strides = array<i32>} : memref<128x64xf32, #tpu.memory_space<vmem>>, vector<16xf32>,
        %get3A_643 = arith.index_cast %add3A_621 : i32 to index
        %get3A_644 = arith.constant 48 : index
        %get3A_645 = tpu.vector_load %arg13[%get3A_643, %get3A_644] {strides = array<i32>} : memref<128x64xf32, #tpu.memory_space<vmem>>, vector<16xf32>,
        %mul3A_646 = arith.mulf %get3A_645, %gather3A_221 : vector<16xf32>
        %swap3A_647 = arith.index_cast %add3A_621 : i32 to index
        %swap3A_648 = arith.constant 48 : index
        %swap3A_649 = tpu.vector_load %arg13[%swap3A_647, %swap3A_648] {strides = array<i32>} : memref<128x64xf32, #tpu.memory_space<vmem>>, vector<16xf32>,
        tpu.vector_store %arg13[%swap3A_647, %swap3A_648], %mul3A_646 {strides = array<i32>} : memref<128x64xf32, #tpu.memory_space<vmem>>, vector<16xf32>,
        %add3A_650 = arith.constant 14 : i32
        %add3A_651 = arith.addi %mul3A_152, %add3A_650 : i32
        %get3A_652 = arith.index_cast %add3A_651 : i32 to index
        %get3A_653 = arith.constant 0 : index
        %get3A_654 = tpu.vector_load %arg13[%get3A_652, %get3A_653] {strides = array<i32>} : memref<128x64xf32, #tpu.memory_space<vmem>>, vector<16xf32>,
        %mul3A_655 = arith.mulf %get3A_654, %gather3A_226 : vector<16xf32>
        %swap3A_656 = arith.index_cast %add3A_651 : i32 to index
        %swap3A_657 = arith.constant 0 : index
        %swap3A_658 = tpu.vector_load %arg13[%swap3A_656, %swap3A_657] {strides = array<i32>} : memref<128x64xf32, #tpu.memory_space<vmem>>, vector<16xf32>,
        tpu.vector_store %arg13[%swap3A_656, %swap3A_657], %mul3A_655 {strides = array<i32>} : memref<128x64xf32, #tpu.memory_space<vmem>>, vector<16xf32>,
        %get3A_659 = arith.index_cast %add3A_651 : i32 to index
        %get3A_660 = arith.constant 16 : index
        %get3A_661 = tpu.vector_load %arg13[%get3A_659, %get3A_660] {strides = array<i32>} : memref<128x64xf32, #tpu.memory_space<vmem>>, vector<16xf32>,
        %mul3A_662 = arith.mulf %get3A_661, %gather3A_226 : vector<16xf32>
        %swap3A_663 = arith.index_cast %add3A_651 : i32 to index
        %swap3A_664 = arith.constant 16 : index
        %swap3A_665 = tpu.vector_load %arg13[%swap3A_663, %swap3A_664] {strides = array<i32>} : memref<128x64xf32, #tpu.memory_space<vmem>>, vector<16xf32>,
        tpu.vector_store %arg13[%swap3A_663, %swap3A_664], %mul3A_662 {strides = array<i32>} : memref<128x64xf32, #tpu.memory_space<vmem>>, vector<16xf32>,
        %get3A_666 = arith.index_cast %add3A_651 : i32 to index
        %get3A_667 = arith.constant 32 : index
        %get3A_668 = tpu.vector_load %arg13[%get3A_666, %get3A_667] {strides = array<i32>} : memref<128x64xf32, #tpu.memory_space<vmem>>, vector<16xf32>,
        %mul3A_669 = arith.mulf %get3A_668, %gather3A_226 : vector<16xf32>
        %swap3A_670 = arith.index_cast %add3A_651 : i32 to index
        %swap3A_671 = arith.constant 32 : index
        %swap3A_672 = tpu.vector_load %arg13[%swap3A_670, %swap3A_671] {strides = array<i32>} : memref<128x64xf32, #tpu.memory_space<vmem>>, vector<16xf32>,
        tpu.vector_store %arg13[%swap3A_670, %swap3A_671], %mul3A_669 {strides = array<i32>} : memref<128x64xf32, #tpu.memory_space<vmem>>, vector<16xf32>,
        %get3A_673 = arith.index_cast %add3A_651 : i32 to index
        %get3A_674 = arith.constant 48 : index
        %get3A_675 = tpu.vector_load %arg13[%get3A_673, %get3A_674] {strides = array<i32>} : memref<128x64xf32, #tpu.memory_space<vmem>>, vector<16xf32>,
        %mul3A_676 = arith.mulf %get3A_675, %gather3A_226 : vector<16xf32>
        %swap3A_677 = arith.index_cast %add3A_651 : i32 to index
        %swap3A_678 = arith.constant 48 : index
        %swap3A_679 = tpu.vector_load %arg13[%swap3A_677, %swap3A_678] {strides = array<i32>} : memref<128x64xf32, #tpu.memory_space<vmem>>, vector<16xf32>,
        tpu.vector_store %arg13[%swap3A_677, %swap3A_678], %mul3A_676 {strides = array<i32>} : memref<128x64xf32, #tpu.memory_space<vmem>>, vector<16xf32>,
        %add3A_680 = arith.constant 15 : i32
        %add3A_681 = arith.addi %mul3A_152, %add3A_680 : i32
        %get3A_682 = arith.index_cast %add3A_681 : i32 to index
        %get3A_683 = arith.constant 0 : index
        %get3A_684 = tpu.vector_load %arg13[%get3A_682, %get3A_683] {strides = array<i32>} : memref<128x64xf32, #tpu.memory_space<vmem>>, vector<16xf32>,
        %mul3A_685 = arith.mulf %get3A_684, %gather3A_231 : vector<16xf32>
        %swap3A_686 = arith.index_cast %add3A_681 : i32 to index
        %swap3A_687 = arith.constant 0 : index
        %swap3A_688 = tpu.vector_load %arg13[%swap3A_686, %swap3A_687] {strides = array<i32>} : memref<128x64xf32, #tpu.memory_space<vmem>>, vector<16xf32>,
        tpu.vector_store %arg13[%swap3A_686, %swap3A_687], %mul3A_685 {strides = array<i32>} : memref<128x64xf32, #tpu.memory_space<vmem>>, vector<16xf32>,
        %get3A_689 = arith.index_cast %add3A_681 : i32 to index
        %get3A_690 = arith.constant 16 : index
        %get3A_691 = tpu.vector_load %arg13[%get3A_689, %get3A_690] {strides = array<i32>} : memref<128x64xf32, #tpu.memory_space<vmem>>, vector<16xf32>,
        %mul3A_692 = arith.mulf %get3A_691, %gather3A_231 : vector<16xf32>
        %swap3A_693 = arith.index_cast %add3A_681 : i32 to index
        %swap3A_694 = arith.constant 16 : index
        %swap3A_695 = tpu.vector_load %arg13[%swap3A_693, %swap3A_694] {strides = array<i32>} : memref<128x64xf32, #tpu.memory_space<vmem>>, vector<16xf32>,
        tpu.vector_store %arg13[%swap3A_693, %swap3A_694], %mul3A_692 {strides = array<i32>} : memref<128x64xf32, #tpu.memory_space<vmem>>, vector<16xf32>,
        %get3A_696 = arith.index_cast %add3A_681 : i32 to index
        %get3A_697 = arith.constant 32 : index
        %get3A_698 = tpu.vector_load %arg13[%get3A_696, %get3A_697] {strides = array<i32>} : memref<128x64xf32, #tpu.memory_space<vmem>>, vector<16xf32>,
        %mul3A_699 = arith.mulf %get3A_698, %gather3A_231 : vector<16xf32>
        %swap3A_700 = arith.index_cast %add3A_681 : i32 to index
        %swap3A_701 = arith.constant 32 : index
        %swap3A_702 = tpu.vector_load %arg13[%swap3A_700, %swap3A_701] {strides = array<i32>} : memref<128x64xf32, #tpu.memory_space<vmem>>, vector<16xf32>,
        tpu.vector_store %arg13[%swap3A_700, %swap3A_701], %mul3A_699 {strides = array<i32>} : memref<128x64xf32, #tpu.memory_space<vmem>>, vector<16xf32>,
        %get3A_703 = arith.index_cast %add3A_681 : i32 to index
        %get3A_704 = arith.constant 48 : index
        %get3A_705 = tpu.vector_load %arg13[%get3A_703, %get3A_704] {strides = array<i32>} : memref<128x64xf32, #tpu.memory_space<vmem>>, vector<16xf32>,
        %mul3A_706 = arith.mulf %get3A_705, %gather3A_231 : vector<16xf32>
        %swap3A_707 = arith.index_cast %add3A_681 : i32 to index
        %swap3A_708 = arith.constant 48 : index
        %swap3A_709 = tpu.vector_load %arg13[%swap3A_707, %swap3A_708] {strides = array<i32>} : memref<128x64xf32, #tpu.memory_space<vmem>>, vector<16xf32>,
        tpu.vector_store %arg13[%swap3A_707, %swap3A_708], %mul3A_706 {strides = array<i32>} : memref<128x64xf32, #tpu.memory_space<vmem>>, vector<16xf32>,
      }
      %scan3A_116 = arith.constant 8 : i32
      "tpu.region"() ({
        %run_scoped3A = tpu.sem_alloc : memref<!tpu.dma_semaphore, #tpu.memory_space<semaphore_mem>>
        %dma_start3A_146 = arith.constant 0 : i32
        %dma_start3A_147 = tpu.memref_slice %arg11[%add3A_103, %dma_start3A_146] : memref<158x128xi32, #tpu.memory_space<vmem>> -> memref<1x128xi32, #tpu.memory_space<vmem>>
        %dma_start3A_148 = tpu.memref_squeeze %dma_start3A_147 : memref<1x128xi32, #tpu.memory_space<vmem>> -> memref<128xi32, #tpu.memory_space<vmem>>
        %dma_start3A_149 = arith.constant 0 : i32
        %dma_start3A_150 = arith.constant 0 : i32
        %dma_start3A_151 = tpu.memref_slice %arg15[%dma_start3A_149, %dma_start3A_150] : memref<10240x64xf32, #tpu.memory_space<vmem_shared>> -> memref<10240x64xf32, #tpu.memory_space<vmem_shared>>
        tpu.enqueue_indirect_dma source(%arg13 : memref<128x64xf32, #tpu.memory_space<vmem>>) target(%dma_start3A_151 : memref<10240x64xf32, #tpu.memory_space<vmem_shared>>) offsets(%dma_start3A_148 : memref<128xi32, #tpu.memory_space<vmem>>) semaphore(%run_scoped3A : memref<!tpu.dma_semaphore, #tpu.memory_space<semaphore_mem>>) {add = true}
        %dma_wait3A_152 = arith.constant 0 : i32
        %dma_wait3A_153 = tpu.memref_slice %arg11[%add3A_103, %dma_wait3A_152] : memref<158x128xi32, #tpu.memory_space<vmem>> -> memref<1x128xi32, #tpu.memory_space<vmem>>
        %dma_wait3A_154 = tpu.memref_squeeze %dma_wait3A_153 : memref<1x128xi32, #tpu.memory_space<vmem>> -> memref<128xi32, #tpu.memory_space<vmem>>
        %dma_wait3A_155 = arith.constant 0 : i32
        %dma_wait3A_156 = arith.constant 0 : i32
        %dma_wait3A_157 = tpu.memref_slice %arg15[%dma_wait3A_155, %dma_wait3A_156] : memref<10240x64xf32, #tpu.memory_space<vmem_shared>> -> memref<10240x64xf32, #tpu.memory_space<vmem_shared>>
        tpu.wait_indirect_dma semaphore(%run_scoped3A : memref<!tpu.dma_semaphore, #tpu.memory_space<semaphore_mem>>) src(%arg13 : memref<128x64xf32, #tpu.memory_space<vmem>>) dst(%dma_wait3A_157 : memref<10240x64xf32, #tpu.memory_space<vmem_shared>>)
        tpu.yield
      }) : () -> ()
      %add3A_117 = arith.constant 2 : i32
      %add3A_118 = arith.addi %add3A_103, %add3A_117 : i32
      %lt3A = arith.constant 158 : i32
      %lt3A_119 = arith.cmpi slt, %add3A_118, %lt3A : i32
      %convert_element_type3A = arith.extui %lt3A_119 : i1 to i32
      %cond3A = arith.constant 0 : i32
      %cond3A_120 = arith.cmpi ne, %convert_element_type3A, %cond3A : i32
      scf.if %cond3A_120 {
        %add3A_146 = arith.constant 2 : i32
        %add3A_147 = arith.addi %add3A_103, %add3A_146 : i32
        %dma_start3A_148 = arith.constant 0 : i32
        %dma_start3A_149 = tpu.memref_slice %arg10[%add3A_147, %dma_start3A_148] : memref<158x128xi32, #tpu.memory_space<vmem>> -> memref<1x128xi32, #tpu.memory_space<vmem>>
        %dma_start3A_150 = tpu.memref_squeeze %dma_start3A_149 : memref<1x128xi32, #tpu.memory_space<vmem>> -> memref<128xi32, #tpu.memory_space<vmem>>
        %dma_start3A_151 = arith.constant 0 : i32
        %dma_start3A_152 = arith.constant 0 : i32
        %dma_start3A_153 = tpu.memref_slice %arg7[%dma_start3A_151, %dma_start3A_152] : memref<20480x64xf32, #tpu.memory_space<hbm>> -> memref<20480x64xf32, #tpu.memory_space<hbm>>
        tpu.enqueue_indirect_dma source(%dma_start3A_153 : memref<20480x64xf32, #tpu.memory_space<hbm>>) target(%arg13 : memref<128x64xf32, #tpu.memory_space<vmem>>) offsets(%dma_start3A_150 : memref<128xi32, #tpu.memory_space<vmem>>) semaphore(%arg16 : memref<!tpu.dma_semaphore, #tpu.memory_space<semaphore_mem>>)
      } else {
      }
      %mul3A_121 = arith.constant 2 : i32
      %mul3A_122 = arith.muli %mul3A_121, %add3A_99 : i32
      %add3A_123 = arith.constant 1 : i32
      %add3A_124 = arith.addi %mul3A_122, %add3A_123 : i32
      %dma_wait3A_125 = arith.constant 0 : i32
      %dma_wait3A_126 = tpu.memref_slice %arg10[%add3A_124, %dma_wait3A_125] : memref<158x128xi32, #tpu.memory_space<vmem>> -> memref<1x128xi32, #tpu.memory_space<vmem>>
      %dma_wait3A_127 = tpu.memref_squeeze %dma_wait3A_126 : memref<1x128xi32, #tpu.memory_space<vmem>> -> memref<128xi32, #tpu.memory_space<vmem>>
      %dma_wait3A_128 = arith.constant 0 : i32
      %dma_wait3A_129 = arith.constant 0 : i32
      %dma_wait3A_130 = tpu.memref_slice %arg7[%dma_wait3A_128, %dma_wait3A_129] : memref<20480x64xf32, #tpu.memory_space<hbm>> -> memref<20480x64xf32, #tpu.memory_space<hbm>>
      tpu.wait_indirect_dma semaphore(%arg17 : memref<!tpu.dma_semaphore, #tpu.memory_space<semaphore_mem>>) src(%dma_wait3A_130 : memref<20480x64xf32, #tpu.memory_space<hbm>>) dst(%arg14 : memref<128x64xf32, #tpu.memory_space<vmem>>)
      %mul3A_131 = arith.constant 128 : i32
      %mul3A_132 = arith.muli %add3A_124, %mul3A_131 : i32
      %broadcast_in_dim3A_133 = vector.broadcast %mul3A_132 : i32 to vector<16xi32>
      %scan3A_134 = arith.constant 0 : i32
      %scan3A_135 = arith.constant 8 : i32
      %scan3A_136 = arith.addi %scan3A_134, %scan3A_135 : i32
      %scan3A_137 = arith.constant 1 : i32
      scf.for %scan3A_146 = %scan3A_134 to %scan3A_136 step %scan3A_137  : i32 {
        %mul3A_147 = arith.constant 1 : i32
        %mul3A_148 = arith.muli %scan3A_146, %mul3A_147 : i32
        %add3A_149 = arith.constant 0 : i32
        %add3A_150 = arith.addi %add3A_149, %mul3A_148 : i32
        %mul3A_151 = arith.constant 16 : i32
        %mul3A_152 = arith.muli %add3A_150, %mul3A_151 : i32
        %add3A_153 = arith.constant 0 : i32
        %add3A_154 = arith.addi %mul3A_152, %add3A_153 : i32
        %add3A_155 = vector.broadcast %add3A_154 : i32 to vector<16xi32>
        %add3A_156 = arith.addi %broadcast_in_dim3A_133, %add3A_155 : vector<16xi32>
        %gather3A = tpu.vector_load_idx %arg12[%add3A_156] : memref<20224xf32, #tpu.memory_space<vmem>>[vector<16xi32>], vector<16xf32>,
        %add3A_157 = arith.constant 1 : i32
        %add3A_158 = arith.addi %mul3A_152, %add3A_157 : i32
        %add3A_159 = vector.broadcast %add3A_158 : i32 to vector<16xi32>
        %add3A_160 = arith.addi %broadcast_in_dim3A_133, %add3A_159 : vector<16xi32>
        %gather3A_161 = tpu.vector_load_idx %arg12[%add3A_160] : memref<20224xf32, #tpu.memory_space<vmem>>[vector<16xi32>], vector<16xf32>,
        %add3A_162 = arith.constant 2 : i32
        %add3A_163 = arith.addi %mul3A_152, %add3A_162 : i32
        %add3A_164 = vector.broadcast %add3A_163 : i32 to vector<16xi32>
        %add3A_165 = arith.addi %broadcast_in_dim3A_133, %add3A_164 : vector<16xi32>
        %gather3A_166 = tpu.vector_load_idx %arg12[%add3A_165] : memref<20224xf32, #tpu.memory_space<vmem>>[vector<16xi32>], vector<16xf32>,
        %add3A_167 = arith.constant 3 : i32
        %add3A_168 = arith.addi %mul3A_152, %add3A_167 : i32
        %add3A_169 = vector.broadcast %add3A_168 : i32 to vector<16xi32>
        %add3A_170 = arith.addi %broadcast_in_dim3A_133, %add3A_169 : vector<16xi32>
        %gather3A_171 = tpu.vector_load_idx %arg12[%add3A_170] : memref<20224xf32, #tpu.memory_space<vmem>>[vector<16xi32>], vector<16xf32>,
        %add3A_172 = arith.constant 4 : i32
        %add3A_173 = arith.addi %mul3A_152, %add3A_172 : i32
        %add3A_174 = vector.broadcast %add3A_173 : i32 to vector<16xi32>
        %add3A_175 = arith.addi %broadcast_in_dim3A_133, %add3A_174 : vector<16xi32>
        %gather3A_176 = tpu.vector_load_idx %arg12[%add3A_175] : memref<20224xf32, #tpu.memory_space<vmem>>[vector<16xi32>], vector<16xf32>,
        %add3A_177 = arith.constant 5 : i32
        %add3A_178 = arith.addi %mul3A_152, %add3A_177 : i32
        %add3A_179 = vector.broadcast %add3A_178 : i32 to vector<16xi32>
        %add3A_180 = arith.addi %broadcast_in_dim3A_133, %add3A_179 : vector<16xi32>
        %gather3A_181 = tpu.vector_load_idx %arg12[%add3A_180] : memref<20224xf32, #tpu.memory_space<vmem>>[vector<16xi32>], vector<16xf32>,
        %add3A_182 = arith.constant 6 : i32
        %add3A_183 = arith.addi %mul3A_152, %add3A_182 : i32
        %add3A_184 = vector.broadcast %add3A_183 : i32 to vector<16xi32>
        %add3A_185 = arith.addi %broadcast_in_dim3A_133, %add3A_184 : vector<16xi32>
        %gather3A_186 = tpu.vector_load_idx %arg12[%add3A_185] : memref<20224xf32, #tpu.memory_space<vmem>>[vector<16xi32>], vector<16xf32>,
        %add3A_187 = arith.constant 7 : i32
        %add3A_188 = arith.addi %mul3A_152, %add3A_187 : i32
        %add3A_189 = vector.broadcast %add3A_188 : i32 to vector<16xi32>
        %add3A_190 = arith.addi %broadcast_in_dim3A_133, %add3A_189 : vector<16xi32>
        %gather3A_191 = tpu.vector_load_idx %arg12[%add3A_190] : memref<20224xf32, #tpu.memory_space<vmem>>[vector<16xi32>], vector<16xf32>,
        %add3A_192 = arith.constant 8 : i32
        %add3A_193 = arith.addi %mul3A_152, %add3A_192 : i32
        %add3A_194 = vector.broadcast %add3A_193 : i32 to vector<16xi32>
        %add3A_195 = arith.addi %broadcast_in_dim3A_133, %add3A_194 : vector<16xi32>
        %gather3A_196 = tpu.vector_load_idx %arg12[%add3A_195] : memref<20224xf32, #tpu.memory_space<vmem>>[vector<16xi32>], vector<16xf32>,
        %add3A_197 = arith.constant 9 : i32
        %add3A_198 = arith.addi %mul3A_152, %add3A_197 : i32
        %add3A_199 = vector.broadcast %add3A_198 : i32 to vector<16xi32>
        %add3A_200 = arith.addi %broadcast_in_dim3A_133, %add3A_199 : vector<16xi32>
        %gather3A_201 = tpu.vector_load_idx %arg12[%add3A_200] : memref<20224xf32, #tpu.memory_space<vmem>>[vector<16xi32>], vector<16xf32>,
        %add3A_202 = arith.constant 10 : i32
        %add3A_203 = arith.addi %mul3A_152, %add3A_202 : i32
        %add3A_204 = vector.broadcast %add3A_203 : i32 to vector<16xi32>
        %add3A_205 = arith.addi %broadcast_in_dim3A_133, %add3A_204 : vector<16xi32>
        %gather3A_206 = tpu.vector_load_idx %arg12[%add3A_205] : memref<20224xf32, #tpu.memory_space<vmem>>[vector<16xi32>], vector<16xf32>,
        %add3A_207 = arith.constant 11 : i32
        %add3A_208 = arith.addi %mul3A_152, %add3A_207 : i32
        %add3A_209 = vector.broadcast %add3A_208 : i32 to vector<16xi32>
        %add3A_210 = arith.addi %broadcast_in_dim3A_133, %add3A_209 : vector<16xi32>
        %gather3A_211 = tpu.vector_load_idx %arg12[%add3A_210] : memref<20224xf32, #tpu.memory_space<vmem>>[vector<16xi32>], vector<16xf32>,
        %add3A_212 = arith.constant 12 : i32
        %add3A_213 = arith.addi %mul3A_152, %add3A_212 : i32
        %add3A_214 = vector.broadcast %add3A_213 : i32 to vector<16xi32>
        %add3A_215 = arith.addi %broadcast_in_dim3A_133, %add3A_214 : vector<16xi32>
        %gather3A_216 = tpu.vector_load_idx %arg12[%add3A_215] : memref<20224xf32, #tpu.memory_space<vmem>>[vector<16xi32>], vector<16xf32>,
        %add3A_217 = arith.constant 13 : i32
        %add3A_218 = arith.addi %mul3A_152, %add3A_217 : i32
        %add3A_219 = vector.broadcast %add3A_218 : i32 to vector<16xi32>
        %add3A_220 = arith.addi %broadcast_in_dim3A_133, %add3A_219 : vector<16xi32>
        %gather3A_221 = tpu.vector_load_idx %arg12[%add3A_220] : memref<20224xf32, #tpu.memory_space<vmem>>[vector<16xi32>], vector<16xf32>,
        %add3A_222 = arith.constant 14 : i32
        %add3A_223 = arith.addi %mul3A_152, %add3A_222 : i32
        %add3A_224 = vector.broadcast %add3A_223 : i32 to vector<16xi32>
        %add3A_225 = arith.addi %broadcast_in_dim3A_133, %add3A_224 : vector<16xi32>
        %gather3A_226 = tpu.vector_load_idx %arg12[%add3A_225] : memref<20224xf32, #tpu.memory_space<vmem>>[vector<16xi32>], vector<16xf32>,
        %add3A_227 = arith.constant 15 : i32
        %add3A_228 = arith.addi %mul3A_152, %add3A_227 : i32
        %add3A_229 = vector.broadcast %add3A_228 : i32 to vector<16xi32>
        %add3A_230 = arith.addi %broadcast_in_dim3A_133, %add3A_229 : vector<16xi32>
        %gather3A_231 = tpu.vector_load_idx %arg12[%add3A_230] : memref<20224xf32, #tpu.memory_space<vmem>>[vector<16xi32>], vector<16xf32>,
        %add3A_232 = arith.constant 0 : i32
        %add3A_233 = arith.addi %mul3A_152, %add3A_232 : i32
        %get3A = arith.index_cast %add3A_233 : i32 to index
        %get3A_234 = arith.constant 0 : index
        %get3A_235 = tpu.vector_load %arg14[%get3A, %get3A_234] {strides = array<i32>} : memref<128x64xf32, #tpu.memory_space<vmem>>, vector<16xf32>,
        %mul3A_236 = arith.mulf %get3A_235, %gather3A : vector<16xf32>
        %swap3A = arith.index_cast %add3A_233 : i32 to index
        %swap3A_237 = arith.constant 0 : index
        %swap3A_238 = tpu.vector_load %arg14[%swap3A, %swap3A_237] {strides = array<i32>} : memref<128x64xf32, #tpu.memory_space<vmem>>, vector<16xf32>,
        tpu.vector_store %arg14[%swap3A, %swap3A_237], %mul3A_236 {strides = array<i32>} : memref<128x64xf32, #tpu.memory_space<vmem>>, vector<16xf32>,
        %get3A_239 = arith.index_cast %add3A_233 : i32 to index
        %get3A_240 = arith.constant 16 : index
        %get3A_241 = tpu.vector_load %arg14[%get3A_239, %get3A_240] {strides = array<i32>} : memref<128x64xf32, #tpu.memory_space<vmem>>, vector<16xf32>,
        %mul3A_242 = arith.mulf %get3A_241, %gather3A : vector<16xf32>
        %swap3A_243 = arith.index_cast %add3A_233 : i32 to index
        %swap3A_244 = arith.constant 16 : index
        %swap3A_245 = tpu.vector_load %arg14[%swap3A_243, %swap3A_244] {strides = array<i32>} : memref<128x64xf32, #tpu.memory_space<vmem>>, vector<16xf32>,
        tpu.vector_store %arg14[%swap3A_243, %swap3A_244], %mul3A_242 {strides = array<i32>} : memref<128x64xf32, #tpu.memory_space<vmem>>, vector<16xf32>,
        %get3A_246 = arith.index_cast %add3A_233 : i32 to index
        %get3A_247 = arith.constant 32 : index
        %get3A_248 = tpu.vector_load %arg14[%get3A_246, %get3A_247] {strides = array<i32>} : memref<128x64xf32, #tpu.memory_space<vmem>>, vector<16xf32>,
        %mul3A_249 = arith.mulf %get3A_248, %gather3A : vector<16xf32>
        %swap3A_250 = arith.index_cast %add3A_233 : i32 to index
        %swap3A_251 = arith.constant 32 : index
        %swap3A_252 = tpu.vector_load %arg14[%swap3A_250, %swap3A_251] {strides = array<i32>} : memref<128x64xf32, #tpu.memory_space<vmem>>, vector<16xf32>,
        tpu.vector_store %arg14[%swap3A_250, %swap3A_251], %mul3A_249 {strides = array<i32>} : memref<128x64xf32, #tpu.memory_space<vmem>>, vector<16xf32>,
        %get3A_253 = arith.index_cast %add3A_233 : i32 to index
        %get3A_254 = arith.constant 48 : index
        %get3A_255 = tpu.vector_load %arg14[%get3A_253, %get3A_254] {strides = array<i32>} : memref<128x64xf32, #tpu.memory_space<vmem>>, vector<16xf32>,
        %mul3A_256 = arith.mulf %get3A_255, %gather3A : vector<16xf32>
        %swap3A_257 = arith.index_cast %add3A_233 : i32 to index
        %swap3A_258 = arith.constant 48 : index
        %swap3A_259 = tpu.vector_load %arg14[%swap3A_257, %swap3A_258] {strides = array<i32>} : memref<128x64xf32, #tpu.memory_space<vmem>>, vector<16xf32>,
        tpu.vector_store %arg14[%swap3A_257, %swap3A_258], %mul3A_256 {strides = array<i32>} : memref<128x64xf32, #tpu.memory_space<vmem>>, vector<16xf32>,
        %add3A_260 = arith.constant 1 : i32
        %add3A_261 = arith.addi %mul3A_152, %add3A_260 : i32
        %get3A_262 = arith.index_cast %add3A_261 : i32 to index
        %get3A_263 = arith.constant 0 : index
        %get3A_264 = tpu.vector_load %arg14[%get3A_262, %get3A_263] {strides = array<i32>} : memref<128x64xf32, #tpu.memory_space<vmem>>, vector<16xf32>,
        %mul3A_265 = arith.mulf %get3A_264, %gather3A_161 : vector<16xf32>
        %swap3A_266 = arith.index_cast %add3A_261 : i32 to index
        %swap3A_267 = arith.constant 0 : index
        %swap3A_268 = tpu.vector_load %arg14[%swap3A_266, %swap3A_267] {strides = array<i32>} : memref<128x64xf32, #tpu.memory_space<vmem>>, vector<16xf32>,
        tpu.vector_store %arg14[%swap3A_266, %swap3A_267], %mul3A_265 {strides = array<i32>} : memref<128x64xf32, #tpu.memory_space<vmem>>, vector<16xf32>,
        %get3A_269 = arith.index_cast %add3A_261 : i32 to index
        %get3A_270 = arith.constant 16 : index
        %get3A_271 = tpu.vector_load %arg14[%get3A_269, %get3A_270] {strides = array<i32>} : memref<128x64xf32, #tpu.memory_space<vmem>>, vector<16xf32>,
        %mul3A_272 = arith.mulf %get3A_271, %gather3A_161 : vector<16xf32>
        %swap3A_273 = arith.index_cast %add3A_261 : i32 to index
        %swap3A_274 = arith.constant 16 : index
        %swap3A_275 = tpu.vector_load %arg14[%swap3A_273, %swap3A_274] {strides = array<i32>} : memref<128x64xf32, #tpu.memory_space<vmem>>, vector<16xf32>,
        tpu.vector_store %arg14[%swap3A_273, %swap3A_274], %mul3A_272 {strides = array<i32>} : memref<128x64xf32, #tpu.memory_space<vmem>>, vector<16xf32>,
        %get3A_276 = arith.index_cast %add3A_261 : i32 to index
        %get3A_277 = arith.constant 32 : index
        %get3A_278 = tpu.vector_load %arg14[%get3A_276, %get3A_277] {strides = array<i32>} : memref<128x64xf32, #tpu.memory_space<vmem>>, vector<16xf32>,
        %mul3A_279 = arith.mulf %get3A_278, %gather3A_161 : vector<16xf32>
        %swap3A_280 = arith.index_cast %add3A_261 : i32 to index
        %swap3A_281 = arith.constant 32 : index
        %swap3A_282 = tpu.vector_load %arg14[%swap3A_280, %swap3A_281] {strides = array<i32>} : memref<128x64xf32, #tpu.memory_space<vmem>>, vector<16xf32>,
        tpu.vector_store %arg14[%swap3A_280, %swap3A_281], %mul3A_279 {strides = array<i32>} : memref<128x64xf32, #tpu.memory_space<vmem>>, vector<16xf32>,
        %get3A_283 = arith.index_cast %add3A_261 : i32 to index
        %get3A_284 = arith.constant 48 : index
        %get3A_285 = tpu.vector_load %arg14[%get3A_283, %get3A_284] {strides = array<i32>} : memref<128x64xf32, #tpu.memory_space<vmem>>, vector<16xf32>,
        %mul3A_286 = arith.mulf %get3A_285, %gather3A_161 : vector<16xf32>
        %swap3A_287 = arith.index_cast %add3A_261 : i32 to index
        %swap3A_288 = arith.constant 48 : index
        %swap3A_289 = tpu.vector_load %arg14[%swap3A_287, %swap3A_288] {strides = array<i32>} : memref<128x64xf32, #tpu.memory_space<vmem>>, vector<16xf32>,
        tpu.vector_store %arg14[%swap3A_287, %swap3A_288], %mul3A_286 {strides = array<i32>} : memref<128x64xf32, #tpu.memory_space<vmem>>, vector<16xf32>,
        %add3A_290 = arith.constant 2 : i32
        %add3A_291 = arith.addi %mul3A_152, %add3A_290 : i32
        %get3A_292 = arith.index_cast %add3A_291 : i32 to index
        %get3A_293 = arith.constant 0 : index
        %get3A_294 = tpu.vector_load %arg14[%get3A_292, %get3A_293] {strides = array<i32>} : memref<128x64xf32, #tpu.memory_space<vmem>>, vector<16xf32>,
        %mul3A_295 = arith.mulf %get3A_294, %gather3A_166 : vector<16xf32>
        %swap3A_296 = arith.index_cast %add3A_291 : i32 to index
        %swap3A_297 = arith.constant 0 : index
        %swap3A_298 = tpu.vector_load %arg14[%swap3A_296, %swap3A_297] {strides = array<i32>} : memref<128x64xf32, #tpu.memory_space<vmem>>, vector<16xf32>,
        tpu.vector_store %arg14[%swap3A_296, %swap3A_297], %mul3A_295 {strides = array<i32>} : memref<128x64xf32, #tpu.memory_space<vmem>>, vector<16xf32>,
        %get3A_299 = arith.index_cast %add3A_291 : i32 to index
        %get3A_300 = arith.constant 16 : index
        %get3A_301 = tpu.vector_load %arg14[%get3A_299, %get3A_300] {strides = array<i32>} : memref<128x64xf32, #tpu.memory_space<vmem>>, vector<16xf32>,
        %mul3A_302 = arith.mulf %get3A_301, %gather3A_166 : vector<16xf32>
        %swap3A_303 = arith.index_cast %add3A_291 : i32 to index
        %swap3A_304 = arith.constant 16 : index
        %swap3A_305 = tpu.vector_load %arg14[%swap3A_303, %swap3A_304] {strides = array<i32>} : memref<128x64xf32, #tpu.memory_space<vmem>>, vector<16xf32>,
        tpu.vector_store %arg14[%swap3A_303, %swap3A_304], %mul3A_302 {strides = array<i32>} : memref<128x64xf32, #tpu.memory_space<vmem>>, vector<16xf32>,
        %get3A_306 = arith.index_cast %add3A_291 : i32 to index
        %get3A_307 = arith.constant 32 : index
        %get3A_308 = tpu.vector_load %arg14[%get3A_306, %get3A_307] {strides = array<i32>} : memref<128x64xf32, #tpu.memory_space<vmem>>, vector<16xf32>,
        %mul3A_309 = arith.mulf %get3A_308, %gather3A_166 : vector<16xf32>
        %swap3A_310 = arith.index_cast %add3A_291 : i32 to index
        %swap3A_311 = arith.constant 32 : index
        %swap3A_312 = tpu.vector_load %arg14[%swap3A_310, %swap3A_311] {strides = array<i32>} : memref<128x64xf32, #tpu.memory_space<vmem>>, vector<16xf32>,
        tpu.vector_store %arg14[%swap3A_310, %swap3A_311], %mul3A_309 {strides = array<i32>} : memref<128x64xf32, #tpu.memory_space<vmem>>, vector<16xf32>,
        %get3A_313 = arith.index_cast %add3A_291 : i32 to index
        %get3A_314 = arith.constant 48 : index
        %get3A_315 = tpu.vector_load %arg14[%get3A_313, %get3A_314] {strides = array<i32>} : memref<128x64xf32, #tpu.memory_space<vmem>>, vector<16xf32>,
        %mul3A_316 = arith.mulf %get3A_315, %gather3A_166 : vector<16xf32>
        %swap3A_317 = arith.index_cast %add3A_291 : i32 to index
        %swap3A_318 = arith.constant 48 : index
        %swap3A_319 = tpu.vector_load %arg14[%swap3A_317, %swap3A_318] {strides = array<i32>} : memref<128x64xf32, #tpu.memory_space<vmem>>, vector<16xf32>,
        tpu.vector_store %arg14[%swap3A_317, %swap3A_318], %mul3A_316 {strides = array<i32>} : memref<128x64xf32, #tpu.memory_space<vmem>>, vector<16xf32>,
        %add3A_320 = arith.constant 3 : i32
        %add3A_321 = arith.addi %mul3A_152, %add3A_320 : i32
        %get3A_322 = arith.index_cast %add3A_321 : i32 to index
        %get3A_323 = arith.constant 0 : index
        %get3A_324 = tpu.vector_load %arg14[%get3A_322, %get3A_323] {strides = array<i32>} : memref<128x64xf32, #tpu.memory_space<vmem>>, vector<16xf32>,
        %mul3A_325 = arith.mulf %get3A_324, %gather3A_171 : vector<16xf32>
        %swap3A_326 = arith.index_cast %add3A_321 : i32 to index
        %swap3A_327 = arith.constant 0 : index
        %swap3A_328 = tpu.vector_load %arg14[%swap3A_326, %swap3A_327] {strides = array<i32>} : memref<128x64xf32, #tpu.memory_space<vmem>>, vector<16xf32>,
        tpu.vector_store %arg14[%swap3A_326, %swap3A_327], %mul3A_325 {strides = array<i32>} : memref<128x64xf32, #tpu.memory_space<vmem>>, vector<16xf32>,
        %get3A_329 = arith.index_cast %add3A_321 : i32 to index
        %get3A_330 = arith.constant 16 : index
        %get3A_331 = tpu.vector_load %arg14[%get3A_329, %get3A_330] {strides = array<i32>} : memref<128x64xf32, #tpu.memory_space<vmem>>, vector<16xf32>,
        %mul3A_332 = arith.mulf %get3A_331, %gather3A_171 : vector<16xf32>
        %swap3A_333 = arith.index_cast %add3A_321 : i32 to index
        %swap3A_334 = arith.constant 16 : index
        %swap3A_335 = tpu.vector_load %arg14[%swap3A_333, %swap3A_334] {strides = array<i32>} : memref<128x64xf32, #tpu.memory_space<vmem>>, vector<16xf32>,
        tpu.vector_store %arg14[%swap3A_333, %swap3A_334], %mul3A_332 {strides = array<i32>} : memref<128x64xf32, #tpu.memory_space<vmem>>, vector<16xf32>,
        %get3A_336 = arith.index_cast %add3A_321 : i32 to index
        %get3A_337 = arith.constant 32 : index
        %get3A_338 = tpu.vector_load %arg14[%get3A_336, %get3A_337] {strides = array<i32>} : memref<128x64xf32, #tpu.memory_space<vmem>>, vector<16xf32>,
        %mul3A_339 = arith.mulf %get3A_338, %gather3A_171 : vector<16xf32>
        %swap3A_340 = arith.index_cast %add3A_321 : i32 to index
        %swap3A_341 = arith.constant 32 : index
        %swap3A_342 = tpu.vector_load %arg14[%swap3A_340, %swap3A_341] {strides = array<i32>} : memref<128x64xf32, #tpu.memory_space<vmem>>, vector<16xf32>,
        tpu.vector_store %arg14[%swap3A_340, %swap3A_341], %mul3A_339 {strides = array<i32>} : memref<128x64xf32, #tpu.memory_space<vmem>>, vector<16xf32>,
        %get3A_343 = arith.index_cast %add3A_321 : i32 to index
        %get3A_344 = arith.constant 48 : index
        %get3A_345 = tpu.vector_load %arg14[%get3A_343, %get3A_344] {strides = array<i32>} : memref<128x64xf32, #tpu.memory_space<vmem>>, vector<16xf32>,
        %mul3A_346 = arith.mulf %get3A_345, %gather3A_171 : vector<16xf32>
        %swap3A_347 = arith.index_cast %add3A_321 : i32 to index
        %swap3A_348 = arith.constant 48 : index
        %swap3A_349 = tpu.vector_load %arg14[%swap3A_347, %swap3A_348] {strides = array<i32>} : memref<128x64xf32, #tpu.memory_space<vmem>>, vector<16xf32>,
        tpu.vector_store %arg14[%swap3A_347, %swap3A_348], %mul3A_346 {strides = array<i32>} : memref<128x64xf32, #tpu.memory_space<vmem>>, vector<16xf32>,
        %add3A_350 = arith.constant 4 : i32
        %add3A_351 = arith.addi %mul3A_152, %add3A_350 : i32
        %get3A_352 = arith.index_cast %add3A_351 : i32 to index
        %get3A_353 = arith.constant 0 : index
        %get3A_354 = tpu.vector_load %arg14[%get3A_352, %get3A_353] {strides = array<i32>} : memref<128x64xf32, #tpu.memory_space<vmem>>, vector<16xf32>,
        %mul3A_355 = arith.mulf %get3A_354, %gather3A_176 : vector<16xf32>
        %swap3A_356 = arith.index_cast %add3A_351 : i32 to index
        %swap3A_357 = arith.constant 0 : index
        %swap3A_358 = tpu.vector_load %arg14[%swap3A_356, %swap3A_357] {strides = array<i32>} : memref<128x64xf32, #tpu.memory_space<vmem>>, vector<16xf32>,
        tpu.vector_store %arg14[%swap3A_356, %swap3A_357], %mul3A_355 {strides = array<i32>} : memref<128x64xf32, #tpu.memory_space<vmem>>, vector<16xf32>,
        %get3A_359 = arith.index_cast %add3A_351 : i32 to index
        %get3A_360 = arith.constant 16 : index
        %get3A_361 = tpu.vector_load %arg14[%get3A_359, %get3A_360] {strides = array<i32>} : memref<128x64xf32, #tpu.memory_space<vmem>>, vector<16xf32>,
        %mul3A_362 = arith.mulf %get3A_361, %gather3A_176 : vector<16xf32>
        %swap3A_363 = arith.index_cast %add3A_351 : i32 to index
        %swap3A_364 = arith.constant 16 : index
        %swap3A_365 = tpu.vector_load %arg14[%swap3A_363, %swap3A_364] {strides = array<i32>} : memref<128x64xf32, #tpu.memory_space<vmem>>, vector<16xf32>,
        tpu.vector_store %arg14[%swap3A_363, %swap3A_364], %mul3A_362 {strides = array<i32>} : memref<128x64xf32, #tpu.memory_space<vmem>>, vector<16xf32>,
        %get3A_366 = arith.index_cast %add3A_351 : i32 to index
        %get3A_367 = arith.constant 32 : index
        %get3A_368 = tpu.vector_load %arg14[%get3A_366, %get3A_367] {strides = array<i32>} : memref<128x64xf32, #tpu.memory_space<vmem>>, vector<16xf32>,
        %mul3A_369 = arith.mulf %get3A_368, %gather3A_176 : vector<16xf32>
        %swap3A_370 = arith.index_cast %add3A_351 : i32 to index
        %swap3A_371 = arith.constant 32 : index
        %swap3A_372 = tpu.vector_load %arg14[%swap3A_370, %swap3A_371] {strides = array<i32>} : memref<128x64xf32, #tpu.memory_space<vmem>>, vector<16xf32>,
        tpu.vector_store %arg14[%swap3A_370, %swap3A_371], %mul3A_369 {strides = array<i32>} : memref<128x64xf32, #tpu.memory_space<vmem>>, vector<16xf32>,
        %get3A_373 = arith.index_cast %add3A_351 : i32 to index
        %get3A_374 = arith.constant 48 : index
        %get3A_375 = tpu.vector_load %arg14[%get3A_373, %get3A_374] {strides = array<i32>} : memref<128x64xf32, #tpu.memory_space<vmem>>, vector<16xf32>,
        %mul3A_376 = arith.mulf %get3A_375, %gather3A_176 : vector<16xf32>
        %swap3A_377 = arith.index_cast %add3A_351 : i32 to index
        %swap3A_378 = arith.constant 48 : index
        %swap3A_379 = tpu.vector_load %arg14[%swap3A_377, %swap3A_378] {strides = array<i32>} : memref<128x64xf32, #tpu.memory_space<vmem>>, vector<16xf32>,
        tpu.vector_store %arg14[%swap3A_377, %swap3A_378], %mul3A_376 {strides = array<i32>} : memref<128x64xf32, #tpu.memory_space<vmem>>, vector<16xf32>,
        %add3A_380 = arith.constant 5 : i32
        %add3A_381 = arith.addi %mul3A_152, %add3A_380 : i32
        %get3A_382 = arith.index_cast %add3A_381 : i32 to index
        %get3A_383 = arith.constant 0 : index
        %get3A_384 = tpu.vector_load %arg14[%get3A_382, %get3A_383] {strides = array<i32>} : memref<128x64xf32, #tpu.memory_space<vmem>>, vector<16xf32>,
        %mul3A_385 = arith.mulf %get3A_384, %gather3A_181 : vector<16xf32>
        %swap3A_386 = arith.index_cast %add3A_381 : i32 to index
        %swap3A_387 = arith.constant 0 : index
        %swap3A_388 = tpu.vector_load %arg14[%swap3A_386, %swap3A_387] {strides = array<i32>} : memref<128x64xf32, #tpu.memory_space<vmem>>, vector<16xf32>,
        tpu.vector_store %arg14[%swap3A_386, %swap3A_387], %mul3A_385 {strides = array<i32>} : memref<128x64xf32, #tpu.memory_space<vmem>>, vector<16xf32>,
        %get3A_389 = arith.index_cast %add3A_381 : i32 to index
        %get3A_390 = arith.constant 16 : index
        %get3A_391 = tpu.vector_load %arg14[%get3A_389, %get3A_390] {strides = array<i32>} : memref<128x64xf32, #tpu.memory_space<vmem>>, vector<16xf32>,
        %mul3A_392 = arith.mulf %get3A_391, %gather3A_181 : vector<16xf32>
        %swap3A_393 = arith.index_cast %add3A_381 : i32 to index
        %swap3A_394 = arith.constant 16 : index
        %swap3A_395 = tpu.vector_load %arg14[%swap3A_393, %swap3A_394] {strides = array<i32>} : memref<128x64xf32, #tpu.memory_space<vmem>>, vector<16xf32>,
        tpu.vector_store %arg14[%swap3A_393, %swap3A_394], %mul3A_392 {strides = array<i32>} : memref<128x64xf32, #tpu.memory_space<vmem>>, vector<16xf32>,
        %get3A_396 = arith.index_cast %add3A_381 : i32 to index
        %get3A_397 = arith.constant 32 : index
        %get3A_398 = tpu.vector_load %arg14[%get3A_396, %get3A_397] {strides = array<i32>} : memref<128x64xf32, #tpu.memory_space<vmem>>, vector<16xf32>,
        %mul3A_399 = arith.mulf %get3A_398, %gather3A_181 : vector<16xf32>
        %swap3A_400 = arith.index_cast %add3A_381 : i32 to index
        %swap3A_401 = arith.constant 32 : index
        %swap3A_402 = tpu.vector_load %arg14[%swap3A_400, %swap3A_401] {strides = array<i32>} : memref<128x64xf32, #tpu.memory_space<vmem>>, vector<16xf32>,
        tpu.vector_store %arg14[%swap3A_400, %swap3A_401], %mul3A_399 {strides = array<i32>} : memref<128x64xf32, #tpu.memory_space<vmem>>, vector<16xf32>,
        %get3A_403 = arith.index_cast %add3A_381 : i32 to index
        %get3A_404 = arith.constant 48 : index
        %get3A_405 = tpu.vector_load %arg14[%get3A_403, %get3A_404] {strides = array<i32>} : memref<128x64xf32, #tpu.memory_space<vmem>>, vector<16xf32>,
        %mul3A_406 = arith.mulf %get3A_405, %gather3A_181 : vector<16xf32>
        %swap3A_407 = arith.index_cast %add3A_381 : i32 to index
        %swap3A_408 = arith.constant 48 : index
        %swap3A_409 = tpu.vector_load %arg14[%swap3A_407, %swap3A_408] {strides = array<i32>} : memref<128x64xf32, #tpu.memory_space<vmem>>, vector<16xf32>,
        tpu.vector_store %arg14[%swap3A_407, %swap3A_408], %mul3A_406 {strides = array<i32>} : memref<128x64xf32, #tpu.memory_space<vmem>>, vector<16xf32>,
        %add3A_410 = arith.constant 6 : i32
        %add3A_411 = arith.addi %mul3A_152, %add3A_410 : i32
        %get3A_412 = arith.index_cast %add3A_411 : i32 to index
        %get3A_413 = arith.constant 0 : index
        %get3A_414 = tpu.vector_load %arg14[%get3A_412, %get3A_413] {strides = array<i32>} : memref<128x64xf32, #tpu.memory_space<vmem>>, vector<16xf32>,
        %mul3A_415 = arith.mulf %get3A_414, %gather3A_186 : vector<16xf32>
        %swap3A_416 = arith.index_cast %add3A_411 : i32 to index
        %swap3A_417 = arith.constant 0 : index
        %swap3A_418 = tpu.vector_load %arg14[%swap3A_416, %swap3A_417] {strides = array<i32>} : memref<128x64xf32, #tpu.memory_space<vmem>>, vector<16xf32>,
        tpu.vector_store %arg14[%swap3A_416, %swap3A_417], %mul3A_415 {strides = array<i32>} : memref<128x64xf32, #tpu.memory_space<vmem>>, vector<16xf32>,
        %get3A_419 = arith.index_cast %add3A_411 : i32 to index
        %get3A_420 = arith.constant 16 : index
        %get3A_421 = tpu.vector_load %arg14[%get3A_419, %get3A_420] {strides = array<i32>} : memref<128x64xf32, #tpu.memory_space<vmem>>, vector<16xf32>,
        %mul3A_422 = arith.mulf %get3A_421, %gather3A_186 : vector<16xf32>
        %swap3A_423 = arith.index_cast %add3A_411 : i32 to index
        %swap3A_424 = arith.constant 16 : index
        %swap3A_425 = tpu.vector_load %arg14[%swap3A_423, %swap3A_424] {strides = array<i32>} : memref<128x64xf32, #tpu.memory_space<vmem>>, vector<16xf32>,
        tpu.vector_store %arg14[%swap3A_423, %swap3A_424], %mul3A_422 {strides = array<i32>} : memref<128x64xf32, #tpu.memory_space<vmem>>, vector<16xf32>,
        %get3A_426 = arith.index_cast %add3A_411 : i32 to index
        %get3A_427 = arith.constant 32 : index
        %get3A_428 = tpu.vector_load %arg14[%get3A_426, %get3A_427] {strides = array<i32>} : memref<128x64xf32, #tpu.memory_space<vmem>>, vector<16xf32>,
        %mul3A_429 = arith.mulf %get3A_428, %gather3A_186 : vector<16xf32>
        %swap3A_430 = arith.index_cast %add3A_411 : i32 to index
        %swap3A_431 = arith.constant 32 : index
        %swap3A_432 = tpu.vector_load %arg14[%swap3A_430, %swap3A_431] {strides = array<i32>} : memref<128x64xf32, #tpu.memory_space<vmem>>, vector<16xf32>,
        tpu.vector_store %arg14[%swap3A_430, %swap3A_431], %mul3A_429 {strides = array<i32>} : memref<128x64xf32, #tpu.memory_space<vmem>>, vector<16xf32>,
        %get3A_433 = arith.index_cast %add3A_411 : i32 to index
        %get3A_434 = arith.constant 48 : index
        %get3A_435 = tpu.vector_load %arg14[%get3A_433, %get3A_434] {strides = array<i32>} : memref<128x64xf32, #tpu.memory_space<vmem>>, vector<16xf32>,
        %mul3A_436 = arith.mulf %get3A_435, %gather3A_186 : vector<16xf32>
        %swap3A_437 = arith.index_cast %add3A_411 : i32 to index
        %swap3A_438 = arith.constant 48 : index
        %swap3A_439 = tpu.vector_load %arg14[%swap3A_437, %swap3A_438] {strides = array<i32>} : memref<128x64xf32, #tpu.memory_space<vmem>>, vector<16xf32>,
        tpu.vector_store %arg14[%swap3A_437, %swap3A_438], %mul3A_436 {strides = array<i32>} : memref<128x64xf32, #tpu.memory_space<vmem>>, vector<16xf32>,
        %add3A_440 = arith.constant 7 : i32
        %add3A_441 = arith.addi %mul3A_152, %add3A_440 : i32
        %get3A_442 = arith.index_cast %add3A_441 : i32 to index
        %get3A_443 = arith.constant 0 : index
        %get3A_444 = tpu.vector_load %arg14[%get3A_442, %get3A_443] {strides = array<i32>} : memref<128x64xf32, #tpu.memory_space<vmem>>, vector<16xf32>,
        %mul3A_445 = arith.mulf %get3A_444, %gather3A_191 : vector<16xf32>
        %swap3A_446 = arith.index_cast %add3A_441 : i32 to index
        %swap3A_447 = arith.constant 0 : index
        %swap3A_448 = tpu.vector_load %arg14[%swap3A_446, %swap3A_447] {strides = array<i32>} : memref<128x64xf32, #tpu.memory_space<vmem>>, vector<16xf32>,
        tpu.vector_store %arg14[%swap3A_446, %swap3A_447], %mul3A_445 {strides = array<i32>} : memref<128x64xf32, #tpu.memory_space<vmem>>, vector<16xf32>,
        %get3A_449 = arith.index_cast %add3A_441 : i32 to index
        %get3A_450 = arith.constant 16 : index
        %get3A_451 = tpu.vector_load %arg14[%get3A_449, %get3A_450] {strides = array<i32>} : memref<128x64xf32, #tpu.memory_space<vmem>>, vector<16xf32>,
        %mul3A_452 = arith.mulf %get3A_451, %gather3A_191 : vector<16xf32>
        %swap3A_453 = arith.index_cast %add3A_441 : i32 to index
        %swap3A_454 = arith.constant 16 : index
        %swap3A_455 = tpu.vector_load %arg14[%swap3A_453, %swap3A_454] {strides = array<i32>} : memref<128x64xf32, #tpu.memory_space<vmem>>, vector<16xf32>,
        tpu.vector_store %arg14[%swap3A_453, %swap3A_454], %mul3A_452 {strides = array<i32>} : memref<128x64xf32, #tpu.memory_space<vmem>>, vector<16xf32>,
        %get3A_456 = arith.index_cast %add3A_441 : i32 to index
        %get3A_457 = arith.constant 32 : index
        %get3A_458 = tpu.vector_load %arg14[%get3A_456, %get3A_457] {strides = array<i32>} : memref<128x64xf32, #tpu.memory_space<vmem>>, vector<16xf32>,
        %mul3A_459 = arith.mulf %get3A_458, %gather3A_191 : vector<16xf32>
        %swap3A_460 = arith.index_cast %add3A_441 : i32 to index
        %swap3A_461 = arith.constant 32 : index
        %swap3A_462 = tpu.vector_load %arg14[%swap3A_460, %swap3A_461] {strides = array<i32>} : memref<128x64xf32, #tpu.memory_space<vmem>>, vector<16xf32>,
        tpu.vector_store %arg14[%swap3A_460, %swap3A_461], %mul3A_459 {strides = array<i32>} : memref<128x64xf32, #tpu.memory_space<vmem>>, vector<16xf32>,
        %get3A_463 = arith.index_cast %add3A_441 : i32 to index
        %get3A_464 = arith.constant 48 : index
        %get3A_465 = tpu.vector_load %arg14[%get3A_463, %get3A_464] {strides = array<i32>} : memref<128x64xf32, #tpu.memory_space<vmem>>, vector<16xf32>,
        %mul3A_466 = arith.mulf %get3A_465, %gather3A_191 : vector<16xf32>
        %swap3A_467 = arith.index_cast %add3A_441 : i32 to index
        %swap3A_468 = arith.constant 48 : index
        %swap3A_469 = tpu.vector_load %arg14[%swap3A_467, %swap3A_468] {strides = array<i32>} : memref<128x64xf32, #tpu.memory_space<vmem>>, vector<16xf32>,
        tpu.vector_store %arg14[%swap3A_467, %swap3A_468], %mul3A_466 {strides = array<i32>} : memref<128x64xf32, #tpu.memory_space<vmem>>, vector<16xf32>,
        %add3A_470 = arith.constant 8 : i32
        %add3A_471 = arith.addi %mul3A_152, %add3A_470 : i32
        %get3A_472 = arith.index_cast %add3A_471 : i32 to index
        %get3A_473 = arith.constant 0 : index
        %get3A_474 = tpu.vector_load %arg14[%get3A_472, %get3A_473] {strides = array<i32>} : memref<128x64xf32, #tpu.memory_space<vmem>>, vector<16xf32>,
        %mul3A_475 = arith.mulf %get3A_474, %gather3A_196 : vector<16xf32>
        %swap3A_476 = arith.index_cast %add3A_471 : i32 to index
        %swap3A_477 = arith.constant 0 : index
        %swap3A_478 = tpu.vector_load %arg14[%swap3A_476, %swap3A_477] {strides = array<i32>} : memref<128x64xf32, #tpu.memory_space<vmem>>, vector<16xf32>,
        tpu.vector_store %arg14[%swap3A_476, %swap3A_477], %mul3A_475 {strides = array<i32>} : memref<128x64xf32, #tpu.memory_space<vmem>>, vector<16xf32>,
        %get3A_479 = arith.index_cast %add3A_471 : i32 to index
        %get3A_480 = arith.constant 16 : index
        %get3A_481 = tpu.vector_load %arg14[%get3A_479, %get3A_480] {strides = array<i32>} : memref<128x64xf32, #tpu.memory_space<vmem>>, vector<16xf32>,
        %mul3A_482 = arith.mulf %get3A_481, %gather3A_196 : vector<16xf32>
        %swap3A_483 = arith.index_cast %add3A_471 : i32 to index
        %swap3A_484 = arith.constant 16 : index
        %swap3A_485 = tpu.vector_load %arg14[%swap3A_483, %swap3A_484] {strides = array<i32>} : memref<128x64xf32, #tpu.memory_space<vmem>>, vector<16xf32>,
        tpu.vector_store %arg14[%swap3A_483, %swap3A_484], %mul3A_482 {strides = array<i32>} : memref<128x64xf32, #tpu.memory_space<vmem>>, vector<16xf32>,
        %get3A_486 = arith.index_cast %add3A_471 : i32 to index
        %get3A_487 = arith.constant 32 : index
        %get3A_488 = tpu.vector_load %arg14[%get3A_486, %get3A_487] {strides = array<i32>} : memref<128x64xf32, #tpu.memory_space<vmem>>, vector<16xf32>,
        %mul3A_489 = arith.mulf %get3A_488, %gather3A_196 : vector<16xf32>
        %swap3A_490 = arith.index_cast %add3A_471 : i32 to index
        %swap3A_491 = arith.constant 32 : index
        %swap3A_492 = tpu.vector_load %arg14[%swap3A_490, %swap3A_491] {strides = array<i32>} : memref<128x64xf32, #tpu.memory_space<vmem>>, vector<16xf32>,
        tpu.vector_store %arg14[%swap3A_490, %swap3A_491], %mul3A_489 {strides = array<i32>} : memref<128x64xf32, #tpu.memory_space<vmem>>, vector<16xf32>,
        %get3A_493 = arith.index_cast %add3A_471 : i32 to index
        %get3A_494 = arith.constant 48 : index
        %get3A_495 = tpu.vector_load %arg14[%get3A_493, %get3A_494] {strides = array<i32>} : memref<128x64xf32, #tpu.memory_space<vmem>>, vector<16xf32>,
        %mul3A_496 = arith.mulf %get3A_495, %gather3A_196 : vector<16xf32>
        %swap3A_497 = arith.index_cast %add3A_471 : i32 to index
        %swap3A_498 = arith.constant 48 : index
        %swap3A_499 = tpu.vector_load %arg14[%swap3A_497, %swap3A_498] {strides = array<i32>} : memref<128x64xf32, #tpu.memory_space<vmem>>, vector<16xf32>,
        tpu.vector_store %arg14[%swap3A_497, %swap3A_498], %mul3A_496 {strides = array<i32>} : memref<128x64xf32, #tpu.memory_space<vmem>>, vector<16xf32>,
        %add3A_500 = arith.constant 9 : i32
        %add3A_501 = arith.addi %mul3A_152, %add3A_500 : i32
        %get3A_502 = arith.index_cast %add3A_501 : i32 to index
        %get3A_503 = arith.constant 0 : index
        %get3A_504 = tpu.vector_load %arg14[%get3A_502, %get3A_503] {strides = array<i32>} : memref<128x64xf32, #tpu.memory_space<vmem>>, vector<16xf32>,
        %mul3A_505 = arith.mulf %get3A_504, %gather3A_201 : vector<16xf32>
        %swap3A_506 = arith.index_cast %add3A_501 : i32 to index
        %swap3A_507 = arith.constant 0 : index
        %swap3A_508 = tpu.vector_load %arg14[%swap3A_506, %swap3A_507] {strides = array<i32>} : memref<128x64xf32, #tpu.memory_space<vmem>>, vector<16xf32>,
        tpu.vector_store %arg14[%swap3A_506, %swap3A_507], %mul3A_505 {strides = array<i32>} : memref<128x64xf32, #tpu.memory_space<vmem>>, vector<16xf32>,
        %get3A_509 = arith.index_cast %add3A_501 : i32 to index
        %get3A_510 = arith.constant 16 : index
        %get3A_511 = tpu.vector_load %arg14[%get3A_509, %get3A_510] {strides = array<i32>} : memref<128x64xf32, #tpu.memory_space<vmem>>, vector<16xf32>,
        %mul3A_512 = arith.mulf %get3A_511, %gather3A_201 : vector<16xf32>
        %swap3A_513 = arith.index_cast %add3A_501 : i32 to index
        %swap3A_514 = arith.constant 16 : index
        %swap3A_515 = tpu.vector_load %arg14[%swap3A_513, %swap3A_514] {strides = array<i32>} : memref<128x64xf32, #tpu.memory_space<vmem>>, vector<16xf32>,
        tpu.vector_store %arg14[%swap3A_513, %swap3A_514], %mul3A_512 {strides = array<i32>} : memref<128x64xf32, #tpu.memory_space<vmem>>, vector<16xf32>,
        %get3A_516 = arith.index_cast %add3A_501 : i32 to index
        %get3A_517 = arith.constant 32 : index
        %get3A_518 = tpu.vector_load %arg14[%get3A_516, %get3A_517] {strides = array<i32>} : memref<128x64xf32, #tpu.memory_space<vmem>>, vector<16xf32>,
        %mul3A_519 = arith.mulf %get3A_518, %gather3A_201 : vector<16xf32>
        %swap3A_520 = arith.index_cast %add3A_501 : i32 to index
        %swap3A_521 = arith.constant 32 : index
        %swap3A_522 = tpu.vector_load %arg14[%swap3A_520, %swap3A_521] {strides = array<i32>} : memref<128x64xf32, #tpu.memory_space<vmem>>, vector<16xf32>,
        tpu.vector_store %arg14[%swap3A_520, %swap3A_521], %mul3A_519 {strides = array<i32>} : memref<128x64xf32, #tpu.memory_space<vmem>>, vector<16xf32>,
        %get3A_523 = arith.index_cast %add3A_501 : i32 to index
        %get3A_524 = arith.constant 48 : index
        %get3A_525 = tpu.vector_load %arg14[%get3A_523, %get3A_524] {strides = array<i32>} : memref<128x64xf32, #tpu.memory_space<vmem>>, vector<16xf32>,
        %mul3A_526 = arith.mulf %get3A_525, %gather3A_201 : vector<16xf32>
        %swap3A_527 = arith.index_cast %add3A_501 : i32 to index
        %swap3A_528 = arith.constant 48 : index
        %swap3A_529 = tpu.vector_load %arg14[%swap3A_527, %swap3A_528] {strides = array<i32>} : memref<128x64xf32, #tpu.memory_space<vmem>>, vector<16xf32>,
        tpu.vector_store %arg14[%swap3A_527, %swap3A_528], %mul3A_526 {strides = array<i32>} : memref<128x64xf32, #tpu.memory_space<vmem>>, vector<16xf32>,
        %add3A_530 = arith.constant 10 : i32
        %add3A_531 = arith.addi %mul3A_152, %add3A_530 : i32
        %get3A_532 = arith.index_cast %add3A_531 : i32 to index
        %get3A_533 = arith.constant 0 : index
        %get3A_534 = tpu.vector_load %arg14[%get3A_532, %get3A_533] {strides = array<i32>} : memref<128x64xf32, #tpu.memory_space<vmem>>, vector<16xf32>,
        %mul3A_535 = arith.mulf %get3A_534, %gather3A_206 : vector<16xf32>
        %swap3A_536 = arith.index_cast %add3A_531 : i32 to index
        %swap3A_537 = arith.constant 0 : index
        %swap3A_538 = tpu.vector_load %arg14[%swap3A_536, %swap3A_537] {strides = array<i32>} : memref<128x64xf32, #tpu.memory_space<vmem>>, vector<16xf32>,
        tpu.vector_store %arg14[%swap3A_536, %swap3A_537], %mul3A_535 {strides = array<i32>} : memref<128x64xf32, #tpu.memory_space<vmem>>, vector<16xf32>,
        %get3A_539 = arith.index_cast %add3A_531 : i32 to index
        %get3A_540 = arith.constant 16 : index
        %get3A_541 = tpu.vector_load %arg14[%get3A_539, %get3A_540] {strides = array<i32>} : memref<128x64xf32, #tpu.memory_space<vmem>>, vector<16xf32>,
        %mul3A_542 = arith.mulf %get3A_541, %gather3A_206 : vector<16xf32>
        %swap3A_543 = arith.index_cast %add3A_531 : i32 to index
        %swap3A_544 = arith.constant 16 : index
        %swap3A_545 = tpu.vector_load %arg14[%swap3A_543, %swap3A_544] {strides = array<i32>} : memref<128x64xf32, #tpu.memory_space<vmem>>, vector<16xf32>,
        tpu.vector_store %arg14[%swap3A_543, %swap3A_544], %mul3A_542 {strides = array<i32>} : memref<128x64xf32, #tpu.memory_space<vmem>>, vector<16xf32>,
        %get3A_546 = arith.index_cast %add3A_531 : i32 to index
        %get3A_547 = arith.constant 32 : index
        %get3A_548 = tpu.vector_load %arg14[%get3A_546, %get3A_547] {strides = array<i32>} : memref<128x64xf32, #tpu.memory_space<vmem>>, vector<16xf32>,
        %mul3A_549 = arith.mulf %get3A_548, %gather3A_206 : vector<16xf32>
        %swap3A_550 = arith.index_cast %add3A_531 : i32 to index
        %swap3A_551 = arith.constant 32 : index
        %swap3A_552 = tpu.vector_load %arg14[%swap3A_550, %swap3A_551] {strides = array<i32>} : memref<128x64xf32, #tpu.memory_space<vmem>>, vector<16xf32>,
        tpu.vector_store %arg14[%swap3A_550, %swap3A_551], %mul3A_549 {strides = array<i32>} : memref<128x64xf32, #tpu.memory_space<vmem>>, vector<16xf32>,
        %get3A_553 = arith.index_cast %add3A_531 : i32 to index
        %get3A_554 = arith.constant 48 : index
        %get3A_555 = tpu.vector_load %arg14[%get3A_553, %get3A_554] {strides = array<i32>} : memref<128x64xf32, #tpu.memory_space<vmem>>, vector<16xf32>,
        %mul3A_556 = arith.mulf %get3A_555, %gather3A_206 : vector<16xf32>
        %swap3A_557 = arith.index_cast %add3A_531 : i32 to index
        %swap3A_558 = arith.constant 48 : index
        %swap3A_559 = tpu.vector_load %arg14[%swap3A_557, %swap3A_558] {strides = array<i32>} : memref<128x64xf32, #tpu.memory_space<vmem>>, vector<16xf32>,
        tpu.vector_store %arg14[%swap3A_557, %swap3A_558], %mul3A_556 {strides = array<i32>} : memref<128x64xf32, #tpu.memory_space<vmem>>, vector<16xf32>,
        %add3A_560 = arith.constant 11 : i32
        %add3A_561 = arith.addi %mul3A_152, %add3A_560 : i32
        %get3A_562 = arith.index_cast %add3A_561 : i32 to index
        %get3A_563 = arith.constant 0 : index
        %get3A_564 = tpu.vector_load %arg14[%get3A_562, %get3A_563] {strides = array<i32>} : memref<128x64xf32, #tpu.memory_space<vmem>>, vector<16xf32>,
        %mul3A_565 = arith.mulf %get3A_564, %gather3A_211 : vector<16xf32>
        %swap3A_566 = arith.index_cast %add3A_561 : i32 to index
        %swap3A_567 = arith.constant 0 : index
        %swap3A_568 = tpu.vector_load %arg14[%swap3A_566, %swap3A_567] {strides = array<i32>} : memref<128x64xf32, #tpu.memory_space<vmem>>, vector<16xf32>,
        tpu.vector_store %arg14[%swap3A_566, %swap3A_567], %mul3A_565 {strides = array<i32>} : memref<128x64xf32, #tpu.memory_space<vmem>>, vector<16xf32>,
        %get3A_569 = arith.index_cast %add3A_561 : i32 to index
        %get3A_570 = arith.constant 16 : index
        %get3A_571 = tpu.vector_load %arg14[%get3A_569, %get3A_570] {strides = array<i32>} : memref<128x64xf32, #tpu.memory_space<vmem>>, vector<16xf32>,
        %mul3A_572 = arith.mulf %get3A_571, %gather3A_211 : vector<16xf32>
        %swap3A_573 = arith.index_cast %add3A_561 : i32 to index
        %swap3A_574 = arith.constant 16 : index
        %swap3A_575 = tpu.vector_load %arg14[%swap3A_573, %swap3A_574] {strides = array<i32>} : memref<128x64xf32, #tpu.memory_space<vmem>>, vector<16xf32>,
        tpu.vector_store %arg14[%swap3A_573, %swap3A_574], %mul3A_572 {strides = array<i32>} : memref<128x64xf32, #tpu.memory_space<vmem>>, vector<16xf32>,
        %get3A_576 = arith.index_cast %add3A_561 : i32 to index
        %get3A_577 = arith.constant 32 : index
        %get3A_578 = tpu.vector_load %arg14[%get3A_576, %get3A_577] {strides = array<i32>} : memref<128x64xf32, #tpu.memory_space<vmem>>, vector<16xf32>,
        %mul3A_579 = arith.mulf %get3A_578, %gather3A_211 : vector<16xf32>
        %swap3A_580 = arith.index_cast %add3A_561 : i32 to index
        %swap3A_581 = arith.constant 32 : index
        %swap3A_582 = tpu.vector_load %arg14[%swap3A_580, %swap3A_581] {strides = array<i32>} : memref<128x64xf32, #tpu.memory_space<vmem>>, vector<16xf32>,
        tpu.vector_store %arg14[%swap3A_580, %swap3A_581], %mul3A_579 {strides = array<i32>} : memref<128x64xf32, #tpu.memory_space<vmem>>, vector<16xf32>,
        %get3A_583 = arith.index_cast %add3A_561 : i32 to index
        %get3A_584 = arith.constant 48 : index
        %get3A_585 = tpu.vector_load %arg14[%get3A_583, %get3A_584] {strides = array<i32>} : memref<128x64xf32, #tpu.memory_space<vmem>>, vector<16xf32>,
        %mul3A_586 = arith.mulf %get3A_585, %gather3A_211 : vector<16xf32>
        %swap3A_587 = arith.index_cast %add3A_561 : i32 to index
        %swap3A_588 = arith.constant 48 : index
        %swap3A_589 = tpu.vector_load %arg14[%swap3A_587, %swap3A_588] {strides = array<i32>} : memref<128x64xf32, #tpu.memory_space<vmem>>, vector<16xf32>,
        tpu.vector_store %arg14[%swap3A_587, %swap3A_588], %mul3A_586 {strides = array<i32>} : memref<128x64xf32, #tpu.memory_space<vmem>>, vector<16xf32>,
        %add3A_590 = arith.constant 12 : i32
        %add3A_591 = arith.addi %mul3A_152, %add3A_590 : i32
        %get3A_592 = arith.index_cast %add3A_591 : i32 to index
        %get3A_593 = arith.constant 0 : index
        %get3A_594 = tpu.vector_load %arg14[%get3A_592, %get3A_593] {strides = array<i32>} : memref<128x64xf32, #tpu.memory_space<vmem>>, vector<16xf32>,
        %mul3A_595 = arith.mulf %get3A_594, %gather3A_216 : vector<16xf32>
        %swap3A_596 = arith.index_cast %add3A_591 : i32 to index
        %swap3A_597 = arith.constant 0 : index
        %swap3A_598 = tpu.vector_load %arg14[%swap3A_596, %swap3A_597] {strides = array<i32>} : memref<128x64xf32, #tpu.memory_space<vmem>>, vector<16xf32>,
        tpu.vector_store %arg14[%swap3A_596, %swap3A_597], %mul3A_595 {strides = array<i32>} : memref<128x64xf32, #tpu.memory_space<vmem>>, vector<16xf32>,
        %get3A_599 = arith.index_cast %add3A_591 : i32 to index
        %get3A_600 = arith.constant 16 : index
        %get3A_601 = tpu.vector_load %arg14[%get3A_599, %get3A_600] {strides = array<i32>} : memref<128x64xf32, #tpu.memory_space<vmem>>, vector<16xf32>,
        %mul3A_602 = arith.mulf %get3A_601, %gather3A_216 : vector<16xf32>
        %swap3A_603 = arith.index_cast %add3A_591 : i32 to index
        %swap3A_604 = arith.constant 16 : index
        %swap3A_605 = tpu.vector_load %arg14[%swap3A_603, %swap3A_604] {strides = array<i32>} : memref<128x64xf32, #tpu.memory_space<vmem>>, vector<16xf32>,
        tpu.vector_store %arg14[%swap3A_603, %swap3A_604], %mul3A_602 {strides = array<i32>} : memref<128x64xf32, #tpu.memory_space<vmem>>, vector<16xf32>,
        %get3A_606 = arith.index_cast %add3A_591 : i32 to index
        %get3A_607 = arith.constant 32 : index
        %get3A_608 = tpu.vector_load %arg14[%get3A_606, %get3A_607] {strides = array<i32>} : memref<128x64xf32, #tpu.memory_space<vmem>>, vector<16xf32>,
        %mul3A_609 = arith.mulf %get3A_608, %gather3A_216 : vector<16xf32>
        %swap3A_610 = arith.index_cast %add3A_591 : i32 to index
        %swap3A_611 = arith.constant 32 : index
        %swap3A_612 = tpu.vector_load %arg14[%swap3A_610, %swap3A_611] {strides = array<i32>} : memref<128x64xf32, #tpu.memory_space<vmem>>, vector<16xf32>,
        tpu.vector_store %arg14[%swap3A_610, %swap3A_611], %mul3A_609 {strides = array<i32>} : memref<128x64xf32, #tpu.memory_space<vmem>>, vector<16xf32>,
        %get3A_613 = arith.index_cast %add3A_591 : i32 to index
        %get3A_614 = arith.constant 48 : index
        %get3A_615 = tpu.vector_load %arg14[%get3A_613, %get3A_614] {strides = array<i32>} : memref<128x64xf32, #tpu.memory_space<vmem>>, vector<16xf32>,
        %mul3A_616 = arith.mulf %get3A_615, %gather3A_216 : vector<16xf32>
        %swap3A_617 = arith.index_cast %add3A_591 : i32 to index
        %swap3A_618 = arith.constant 48 : index
        %swap3A_619 = tpu.vector_load %arg14[%swap3A_617, %swap3A_618] {strides = array<i32>} : memref<128x64xf32, #tpu.memory_space<vmem>>, vector<16xf32>,
        tpu.vector_store %arg14[%swap3A_617, %swap3A_618], %mul3A_616 {strides = array<i32>} : memref<128x64xf32, #tpu.memory_space<vmem>>, vector<16xf32>,
        %add3A_620 = arith.constant 13 : i32
        %add3A_621 = arith.addi %mul3A_152, %add3A_620 : i32
        %get3A_622 = arith.index_cast %add3A_621 : i32 to index
        %get3A_623 = arith.constant 0 : index
        %get3A_624 = tpu.vector_load %arg14[%get3A_622, %get3A_623] {strides = array<i32>} : memref<128x64xf32, #tpu.memory_space<vmem>>, vector<16xf32>,
        %mul3A_625 = arith.mulf %get3A_624, %gather3A_221 : vector<16xf32>
        %swap3A_626 = arith.index_cast %add3A_621 : i32 to index
        %swap3A_627 = arith.constant 0 : index
        %swap3A_628 = tpu.vector_load %arg14[%swap3A_626, %swap3A_627] {strides = array<i32>} : memref<128x64xf32, #tpu.memory_space<vmem>>, vector<16xf32>,
        tpu.vector_store %arg14[%swap3A_626, %swap3A_627], %mul3A_625 {strides = array<i32>} : memref<128x64xf32, #tpu.memory_space<vmem>>, vector<16xf32>,
        %get3A_629 = arith.index_cast %add3A_621 : i32 to index
        %get3A_630 = arith.constant 16 : index
        %get3A_631 = tpu.vector_load %arg14[%get3A_629, %get3A_630] {strides = array<i32>} : memref<128x64xf32, #tpu.memory_space<vmem>>, vector<16xf32>,
        %mul3A_632 = arith.mulf %get3A_631, %gather3A_221 : vector<16xf32>
        %swap3A_633 = arith.index_cast %add3A_621 : i32 to index
        %swap3A_634 = arith.constant 16 : index
        %swap3A_635 = tpu.vector_load %arg14[%swap3A_633, %swap3A_634] {strides = array<i32>} : memref<128x64xf32, #tpu.memory_space<vmem>>, vector<16xf32>,
        tpu.vector_store %arg14[%swap3A_633, %swap3A_634], %mul3A_632 {strides = array<i32>} : memref<128x64xf32, #tpu.memory_space<vmem>>, vector<16xf32>,
        %get3A_636 = arith.index_cast %add3A_621 : i32 to index
        %get3A_637 = arith.constant 32 : index
        %get3A_638 = tpu.vector_load %arg14[%get3A_636, %get3A_637] {strides = array<i32>} : memref<128x64xf32, #tpu.memory_space<vmem>>, vector<16xf32>,
        %mul3A_639 = arith.mulf %get3A_638, %gather3A_221 : vector<16xf32>
        %swap3A_640 = arith.index_cast %add3A_621 : i32 to index
        %swap3A_641 = arith.constant 32 : index
        %swap3A_642 = tpu.vector_load %arg14[%swap3A_640, %swap3A_641] {strides = array<i32>} : memref<128x64xf32, #tpu.memory_space<vmem>>, vector<16xf32>,
        tpu.vector_store %arg14[%swap3A_640, %swap3A_641], %mul3A_639 {strides = array<i32>} : memref<128x64xf32, #tpu.memory_space<vmem>>, vector<16xf32>,
        %get3A_643 = arith.index_cast %add3A_621 : i32 to index
        %get3A_644 = arith.constant 48 : index
        %get3A_645 = tpu.vector_load %arg14[%get3A_643, %get3A_644] {strides = array<i32>} : memref<128x64xf32, #tpu.memory_space<vmem>>, vector<16xf32>,
        %mul3A_646 = arith.mulf %get3A_645, %gather3A_221 : vector<16xf32>
        %swap3A_647 = arith.index_cast %add3A_621 : i32 to index
        %swap3A_648 = arith.constant 48 : index
        %swap3A_649 = tpu.vector_load %arg14[%swap3A_647, %swap3A_648] {strides = array<i32>} : memref<128x64xf32, #tpu.memory_space<vmem>>, vector<16xf32>,
        tpu.vector_store %arg14[%swap3A_647, %swap3A_648], %mul3A_646 {strides = array<i32>} : memref<128x64xf32, #tpu.memory_space<vmem>>, vector<16xf32>,
        %add3A_650 = arith.constant 14 : i32
        %add3A_651 = arith.addi %mul3A_152, %add3A_650 : i32
        %get3A_652 = arith.index_cast %add3A_651 : i32 to index
        %get3A_653 = arith.constant 0 : index
        %get3A_654 = tpu.vector_load %arg14[%get3A_652, %get3A_653] {strides = array<i32>} : memref<128x64xf32, #tpu.memory_space<vmem>>, vector<16xf32>,
        %mul3A_655 = arith.mulf %get3A_654, %gather3A_226 : vector<16xf32>
        %swap3A_656 = arith.index_cast %add3A_651 : i32 to index
        %swap3A_657 = arith.constant 0 : index
        %swap3A_658 = tpu.vector_load %arg14[%swap3A_656, %swap3A_657] {strides = array<i32>} : memref<128x64xf32, #tpu.memory_space<vmem>>, vector<16xf32>,
        tpu.vector_store %arg14[%swap3A_656, %swap3A_657], %mul3A_655 {strides = array<i32>} : memref<128x64xf32, #tpu.memory_space<vmem>>, vector<16xf32>,
        %get3A_659 = arith.index_cast %add3A_651 : i32 to index
        %get3A_660 = arith.constant 16 : index
        %get3A_661 = tpu.vector_load %arg14[%get3A_659, %get3A_660] {strides = array<i32>} : memref<128x64xf32, #tpu.memory_space<vmem>>, vector<16xf32>,
        %mul3A_662 = arith.mulf %get3A_661, %gather3A_226 : vector<16xf32>
        %swap3A_663 = arith.index_cast %add3A_651 : i32 to index
        %swap3A_664 = arith.constant 16 : index
        %swap3A_665 = tpu.vector_load %arg14[%swap3A_663, %swap3A_664] {strides = array<i32>} : memref<128x64xf32, #tpu.memory_space<vmem>>, vector<16xf32>,
        tpu.vector_store %arg14[%swap3A_663, %swap3A_664], %mul3A_662 {strides = array<i32>} : memref<128x64xf32, #tpu.memory_space<vmem>>, vector<16xf32>,
        %get3A_666 = arith.index_cast %add3A_651 : i32 to index
        %get3A_667 = arith.constant 32 : index
        %get3A_668 = tpu.vector_load %arg14[%get3A_666, %get3A_667] {strides = array<i32>} : memref<128x64xf32, #tpu.memory_space<vmem>>, vector<16xf32>,
        %mul3A_669 = arith.mulf %get3A_668, %gather3A_226 : vector<16xf32>
        %swap3A_670 = arith.index_cast %add3A_651 : i32 to index
        %swap3A_671 = arith.constant 32 : index
        %swap3A_672 = tpu.vector_load %arg14[%swap3A_670, %swap3A_671] {strides = array<i32>} : memref<128x64xf32, #tpu.memory_space<vmem>>, vector<16xf32>,
        tpu.vector_store %arg14[%swap3A_670, %swap3A_671], %mul3A_669 {strides = array<i32>} : memref<128x64xf32, #tpu.memory_space<vmem>>, vector<16xf32>,
        %get3A_673 = arith.index_cast %add3A_651 : i32 to index
        %get3A_674 = arith.constant 48 : index
        %get3A_675 = tpu.vector_load %arg14[%get3A_673, %get3A_674] {strides = array<i32>} : memref<128x64xf32, #tpu.memory_space<vmem>>, vector<16xf32>,
        %mul3A_676 = arith.mulf %get3A_675, %gather3A_226 : vector<16xf32>
        %swap3A_677 = arith.index_cast %add3A_651 : i32 to index
        %swap3A_678 = arith.constant 48 : index
        %swap3A_679 = tpu.vector_load %arg14[%swap3A_677, %swap3A_678] {strides = array<i32>} : memref<128x64xf32, #tpu.memory_space<vmem>>, vector<16xf32>,
        tpu.vector_store %arg14[%swap3A_677, %swap3A_678], %mul3A_676 {strides = array<i32>} : memref<128x64xf32, #tpu.memory_space<vmem>>, vector<16xf32>,
        %add3A_680 = arith.constant 15 : i32
        %add3A_681 = arith.addi %mul3A_152, %add3A_680 : i32
        %get3A_682 = arith.index_cast %add3A_681 : i32 to index
        %get3A_683 = arith.constant 0 : index
        %get3A_684 = tpu.vector_load %arg14[%get3A_682, %get3A_683] {strides = array<i32>} : memref<128x64xf32, #tpu.memory_space<vmem>>, vector<16xf32>,
        %mul3A_685 = arith.mulf %get3A_684, %gather3A_231 : vector<16xf32>
        %swap3A_686 = arith.index_cast %add3A_681 : i32 to index
        %swap3A_687 = arith.constant 0 : index
        %swap3A_688 = tpu.vector_load %arg14[%swap3A_686, %swap3A_687] {strides = array<i32>} : memref<128x64xf32, #tpu.memory_space<vmem>>, vector<16xf32>,
        tpu.vector_store %arg14[%swap3A_686, %swap3A_687], %mul3A_685 {strides = array<i32>} : memref<128x64xf32, #tpu.memory_space<vmem>>, vector<16xf32>,
        %get3A_689 = arith.index_cast %add3A_681 : i32 to index
        %get3A_690 = arith.constant 16 : index
        %get3A_691 = tpu.vector_load %arg14[%get3A_689, %get3A_690] {strides = array<i32>} : memref<128x64xf32, #tpu.memory_space<vmem>>, vector<16xf32>,
        %mul3A_692 = arith.mulf %get3A_691, %gather3A_231 : vector<16xf32>
        %swap3A_693 = arith.index_cast %add3A_681 : i32 to index
        %swap3A_694 = arith.constant 16 : index
        %swap3A_695 = tpu.vector_load %arg14[%swap3A_693, %swap3A_694] {strides = array<i32>} : memref<128x64xf32, #tpu.memory_space<vmem>>, vector<16xf32>,
        tpu.vector_store %arg14[%swap3A_693, %swap3A_694], %mul3A_692 {strides = array<i32>} : memref<128x64xf32, #tpu.memory_space<vmem>>, vector<16xf32>,
        %get3A_696 = arith.index_cast %add3A_681 : i32 to index
        %get3A_697 = arith.constant 32 : index
        %get3A_698 = tpu.vector_load %arg14[%get3A_696, %get3A_697] {strides = array<i32>} : memref<128x64xf32, #tpu.memory_space<vmem>>, vector<16xf32>,
        %mul3A_699 = arith.mulf %get3A_698, %gather3A_231 : vector<16xf32>
        %swap3A_700 = arith.index_cast %add3A_681 : i32 to index
        %swap3A_701 = arith.constant 32 : index
        %swap3A_702 = tpu.vector_load %arg14[%swap3A_700, %swap3A_701] {strides = array<i32>} : memref<128x64xf32, #tpu.memory_space<vmem>>, vector<16xf32>,
        tpu.vector_store %arg14[%swap3A_700, %swap3A_701], %mul3A_699 {strides = array<i32>} : memref<128x64xf32, #tpu.memory_space<vmem>>, vector<16xf32>,
        %get3A_703 = arith.index_cast %add3A_681 : i32 to index
        %get3A_704 = arith.constant 48 : index
        %get3A_705 = tpu.vector_load %arg14[%get3A_703, %get3A_704] {strides = array<i32>} : memref<128x64xf32, #tpu.memory_space<vmem>>, vector<16xf32>,
        %mul3A_706 = arith.mulf %get3A_705, %gather3A_231 : vector<16xf32>
        %swap3A_707 = arith.index_cast %add3A_681 : i32 to index
        %swap3A_708 = arith.constant 48 : index
        %swap3A_709 = tpu.vector_load %arg14[%swap3A_707, %swap3A_708] {strides = array<i32>} : memref<128x64xf32, #tpu.memory_space<vmem>>, vector<16xf32>,
        tpu.vector_store %arg14[%swap3A_707, %swap3A_708], %mul3A_706 {strides = array<i32>} : memref<128x64xf32, #tpu.memory_space<vmem>>, vector<16xf32>,
      }
      %scan3A_138 = arith.constant 8 : i32
      "tpu.region"() ({
        %run_scoped3A = tpu.sem_alloc : memref<!tpu.dma_semaphore, #tpu.memory_space<semaphore_mem>>
        %dma_start3A_146 = arith.constant 0 : i32
        %dma_start3A_147 = tpu.memref_slice %arg11[%add3A_124, %dma_start3A_146] : memref<158x128xi32, #tpu.memory_space<vmem>> -> memref<1x128xi32, #tpu.memory_space<vmem>>
        %dma_start3A_148 = tpu.memref_squeeze %dma_start3A_147 : memref<1x128xi32, #tpu.memory_space<vmem>> -> memref<128xi32, #tpu.memory_space<vmem>>
        %dma_start3A_149 = arith.constant 0 : i32
        %dma_start3A_150 = arith.constant 0 : i32
        %dma_start3A_151 = tpu.memref_slice %arg15[%dma_start3A_149, %dma_start3A_150] : memref<10240x64xf32, #tpu.memory_space<vmem_shared>> -> memref<10240x64xf32, #tpu.memory_space<vmem_shared>>
        tpu.enqueue_indirect_dma source(%arg14 : memref<128x64xf32, #tpu.memory_space<vmem>>) target(%dma_start3A_151 : memref<10240x64xf32, #tpu.memory_space<vmem_shared>>) offsets(%dma_start3A_148 : memref<128xi32, #tpu.memory_space<vmem>>) semaphore(%run_scoped3A : memref<!tpu.dma_semaphore, #tpu.memory_space<semaphore_mem>>) {add = true}
        %dma_wait3A_152 = arith.constant 0 : i32
        %dma_wait3A_153 = tpu.memref_slice %arg11[%add3A_124, %dma_wait3A_152] : memref<158x128xi32, #tpu.memory_space<vmem>> -> memref<1x128xi32, #tpu.memory_space<vmem>>
        %dma_wait3A_154 = tpu.memref_squeeze %dma_wait3A_153 : memref<1x128xi32, #tpu.memory_space<vmem>> -> memref<128xi32, #tpu.memory_space<vmem>>
        %dma_wait3A_155 = arith.constant 0 : i32
        %dma_wait3A_156 = arith.constant 0 : i32
        %dma_wait3A_157 = tpu.memref_slice %arg15[%dma_wait3A_155, %dma_wait3A_156] : memref<10240x64xf32, #tpu.memory_space<vmem_shared>> -> memref<10240x64xf32, #tpu.memory_space<vmem_shared>>
        tpu.wait_indirect_dma semaphore(%run_scoped3A : memref<!tpu.dma_semaphore, #tpu.memory_space<semaphore_mem>>) src(%arg14 : memref<128x64xf32, #tpu.memory_space<vmem>>) dst(%dma_wait3A_157 : memref<10240x64xf32, #tpu.memory_space<vmem_shared>>)
        tpu.yield
      }) : () -> ()
      %add3A_139 = arith.constant 2 : i32
      %add3A_140 = arith.addi %add3A_124, %add3A_139 : i32
      %lt3A_141 = arith.constant 158 : i32
      %lt3A_142 = arith.cmpi slt, %add3A_140, %lt3A_141 : i32
      %convert_element_type3A_143 = arith.extui %lt3A_142 : i1 to i32
      %cond3A_144 = arith.constant 0 : i32
      %cond3A_145 = arith.cmpi ne, %convert_element_type3A_143, %cond3A_144 : i32
      scf.if %cond3A_145 {
        %add3A_146 = arith.constant 2 : i32
        %add3A_147 = arith.addi %add3A_124, %add3A_146 : i32
        %dma_start3A_148 = arith.constant 0 : i32
        %dma_start3A_149 = tpu.memref_slice %arg10[%add3A_147, %dma_start3A_148] : memref<158x128xi32, #tpu.memory_space<vmem>> -> memref<1x128xi32, #tpu.memory_space<vmem>>
        %dma_start3A_150 = tpu.memref_squeeze %dma_start3A_149 : memref<1x128xi32, #tpu.memory_space<vmem>> -> memref<128xi32, #tpu.memory_space<vmem>>
        %dma_start3A_151 = arith.constant 0 : i32
        %dma_start3A_152 = arith.constant 0 : i32
        %dma_start3A_153 = tpu.memref_slice %arg7[%dma_start3A_151, %dma_start3A_152] : memref<20480x64xf32, #tpu.memory_space<hbm>> -> memref<20480x64xf32, #tpu.memory_space<hbm>>
        tpu.enqueue_indirect_dma source(%dma_start3A_153 : memref<20480x64xf32, #tpu.memory_space<hbm>>) target(%arg14 : memref<128x64xf32, #tpu.memory_space<vmem>>) offsets(%dma_start3A_150 : memref<128xi32, #tpu.memory_space<vmem>>) semaphore(%arg17 : memref<!tpu.dma_semaphore, #tpu.memory_space<semaphore_mem>>)
      } else {
      }
    }
    %scan3A_54 = arith.constant 79 : i32
    %barrier3A_55 = arith.constant 0 : index
    tpu.barrier barrier_id(%barrier3A_55)
    %mul3A_56 = arith.constant 640 : i32
    %mul3A_57 = arith.muli %arg1, %mul3A_56 : i32
    %mul3A_58 = arith.constant 10240 : i32
    %mul3A_59 = arith.muli %arg0, %mul3A_58 : i32
    %mul3A_60 = arith.constant 640 : i32
    %mul3A_61 = arith.muli %arg1, %mul3A_60 : i32
    %add3A_62 = arith.addi %mul3A_59, %mul3A_61 : i32
    "tpu.region"() ({
      %run_scoped3A = tpu.sem_alloc : memref<!tpu.dma_semaphore, #tpu.memory_space<semaphore_mem>>
      %dma_start3A_95 = arith.constant 0 : i32
      %dma_start3A_96 = tpu.memref_slice %arg8[%add3A_62, %dma_start3A_95] : memref<20480x64xf32, #tpu.memory_space<hbm>> -> memref<640x64xf32, #tpu.memory_space<hbm>>
      %dma_start3A_97 = arith.constant 0 : i32
      %dma_start3A_98 = tpu.memref_slice %arg15[%mul3A_57, %dma_start3A_97] : memref<10240x64xf32, #tpu.memory_space<vmem_shared>> -> memref<640x64xf32, #tpu.memory_space<vmem_shared>>
      tpu.enqueue_dma source(%dma_start3A_98 : memref<640x64xf32, #tpu.memory_space<vmem_shared>>) target(%dma_start3A_96 : memref<640x64xf32, #tpu.memory_space<hbm>>) target_semaphore(%run_scoped3A : memref<!tpu.dma_semaphore, #tpu.memory_space<semaphore_mem>>)
      %dma_wait3A = arith.constant 0 : i32
      %dma_wait3A_99 = tpu.memref_slice %arg8[%add3A_62, %dma_wait3A] : memref<20480x64xf32, #tpu.memory_space<hbm>> -> memref<640x64xf32, #tpu.memory_space<hbm>>
      %dma_wait3A_100 = arith.constant 0 : i32
      %dma_wait3A_101 = tpu.memref_slice %arg15[%mul3A_57, %dma_wait3A_100] : memref<10240x64xf32, #tpu.memory_space<vmem_shared>> -> memref<640x64xf32, #tpu.memory_space<vmem_shared>>
      tpu.wait_dma2 semaphore(%run_scoped3A : memref<!tpu.dma_semaphore, #tpu.memory_space<semaphore_mem>>) src(%dma_wait3A_101 : memref<640x64xf32, #tpu.memory_space<vmem_shared>>) dst(%dma_wait3A_99 : memref<640x64xf32, #tpu.memory_space<hbm>>)
      tpu.yield
    }) : () -> ()
    %barrier3A_63 = arith.constant 0 : index
    tpu.barrier barrier_id(%barrier3A_63)
    %mul3A_64 = arith.constant 640 : i32
    %mul3A_65 = arith.muli %arg1, %mul3A_64 : i32
    "tpu.region"() ({
      %run_scoped3A = tpu.sem_alloc : memref<!tpu.dma_semaphore, #tpu.memory_space<semaphore_mem>>
      %dma_start3A_95 = arith.constant 0 : i32
      %dma_start3A_96 = tpu.memref_slice %arg15[%mul3A_65, %dma_start3A_95] : memref<10240x64xf32, #tpu.memory_space<vmem_shared>> -> memref<640x64xf32, #tpu.memory_space<vmem_shared>>
      tpu.enqueue_dma source(%arg6 : memref<640x64xf32, #tpu.memory_space<hbm>>) target(%dma_start3A_96 : memref<640x64xf32, #tpu.memory_space<vmem_shared>>) target_semaphore(%run_scoped3A : memref<!tpu.dma_semaphore, #tpu.memory_space<semaphore_mem>>)
      %dma_wait3A = arith.constant 0 : i32
      %dma_wait3A_97 = tpu.memref_slice %arg15[%mul3A_65, %dma_wait3A] : memref<10240x64xf32, #tpu.memory_space<vmem_shared>> -> memref<640x64xf32, #tpu.memory_space<vmem_shared>>
      tpu.wait_dma2 semaphore(%run_scoped3A : memref<!tpu.dma_semaphore, #tpu.memory_space<semaphore_mem>>) src(%arg6 : memref<640x64xf32, #tpu.memory_space<hbm>>) dst(%dma_wait3A_97 : memref<640x64xf32, #tpu.memory_space<vmem_shared>>)
      tpu.yield
    }) : () -> ()
    %barrier3A_66 = arith.constant 0 : index
    tpu.barrier barrier_id(%barrier3A_66)
    %dma_start3A_67 = arith.constant 0 : i32
    %dma_start3A_68 = arith.constant 0 : i32
    %dma_start3A_69 = tpu.memref_slice %arg10[%dma_start3A_67, %dma_start3A_68] : memref<158x128xi32, #tpu.memory_space<vmem>> -> memref<1x128xi32, #tpu.memory_space<vmem>>
    %dma_start3A_70 = tpu.memref_squeeze %dma_start3A_69 : memref<1x128xi32, #tpu.memory_space<vmem>> -> memref<128xi32, #tpu.memory_space<vmem>>
    %dma_start3A_71 = arith.constant 0 : i32
    %dma_start3A_72 = arith.constant 0 : i32
    %dma_start3A_73 = tpu.memref_slice %arg8[%dma_start3A_71, %dma_start3A_72] : memref<20480x64xf32, #tpu.memory_space<hbm>> -> memref<20480x64xf32, #tpu.memory_space<hbm>>
    tpu.enqueue_indirect_dma source(%dma_start3A_73 : memref<20480x64xf32, #tpu.memory_space<hbm>>) target(%arg13 : memref<128x64xf32, #tpu.memory_space<vmem>>) offsets(%dma_start3A_70 : memref<128xi32, #tpu.memory_space<vmem>>) semaphore(%arg16 : memref<!tpu.dma_semaphore, #tpu.memory_space<semaphore_mem>>)
    %dma_start3A_74 = arith.constant 1 : i32
    %dma_start3A_75 = arith.constant 0 : i32
    %dma_start3A_76 = tpu.memref_slice %arg10[%dma_start3A_74, %dma_start3A_75] : memref<158x128xi32, #tpu.memory_space<vmem>> -> memref<1x128xi32, #tpu.memory_space<vmem>>
    %dma_start3A_77 = tpu.memref_squeeze %dma_start3A_76 : memref<1x128xi32, #tpu.memory_space<vmem>> -> memref<128xi32, #tpu.memory_space<vmem>>
    %dma_start3A_78 = arith.constant 0 : i32
    %dma_start3A_79 = arith.constant 0 : i32
    %dma_start3A_80 = tpu.memref_slice %arg8[%dma_start3A_78, %dma_start3A_79] : memref<20480x64xf32, #tpu.memory_space<hbm>> -> memref<20480x64xf32, #tpu.memory_space<hbm>>
    tpu.enqueue_indirect_dma source(%dma_start3A_80 : memref<20480x64xf32, #tpu.memory_space<hbm>>) target(%arg14 : memref<128x64xf32, #tpu.memory_space<vmem>>) offsets(%dma_start3A_77 : memref<128xi32, #tpu.memory_space<vmem>>) semaphore(%arg17 : memref<!tpu.dma_semaphore, #tpu.memory_space<semaphore_mem>>)
    %scan3A_81 = arith.constant 0 : i32
    %scan3A_82 = arith.constant 79 : i32
    %scan3A_83 = arith.addi %scan3A_81, %scan3A_82 : i32
    %scan3A_84 = arith.constant 1 : i32
    scf.for %scan3A_95 = %scan3A_81 to %scan3A_83 step %scan3A_84  : i32 {
      %mul3A_96 = arith.constant 1 : i32
      %mul3A_97 = arith.muli %scan3A_95, %mul3A_96 : i32
      %add3A_98 = arith.constant 0 : i32
      %add3A_99 = arith.addi %add3A_98, %mul3A_97 : i32
      %mul3A_100 = arith.constant 2 : i32
      %mul3A_101 = arith.muli %mul3A_100, %add3A_99 : i32
      %add3A_102 = arith.constant 0 : i32
      %add3A_103 = arith.addi %mul3A_101, %add3A_102 : i32
      %dma_wait3A = arith.constant 0 : i32
      %dma_wait3A_104 = tpu.memref_slice %arg10[%add3A_103, %dma_wait3A] : memref<158x128xi32, #tpu.memory_space<vmem>> -> memref<1x128xi32, #tpu.memory_space<vmem>>
      %dma_wait3A_105 = tpu.memref_squeeze %dma_wait3A_104 : memref<1x128xi32, #tpu.memory_space<vmem>> -> memref<128xi32, #tpu.memory_space<vmem>>
      %dma_wait3A_106 = arith.constant 0 : i32
      %dma_wait3A_107 = arith.constant 0 : i32
      %dma_wait3A_108 = tpu.memref_slice %arg8[%dma_wait3A_106, %dma_wait3A_107] : memref<20480x64xf32, #tpu.memory_space<hbm>> -> memref<20480x64xf32, #tpu.memory_space<hbm>>
      tpu.wait_indirect_dma semaphore(%arg16 : memref<!tpu.dma_semaphore, #tpu.memory_space<semaphore_mem>>) src(%dma_wait3A_108 : memref<20480x64xf32, #tpu.memory_space<hbm>>) dst(%arg13 : memref<128x64xf32, #tpu.memory_space<vmem>>)
      %mul3A_109 = arith.constant 128 : i32
      %mul3A_110 = arith.muli %add3A_103, %mul3A_109 : i32
      %broadcast_in_dim3A_111 = vector.broadcast %mul3A_110 : i32 to vector<16xi32>
      %scan3A_112 = arith.constant 0 : i32
      %scan3A_113 = arith.constant 8 : i32
      %scan3A_114 = arith.addi %scan3A_112, %scan3A_113 : i32
      %scan3A_115 = arith.constant 1 : i32
      scf.for %scan3A_146 = %scan3A_112 to %scan3A_114 step %scan3A_115  : i32 {
        %mul3A_147 = arith.constant 1 : i32
        %mul3A_148 = arith.muli %scan3A_146, %mul3A_147 : i32
        %add3A_149 = arith.constant 0 : i32
        %add3A_150 = arith.addi %add3A_149, %mul3A_148 : i32
        %mul3A_151 = arith.constant 16 : i32
        %mul3A_152 = arith.muli %add3A_150, %mul3A_151 : i32
        %add3A_153 = arith.constant 0 : i32
        %add3A_154 = arith.addi %mul3A_152, %add3A_153 : i32
        %add3A_155 = vector.broadcast %add3A_154 : i32 to vector<16xi32>
        %add3A_156 = arith.addi %broadcast_in_dim3A_111, %add3A_155 : vector<16xi32>
        %gather3A = tpu.vector_load_idx %arg12[%add3A_156] : memref<20224xf32, #tpu.memory_space<vmem>>[vector<16xi32>], vector<16xf32>,
        %add3A_157 = arith.constant 1 : i32
        %add3A_158 = arith.addi %mul3A_152, %add3A_157 : i32
        %add3A_159 = vector.broadcast %add3A_158 : i32 to vector<16xi32>
        %add3A_160 = arith.addi %broadcast_in_dim3A_111, %add3A_159 : vector<16xi32>
        %gather3A_161 = tpu.vector_load_idx %arg12[%add3A_160] : memref<20224xf32, #tpu.memory_space<vmem>>[vector<16xi32>], vector<16xf32>,
        %add3A_162 = arith.constant 2 : i32
        %add3A_163 = arith.addi %mul3A_152, %add3A_162 : i32
        %add3A_164 = vector.broadcast %add3A_163 : i32 to vector<16xi32>
        %add3A_165 = arith.addi %broadcast_in_dim3A_111, %add3A_164 : vector<16xi32>
        %gather3A_166 = tpu.vector_load_idx %arg12[%add3A_165] : memref<20224xf32, #tpu.memory_space<vmem>>[vector<16xi32>], vector<16xf32>,
        %add3A_167 = arith.constant 3 : i32
        %add3A_168 = arith.addi %mul3A_152, %add3A_167 : i32
        %add3A_169 = vector.broadcast %add3A_168 : i32 to vector<16xi32>
        %add3A_170 = arith.addi %broadcast_in_dim3A_111, %add3A_169 : vector<16xi32>
        %gather3A_171 = tpu.vector_load_idx %arg12[%add3A_170] : memref<20224xf32, #tpu.memory_space<vmem>>[vector<16xi32>], vector<16xf32>,
        %add3A_172 = arith.constant 4 : i32
        %add3A_173 = arith.addi %mul3A_152, %add3A_172 : i32
        %add3A_174 = vector.broadcast %add3A_173 : i32 to vector<16xi32>
        %add3A_175 = arith.addi %broadcast_in_dim3A_111, %add3A_174 : vector<16xi32>
        %gather3A_176 = tpu.vector_load_idx %arg12[%add3A_175] : memref<20224xf32, #tpu.memory_space<vmem>>[vector<16xi32>], vector<16xf32>,
        %add3A_177 = arith.constant 5 : i32
        %add3A_178 = arith.addi %mul3A_152, %add3A_177 : i32
        %add3A_179 = vector.broadcast %add3A_178 : i32 to vector<16xi32>
        %add3A_180 = arith.addi %broadcast_in_dim3A_111, %add3A_179 : vector<16xi32>
        %gather3A_181 = tpu.vector_load_idx %arg12[%add3A_180] : memref<20224xf32, #tpu.memory_space<vmem>>[vector<16xi32>], vector<16xf32>,
        %add3A_182 = arith.constant 6 : i32
        %add3A_183 = arith.addi %mul3A_152, %add3A_182 : i32
        %add3A_184 = vector.broadcast %add3A_183 : i32 to vector<16xi32>
        %add3A_185 = arith.addi %broadcast_in_dim3A_111, %add3A_184 : vector<16xi32>
        %gather3A_186 = tpu.vector_load_idx %arg12[%add3A_185] : memref<20224xf32, #tpu.memory_space<vmem>>[vector<16xi32>], vector<16xf32>,
        %add3A_187 = arith.constant 7 : i32
        %add3A_188 = arith.addi %mul3A_152, %add3A_187 : i32
        %add3A_189 = vector.broadcast %add3A_188 : i32 to vector<16xi32>
        %add3A_190 = arith.addi %broadcast_in_dim3A_111, %add3A_189 : vector<16xi32>
        %gather3A_191 = tpu.vector_load_idx %arg12[%add3A_190] : memref<20224xf32, #tpu.memory_space<vmem>>[vector<16xi32>], vector<16xf32>,
        %add3A_192 = arith.constant 8 : i32
        %add3A_193 = arith.addi %mul3A_152, %add3A_192 : i32
        %add3A_194 = vector.broadcast %add3A_193 : i32 to vector<16xi32>
        %add3A_195 = arith.addi %broadcast_in_dim3A_111, %add3A_194 : vector<16xi32>
        %gather3A_196 = tpu.vector_load_idx %arg12[%add3A_195] : memref<20224xf32, #tpu.memory_space<vmem>>[vector<16xi32>], vector<16xf32>,
        %add3A_197 = arith.constant 9 : i32
        %add3A_198 = arith.addi %mul3A_152, %add3A_197 : i32
        %add3A_199 = vector.broadcast %add3A_198 : i32 to vector<16xi32>
        %add3A_200 = arith.addi %broadcast_in_dim3A_111, %add3A_199 : vector<16xi32>
        %gather3A_201 = tpu.vector_load_idx %arg12[%add3A_200] : memref<20224xf32, #tpu.memory_space<vmem>>[vector<16xi32>], vector<16xf32>,
        %add3A_202 = arith.constant 10 : i32
        %add3A_203 = arith.addi %mul3A_152, %add3A_202 : i32
        %add3A_204 = vector.broadcast %add3A_203 : i32 to vector<16xi32>
        %add3A_205 = arith.addi %broadcast_in_dim3A_111, %add3A_204 : vector<16xi32>
        %gather3A_206 = tpu.vector_load_idx %arg12[%add3A_205] : memref<20224xf32, #tpu.memory_space<vmem>>[vector<16xi32>], vector<16xf32>,
        %add3A_207 = arith.constant 11 : i32
        %add3A_208 = arith.addi %mul3A_152, %add3A_207 : i32
        %add3A_209 = vector.broadcast %add3A_208 : i32 to vector<16xi32>
        %add3A_210 = arith.addi %broadcast_in_dim3A_111, %add3A_209 : vector<16xi32>
        %gather3A_211 = tpu.vector_load_idx %arg12[%add3A_210] : memref<20224xf32, #tpu.memory_space<vmem>>[vector<16xi32>], vector<16xf32>,
        %add3A_212 = arith.constant 12 : i32
        %add3A_213 = arith.addi %mul3A_152, %add3A_212 : i32
        %add3A_214 = vector.broadcast %add3A_213 : i32 to vector<16xi32>
        %add3A_215 = arith.addi %broadcast_in_dim3A_111, %add3A_214 : vector<16xi32>
        %gather3A_216 = tpu.vector_load_idx %arg12[%add3A_215] : memref<20224xf32, #tpu.memory_space<vmem>>[vector<16xi32>], vector<16xf32>,
        %add3A_217 = arith.constant 13 : i32
        %add3A_218 = arith.addi %mul3A_152, %add3A_217 : i32
        %add3A_219 = vector.broadcast %add3A_218 : i32 to vector<16xi32>
        %add3A_220 = arith.addi %broadcast_in_dim3A_111, %add3A_219 : vector<16xi32>
        %gather3A_221 = tpu.vector_load_idx %arg12[%add3A_220] : memref<20224xf32, #tpu.memory_space<vmem>>[vector<16xi32>], vector<16xf32>,
        %add3A_222 = arith.constant 14 : i32
        %add3A_223 = arith.addi %mul3A_152, %add3A_222 : i32
        %add3A_224 = vector.broadcast %add3A_223 : i32 to vector<16xi32>
        %add3A_225 = arith.addi %broadcast_in_dim3A_111, %add3A_224 : vector<16xi32>
        %gather3A_226 = tpu.vector_load_idx %arg12[%add3A_225] : memref<20224xf32, #tpu.memory_space<vmem>>[vector<16xi32>], vector<16xf32>,
        %add3A_227 = arith.constant 15 : i32
        %add3A_228 = arith.addi %mul3A_152, %add3A_227 : i32
        %add3A_229 = vector.broadcast %add3A_228 : i32 to vector<16xi32>
        %add3A_230 = arith.addi %broadcast_in_dim3A_111, %add3A_229 : vector<16xi32>
        %gather3A_231 = tpu.vector_load_idx %arg12[%add3A_230] : memref<20224xf32, #tpu.memory_space<vmem>>[vector<16xi32>], vector<16xf32>,
        %add3A_232 = arith.constant 0 : i32
        %add3A_233 = arith.addi %mul3A_152, %add3A_232 : i32
        %get3A = arith.index_cast %add3A_233 : i32 to index
        %get3A_234 = arith.constant 0 : index
        %get3A_235 = tpu.vector_load %arg13[%get3A, %get3A_234] {strides = array<i32>} : memref<128x64xf32, #tpu.memory_space<vmem>>, vector<16xf32>,
        %mul3A_236 = arith.mulf %get3A_235, %gather3A : vector<16xf32>
        %swap3A = arith.index_cast %add3A_233 : i32 to index
        %swap3A_237 = arith.constant 0 : index
        %swap3A_238 = tpu.vector_load %arg13[%swap3A, %swap3A_237] {strides = array<i32>} : memref<128x64xf32, #tpu.memory_space<vmem>>, vector<16xf32>,
        tpu.vector_store %arg13[%swap3A, %swap3A_237], %mul3A_236 {strides = array<i32>} : memref<128x64xf32, #tpu.memory_space<vmem>>, vector<16xf32>,
        %get3A_239 = arith.index_cast %add3A_233 : i32 to index
        %get3A_240 = arith.constant 16 : index
        %get3A_241 = tpu.vector_load %arg13[%get3A_239, %get3A_240] {strides = array<i32>} : memref<128x64xf32, #tpu.memory_space<vmem>>, vector<16xf32>,
        %mul3A_242 = arith.mulf %get3A_241, %gather3A : vector<16xf32>
        %swap3A_243 = arith.index_cast %add3A_233 : i32 to index
        %swap3A_244 = arith.constant 16 : index
        %swap3A_245 = tpu.vector_load %arg13[%swap3A_243, %swap3A_244] {strides = array<i32>} : memref<128x64xf32, #tpu.memory_space<vmem>>, vector<16xf32>,
        tpu.vector_store %arg13[%swap3A_243, %swap3A_244], %mul3A_242 {strides = array<i32>} : memref<128x64xf32, #tpu.memory_space<vmem>>, vector<16xf32>,
        %get3A_246 = arith.index_cast %add3A_233 : i32 to index
        %get3A_247 = arith.constant 32 : index
        %get3A_248 = tpu.vector_load %arg13[%get3A_246, %get3A_247] {strides = array<i32>} : memref<128x64xf32, #tpu.memory_space<vmem>>, vector<16xf32>,
        %mul3A_249 = arith.mulf %get3A_248, %gather3A : vector<16xf32>
        %swap3A_250 = arith.index_cast %add3A_233 : i32 to index
        %swap3A_251 = arith.constant 32 : index
        %swap3A_252 = tpu.vector_load %arg13[%swap3A_250, %swap3A_251] {strides = array<i32>} : memref<128x64xf32, #tpu.memory_space<vmem>>, vector<16xf32>,
        tpu.vector_store %arg13[%swap3A_250, %swap3A_251], %mul3A_249 {strides = array<i32>} : memref<128x64xf32, #tpu.memory_space<vmem>>, vector<16xf32>,
        %get3A_253 = arith.index_cast %add3A_233 : i32 to index
        %get3A_254 = arith.constant 48 : index
        %get3A_255 = tpu.vector_load %arg13[%get3A_253, %get3A_254] {strides = array<i32>} : memref<128x64xf32, #tpu.memory_space<vmem>>, vector<16xf32>,
        %mul3A_256 = arith.mulf %get3A_255, %gather3A : vector<16xf32>
        %swap3A_257 = arith.index_cast %add3A_233 : i32 to index
        %swap3A_258 = arith.constant 48 : index
        %swap3A_259 = tpu.vector_load %arg13[%swap3A_257, %swap3A_258] {strides = array<i32>} : memref<128x64xf32, #tpu.memory_space<vmem>>, vector<16xf32>,
        tpu.vector_store %arg13[%swap3A_257, %swap3A_258], %mul3A_256 {strides = array<i32>} : memref<128x64xf32, #tpu.memory_space<vmem>>, vector<16xf32>,
        %add3A_260 = arith.constant 1 : i32
        %add3A_261 = arith.addi %mul3A_152, %add3A_260 : i32
        %get3A_262 = arith.index_cast %add3A_261 : i32 to index
        %get3A_263 = arith.constant 0 : index
        %get3A_264 = tpu.vector_load %arg13[%get3A_262, %get3A_263] {strides = array<i32>} : memref<128x64xf32, #tpu.memory_space<vmem>>, vector<16xf32>,
        %mul3A_265 = arith.mulf %get3A_264, %gather3A_161 : vector<16xf32>
        %swap3A_266 = arith.index_cast %add3A_261 : i32 to index
        %swap3A_267 = arith.constant 0 : index
        %swap3A_268 = tpu.vector_load %arg13[%swap3A_266, %swap3A_267] {strides = array<i32>} : memref<128x64xf32, #tpu.memory_space<vmem>>, vector<16xf32>,
        tpu.vector_store %arg13[%swap3A_266, %swap3A_267], %mul3A_265 {strides = array<i32>} : memref<128x64xf32, #tpu.memory_space<vmem>>, vector<16xf32>,
        %get3A_269 = arith.index_cast %add3A_261 : i32 to index
        %get3A_270 = arith.constant 16 : index
        %get3A_271 = tpu.vector_load %arg13[%get3A_269, %get3A_270] {strides = array<i32>} : memref<128x64xf32, #tpu.memory_space<vmem>>, vector<16xf32>,
        %mul3A_272 = arith.mulf %get3A_271, %gather3A_161 : vector<16xf32>
        %swap3A_273 = arith.index_cast %add3A_261 : i32 to index
        %swap3A_274 = arith.constant 16 : index
        %swap3A_275 = tpu.vector_load %arg13[%swap3A_273, %swap3A_274] {strides = array<i32>} : memref<128x64xf32, #tpu.memory_space<vmem>>, vector<16xf32>,
        tpu.vector_store %arg13[%swap3A_273, %swap3A_274], %mul3A_272 {strides = array<i32>} : memref<128x64xf32, #tpu.memory_space<vmem>>, vector<16xf32>,
        %get3A_276 = arith.index_cast %add3A_261 : i32 to index
        %get3A_277 = arith.constant 32 : index
        %get3A_278 = tpu.vector_load %arg13[%get3A_276, %get3A_277] {strides = array<i32>} : memref<128x64xf32, #tpu.memory_space<vmem>>, vector<16xf32>,
        %mul3A_279 = arith.mulf %get3A_278, %gather3A_161 : vector<16xf32>
        %swap3A_280 = arith.index_cast %add3A_261 : i32 to index
        %swap3A_281 = arith.constant 32 : index
        %swap3A_282 = tpu.vector_load %arg13[%swap3A_280, %swap3A_281] {strides = array<i32>} : memref<128x64xf32, #tpu.memory_space<vmem>>, vector<16xf32>,
        tpu.vector_store %arg13[%swap3A_280, %swap3A_281], %mul3A_279 {strides = array<i32>} : memref<128x64xf32, #tpu.memory_space<vmem>>, vector<16xf32>,
        %get3A_283 = arith.index_cast %add3A_261 : i32 to index
        %get3A_284 = arith.constant 48 : index
        %get3A_285 = tpu.vector_load %arg13[%get3A_283, %get3A_284] {strides = array<i32>} : memref<128x64xf32, #tpu.memory_space<vmem>>, vector<16xf32>,
        %mul3A_286 = arith.mulf %get3A_285, %gather3A_161 : vector<16xf32>
        %swap3A_287 = arith.index_cast %add3A_261 : i32 to index
        %swap3A_288 = arith.constant 48 : index
        %swap3A_289 = tpu.vector_load %arg13[%swap3A_287, %swap3A_288] {strides = array<i32>} : memref<128x64xf32, #tpu.memory_space<vmem>>, vector<16xf32>,
        tpu.vector_store %arg13[%swap3A_287, %swap3A_288], %mul3A_286 {strides = array<i32>} : memref<128x64xf32, #tpu.memory_space<vmem>>, vector<16xf32>,
        %add3A_290 = arith.constant 2 : i32
        %add3A_291 = arith.addi %mul3A_152, %add3A_290 : i32
        %get3A_292 = arith.index_cast %add3A_291 : i32 to index
        %get3A_293 = arith.constant 0 : index
        %get3A_294 = tpu.vector_load %arg13[%get3A_292, %get3A_293] {strides = array<i32>} : memref<128x64xf32, #tpu.memory_space<vmem>>, vector<16xf32>,
        %mul3A_295 = arith.mulf %get3A_294, %gather3A_166 : vector<16xf32>
        %swap3A_296 = arith.index_cast %add3A_291 : i32 to index
        %swap3A_297 = arith.constant 0 : index
        %swap3A_298 = tpu.vector_load %arg13[%swap3A_296, %swap3A_297] {strides = array<i32>} : memref<128x64xf32, #tpu.memory_space<vmem>>, vector<16xf32>,
        tpu.vector_store %arg13[%swap3A_296, %swap3A_297], %mul3A_295 {strides = array<i32>} : memref<128x64xf32, #tpu.memory_space<vmem>>, vector<16xf32>,
        %get3A_299 = arith.index_cast %add3A_291 : i32 to index
        %get3A_300 = arith.constant 16 : index
        %get3A_301 = tpu.vector_load %arg13[%get3A_299, %get3A_300] {strides = array<i32>} : memref<128x64xf32, #tpu.memory_space<vmem>>, vector<16xf32>,
        %mul3A_302 = arith.mulf %get3A_301, %gather3A_166 : vector<16xf32>
        %swap3A_303 = arith.index_cast %add3A_291 : i32 to index
        %swap3A_304 = arith.constant 16 : index
        %swap3A_305 = tpu.vector_load %arg13[%swap3A_303, %swap3A_304] {strides = array<i32>} : memref<128x64xf32, #tpu.memory_space<vmem>>, vector<16xf32>,
        tpu.vector_store %arg13[%swap3A_303, %swap3A_304], %mul3A_302 {strides = array<i32>} : memref<128x64xf32, #tpu.memory_space<vmem>>, vector<16xf32>,
        %get3A_306 = arith.index_cast %add3A_291 : i32 to index
        %get3A_307 = arith.constant 32 : index
        %get3A_308 = tpu.vector_load %arg13[%get3A_306, %get3A_307] {strides = array<i32>} : memref<128x64xf32, #tpu.memory_space<vmem>>, vector<16xf32>,
        %mul3A_309 = arith.mulf %get3A_308, %gather3A_166 : vector<16xf32>
        %swap3A_310 = arith.index_cast %add3A_291 : i32 to index
        %swap3A_311 = arith.constant 32 : index
        %swap3A_312 = tpu.vector_load %arg13[%swap3A_310, %swap3A_311] {strides = array<i32>} : memref<128x64xf32, #tpu.memory_space<vmem>>, vector<16xf32>,
        tpu.vector_store %arg13[%swap3A_310, %swap3A_311], %mul3A_309 {strides = array<i32>} : memref<128x64xf32, #tpu.memory_space<vmem>>, vector<16xf32>,
        %get3A_313 = arith.index_cast %add3A_291 : i32 to index
        %get3A_314 = arith.constant 48 : index
        %get3A_315 = tpu.vector_load %arg13[%get3A_313, %get3A_314] {strides = array<i32>} : memref<128x64xf32, #tpu.memory_space<vmem>>, vector<16xf32>,
        %mul3A_316 = arith.mulf %get3A_315, %gather3A_166 : vector<16xf32>
        %swap3A_317 = arith.index_cast %add3A_291 : i32 to index
        %swap3A_318 = arith.constant 48 : index
        %swap3A_319 = tpu.vector_load %arg13[%swap3A_317, %swap3A_318] {strides = array<i32>} : memref<128x64xf32, #tpu.memory_space<vmem>>, vector<16xf32>,
        tpu.vector_store %arg13[%swap3A_317, %swap3A_318], %mul3A_316 {strides = array<i32>} : memref<128x64xf32, #tpu.memory_space<vmem>>, vector<16xf32>,
        %add3A_320 = arith.constant 3 : i32
        %add3A_321 = arith.addi %mul3A_152, %add3A_320 : i32
        %get3A_322 = arith.index_cast %add3A_321 : i32 to index
        %get3A_323 = arith.constant 0 : index
        %get3A_324 = tpu.vector_load %arg13[%get3A_322, %get3A_323] {strides = array<i32>} : memref<128x64xf32, #tpu.memory_space<vmem>>, vector<16xf32>,
        %mul3A_325 = arith.mulf %get3A_324, %gather3A_171 : vector<16xf32>
        %swap3A_326 = arith.index_cast %add3A_321 : i32 to index
        %swap3A_327 = arith.constant 0 : index
        %swap3A_328 = tpu.vector_load %arg13[%swap3A_326, %swap3A_327] {strides = array<i32>} : memref<128x64xf32, #tpu.memory_space<vmem>>, vector<16xf32>,
        tpu.vector_store %arg13[%swap3A_326, %swap3A_327], %mul3A_325 {strides = array<i32>} : memref<128x64xf32, #tpu.memory_space<vmem>>, vector<16xf32>,
        %get3A_329 = arith.index_cast %add3A_321 : i32 to index
        %get3A_330 = arith.constant 16 : index
        %get3A_331 = tpu.vector_load %arg13[%get3A_329, %get3A_330] {strides = array<i32>} : memref<128x64xf32, #tpu.memory_space<vmem>>, vector<16xf32>,
        %mul3A_332 = arith.mulf %get3A_331, %gather3A_171 : vector<16xf32>
        %swap3A_333 = arith.index_cast %add3A_321 : i32 to index
        %swap3A_334 = arith.constant 16 : index
        %swap3A_335 = tpu.vector_load %arg13[%swap3A_333, %swap3A_334] {strides = array<i32>} : memref<128x64xf32, #tpu.memory_space<vmem>>, vector<16xf32>,
        tpu.vector_store %arg13[%swap3A_333, %swap3A_334], %mul3A_332 {strides = array<i32>} : memref<128x64xf32, #tpu.memory_space<vmem>>, vector<16xf32>,
        %get3A_336 = arith.index_cast %add3A_321 : i32 to index
        %get3A_337 = arith.constant 32 : index
        %get3A_338 = tpu.vector_load %arg13[%get3A_336, %get3A_337] {strides = array<i32>} : memref<128x64xf32, #tpu.memory_space<vmem>>, vector<16xf32>,
        %mul3A_339 = arith.mulf %get3A_338, %gather3A_171 : vector<16xf32>
        %swap3A_340 = arith.index_cast %add3A_321 : i32 to index
        %swap3A_341 = arith.constant 32 : index
        %swap3A_342 = tpu.vector_load %arg13[%swap3A_340, %swap3A_341] {strides = array<i32>} : memref<128x64xf32, #tpu.memory_space<vmem>>, vector<16xf32>,
        tpu.vector_store %arg13[%swap3A_340, %swap3A_341], %mul3A_339 {strides = array<i32>} : memref<128x64xf32, #tpu.memory_space<vmem>>, vector<16xf32>,
        %get3A_343 = arith.index_cast %add3A_321 : i32 to index
        %get3A_344 = arith.constant 48 : index
        %get3A_345 = tpu.vector_load %arg13[%get3A_343, %get3A_344] {strides = array<i32>} : memref<128x64xf32, #tpu.memory_space<vmem>>, vector<16xf32>,
        %mul3A_346 = arith.mulf %get3A_345, %gather3A_171 : vector<16xf32>
        %swap3A_347 = arith.index_cast %add3A_321 : i32 to index
        %swap3A_348 = arith.constant 48 : index
        %swap3A_349 = tpu.vector_load %arg13[%swap3A_347, %swap3A_348] {strides = array<i32>} : memref<128x64xf32, #tpu.memory_space<vmem>>, vector<16xf32>,
        tpu.vector_store %arg13[%swap3A_347, %swap3A_348], %mul3A_346 {strides = array<i32>} : memref<128x64xf32, #tpu.memory_space<vmem>>, vector<16xf32>,
        %add3A_350 = arith.constant 4 : i32
        %add3A_351 = arith.addi %mul3A_152, %add3A_350 : i32
        %get3A_352 = arith.index_cast %add3A_351 : i32 to index
        %get3A_353 = arith.constant 0 : index
        %get3A_354 = tpu.vector_load %arg13[%get3A_352, %get3A_353] {strides = array<i32>} : memref<128x64xf32, #tpu.memory_space<vmem>>, vector<16xf32>,
        %mul3A_355 = arith.mulf %get3A_354, %gather3A_176 : vector<16xf32>
        %swap3A_356 = arith.index_cast %add3A_351 : i32 to index
        %swap3A_357 = arith.constant 0 : index
        %swap3A_358 = tpu.vector_load %arg13[%swap3A_356, %swap3A_357] {strides = array<i32>} : memref<128x64xf32, #tpu.memory_space<vmem>>, vector<16xf32>,
        tpu.vector_store %arg13[%swap3A_356, %swap3A_357], %mul3A_355 {strides = array<i32>} : memref<128x64xf32, #tpu.memory_space<vmem>>, vector<16xf32>,
        %get3A_359 = arith.index_cast %add3A_351 : i32 to index
        %get3A_360 = arith.constant 16 : index
        %get3A_361 = tpu.vector_load %arg13[%get3A_359, %get3A_360] {strides = array<i32>} : memref<128x64xf32, #tpu.memory_space<vmem>>, vector<16xf32>,
        %mul3A_362 = arith.mulf %get3A_361, %gather3A_176 : vector<16xf32>
        %swap3A_363 = arith.index_cast %add3A_351 : i32 to index
        %swap3A_364 = arith.constant 16 : index
        %swap3A_365 = tpu.vector_load %arg13[%swap3A_363, %swap3A_364] {strides = array<i32>} : memref<128x64xf32, #tpu.memory_space<vmem>>, vector<16xf32>,
        tpu.vector_store %arg13[%swap3A_363, %swap3A_364], %mul3A_362 {strides = array<i32>} : memref<128x64xf32, #tpu.memory_space<vmem>>, vector<16xf32>,
        %get3A_366 = arith.index_cast %add3A_351 : i32 to index
        %get3A_367 = arith.constant 32 : index
        %get3A_368 = tpu.vector_load %arg13[%get3A_366, %get3A_367] {strides = array<i32>} : memref<128x64xf32, #tpu.memory_space<vmem>>, vector<16xf32>,
        %mul3A_369 = arith.mulf %get3A_368, %gather3A_176 : vector<16xf32>
        %swap3A_370 = arith.index_cast %add3A_351 : i32 to index
        %swap3A_371 = arith.constant 32 : index
        %swap3A_372 = tpu.vector_load %arg13[%swap3A_370, %swap3A_371] {strides = array<i32>} : memref<128x64xf32, #tpu.memory_space<vmem>>, vector<16xf32>,
        tpu.vector_store %arg13[%swap3A_370, %swap3A_371], %mul3A_369 {strides = array<i32>} : memref<128x64xf32, #tpu.memory_space<vmem>>, vector<16xf32>,
        %get3A_373 = arith.index_cast %add3A_351 : i32 to index
        %get3A_374 = arith.constant 48 : index
        %get3A_375 = tpu.vector_load %arg13[%get3A_373, %get3A_374] {strides = array<i32>} : memref<128x64xf32, #tpu.memory_space<vmem>>, vector<16xf32>,
        %mul3A_376 = arith.mulf %get3A_375, %gather3A_176 : vector<16xf32>
        %swap3A_377 = arith.index_cast %add3A_351 : i32 to index
        %swap3A_378 = arith.constant 48 : index
        %swap3A_379 = tpu.vector_load %arg13[%swap3A_377, %swap3A_378] {strides = array<i32>} : memref<128x64xf32, #tpu.memory_space<vmem>>, vector<16xf32>,
        tpu.vector_store %arg13[%swap3A_377, %swap3A_378], %mul3A_376 {strides = array<i32>} : memref<128x64xf32, #tpu.memory_space<vmem>>, vector<16xf32>,
        %add3A_380 = arith.constant 5 : i32
        %add3A_381 = arith.addi %mul3A_152, %add3A_380 : i32
        %get3A_382 = arith.index_cast %add3A_381 : i32 to index
        %get3A_383 = arith.constant 0 : index
        %get3A_384 = tpu.vector_load %arg13[%get3A_382, %get3A_383] {strides = array<i32>} : memref<128x64xf32, #tpu.memory_space<vmem>>, vector<16xf32>,
        %mul3A_385 = arith.mulf %get3A_384, %gather3A_181 : vector<16xf32>
        %swap3A_386 = arith.index_cast %add3A_381 : i32 to index
        %swap3A_387 = arith.constant 0 : index
        %swap3A_388 = tpu.vector_load %arg13[%swap3A_386, %swap3A_387] {strides = array<i32>} : memref<128x64xf32, #tpu.memory_space<vmem>>, vector<16xf32>,
        tpu.vector_store %arg13[%swap3A_386, %swap3A_387], %mul3A_385 {strides = array<i32>} : memref<128x64xf32, #tpu.memory_space<vmem>>, vector<16xf32>,
        %get3A_389 = arith.index_cast %add3A_381 : i32 to index
        %get3A_390 = arith.constant 16 : index
        %get3A_391 = tpu.vector_load %arg13[%get3A_389, %get3A_390] {strides = array<i32>} : memref<128x64xf32, #tpu.memory_space<vmem>>, vector<16xf32>,
        %mul3A_392 = arith.mulf %get3A_391, %gather3A_181 : vector<16xf32>
        %swap3A_393 = arith.index_cast %add3A_381 : i32 to index
        %swap3A_394 = arith.constant 16 : index
        %swap3A_395 = tpu.vector_load %arg13[%swap3A_393, %swap3A_394] {strides = array<i32>} : memref<128x64xf32, #tpu.memory_space<vmem>>, vector<16xf32>,
        tpu.vector_store %arg13[%swap3A_393, %swap3A_394], %mul3A_392 {strides = array<i32>} : memref<128x64xf32, #tpu.memory_space<vmem>>, vector<16xf32>,
        %get3A_396 = arith.index_cast %add3A_381 : i32 to index
        %get3A_397 = arith.constant 32 : index
        %get3A_398 = tpu.vector_load %arg13[%get3A_396, %get3A_397] {strides = array<i32>} : memref<128x64xf32, #tpu.memory_space<vmem>>, vector<16xf32>,
        %mul3A_399 = arith.mulf %get3A_398, %gather3A_181 : vector<16xf32>
        %swap3A_400 = arith.index_cast %add3A_381 : i32 to index
        %swap3A_401 = arith.constant 32 : index
        %swap3A_402 = tpu.vector_load %arg13[%swap3A_400, %swap3A_401] {strides = array<i32>} : memref<128x64xf32, #tpu.memory_space<vmem>>, vector<16xf32>,
        tpu.vector_store %arg13[%swap3A_400, %swap3A_401], %mul3A_399 {strides = array<i32>} : memref<128x64xf32, #tpu.memory_space<vmem>>, vector<16xf32>,
        %get3A_403 = arith.index_cast %add3A_381 : i32 to index
        %get3A_404 = arith.constant 48 : index
        %get3A_405 = tpu.vector_load %arg13[%get3A_403, %get3A_404] {strides = array<i32>} : memref<128x64xf32, #tpu.memory_space<vmem>>, vector<16xf32>,
        %mul3A_406 = arith.mulf %get3A_405, %gather3A_181 : vector<16xf32>
        %swap3A_407 = arith.index_cast %add3A_381 : i32 to index
        %swap3A_408 = arith.constant 48 : index
        %swap3A_409 = tpu.vector_load %arg13[%swap3A_407, %swap3A_408] {strides = array<i32>} : memref<128x64xf32, #tpu.memory_space<vmem>>, vector<16xf32>,
        tpu.vector_store %arg13[%swap3A_407, %swap3A_408], %mul3A_406 {strides = array<i32>} : memref<128x64xf32, #tpu.memory_space<vmem>>, vector<16xf32>,
        %add3A_410 = arith.constant 6 : i32
        %add3A_411 = arith.addi %mul3A_152, %add3A_410 : i32
        %get3A_412 = arith.index_cast %add3A_411 : i32 to index
        %get3A_413 = arith.constant 0 : index
        %get3A_414 = tpu.vector_load %arg13[%get3A_412, %get3A_413] {strides = array<i32>} : memref<128x64xf32, #tpu.memory_space<vmem>>, vector<16xf32>,
        %mul3A_415 = arith.mulf %get3A_414, %gather3A_186 : vector<16xf32>
        %swap3A_416 = arith.index_cast %add3A_411 : i32 to index
        %swap3A_417 = arith.constant 0 : index
        %swap3A_418 = tpu.vector_load %arg13[%swap3A_416, %swap3A_417] {strides = array<i32>} : memref<128x64xf32, #tpu.memory_space<vmem>>, vector<16xf32>,
        tpu.vector_store %arg13[%swap3A_416, %swap3A_417], %mul3A_415 {strides = array<i32>} : memref<128x64xf32, #tpu.memory_space<vmem>>, vector<16xf32>,
        %get3A_419 = arith.index_cast %add3A_411 : i32 to index
        %get3A_420 = arith.constant 16 : index
        %get3A_421 = tpu.vector_load %arg13[%get3A_419, %get3A_420] {strides = array<i32>} : memref<128x64xf32, #tpu.memory_space<vmem>>, vector<16xf32>,
        %mul3A_422 = arith.mulf %get3A_421, %gather3A_186 : vector<16xf32>
        %swap3A_423 = arith.index_cast %add3A_411 : i32 to index
        %swap3A_424 = arith.constant 16 : index
        %swap3A_425 = tpu.vector_load %arg13[%swap3A_423, %swap3A_424] {strides = array<i32>} : memref<128x64xf32, #tpu.memory_space<vmem>>, vector<16xf32>,
        tpu.vector_store %arg13[%swap3A_423, %swap3A_424], %mul3A_422 {strides = array<i32>} : memref<128x64xf32, #tpu.memory_space<vmem>>, vector<16xf32>,
        %get3A_426 = arith.index_cast %add3A_411 : i32 to index
        %get3A_427 = arith.constant 32 : index
        %get3A_428 = tpu.vector_load %arg13[%get3A_426, %get3A_427] {strides = array<i32>} : memref<128x64xf32, #tpu.memory_space<vmem>>, vector<16xf32>,
        %mul3A_429 = arith.mulf %get3A_428, %gather3A_186 : vector<16xf32>
        %swap3A_430 = arith.index_cast %add3A_411 : i32 to index
        %swap3A_431 = arith.constant 32 : index
        %swap3A_432 = tpu.vector_load %arg13[%swap3A_430, %swap3A_431] {strides = array<i32>} : memref<128x64xf32, #tpu.memory_space<vmem>>, vector<16xf32>,
        tpu.vector_store %arg13[%swap3A_430, %swap3A_431], %mul3A_429 {strides = array<i32>} : memref<128x64xf32, #tpu.memory_space<vmem>>, vector<16xf32>,
        %get3A_433 = arith.index_cast %add3A_411 : i32 to index
        %get3A_434 = arith.constant 48 : index
        %get3A_435 = tpu.vector_load %arg13[%get3A_433, %get3A_434] {strides = array<i32>} : memref<128x64xf32, #tpu.memory_space<vmem>>, vector<16xf32>,
        %mul3A_436 = arith.mulf %get3A_435, %gather3A_186 : vector<16xf32>
        %swap3A_437 = arith.index_cast %add3A_411 : i32 to index
        %swap3A_438 = arith.constant 48 : index
        %swap3A_439 = tpu.vector_load %arg13[%swap3A_437, %swap3A_438] {strides = array<i32>} : memref<128x64xf32, #tpu.memory_space<vmem>>, vector<16xf32>,
        tpu.vector_store %arg13[%swap3A_437, %swap3A_438], %mul3A_436 {strides = array<i32>} : memref<128x64xf32, #tpu.memory_space<vmem>>, vector<16xf32>,
        %add3A_440 = arith.constant 7 : i32
        %add3A_441 = arith.addi %mul3A_152, %add3A_440 : i32
        %get3A_442 = arith.index_cast %add3A_441 : i32 to index
        %get3A_443 = arith.constant 0 : index
        %get3A_444 = tpu.vector_load %arg13[%get3A_442, %get3A_443] {strides = array<i32>} : memref<128x64xf32, #tpu.memory_space<vmem>>, vector<16xf32>,
        %mul3A_445 = arith.mulf %get3A_444, %gather3A_191 : vector<16xf32>
        %swap3A_446 = arith.index_cast %add3A_441 : i32 to index
        %swap3A_447 = arith.constant 0 : index
        %swap3A_448 = tpu.vector_load %arg13[%swap3A_446, %swap3A_447] {strides = array<i32>} : memref<128x64xf32, #tpu.memory_space<vmem>>, vector<16xf32>,
        tpu.vector_store %arg13[%swap3A_446, %swap3A_447], %mul3A_445 {strides = array<i32>} : memref<128x64xf32, #tpu.memory_space<vmem>>, vector<16xf32>,
        %get3A_449 = arith.index_cast %add3A_441 : i32 to index
        %get3A_450 = arith.constant 16 : index
        %get3A_451 = tpu.vector_load %arg13[%get3A_449, %get3A_450] {strides = array<i32>} : memref<128x64xf32, #tpu.memory_space<vmem>>, vector<16xf32>,
        %mul3A_452 = arith.mulf %get3A_451, %gather3A_191 : vector<16xf32>
        %swap3A_453 = arith.index_cast %add3A_441 : i32 to index
        %swap3A_454 = arith.constant 16 : index
        %swap3A_455 = tpu.vector_load %arg13[%swap3A_453, %swap3A_454] {strides = array<i32>} : memref<128x64xf32, #tpu.memory_space<vmem>>, vector<16xf32>,
        tpu.vector_store %arg13[%swap3A_453, %swap3A_454], %mul3A_452 {strides = array<i32>} : memref<128x64xf32, #tpu.memory_space<vmem>>, vector<16xf32>,
        %get3A_456 = arith.index_cast %add3A_441 : i32 to index
        %get3A_457 = arith.constant 32 : index
        %get3A_458 = tpu.vector_load %arg13[%get3A_456, %get3A_457] {strides = array<i32>} : memref<128x64xf32, #tpu.memory_space<vmem>>, vector<16xf32>,
        %mul3A_459 = arith.mulf %get3A_458, %gather3A_191 : vector<16xf32>
        %swap3A_460 = arith.index_cast %add3A_441 : i32 to index
        %swap3A_461 = arith.constant 32 : index
        %swap3A_462 = tpu.vector_load %arg13[%swap3A_460, %swap3A_461] {strides = array<i32>} : memref<128x64xf32, #tpu.memory_space<vmem>>, vector<16xf32>,
        tpu.vector_store %arg13[%swap3A_460, %swap3A_461], %mul3A_459 {strides = array<i32>} : memref<128x64xf32, #tpu.memory_space<vmem>>, vector<16xf32>,
        %get3A_463 = arith.index_cast %add3A_441 : i32 to index
        %get3A_464 = arith.constant 48 : index
        %get3A_465 = tpu.vector_load %arg13[%get3A_463, %get3A_464] {strides = array<i32>} : memref<128x64xf32, #tpu.memory_space<vmem>>, vector<16xf32>,
        %mul3A_466 = arith.mulf %get3A_465, %gather3A_191 : vector<16xf32>
        %swap3A_467 = arith.index_cast %add3A_441 : i32 to index
        %swap3A_468 = arith.constant 48 : index
        %swap3A_469 = tpu.vector_load %arg13[%swap3A_467, %swap3A_468] {strides = array<i32>} : memref<128x64xf32, #tpu.memory_space<vmem>>, vector<16xf32>,
        tpu.vector_store %arg13[%swap3A_467, %swap3A_468], %mul3A_466 {strides = array<i32>} : memref<128x64xf32, #tpu.memory_space<vmem>>, vector<16xf32>,
        %add3A_470 = arith.constant 8 : i32
        %add3A_471 = arith.addi %mul3A_152, %add3A_470 : i32
        %get3A_472 = arith.index_cast %add3A_471 : i32 to index
        %get3A_473 = arith.constant 0 : index
        %get3A_474 = tpu.vector_load %arg13[%get3A_472, %get3A_473] {strides = array<i32>} : memref<128x64xf32, #tpu.memory_space<vmem>>, vector<16xf32>,
        %mul3A_475 = arith.mulf %get3A_474, %gather3A_196 : vector<16xf32>
        %swap3A_476 = arith.index_cast %add3A_471 : i32 to index
        %swap3A_477 = arith.constant 0 : index
        %swap3A_478 = tpu.vector_load %arg13[%swap3A_476, %swap3A_477] {strides = array<i32>} : memref<128x64xf32, #tpu.memory_space<vmem>>, vector<16xf32>,
        tpu.vector_store %arg13[%swap3A_476, %swap3A_477], %mul3A_475 {strides = array<i32>} : memref<128x64xf32, #tpu.memory_space<vmem>>, vector<16xf32>,
        %get3A_479 = arith.index_cast %add3A_471 : i32 to index
        %get3A_480 = arith.constant 16 : index
        %get3A_481 = tpu.vector_load %arg13[%get3A_479, %get3A_480] {strides = array<i32>} : memref<128x64xf32, #tpu.memory_space<vmem>>, vector<16xf32>,
        %mul3A_482 = arith.mulf %get3A_481, %gather3A_196 : vector<16xf32>
        %swap3A_483 = arith.index_cast %add3A_471 : i32 to index
        %swap3A_484 = arith.constant 16 : index
        %swap3A_485 = tpu.vector_load %arg13[%swap3A_483, %swap3A_484] {strides = array<i32>} : memref<128x64xf32, #tpu.memory_space<vmem>>, vector<16xf32>,
        tpu.vector_store %arg13[%swap3A_483, %swap3A_484], %mul3A_482 {strides = array<i32>} : memref<128x64xf32, #tpu.memory_space<vmem>>, vector<16xf32>,
        %get3A_486 = arith.index_cast %add3A_471 : i32 to index
        %get3A_487 = arith.constant 32 : index
        %get3A_488 = tpu.vector_load %arg13[%get3A_486, %get3A_487] {strides = array<i32>} : memref<128x64xf32, #tpu.memory_space<vmem>>, vector<16xf32>,
        %mul3A_489 = arith.mulf %get3A_488, %gather3A_196 : vector<16xf32>
        %swap3A_490 = arith.index_cast %add3A_471 : i32 to index
        %swap3A_491 = arith.constant 32 : index
        %swap3A_492 = tpu.vector_load %arg13[%swap3A_490, %swap3A_491] {strides = array<i32>} : memref<128x64xf32, #tpu.memory_space<vmem>>, vector<16xf32>,
        tpu.vector_store %arg13[%swap3A_490, %swap3A_491], %mul3A_489 {strides = array<i32>} : memref<128x64xf32, #tpu.memory_space<vmem>>, vector<16xf32>,
        %get3A_493 = arith.index_cast %add3A_471 : i32 to index
        %get3A_494 = arith.constant 48 : index
        %get3A_495 = tpu.vector_load %arg13[%get3A_493, %get3A_494] {strides = array<i32>} : memref<128x64xf32, #tpu.memory_space<vmem>>, vector<16xf32>,
        %mul3A_496 = arith.mulf %get3A_495, %gather3A_196 : vector<16xf32>
        %swap3A_497 = arith.index_cast %add3A_471 : i32 to index
        %swap3A_498 = arith.constant 48 : index
        %swap3A_499 = tpu.vector_load %arg13[%swap3A_497, %swap3A_498] {strides = array<i32>} : memref<128x64xf32, #tpu.memory_space<vmem>>, vector<16xf32>,
        tpu.vector_store %arg13[%swap3A_497, %swap3A_498], %mul3A_496 {strides = array<i32>} : memref<128x64xf32, #tpu.memory_space<vmem>>, vector<16xf32>,
        %add3A_500 = arith.constant 9 : i32
        %add3A_501 = arith.addi %mul3A_152, %add3A_500 : i32
        %get3A_502 = arith.index_cast %add3A_501 : i32 to index
        %get3A_503 = arith.constant 0 : index
        %get3A_504 = tpu.vector_load %arg13[%get3A_502, %get3A_503] {strides = array<i32>} : memref<128x64xf32, #tpu.memory_space<vmem>>, vector<16xf32>,
        %mul3A_505 = arith.mulf %get3A_504, %gather3A_201 : vector<16xf32>
        %swap3A_506 = arith.index_cast %add3A_501 : i32 to index
        %swap3A_507 = arith.constant 0 : index
        %swap3A_508 = tpu.vector_load %arg13[%swap3A_506, %swap3A_507] {strides = array<i32>} : memref<128x64xf32, #tpu.memory_space<vmem>>, vector<16xf32>,
        tpu.vector_store %arg13[%swap3A_506, %swap3A_507], %mul3A_505 {strides = array<i32>} : memref<128x64xf32, #tpu.memory_space<vmem>>, vector<16xf32>,
        %get3A_509 = arith.index_cast %add3A_501 : i32 to index
        %get3A_510 = arith.constant 16 : index
        %get3A_511 = tpu.vector_load %arg13[%get3A_509, %get3A_510] {strides = array<i32>} : memref<128x64xf32, #tpu.memory_space<vmem>>, vector<16xf32>,
        %mul3A_512 = arith.mulf %get3A_511, %gather3A_201 : vector<16xf32>
        %swap3A_513 = arith.index_cast %add3A_501 : i32 to index
        %swap3A_514 = arith.constant 16 : index
        %swap3A_515 = tpu.vector_load %arg13[%swap3A_513, %swap3A_514] {strides = array<i32>} : memref<128x64xf32, #tpu.memory_space<vmem>>, vector<16xf32>,
        tpu.vector_store %arg13[%swap3A_513, %swap3A_514], %mul3A_512 {strides = array<i32>} : memref<128x64xf32, #tpu.memory_space<vmem>>, vector<16xf32>,
        %get3A_516 = arith.index_cast %add3A_501 : i32 to index
        %get3A_517 = arith.constant 32 : index
        %get3A_518 = tpu.vector_load %arg13[%get3A_516, %get3A_517] {strides = array<i32>} : memref<128x64xf32, #tpu.memory_space<vmem>>, vector<16xf32>,
        %mul3A_519 = arith.mulf %get3A_518, %gather3A_201 : vector<16xf32>
        %swap3A_520 = arith.index_cast %add3A_501 : i32 to index
        %swap3A_521 = arith.constant 32 : index
        %swap3A_522 = tpu.vector_load %arg13[%swap3A_520, %swap3A_521] {strides = array<i32>} : memref<128x64xf32, #tpu.memory_space<vmem>>, vector<16xf32>,
        tpu.vector_store %arg13[%swap3A_520, %swap3A_521], %mul3A_519 {strides = array<i32>} : memref<128x64xf32, #tpu.memory_space<vmem>>, vector<16xf32>,
        %get3A_523 = arith.index_cast %add3A_501 : i32 to index
        %get3A_524 = arith.constant 48 : index
        %get3A_525 = tpu.vector_load %arg13[%get3A_523, %get3A_524] {strides = array<i32>} : memref<128x64xf32, #tpu.memory_space<vmem>>, vector<16xf32>,
        %mul3A_526 = arith.mulf %get3A_525, %gather3A_201 : vector<16xf32>
        %swap3A_527 = arith.index_cast %add3A_501 : i32 to index
        %swap3A_528 = arith.constant 48 : index
        %swap3A_529 = tpu.vector_load %arg13[%swap3A_527, %swap3A_528] {strides = array<i32>} : memref<128x64xf32, #tpu.memory_space<vmem>>, vector<16xf32>,
        tpu.vector_store %arg13[%swap3A_527, %swap3A_528], %mul3A_526 {strides = array<i32>} : memref<128x64xf32, #tpu.memory_space<vmem>>, vector<16xf32>,
        %add3A_530 = arith.constant 10 : i32
        %add3A_531 = arith.addi %mul3A_152, %add3A_530 : i32
        %get3A_532 = arith.index_cast %add3A_531 : i32 to index
        %get3A_533 = arith.constant 0 : index
        %get3A_534 = tpu.vector_load %arg13[%get3A_532, %get3A_533] {strides = array<i32>} : memref<128x64xf32, #tpu.memory_space<vmem>>, vector<16xf32>,
        %mul3A_535 = arith.mulf %get3A_534, %gather3A_206 : vector<16xf32>
        %swap3A_536 = arith.index_cast %add3A_531 : i32 to index
        %swap3A_537 = arith.constant 0 : index
        %swap3A_538 = tpu.vector_load %arg13[%swap3A_536, %swap3A_537] {strides = array<i32>} : memref<128x64xf32, #tpu.memory_space<vmem>>, vector<16xf32>,
        tpu.vector_store %arg13[%swap3A_536, %swap3A_537], %mul3A_535 {strides = array<i32>} : memref<128x64xf32, #tpu.memory_space<vmem>>, vector<16xf32>,
        %get3A_539 = arith.index_cast %add3A_531 : i32 to index
        %get3A_540 = arith.constant 16 : index
        %get3A_541 = tpu.vector_load %arg13[%get3A_539, %get3A_540] {strides = array<i32>} : memref<128x64xf32, #tpu.memory_space<vmem>>, vector<16xf32>,
        %mul3A_542 = arith.mulf %get3A_541, %gather3A_206 : vector<16xf32>
        %swap3A_543 = arith.index_cast %add3A_531 : i32 to index
        %swap3A_544 = arith.constant 16 : index
        %swap3A_545 = tpu.vector_load %arg13[%swap3A_543, %swap3A_544] {strides = array<i32>} : memref<128x64xf32, #tpu.memory_space<vmem>>, vector<16xf32>,
        tpu.vector_store %arg13[%swap3A_543, %swap3A_544], %mul3A_542 {strides = array<i32>} : memref<128x64xf32, #tpu.memory_space<vmem>>, vector<16xf32>,
        %get3A_546 = arith.index_cast %add3A_531 : i32 to index
        %get3A_547 = arith.constant 32 : index
        %get3A_548 = tpu.vector_load %arg13[%get3A_546, %get3A_547] {strides = array<i32>} : memref<128x64xf32, #tpu.memory_space<vmem>>, vector<16xf32>,
        %mul3A_549 = arith.mulf %get3A_548, %gather3A_206 : vector<16xf32>
        %swap3A_550 = arith.index_cast %add3A_531 : i32 to index
        %swap3A_551 = arith.constant 32 : index
        %swap3A_552 = tpu.vector_load %arg13[%swap3A_550, %swap3A_551] {strides = array<i32>} : memref<128x64xf32, #tpu.memory_space<vmem>>, vector<16xf32>,
        tpu.vector_store %arg13[%swap3A_550, %swap3A_551], %mul3A_549 {strides = array<i32>} : memref<128x64xf32, #tpu.memory_space<vmem>>, vector<16xf32>,
        %get3A_553 = arith.index_cast %add3A_531 : i32 to index
        %get3A_554 = arith.constant 48 : index
        %get3A_555 = tpu.vector_load %arg13[%get3A_553, %get3A_554] {strides = array<i32>} : memref<128x64xf32, #tpu.memory_space<vmem>>, vector<16xf32>,
        %mul3A_556 = arith.mulf %get3A_555, %gather3A_206 : vector<16xf32>
        %swap3A_557 = arith.index_cast %add3A_531 : i32 to index
        %swap3A_558 = arith.constant 48 : index
        %swap3A_559 = tpu.vector_load %arg13[%swap3A_557, %swap3A_558] {strides = array<i32>} : memref<128x64xf32, #tpu.memory_space<vmem>>, vector<16xf32>,
        tpu.vector_store %arg13[%swap3A_557, %swap3A_558], %mul3A_556 {strides = array<i32>} : memref<128x64xf32, #tpu.memory_space<vmem>>, vector<16xf32>,
        %add3A_560 = arith.constant 11 : i32
        %add3A_561 = arith.addi %mul3A_152, %add3A_560 : i32
        %get3A_562 = arith.index_cast %add3A_561 : i32 to index
        %get3A_563 = arith.constant 0 : index
        %get3A_564 = tpu.vector_load %arg13[%get3A_562, %get3A_563] {strides = array<i32>} : memref<128x64xf32, #tpu.memory_space<vmem>>, vector<16xf32>,
        %mul3A_565 = arith.mulf %get3A_564, %gather3A_211 : vector<16xf32>
        %swap3A_566 = arith.index_cast %add3A_561 : i32 to index
        %swap3A_567 = arith.constant 0 : index
        %swap3A_568 = tpu.vector_load %arg13[%swap3A_566, %swap3A_567] {strides = array<i32>} : memref<128x64xf32, #tpu.memory_space<vmem>>, vector<16xf32>,
        tpu.vector_store %arg13[%swap3A_566, %swap3A_567], %mul3A_565 {strides = array<i32>} : memref<128x64xf32, #tpu.memory_space<vmem>>, vector<16xf32>,
        %get3A_569 = arith.index_cast %add3A_561 : i32 to index
        %get3A_570 = arith.constant 16 : index
        %get3A_571 = tpu.vector_load %arg13[%get3A_569, %get3A_570] {strides = array<i32>} : memref<128x64xf32, #tpu.memory_space<vmem>>, vector<16xf32>,
        %mul3A_572 = arith.mulf %get3A_571, %gather3A_211 : vector<16xf32>
        %swap3A_573 = arith.index_cast %add3A_561 : i32 to index
        %swap3A_574 = arith.constant 16 : index
        %swap3A_575 = tpu.vector_load %arg13[%swap3A_573, %swap3A_574] {strides = array<i32>} : memref<128x64xf32, #tpu.memory_space<vmem>>, vector<16xf32>,
        tpu.vector_store %arg13[%swap3A_573, %swap3A_574], %mul3A_572 {strides = array<i32>} : memref<128x64xf32, #tpu.memory_space<vmem>>, vector<16xf32>,
        %get3A_576 = arith.index_cast %add3A_561 : i32 to index
        %get3A_577 = arith.constant 32 : index
        %get3A_578 = tpu.vector_load %arg13[%get3A_576, %get3A_577] {strides = array<i32>} : memref<128x64xf32, #tpu.memory_space<vmem>>, vector<16xf32>,
        %mul3A_579 = arith.mulf %get3A_578, %gather3A_211 : vector<16xf32>
        %swap3A_580 = arith.index_cast %add3A_561 : i32 to index
        %swap3A_581 = arith.constant 32 : index
        %swap3A_582 = tpu.vector_load %arg13[%swap3A_580, %swap3A_581] {strides = array<i32>} : memref<128x64xf32, #tpu.memory_space<vmem>>, vector<16xf32>,
        tpu.vector_store %arg13[%swap3A_580, %swap3A_581], %mul3A_579 {strides = array<i32>} : memref<128x64xf32, #tpu.memory_space<vmem>>, vector<16xf32>,
        %get3A_583 = arith.index_cast %add3A_561 : i32 to index
        %get3A_584 = arith.constant 48 : index
        %get3A_585 = tpu.vector_load %arg13[%get3A_583, %get3A_584] {strides = array<i32>} : memref<128x64xf32, #tpu.memory_space<vmem>>, vector<16xf32>,
        %mul3A_586 = arith.mulf %get3A_585, %gather3A_211 : vector<16xf32>
        %swap3A_587 = arith.index_cast %add3A_561 : i32 to index
        %swap3A_588 = arith.constant 48 : index
        %swap3A_589 = tpu.vector_load %arg13[%swap3A_587, %swap3A_588] {strides = array<i32>} : memref<128x64xf32, #tpu.memory_space<vmem>>, vector<16xf32>,
        tpu.vector_store %arg13[%swap3A_587, %swap3A_588], %mul3A_586 {strides = array<i32>} : memref<128x64xf32, #tpu.memory_space<vmem>>, vector<16xf32>,
        %add3A_590 = arith.constant 12 : i32
        %add3A_591 = arith.addi %mul3A_152, %add3A_590 : i32
        %get3A_592 = arith.index_cast %add3A_591 : i32 to index
        %get3A_593 = arith.constant 0 : index
        %get3A_594 = tpu.vector_load %arg13[%get3A_592, %get3A_593] {strides = array<i32>} : memref<128x64xf32, #tpu.memory_space<vmem>>, vector<16xf32>,
        %mul3A_595 = arith.mulf %get3A_594, %gather3A_216 : vector<16xf32>
        %swap3A_596 = arith.index_cast %add3A_591 : i32 to index
        %swap3A_597 = arith.constant 0 : index
        %swap3A_598 = tpu.vector_load %arg13[%swap3A_596, %swap3A_597] {strides = array<i32>} : memref<128x64xf32, #tpu.memory_space<vmem>>, vector<16xf32>,
        tpu.vector_store %arg13[%swap3A_596, %swap3A_597], %mul3A_595 {strides = array<i32>} : memref<128x64xf32, #tpu.memory_space<vmem>>, vector<16xf32>,
        %get3A_599 = arith.index_cast %add3A_591 : i32 to index
        %get3A_600 = arith.constant 16 : index
        %get3A_601 = tpu.vector_load %arg13[%get3A_599, %get3A_600] {strides = array<i32>} : memref<128x64xf32, #tpu.memory_space<vmem>>, vector<16xf32>,
        %mul3A_602 = arith.mulf %get3A_601, %gather3A_216 : vector<16xf32>
        %swap3A_603 = arith.index_cast %add3A_591 : i32 to index
        %swap3A_604 = arith.constant 16 : index
        %swap3A_605 = tpu.vector_load %arg13[%swap3A_603, %swap3A_604] {strides = array<i32>} : memref<128x64xf32, #tpu.memory_space<vmem>>, vector<16xf32>,
        tpu.vector_store %arg13[%swap3A_603, %swap3A_604], %mul3A_602 {strides = array<i32>} : memref<128x64xf32, #tpu.memory_space<vmem>>, vector<16xf32>,
        %get3A_606 = arith.index_cast %add3A_591 : i32 to index
        %get3A_607 = arith.constant 32 : index
        %get3A_608 = tpu.vector_load %arg13[%get3A_606, %get3A_607] {strides = array<i32>} : memref<128x64xf32, #tpu.memory_space<vmem>>, vector<16xf32>,
        %mul3A_609 = arith.mulf %get3A_608, %gather3A_216 : vector<16xf32>
        %swap3A_610 = arith.index_cast %add3A_591 : i32 to index
        %swap3A_611 = arith.constant 32 : index
        %swap3A_612 = tpu.vector_load %arg13[%swap3A_610, %swap3A_611] {strides = array<i32>} : memref<128x64xf32, #tpu.memory_space<vmem>>, vector<16xf32>,
        tpu.vector_store %arg13[%swap3A_610, %swap3A_611], %mul3A_609 {strides = array<i32>} : memref<128x64xf32, #tpu.memory_space<vmem>>, vector<16xf32>,
        %get3A_613 = arith.index_cast %add3A_591 : i32 to index
        %get3A_614 = arith.constant 48 : index
        %get3A_615 = tpu.vector_load %arg13[%get3A_613, %get3A_614] {strides = array<i32>} : memref<128x64xf32, #tpu.memory_space<vmem>>, vector<16xf32>,
        %mul3A_616 = arith.mulf %get3A_615, %gather3A_216 : vector<16xf32>
        %swap3A_617 = arith.index_cast %add3A_591 : i32 to index
        %swap3A_618 = arith.constant 48 : index
        %swap3A_619 = tpu.vector_load %arg13[%swap3A_617, %swap3A_618] {strides = array<i32>} : memref<128x64xf32, #tpu.memory_space<vmem>>, vector<16xf32>,
        tpu.vector_store %arg13[%swap3A_617, %swap3A_618], %mul3A_616 {strides = array<i32>} : memref<128x64xf32, #tpu.memory_space<vmem>>, vector<16xf32>,
        %add3A_620 = arith.constant 13 : i32
        %add3A_621 = arith.addi %mul3A_152, %add3A_620 : i32
        %get3A_622 = arith.index_cast %add3A_621 : i32 to index
        %get3A_623 = arith.constant 0 : index
        %get3A_624 = tpu.vector_load %arg13[%get3A_622, %get3A_623] {strides = array<i32>} : memref<128x64xf32, #tpu.memory_space<vmem>>, vector<16xf32>,
        %mul3A_625 = arith.mulf %get3A_624, %gather3A_221 : vector<16xf32>
        %swap3A_626 = arith.index_cast %add3A_621 : i32 to index
        %swap3A_627 = arith.constant 0 : index
        %swap3A_628 = tpu.vector_load %arg13[%swap3A_626, %swap3A_627] {strides = array<i32>} : memref<128x64xf32, #tpu.memory_space<vmem>>, vector<16xf32>,
        tpu.vector_store %arg13[%swap3A_626, %swap3A_627], %mul3A_625 {strides = array<i32>} : memref<128x64xf32, #tpu.memory_space<vmem>>, vector<16xf32>,
        %get3A_629 = arith.index_cast %add3A_621 : i32 to index
        %get3A_630 = arith.constant 16 : index
        %get3A_631 = tpu.vector_load %arg13[%get3A_629, %get3A_630] {strides = array<i32>} : memref<128x64xf32, #tpu.memory_space<vmem>>, vector<16xf32>,
        %mul3A_632 = arith.mulf %get3A_631, %gather3A_221 : vector<16xf32>
        %swap3A_633 = arith.index_cast %add3A_621 : i32 to index
        %swap3A_634 = arith.constant 16 : index
        %swap3A_635 = tpu.vector_load %arg13[%swap3A_633, %swap3A_634] {strides = array<i32>} : memref<128x64xf32, #tpu.memory_space<vmem>>, vector<16xf32>,
        tpu.vector_store %arg13[%swap3A_633, %swap3A_634], %mul3A_632 {strides = array<i32>} : memref<128x64xf32, #tpu.memory_space<vmem>>, vector<16xf32>,
        %get3A_636 = arith.index_cast %add3A_621 : i32 to index
        %get3A_637 = arith.constant 32 : index
        %get3A_638 = tpu.vector_load %arg13[%get3A_636, %get3A_637] {strides = array<i32>} : memref<128x64xf32, #tpu.memory_space<vmem>>, vector<16xf32>,
        %mul3A_639 = arith.mulf %get3A_638, %gather3A_221 : vector<16xf32>
        %swap3A_640 = arith.index_cast %add3A_621 : i32 to index
        %swap3A_641 = arith.constant 32 : index
        %swap3A_642 = tpu.vector_load %arg13[%swap3A_640, %swap3A_641] {strides = array<i32>} : memref<128x64xf32, #tpu.memory_space<vmem>>, vector<16xf32>,
        tpu.vector_store %arg13[%swap3A_640, %swap3A_641], %mul3A_639 {strides = array<i32>} : memref<128x64xf32, #tpu.memory_space<vmem>>, vector<16xf32>,
        %get3A_643 = arith.index_cast %add3A_621 : i32 to index
        %get3A_644 = arith.constant 48 : index
        %get3A_645 = tpu.vector_load %arg13[%get3A_643, %get3A_644] {strides = array<i32>} : memref<128x64xf32, #tpu.memory_space<vmem>>, vector<16xf32>,
        %mul3A_646 = arith.mulf %get3A_645, %gather3A_221 : vector<16xf32>
        %swap3A_647 = arith.index_cast %add3A_621 : i32 to index
        %swap3A_648 = arith.constant 48 : index
        %swap3A_649 = tpu.vector_load %arg13[%swap3A_647, %swap3A_648] {strides = array<i32>} : memref<128x64xf32, #tpu.memory_space<vmem>>, vector<16xf32>,
        tpu.vector_store %arg13[%swap3A_647, %swap3A_648], %mul3A_646 {strides = array<i32>} : memref<128x64xf32, #tpu.memory_space<vmem>>, vector<16xf32>,
        %add3A_650 = arith.constant 14 : i32
        %add3A_651 = arith.addi %mul3A_152, %add3A_650 : i32
        %get3A_652 = arith.index_cast %add3A_651 : i32 to index
        %get3A_653 = arith.constant 0 : index
        %get3A_654 = tpu.vector_load %arg13[%get3A_652, %get3A_653] {strides = array<i32>} : memref<128x64xf32, #tpu.memory_space<vmem>>, vector<16xf32>,
        %mul3A_655 = arith.mulf %get3A_654, %gather3A_226 : vector<16xf32>
        %swap3A_656 = arith.index_cast %add3A_651 : i32 to index
        %swap3A_657 = arith.constant 0 : index
        %swap3A_658 = tpu.vector_load %arg13[%swap3A_656, %swap3A_657] {strides = array<i32>} : memref<128x64xf32, #tpu.memory_space<vmem>>, vector<16xf32>,
        tpu.vector_store %arg13[%swap3A_656, %swap3A_657], %mul3A_655 {strides = array<i32>} : memref<128x64xf32, #tpu.memory_space<vmem>>, vector<16xf32>,
        %get3A_659 = arith.index_cast %add3A_651 : i32 to index
        %get3A_660 = arith.constant 16 : index
        %get3A_661 = tpu.vector_load %arg13[%get3A_659, %get3A_660] {strides = array<i32>} : memref<128x64xf32, #tpu.memory_space<vmem>>, vector<16xf32>,
        %mul3A_662 = arith.mulf %get3A_661, %gather3A_226 : vector<16xf32>
        %swap3A_663 = arith.index_cast %add3A_651 : i32 to index
        %swap3A_664 = arith.constant 16 : index
        %swap3A_665 = tpu.vector_load %arg13[%swap3A_663, %swap3A_664] {strides = array<i32>} : memref<128x64xf32, #tpu.memory_space<vmem>>, vector<16xf32>,
        tpu.vector_store %arg13[%swap3A_663, %swap3A_664], %mul3A_662 {strides = array<i32>} : memref<128x64xf32, #tpu.memory_space<vmem>>, vector<16xf32>,
        %get3A_666 = arith.index_cast %add3A_651 : i32 to index
        %get3A_667 = arith.constant 32 : index
        %get3A_668 = tpu.vector_load %arg13[%get3A_666, %get3A_667] {strides = array<i32>} : memref<128x64xf32, #tpu.memory_space<vmem>>, vector<16xf32>,
        %mul3A_669 = arith.mulf %get3A_668, %gather3A_226 : vector<16xf32>
        %swap3A_670 = arith.index_cast %add3A_651 : i32 to index
        %swap3A_671 = arith.constant 32 : index
        %swap3A_672 = tpu.vector_load %arg13[%swap3A_670, %swap3A_671] {strides = array<i32>} : memref<128x64xf32, #tpu.memory_space<vmem>>, vector<16xf32>,
        tpu.vector_store %arg13[%swap3A_670, %swap3A_671], %mul3A_669 {strides = array<i32>} : memref<128x64xf32, #tpu.memory_space<vmem>>, vector<16xf32>,
        %get3A_673 = arith.index_cast %add3A_651 : i32 to index
        %get3A_674 = arith.constant 48 : index
        %get3A_675 = tpu.vector_load %arg13[%get3A_673, %get3A_674] {strides = array<i32>} : memref<128x64xf32, #tpu.memory_space<vmem>>, vector<16xf32>,
        %mul3A_676 = arith.mulf %get3A_675, %gather3A_226 : vector<16xf32>
        %swap3A_677 = arith.index_cast %add3A_651 : i32 to index
        %swap3A_678 = arith.constant 48 : index
        %swap3A_679 = tpu.vector_load %arg13[%swap3A_677, %swap3A_678] {strides = array<i32>} : memref<128x64xf32, #tpu.memory_space<vmem>>, vector<16xf32>,
        tpu.vector_store %arg13[%swap3A_677, %swap3A_678], %mul3A_676 {strides = array<i32>} : memref<128x64xf32, #tpu.memory_space<vmem>>, vector<16xf32>,
        %add3A_680 = arith.constant 15 : i32
        %add3A_681 = arith.addi %mul3A_152, %add3A_680 : i32
        %get3A_682 = arith.index_cast %add3A_681 : i32 to index
        %get3A_683 = arith.constant 0 : index
        %get3A_684 = tpu.vector_load %arg13[%get3A_682, %get3A_683] {strides = array<i32>} : memref<128x64xf32, #tpu.memory_space<vmem>>, vector<16xf32>,
        %mul3A_685 = arith.mulf %get3A_684, %gather3A_231 : vector<16xf32>
        %swap3A_686 = arith.index_cast %add3A_681 : i32 to index
        %swap3A_687 = arith.constant 0 : index
        %swap3A_688 = tpu.vector_load %arg13[%swap3A_686, %swap3A_687] {strides = array<i32>} : memref<128x64xf32, #tpu.memory_space<vmem>>, vector<16xf32>,
        tpu.vector_store %arg13[%swap3A_686, %swap3A_687], %mul3A_685 {strides = array<i32>} : memref<128x64xf32, #tpu.memory_space<vmem>>, vector<16xf32>,
        %get3A_689 = arith.index_cast %add3A_681 : i32 to index
        %get3A_690 = arith.constant 16 : index
        %get3A_691 = tpu.vector_load %arg13[%get3A_689, %get3A_690] {strides = array<i32>} : memref<128x64xf32, #tpu.memory_space<vmem>>, vector<16xf32>,
        %mul3A_692 = arith.mulf %get3A_691, %gather3A_231 : vector<16xf32>
        %swap3A_693 = arith.index_cast %add3A_681 : i32 to index
        %swap3A_694 = arith.constant 16 : index
        %swap3A_695 = tpu.vector_load %arg13[%swap3A_693, %swap3A_694] {strides = array<i32>} : memref<128x64xf32, #tpu.memory_space<vmem>>, vector<16xf32>,
        tpu.vector_store %arg13[%swap3A_693, %swap3A_694], %mul3A_692 {strides = array<i32>} : memref<128x64xf32, #tpu.memory_space<vmem>>, vector<16xf32>,
        %get3A_696 = arith.index_cast %add3A_681 : i32 to index
        %get3A_697 = arith.constant 32 : index
        %get3A_698 = tpu.vector_load %arg13[%get3A_696, %get3A_697] {strides = array<i32>} : memref<128x64xf32, #tpu.memory_space<vmem>>, vector<16xf32>,
        %mul3A_699 = arith.mulf %get3A_698, %gather3A_231 : vector<16xf32>
        %swap3A_700 = arith.index_cast %add3A_681 : i32 to index
        %swap3A_701 = arith.constant 32 : index
        %swap3A_702 = tpu.vector_load %arg13[%swap3A_700, %swap3A_701] {strides = array<i32>} : memref<128x64xf32, #tpu.memory_space<vmem>>, vector<16xf32>,
        tpu.vector_store %arg13[%swap3A_700, %swap3A_701], %mul3A_699 {strides = array<i32>} : memref<128x64xf32, #tpu.memory_space<vmem>>, vector<16xf32>,
        %get3A_703 = arith.index_cast %add3A_681 : i32 to index
        %get3A_704 = arith.constant 48 : index
        %get3A_705 = tpu.vector_load %arg13[%get3A_703, %get3A_704] {strides = array<i32>} : memref<128x64xf32, #tpu.memory_space<vmem>>, vector<16xf32>,
        %mul3A_706 = arith.mulf %get3A_705, %gather3A_231 : vector<16xf32>
        %swap3A_707 = arith.index_cast %add3A_681 : i32 to index
        %swap3A_708 = arith.constant 48 : index
        %swap3A_709 = tpu.vector_load %arg13[%swap3A_707, %swap3A_708] {strides = array<i32>} : memref<128x64xf32, #tpu.memory_space<vmem>>, vector<16xf32>,
        tpu.vector_store %arg13[%swap3A_707, %swap3A_708], %mul3A_706 {strides = array<i32>} : memref<128x64xf32, #tpu.memory_space<vmem>>, vector<16xf32>,
      }
      %scan3A_116 = arith.constant 8 : i32
      "tpu.region"() ({
        %run_scoped3A = tpu.sem_alloc : memref<!tpu.dma_semaphore, #tpu.memory_space<semaphore_mem>>
        %dma_start3A_146 = arith.constant 0 : i32
        %dma_start3A_147 = tpu.memref_slice %arg11[%add3A_103, %dma_start3A_146] : memref<158x128xi32, #tpu.memory_space<vmem>> -> memref<1x128xi32, #tpu.memory_space<vmem>>
        %dma_start3A_148 = tpu.memref_squeeze %dma_start3A_147 : memref<1x128xi32, #tpu.memory_space<vmem>> -> memref<128xi32, #tpu.memory_space<vmem>>
        %dma_start3A_149 = arith.constant 0 : i32
        %dma_start3A_150 = arith.constant 0 : i32
        %dma_start3A_151 = tpu.memref_slice %arg15[%dma_start3A_149, %dma_start3A_150] : memref<10240x64xf32, #tpu.memory_space<vmem_shared>> -> memref<10240x64xf32, #tpu.memory_space<vmem_shared>>
        tpu.enqueue_indirect_dma source(%arg13 : memref<128x64xf32, #tpu.memory_space<vmem>>) target(%dma_start3A_151 : memref<10240x64xf32, #tpu.memory_space<vmem_shared>>) offsets(%dma_start3A_148 : memref<128xi32, #tpu.memory_space<vmem>>) semaphore(%run_scoped3A : memref<!tpu.dma_semaphore, #tpu.memory_space<semaphore_mem>>) {add = true}
        %dma_wait3A_152 = arith.constant 0 : i32
        %dma_wait3A_153 = tpu.memref_slice %arg11[%add3A_103, %dma_wait3A_152] : memref<158x128xi32, #tpu.memory_space<vmem>> -> memref<1x128xi32, #tpu.memory_space<vmem>>
        %dma_wait3A_154 = tpu.memref_squeeze %dma_wait3A_153 : memref<1x128xi32, #tpu.memory_space<vmem>> -> memref<128xi32, #tpu.memory_space<vmem>>
        %dma_wait3A_155 = arith.constant 0 : i32
        %dma_wait3A_156 = arith.constant 0 : i32
        %dma_wait3A_157 = tpu.memref_slice %arg15[%dma_wait3A_155, %dma_wait3A_156] : memref<10240x64xf32, #tpu.memory_space<vmem_shared>> -> memref<10240x64xf32, #tpu.memory_space<vmem_shared>>
        tpu.wait_indirect_dma semaphore(%run_scoped3A : memref<!tpu.dma_semaphore, #tpu.memory_space<semaphore_mem>>) src(%arg13 : memref<128x64xf32, #tpu.memory_space<vmem>>) dst(%dma_wait3A_157 : memref<10240x64xf32, #tpu.memory_space<vmem_shared>>)
        tpu.yield
      }) : () -> ()
      %add3A_117 = arith.constant 2 : i32
      %add3A_118 = arith.addi %add3A_103, %add3A_117 : i32
      %lt3A = arith.constant 158 : i32
      %lt3A_119 = arith.cmpi slt, %add3A_118, %lt3A : i32
      %convert_element_type3A = arith.extui %lt3A_119 : i1 to i32
      %cond3A = arith.constant 0 : i32
      %cond3A_120 = arith.cmpi ne, %convert_element_type3A, %cond3A : i32
      scf.if %cond3A_120 {
        %add3A_146 = arith.constant 2 : i32
        %add3A_147 = arith.addi %add3A_103, %add3A_146 : i32
        %dma_start3A_148 = arith.constant 0 : i32
        %dma_start3A_149 = tpu.memref_slice %arg10[%add3A_147, %dma_start3A_148] : memref<158x128xi32, #tpu.memory_space<vmem>> -> memref<1x128xi32, #tpu.memory_space<vmem>>
        %dma_start3A_150 = tpu.memref_squeeze %dma_start3A_149 : memref<1x128xi32, #tpu.memory_space<vmem>> -> memref<128xi32, #tpu.memory_space<vmem>>
        %dma_start3A_151 = arith.constant 0 : i32
        %dma_start3A_152 = arith.constant 0 : i32
        %dma_start3A_153 = tpu.memref_slice %arg8[%dma_start3A_151, %dma_start3A_152] : memref<20480x64xf32, #tpu.memory_space<hbm>> -> memref<20480x64xf32, #tpu.memory_space<hbm>>
        tpu.enqueue_indirect_dma source(%dma_start3A_153 : memref<20480x64xf32, #tpu.memory_space<hbm>>) target(%arg13 : memref<128x64xf32, #tpu.memory_space<vmem>>) offsets(%dma_start3A_150 : memref<128xi32, #tpu.memory_space<vmem>>) semaphore(%arg16 : memref<!tpu.dma_semaphore, #tpu.memory_space<semaphore_mem>>)
      } else {
      }
      %mul3A_121 = arith.constant 2 : i32
      %mul3A_122 = arith.muli %mul3A_121, %add3A_99 : i32
      %add3A_123 = arith.constant 1 : i32
      %add3A_124 = arith.addi %mul3A_122, %add3A_123 : i32
      %dma_wait3A_125 = arith.constant 0 : i32
      %dma_wait3A_126 = tpu.memref_slice %arg10[%add3A_124, %dma_wait3A_125] : memref<158x128xi32, #tpu.memory_space<vmem>> -> memref<1x128xi32, #tpu.memory_space<vmem>>
      %dma_wait3A_127 = tpu.memref_squeeze %dma_wait3A_126 : memref<1x128xi32, #tpu.memory_space<vmem>> -> memref<128xi32, #tpu.memory_space<vmem>>
      %dma_wait3A_128 = arith.constant 0 : i32
      %dma_wait3A_129 = arith.constant 0 : i32
      %dma_wait3A_130 = tpu.memref_slice %arg8[%dma_wait3A_128, %dma_wait3A_129] : memref<20480x64xf32, #tpu.memory_space<hbm>> -> memref<20480x64xf32, #tpu.memory_space<hbm>>
      tpu.wait_indirect_dma semaphore(%arg17 : memref<!tpu.dma_semaphore, #tpu.memory_space<semaphore_mem>>) src(%dma_wait3A_130 : memref<20480x64xf32, #tpu.memory_space<hbm>>) dst(%arg14 : memref<128x64xf32, #tpu.memory_space<vmem>>)
      %mul3A_131 = arith.constant 128 : i32
      %mul3A_132 = arith.muli %add3A_124, %mul3A_131 : i32
      %broadcast_in_dim3A_133 = vector.broadcast %mul3A_132 : i32 to vector<16xi32>
      %scan3A_134 = arith.constant 0 : i32
      %scan3A_135 = arith.constant 8 : i32
      %scan3A_136 = arith.addi %scan3A_134, %scan3A_135 : i32
      %scan3A_137 = arith.constant 1 : i32
      scf.for %scan3A_146 = %scan3A_134 to %scan3A_136 step %scan3A_137  : i32 {
        %mul3A_147 = arith.constant 1 : i32
        %mul3A_148 = arith.muli %scan3A_146, %mul3A_147 : i32
        %add3A_149 = arith.constant 0 : i32
        %add3A_150 = arith.addi %add3A_149, %mul3A_148 : i32
        %mul3A_151 = arith.constant 16 : i32
        %mul3A_152 = arith.muli %add3A_150, %mul3A_151 : i32
        %add3A_153 = arith.constant 0 : i32
        %add3A_154 = arith.addi %mul3A_152, %add3A_153 : i32
        %add3A_155 = vector.broadcast %add3A_154 : i32 to vector<16xi32>
        %add3A_156 = arith.addi %broadcast_in_dim3A_133, %add3A_155 : vector<16xi32>
        %gather3A = tpu.vector_load_idx %arg12[%add3A_156] : memref<20224xf32, #tpu.memory_space<vmem>>[vector<16xi32>], vector<16xf32>,
        %add3A_157 = arith.constant 1 : i32
        %add3A_158 = arith.addi %mul3A_152, %add3A_157 : i32
        %add3A_159 = vector.broadcast %add3A_158 : i32 to vector<16xi32>
        %add3A_160 = arith.addi %broadcast_in_dim3A_133, %add3A_159 : vector<16xi32>
        %gather3A_161 = tpu.vector_load_idx %arg12[%add3A_160] : memref<20224xf32, #tpu.memory_space<vmem>>[vector<16xi32>], vector<16xf32>,
        %add3A_162 = arith.constant 2 : i32
        %add3A_163 = arith.addi %mul3A_152, %add3A_162 : i32
        %add3A_164 = vector.broadcast %add3A_163 : i32 to vector<16xi32>
        %add3A_165 = arith.addi %broadcast_in_dim3A_133, %add3A_164 : vector<16xi32>
        %gather3A_166 = tpu.vector_load_idx %arg12[%add3A_165] : memref<20224xf32, #tpu.memory_space<vmem>>[vector<16xi32>], vector<16xf32>,
        %add3A_167 = arith.constant 3 : i32
        %add3A_168 = arith.addi %mul3A_152, %add3A_167 : i32
        %add3A_169 = vector.broadcast %add3A_168 : i32 to vector<16xi32>
        %add3A_170 = arith.addi %broadcast_in_dim3A_133, %add3A_169 : vector<16xi32>
        %gather3A_171 = tpu.vector_load_idx %arg12[%add3A_170] : memref<20224xf32, #tpu.memory_space<vmem>>[vector<16xi32>], vector<16xf32>,
        %add3A_172 = arith.constant 4 : i32
        %add3A_173 = arith.addi %mul3A_152, %add3A_172 : i32
        %add3A_174 = vector.broadcast %add3A_173 : i32 to vector<16xi32>
        %add3A_175 = arith.addi %broadcast_in_dim3A_133, %add3A_174 : vector<16xi32>
        %gather3A_176 = tpu.vector_load_idx %arg12[%add3A_175] : memref<20224xf32, #tpu.memory_space<vmem>>[vector<16xi32>], vector<16xf32>,
        %add3A_177 = arith.constant 5 : i32
        %add3A_178 = arith.addi %mul3A_152, %add3A_177 : i32
        %add3A_179 = vector.broadcast %add3A_178 : i32 to vector<16xi32>
        %add3A_180 = arith.addi %broadcast_in_dim3A_133, %add3A_179 : vector<16xi32>
        %gather3A_181 = tpu.vector_load_idx %arg12[%add3A_180] : memref<20224xf32, #tpu.memory_space<vmem>>[vector<16xi32>], vector<16xf32>,
        %add3A_182 = arith.constant 6 : i32
        %add3A_183 = arith.addi %mul3A_152, %add3A_182 : i32
        %add3A_184 = vector.broadcast %add3A_183 : i32 to vector<16xi32>
        %add3A_185 = arith.addi %broadcast_in_dim3A_133, %add3A_184 : vector<16xi32>
        %gather3A_186 = tpu.vector_load_idx %arg12[%add3A_185] : memref<20224xf32, #tpu.memory_space<vmem>>[vector<16xi32>], vector<16xf32>,
        %add3A_187 = arith.constant 7 : i32
        %add3A_188 = arith.addi %mul3A_152, %add3A_187 : i32
        %add3A_189 = vector.broadcast %add3A_188 : i32 to vector<16xi32>
        %add3A_190 = arith.addi %broadcast_in_dim3A_133, %add3A_189 : vector<16xi32>
        %gather3A_191 = tpu.vector_load_idx %arg12[%add3A_190] : memref<20224xf32, #tpu.memory_space<vmem>>[vector<16xi32>], vector<16xf32>,
        %add3A_192 = arith.constant 8 : i32
        %add3A_193 = arith.addi %mul3A_152, %add3A_192 : i32
        %add3A_194 = vector.broadcast %add3A_193 : i32 to vector<16xi32>
        %add3A_195 = arith.addi %broadcast_in_dim3A_133, %add3A_194 : vector<16xi32>
        %gather3A_196 = tpu.vector_load_idx %arg12[%add3A_195] : memref<20224xf32, #tpu.memory_space<vmem>>[vector<16xi32>], vector<16xf32>,
        %add3A_197 = arith.constant 9 : i32
        %add3A_198 = arith.addi %mul3A_152, %add3A_197 : i32
        %add3A_199 = vector.broadcast %add3A_198 : i32 to vector<16xi32>
        %add3A_200 = arith.addi %broadcast_in_dim3A_133, %add3A_199 : vector<16xi32>
        %gather3A_201 = tpu.vector_load_idx %arg12[%add3A_200] : memref<20224xf32, #tpu.memory_space<vmem>>[vector<16xi32>], vector<16xf32>,
        %add3A_202 = arith.constant 10 : i32
        %add3A_203 = arith.addi %mul3A_152, %add3A_202 : i32
        %add3A_204 = vector.broadcast %add3A_203 : i32 to vector<16xi32>
        %add3A_205 = arith.addi %broadcast_in_dim3A_133, %add3A_204 : vector<16xi32>
        %gather3A_206 = tpu.vector_load_idx %arg12[%add3A_205] : memref<20224xf32, #tpu.memory_space<vmem>>[vector<16xi32>], vector<16xf32>,
        %add3A_207 = arith.constant 11 : i32
        %add3A_208 = arith.addi %mul3A_152, %add3A_207 : i32
        %add3A_209 = vector.broadcast %add3A_208 : i32 to vector<16xi32>
        %add3A_210 = arith.addi %broadcast_in_dim3A_133, %add3A_209 : vector<16xi32>
        %gather3A_211 = tpu.vector_load_idx %arg12[%add3A_210] : memref<20224xf32, #tpu.memory_space<vmem>>[vector<16xi32>], vector<16xf32>,
        %add3A_212 = arith.constant 12 : i32
        %add3A_213 = arith.addi %mul3A_152, %add3A_212 : i32
        %add3A_214 = vector.broadcast %add3A_213 : i32 to vector<16xi32>
        %add3A_215 = arith.addi %broadcast_in_dim3A_133, %add3A_214 : vector<16xi32>
        %gather3A_216 = tpu.vector_load_idx %arg12[%add3A_215] : memref<20224xf32, #tpu.memory_space<vmem>>[vector<16xi32>], vector<16xf32>,
        %add3A_217 = arith.constant 13 : i32
        %add3A_218 = arith.addi %mul3A_152, %add3A_217 : i32
        %add3A_219 = vector.broadcast %add3A_218 : i32 to vector<16xi32>
        %add3A_220 = arith.addi %broadcast_in_dim3A_133, %add3A_219 : vector<16xi32>
        %gather3A_221 = tpu.vector_load_idx %arg12[%add3A_220] : memref<20224xf32, #tpu.memory_space<vmem>>[vector<16xi32>], vector<16xf32>,
        %add3A_222 = arith.constant 14 : i32
        %add3A_223 = arith.addi %mul3A_152, %add3A_222 : i32
        %add3A_224 = vector.broadcast %add3A_223 : i32 to vector<16xi32>
        %add3A_225 = arith.addi %broadcast_in_dim3A_133, %add3A_224 : vector<16xi32>
        %gather3A_226 = tpu.vector_load_idx %arg12[%add3A_225] : memref<20224xf32, #tpu.memory_space<vmem>>[vector<16xi32>], vector<16xf32>,
        %add3A_227 = arith.constant 15 : i32
        %add3A_228 = arith.addi %mul3A_152, %add3A_227 : i32
        %add3A_229 = vector.broadcast %add3A_228 : i32 to vector<16xi32>
        %add3A_230 = arith.addi %broadcast_in_dim3A_133, %add3A_229 : vector<16xi32>
        %gather3A_231 = tpu.vector_load_idx %arg12[%add3A_230] : memref<20224xf32, #tpu.memory_space<vmem>>[vector<16xi32>], vector<16xf32>,
        %add3A_232 = arith.constant 0 : i32
        %add3A_233 = arith.addi %mul3A_152, %add3A_232 : i32
        %get3A = arith.index_cast %add3A_233 : i32 to index
        %get3A_234 = arith.constant 0 : index
        %get3A_235 = tpu.vector_load %arg14[%get3A, %get3A_234] {strides = array<i32>} : memref<128x64xf32, #tpu.memory_space<vmem>>, vector<16xf32>,
        %mul3A_236 = arith.mulf %get3A_235, %gather3A : vector<16xf32>
        %swap3A = arith.index_cast %add3A_233 : i32 to index
        %swap3A_237 = arith.constant 0 : index
        %swap3A_238 = tpu.vector_load %arg14[%swap3A, %swap3A_237] {strides = array<i32>} : memref<128x64xf32, #tpu.memory_space<vmem>>, vector<16xf32>,
        tpu.vector_store %arg14[%swap3A, %swap3A_237], %mul3A_236 {strides = array<i32>} : memref<128x64xf32, #tpu.memory_space<vmem>>, vector<16xf32>,
        %get3A_239 = arith.index_cast %add3A_233 : i32 to index
        %get3A_240 = arith.constant 16 : index
        %get3A_241 = tpu.vector_load %arg14[%get3A_239, %get3A_240] {strides = array<i32>} : memref<128x64xf32, #tpu.memory_space<vmem>>, vector<16xf32>,
        %mul3A_242 = arith.mulf %get3A_241, %gather3A : vector<16xf32>
        %swap3A_243 = arith.index_cast %add3A_233 : i32 to index
        %swap3A_244 = arith.constant 16 : index
        %swap3A_245 = tpu.vector_load %arg14[%swap3A_243, %swap3A_244] {strides = array<i32>} : memref<128x64xf32, #tpu.memory_space<vmem>>, vector<16xf32>,
        tpu.vector_store %arg14[%swap3A_243, %swap3A_244], %mul3A_242 {strides = array<i32>} : memref<128x64xf32, #tpu.memory_space<vmem>>, vector<16xf32>,
        %get3A_246 = arith.index_cast %add3A_233 : i32 to index
        %get3A_247 = arith.constant 32 : index
        %get3A_248 = tpu.vector_load %arg14[%get3A_246, %get3A_247] {strides = array<i32>} : memref<128x64xf32, #tpu.memory_space<vmem>>, vector<16xf32>,
        %mul3A_249 = arith.mulf %get3A_248, %gather3A : vector<16xf32>
        %swap3A_250 = arith.index_cast %add3A_233 : i32 to index
        %swap3A_251 = arith.constant 32 : index
        %swap3A_252 = tpu.vector_load %arg14[%swap3A_250, %swap3A_251] {strides = array<i32>} : memref<128x64xf32, #tpu.memory_space<vmem>>, vector<16xf32>,
        tpu.vector_store %arg14[%swap3A_250, %swap3A_251], %mul3A_249 {strides = array<i32>} : memref<128x64xf32, #tpu.memory_space<vmem>>, vector<16xf32>,
        %get3A_253 = arith.index_cast %add3A_233 : i32 to index
        %get3A_254 = arith.constant 48 : index
        %get3A_255 = tpu.vector_load %arg14[%get3A_253, %get3A_254] {strides = array<i32>} : memref<128x64xf32, #tpu.memory_space<vmem>>, vector<16xf32>,
        %mul3A_256 = arith.mulf %get3A_255, %gather3A : vector<16xf32>
        %swap3A_257 = arith.index_cast %add3A_233 : i32 to index
        %swap3A_258 = arith.constant 48 : index
        %swap3A_259 = tpu.vector_load %arg14[%swap3A_257, %swap3A_258] {strides = array<i32>} : memref<128x64xf32, #tpu.memory_space<vmem>>, vector<16xf32>,
        tpu.vector_store %arg14[%swap3A_257, %swap3A_258], %mul3A_256 {strides = array<i32>} : memref<128x64xf32, #tpu.memory_space<vmem>>, vector<16xf32>,
        %add3A_260 = arith.constant 1 : i32
        %add3A_261 = arith.addi %mul3A_152, %add3A_260 : i32
        %get3A_262 = arith.index_cast %add3A_261 : i32 to index
        %get3A_263 = arith.constant 0 : index
        %get3A_264 = tpu.vector_load %arg14[%get3A_262, %get3A_263] {strides = array<i32>} : memref<128x64xf32, #tpu.memory_space<vmem>>, vector<16xf32>,
        %mul3A_265 = arith.mulf %get3A_264, %gather3A_161 : vector<16xf32>
        %swap3A_266 = arith.index_cast %add3A_261 : i32 to index
        %swap3A_267 = arith.constant 0 : index
        %swap3A_268 = tpu.vector_load %arg14[%swap3A_266, %swap3A_267] {strides = array<i32>} : memref<128x64xf32, #tpu.memory_space<vmem>>, vector<16xf32>,
        tpu.vector_store %arg14[%swap3A_266, %swap3A_267], %mul3A_265 {strides = array<i32>} : memref<128x64xf32, #tpu.memory_space<vmem>>, vector<16xf32>,
        %get3A_269 = arith.index_cast %add3A_261 : i32 to index
        %get3A_270 = arith.constant 16 : index
        %get3A_271 = tpu.vector_load %arg14[%get3A_269, %get3A_270] {strides = array<i32>} : memref<128x64xf32, #tpu.memory_space<vmem>>, vector<16xf32>,
        %mul3A_272 = arith.mulf %get3A_271, %gather3A_161 : vector<16xf32>
        %swap3A_273 = arith.index_cast %add3A_261 : i32 to index
        %swap3A_274 = arith.constant 16 : index
        %swap3A_275 = tpu.vector_load %arg14[%swap3A_273, %swap3A_274] {strides = array<i32>} : memref<128x64xf32, #tpu.memory_space<vmem>>, vector<16xf32>,
        tpu.vector_store %arg14[%swap3A_273, %swap3A_274], %mul3A_272 {strides = array<i32>} : memref<128x64xf32, #tpu.memory_space<vmem>>, vector<16xf32>,
        %get3A_276 = arith.index_cast %add3A_261 : i32 to index
        %get3A_277 = arith.constant 32 : index
        %get3A_278 = tpu.vector_load %arg14[%get3A_276, %get3A_277] {strides = array<i32>} : memref<128x64xf32, #tpu.memory_space<vmem>>, vector<16xf32>,
        %mul3A_279 = arith.mulf %get3A_278, %gather3A_161 : vector<16xf32>
        %swap3A_280 = arith.index_cast %add3A_261 : i32 to index
        %swap3A_281 = arith.constant 32 : index
        %swap3A_282 = tpu.vector_load %arg14[%swap3A_280, %swap3A_281] {strides = array<i32>} : memref<128x64xf32, #tpu.memory_space<vmem>>, vector<16xf32>,
        tpu.vector_store %arg14[%swap3A_280, %swap3A_281], %mul3A_279 {strides = array<i32>} : memref<128x64xf32, #tpu.memory_space<vmem>>, vector<16xf32>,
        %get3A_283 = arith.index_cast %add3A_261 : i32 to index
        %get3A_284 = arith.constant 48 : index
        %get3A_285 = tpu.vector_load %arg14[%get3A_283, %get3A_284] {strides = array<i32>} : memref<128x64xf32, #tpu.memory_space<vmem>>, vector<16xf32>,
        %mul3A_286 = arith.mulf %get3A_285, %gather3A_161 : vector<16xf32>
        %swap3A_287 = arith.index_cast %add3A_261 : i32 to index
        %swap3A_288 = arith.constant 48 : index
        %swap3A_289 = tpu.vector_load %arg14[%swap3A_287, %swap3A_288] {strides = array<i32>} : memref<128x64xf32, #tpu.memory_space<vmem>>, vector<16xf32>,
        tpu.vector_store %arg14[%swap3A_287, %swap3A_288], %mul3A_286 {strides = array<i32>} : memref<128x64xf32, #tpu.memory_space<vmem>>, vector<16xf32>,
        %add3A_290 = arith.constant 2 : i32
        %add3A_291 = arith.addi %mul3A_152, %add3A_290 : i32
        %get3A_292 = arith.index_cast %add3A_291 : i32 to index
        %get3A_293 = arith.constant 0 : index
        %get3A_294 = tpu.vector_load %arg14[%get3A_292, %get3A_293] {strides = array<i32>} : memref<128x64xf32, #tpu.memory_space<vmem>>, vector<16xf32>,
        %mul3A_295 = arith.mulf %get3A_294, %gather3A_166 : vector<16xf32>
        %swap3A_296 = arith.index_cast %add3A_291 : i32 to index
        %swap3A_297 = arith.constant 0 : index
        %swap3A_298 = tpu.vector_load %arg14[%swap3A_296, %swap3A_297] {strides = array<i32>} : memref<128x64xf32, #tpu.memory_space<vmem>>, vector<16xf32>,
        tpu.vector_store %arg14[%swap3A_296, %swap3A_297], %mul3A_295 {strides = array<i32>} : memref<128x64xf32, #tpu.memory_space<vmem>>, vector<16xf32>,
        %get3A_299 = arith.index_cast %add3A_291 : i32 to index
        %get3A_300 = arith.constant 16 : index
        %get3A_301 = tpu.vector_load %arg14[%get3A_299, %get3A_300] {strides = array<i32>} : memref<128x64xf32, #tpu.memory_space<vmem>>, vector<16xf32>,
        %mul3A_302 = arith.mulf %get3A_301, %gather3A_166 : vector<16xf32>
        %swap3A_303 = arith.index_cast %add3A_291 : i32 to index
        %swap3A_304 = arith.constant 16 : index
        %swap3A_305 = tpu.vector_load %arg14[%swap3A_303, %swap3A_304] {strides = array<i32>} : memref<128x64xf32, #tpu.memory_space<vmem>>, vector<16xf32>,
        tpu.vector_store %arg14[%swap3A_303, %swap3A_304], %mul3A_302 {strides = array<i32>} : memref<128x64xf32, #tpu.memory_space<vmem>>, vector<16xf32>,
        %get3A_306 = arith.index_cast %add3A_291 : i32 to index
        %get3A_307 = arith.constant 32 : index
        %get3A_308 = tpu.vector_load %arg14[%get3A_306, %get3A_307] {strides = array<i32>} : memref<128x64xf32, #tpu.memory_space<vmem>>, vector<16xf32>,
        %mul3A_309 = arith.mulf %get3A_308, %gather3A_166 : vector<16xf32>
        %swap3A_310 = arith.index_cast %add3A_291 : i32 to index
        %swap3A_311 = arith.constant 32 : index
        %swap3A_312 = tpu.vector_load %arg14[%swap3A_310, %swap3A_311] {strides = array<i32>} : memref<128x64xf32, #tpu.memory_space<vmem>>, vector<16xf32>,
        tpu.vector_store %arg14[%swap3A_310, %swap3A_311], %mul3A_309 {strides = array<i32>} : memref<128x64xf32, #tpu.memory_space<vmem>>, vector<16xf32>,
        %get3A_313 = arith.index_cast %add3A_291 : i32 to index
        %get3A_314 = arith.constant 48 : index
        %get3A_315 = tpu.vector_load %arg14[%get3A_313, %get3A_314] {strides = array<i32>} : memref<128x64xf32, #tpu.memory_space<vmem>>, vector<16xf32>,
        %mul3A_316 = arith.mulf %get3A_315, %gather3A_166 : vector<16xf32>
        %swap3A_317 = arith.index_cast %add3A_291 : i32 to index
        %swap3A_318 = arith.constant 48 : index
        %swap3A_319 = tpu.vector_load %arg14[%swap3A_317, %swap3A_318] {strides = array<i32>} : memref<128x64xf32, #tpu.memory_space<vmem>>, vector<16xf32>,
        tpu.vector_store %arg14[%swap3A_317, %swap3A_318], %mul3A_316 {strides = array<i32>} : memref<128x64xf32, #tpu.memory_space<vmem>>, vector<16xf32>,
        %add3A_320 = arith.constant 3 : i32
        %add3A_321 = arith.addi %mul3A_152, %add3A_320 : i32
        %get3A_322 = arith.index_cast %add3A_321 : i32 to index
        %get3A_323 = arith.constant 0 : index
        %get3A_324 = tpu.vector_load %arg14[%get3A_322, %get3A_323] {strides = array<i32>} : memref<128x64xf32, #tpu.memory_space<vmem>>, vector<16xf32>,
        %mul3A_325 = arith.mulf %get3A_324, %gather3A_171 : vector<16xf32>
        %swap3A_326 = arith.index_cast %add3A_321 : i32 to index
        %swap3A_327 = arith.constant 0 : index
        %swap3A_328 = tpu.vector_load %arg14[%swap3A_326, %swap3A_327] {strides = array<i32>} : memref<128x64xf32, #tpu.memory_space<vmem>>, vector<16xf32>,
        tpu.vector_store %arg14[%swap3A_326, %swap3A_327], %mul3A_325 {strides = array<i32>} : memref<128x64xf32, #tpu.memory_space<vmem>>, vector<16xf32>,
        %get3A_329 = arith.index_cast %add3A_321 : i32 to index
        %get3A_330 = arith.constant 16 : index
        %get3A_331 = tpu.vector_load %arg14[%get3A_329, %get3A_330] {strides = array<i32>} : memref<128x64xf32, #tpu.memory_space<vmem>>, vector<16xf32>,
        %mul3A_332 = arith.mulf %get3A_331, %gather3A_171 : vector<16xf32>
        %swap3A_333 = arith.index_cast %add3A_321 : i32 to index
        %swap3A_334 = arith.constant 16 : index
        %swap3A_335 = tpu.vector_load %arg14[%swap3A_333, %swap3A_334] {strides = array<i32>} : memref<128x64xf32, #tpu.memory_space<vmem>>, vector<16xf32>,
        tpu.vector_store %arg14[%swap3A_333, %swap3A_334], %mul3A_332 {strides = array<i32>} : memref<128x64xf32, #tpu.memory_space<vmem>>, vector<16xf32>,
        %get3A_336 = arith.index_cast %add3A_321 : i32 to index
        %get3A_337 = arith.constant 32 : index
        %get3A_338 = tpu.vector_load %arg14[%get3A_336, %get3A_337] {strides = array<i32>} : memref<128x64xf32, #tpu.memory_space<vmem>>, vector<16xf32>,
        %mul3A_339 = arith.mulf %get3A_338, %gather3A_171 : vector<16xf32>
        %swap3A_340 = arith.index_cast %add3A_321 : i32 to index
        %swap3A_341 = arith.constant 32 : index
        %swap3A_342 = tpu.vector_load %arg14[%swap3A_340, %swap3A_341] {strides = array<i32>} : memref<128x64xf32, #tpu.memory_space<vmem>>, vector<16xf32>,
        tpu.vector_store %arg14[%swap3A_340, %swap3A_341], %mul3A_339 {strides = array<i32>} : memref<128x64xf32, #tpu.memory_space<vmem>>, vector<16xf32>,
        %get3A_343 = arith.index_cast %add3A_321 : i32 to index
        %get3A_344 = arith.constant 48 : index
        %get3A_345 = tpu.vector_load %arg14[%get3A_343, %get3A_344] {strides = array<i32>} : memref<128x64xf32, #tpu.memory_space<vmem>>, vector<16xf32>,
        %mul3A_346 = arith.mulf %get3A_345, %gather3A_171 : vector<16xf32>
        %swap3A_347 = arith.index_cast %add3A_321 : i32 to index
        %swap3A_348 = arith.constant 48 : index
        %swap3A_349 = tpu.vector_load %arg14[%swap3A_347, %swap3A_348] {strides = array<i32>} : memref<128x64xf32, #tpu.memory_space<vmem>>, vector<16xf32>,
        tpu.vector_store %arg14[%swap3A_347, %swap3A_348], %mul3A_346 {strides = array<i32>} : memref<128x64xf32, #tpu.memory_space<vmem>>, vector<16xf32>,
        %add3A_350 = arith.constant 4 : i32
        %add3A_351 = arith.addi %mul3A_152, %add3A_350 : i32
        %get3A_352 = arith.index_cast %add3A_351 : i32 to index
        %get3A_353 = arith.constant 0 : index
        %get3A_354 = tpu.vector_load %arg14[%get3A_352, %get3A_353] {strides = array<i32>} : memref<128x64xf32, #tpu.memory_space<vmem>>, vector<16xf32>,
        %mul3A_355 = arith.mulf %get3A_354, %gather3A_176 : vector<16xf32>
        %swap3A_356 = arith.index_cast %add3A_351 : i32 to index
        %swap3A_357 = arith.constant 0 : index
        %swap3A_358 = tpu.vector_load %arg14[%swap3A_356, %swap3A_357] {strides = array<i32>} : memref<128x64xf32, #tpu.memory_space<vmem>>, vector<16xf32>,
        tpu.vector_store %arg14[%swap3A_356, %swap3A_357], %mul3A_355 {strides = array<i32>} : memref<128x64xf32, #tpu.memory_space<vmem>>, vector<16xf32>,
        %get3A_359 = arith.index_cast %add3A_351 : i32 to index
        %get3A_360 = arith.constant 16 : index
        %get3A_361 = tpu.vector_load %arg14[%get3A_359, %get3A_360] {strides = array<i32>} : memref<128x64xf32, #tpu.memory_space<vmem>>, vector<16xf32>,
        %mul3A_362 = arith.mulf %get3A_361, %gather3A_176 : vector<16xf32>
        %swap3A_363 = arith.index_cast %add3A_351 : i32 to index
        %swap3A_364 = arith.constant 16 : index
        %swap3A_365 = tpu.vector_load %arg14[%swap3A_363, %swap3A_364] {strides = array<i32>} : memref<128x64xf32, #tpu.memory_space<vmem>>, vector<16xf32>,
        tpu.vector_store %arg14[%swap3A_363, %swap3A_364], %mul3A_362 {strides = array<i32>} : memref<128x64xf32, #tpu.memory_space<vmem>>, vector<16xf32>,
        %get3A_366 = arith.index_cast %add3A_351 : i32 to index
        %get3A_367 = arith.constant 32 : index
        %get3A_368 = tpu.vector_load %arg14[%get3A_366, %get3A_367] {strides = array<i32>} : memref<128x64xf32, #tpu.memory_space<vmem>>, vector<16xf32>,
        %mul3A_369 = arith.mulf %get3A_368, %gather3A_176 : vector<16xf32>
        %swap3A_370 = arith.index_cast %add3A_351 : i32 to index
        %swap3A_371 = arith.constant 32 : index
        %swap3A_372 = tpu.vector_load %arg14[%swap3A_370, %swap3A_371] {strides = array<i32>} : memref<128x64xf32, #tpu.memory_space<vmem>>, vector<16xf32>,
        tpu.vector_store %arg14[%swap3A_370, %swap3A_371], %mul3A_369 {strides = array<i32>} : memref<128x64xf32, #tpu.memory_space<vmem>>, vector<16xf32>,
        %get3A_373 = arith.index_cast %add3A_351 : i32 to index
        %get3A_374 = arith.constant 48 : index
        %get3A_375 = tpu.vector_load %arg14[%get3A_373, %get3A_374] {strides = array<i32>} : memref<128x64xf32, #tpu.memory_space<vmem>>, vector<16xf32>,
        %mul3A_376 = arith.mulf %get3A_375, %gather3A_176 : vector<16xf32>
        %swap3A_377 = arith.index_cast %add3A_351 : i32 to index
        %swap3A_378 = arith.constant 48 : index
        %swap3A_379 = tpu.vector_load %arg14[%swap3A_377, %swap3A_378] {strides = array<i32>} : memref<128x64xf32, #tpu.memory_space<vmem>>, vector<16xf32>,
        tpu.vector_store %arg14[%swap3A_377, %swap3A_378], %mul3A_376 {strides = array<i32>} : memref<128x64xf32, #tpu.memory_space<vmem>>, vector<16xf32>,
        %add3A_380 = arith.constant 5 : i32
        %add3A_381 = arith.addi %mul3A_152, %add3A_380 : i32
        %get3A_382 = arith.index_cast %add3A_381 : i32 to index
        %get3A_383 = arith.constant 0 : index
        %get3A_384 = tpu.vector_load %arg14[%get3A_382, %get3A_383] {strides = array<i32>} : memref<128x64xf32, #tpu.memory_space<vmem>>, vector<16xf32>,
        %mul3A_385 = arith.mulf %get3A_384, %gather3A_181 : vector<16xf32>
        %swap3A_386 = arith.index_cast %add3A_381 : i32 to index
        %swap3A_387 = arith.constant 0 : index
        %swap3A_388 = tpu.vector_load %arg14[%swap3A_386, %swap3A_387] {strides = array<i32>} : memref<128x64xf32, #tpu.memory_space<vmem>>, vector<16xf32>,
        tpu.vector_store %arg14[%swap3A_386, %swap3A_387], %mul3A_385 {strides = array<i32>} : memref<128x64xf32, #tpu.memory_space<vmem>>, vector<16xf32>,
        %get3A_389 = arith.index_cast %add3A_381 : i32 to index
        %get3A_390 = arith.constant 16 : index
        %get3A_391 = tpu.vector_load %arg14[%get3A_389, %get3A_390] {strides = array<i32>} : memref<128x64xf32, #tpu.memory_space<vmem>>, vector<16xf32>,
        %mul3A_392 = arith.mulf %get3A_391, %gather3A_181 : vector<16xf32>
        %swap3A_393 = arith.index_cast %add3A_381 : i32 to index
        %swap3A_394 = arith.constant 16 : index
        %swap3A_395 = tpu.vector_load %arg14[%swap3A_393, %swap3A_394] {strides = array<i32>} : memref<128x64xf32, #tpu.memory_space<vmem>>, vector<16xf32>,
        tpu.vector_store %arg14[%swap3A_393, %swap3A_394], %mul3A_392 {strides = array<i32>} : memref<128x64xf32, #tpu.memory_space<vmem>>, vector<16xf32>,
        %get3A_396 = arith.index_cast %add3A_381 : i32 to index
        %get3A_397 = arith.constant 32 : index
        %get3A_398 = tpu.vector_load %arg14[%get3A_396, %get3A_397] {strides = array<i32>} : memref<128x64xf32, #tpu.memory_space<vmem>>, vector<16xf32>,
        %mul3A_399 = arith.mulf %get3A_398, %gather3A_181 : vector<16xf32>
        %swap3A_400 = arith.index_cast %add3A_381 : i32 to index
        %swap3A_401 = arith.constant 32 : index
        %swap3A_402 = tpu.vector_load %arg14[%swap3A_400, %swap3A_401] {strides = array<i32>} : memref<128x64xf32, #tpu.memory_space<vmem>>, vector<16xf32>,
        tpu.vector_store %arg14[%swap3A_400, %swap3A_401], %mul3A_399 {strides = array<i32>} : memref<128x64xf32, #tpu.memory_space<vmem>>, vector<16xf32>,
        %get3A_403 = arith.index_cast %add3A_381 : i32 to index
        %get3A_404 = arith.constant 48 : index
        %get3A_405 = tpu.vector_load %arg14[%get3A_403, %get3A_404] {strides = array<i32>} : memref<128x64xf32, #tpu.memory_space<vmem>>, vector<16xf32>,
        %mul3A_406 = arith.mulf %get3A_405, %gather3A_181 : vector<16xf32>
        %swap3A_407 = arith.index_cast %add3A_381 : i32 to index
        %swap3A_408 = arith.constant 48 : index
        %swap3A_409 = tpu.vector_load %arg14[%swap3A_407, %swap3A_408] {strides = array<i32>} : memref<128x64xf32, #tpu.memory_space<vmem>>, vector<16xf32>,
        tpu.vector_store %arg14[%swap3A_407, %swap3A_408], %mul3A_406 {strides = array<i32>} : memref<128x64xf32, #tpu.memory_space<vmem>>, vector<16xf32>,
        %add3A_410 = arith.constant 6 : i32
        %add3A_411 = arith.addi %mul3A_152, %add3A_410 : i32
        %get3A_412 = arith.index_cast %add3A_411 : i32 to index
        %get3A_413 = arith.constant 0 : index
        %get3A_414 = tpu.vector_load %arg14[%get3A_412, %get3A_413] {strides = array<i32>} : memref<128x64xf32, #tpu.memory_space<vmem>>, vector<16xf32>,
        %mul3A_415 = arith.mulf %get3A_414, %gather3A_186 : vector<16xf32>
        %swap3A_416 = arith.index_cast %add3A_411 : i32 to index
        %swap3A_417 = arith.constant 0 : index
        %swap3A_418 = tpu.vector_load %arg14[%swap3A_416, %swap3A_417] {strides = array<i32>} : memref<128x64xf32, #tpu.memory_space<vmem>>, vector<16xf32>,
        tpu.vector_store %arg14[%swap3A_416, %swap3A_417], %mul3A_415 {strides = array<i32>} : memref<128x64xf32, #tpu.memory_space<vmem>>, vector<16xf32>,
        %get3A_419 = arith.index_cast %add3A_411 : i32 to index
        %get3A_420 = arith.constant 16 : index
        %get3A_421 = tpu.vector_load %arg14[%get3A_419, %get3A_420] {strides = array<i32>} : memref<128x64xf32, #tpu.memory_space<vmem>>, vector<16xf32>,
        %mul3A_422 = arith.mulf %get3A_421, %gather3A_186 : vector<16xf32>
        %swap3A_423 = arith.index_cast %add3A_411 : i32 to index
        %swap3A_424 = arith.constant 16 : index
        %swap3A_425 = tpu.vector_load %arg14[%swap3A_423, %swap3A_424] {strides = array<i32>} : memref<128x64xf32, #tpu.memory_space<vmem>>, vector<16xf32>,
        tpu.vector_store %arg14[%swap3A_423, %swap3A_424], %mul3A_422 {strides = array<i32>} : memref<128x64xf32, #tpu.memory_space<vmem>>, vector<16xf32>,
        %get3A_426 = arith.index_cast %add3A_411 : i32 to index
        %get3A_427 = arith.constant 32 : index
        %get3A_428 = tpu.vector_load %arg14[%get3A_426, %get3A_427] {strides = array<i32>} : memref<128x64xf32, #tpu.memory_space<vmem>>, vector<16xf32>,
        %mul3A_429 = arith.mulf %get3A_428, %gather3A_186 : vector<16xf32>
        %swap3A_430 = arith.index_cast %add3A_411 : i32 to index
        %swap3A_431 = arith.constant 32 : index
        %swap3A_432 = tpu.vector_load %arg14[%swap3A_430, %swap3A_431] {strides = array<i32>} : memref<128x64xf32, #tpu.memory_space<vmem>>, vector<16xf32>,
        tpu.vector_store %arg14[%swap3A_430, %swap3A_431], %mul3A_429 {strides = array<i32>} : memref<128x64xf32, #tpu.memory_space<vmem>>, vector<16xf32>,
        %get3A_433 = arith.index_cast %add3A_411 : i32 to index
        %get3A_434 = arith.constant 48 : index
        %get3A_435 = tpu.vector_load %arg14[%get3A_433, %get3A_434] {strides = array<i32>} : memref<128x64xf32, #tpu.memory_space<vmem>>, vector<16xf32>,
        %mul3A_436 = arith.mulf %get3A_435, %gather3A_186 : vector<16xf32>
        %swap3A_437 = arith.index_cast %add3A_411 : i32 to index
        %swap3A_438 = arith.constant 48 : index
        %swap3A_439 = tpu.vector_load %arg14[%swap3A_437, %swap3A_438] {strides = array<i32>} : memref<128x64xf32, #tpu.memory_space<vmem>>, vector<16xf32>,
        tpu.vector_store %arg14[%swap3A_437, %swap3A_438], %mul3A_436 {strides = array<i32>} : memref<128x64xf32, #tpu.memory_space<vmem>>, vector<16xf32>,
        %add3A_440 = arith.constant 7 : i32
        %add3A_441 = arith.addi %mul3A_152, %add3A_440 : i32
        %get3A_442 = arith.index_cast %add3A_441 : i32 to index
        %get3A_443 = arith.constant 0 : index
        %get3A_444 = tpu.vector_load %arg14[%get3A_442, %get3A_443] {strides = array<i32>} : memref<128x64xf32, #tpu.memory_space<vmem>>, vector<16xf32>,
        %mul3A_445 = arith.mulf %get3A_444, %gather3A_191 : vector<16xf32>
        %swap3A_446 = arith.index_cast %add3A_441 : i32 to index
        %swap3A_447 = arith.constant 0 : index
        %swap3A_448 = tpu.vector_load %arg14[%swap3A_446, %swap3A_447] {strides = array<i32>} : memref<128x64xf32, #tpu.memory_space<vmem>>, vector<16xf32>,
        tpu.vector_store %arg14[%swap3A_446, %swap3A_447], %mul3A_445 {strides = array<i32>} : memref<128x64xf32, #tpu.memory_space<vmem>>, vector<16xf32>,
        %get3A_449 = arith.index_cast %add3A_441 : i32 to index
        %get3A_450 = arith.constant 16 : index
        %get3A_451 = tpu.vector_load %arg14[%get3A_449, %get3A_450] {strides = array<i32>} : memref<128x64xf32, #tpu.memory_space<vmem>>, vector<16xf32>,
        %mul3A_452 = arith.mulf %get3A_451, %gather3A_191 : vector<16xf32>
        %swap3A_453 = arith.index_cast %add3A_441 : i32 to index
        %swap3A_454 = arith.constant 16 : index
        %swap3A_455 = tpu.vector_load %arg14[%swap3A_453, %swap3A_454] {strides = array<i32>} : memref<128x64xf32, #tpu.memory_space<vmem>>, vector<16xf32>,
        tpu.vector_store %arg14[%swap3A_453, %swap3A_454], %mul3A_452 {strides = array<i32>} : memref<128x64xf32, #tpu.memory_space<vmem>>, vector<16xf32>,
        %get3A_456 = arith.index_cast %add3A_441 : i32 to index
        %get3A_457 = arith.constant 32 : index
        %get3A_458 = tpu.vector_load %arg14[%get3A_456, %get3A_457] {strides = array<i32>} : memref<128x64xf32, #tpu.memory_space<vmem>>, vector<16xf32>,
        %mul3A_459 = arith.mulf %get3A_458, %gather3A_191 : vector<16xf32>
        %swap3A_460 = arith.index_cast %add3A_441 : i32 to index
        %swap3A_461 = arith.constant 32 : index
        %swap3A_462 = tpu.vector_load %arg14[%swap3A_460, %swap3A_461] {strides = array<i32>} : memref<128x64xf32, #tpu.memory_space<vmem>>, vector<16xf32>,
        tpu.vector_store %arg14[%swap3A_460, %swap3A_461], %mul3A_459 {strides = array<i32>} : memref<128x64xf32, #tpu.memory_space<vmem>>, vector<16xf32>,
        %get3A_463 = arith.index_cast %add3A_441 : i32 to index
        %get3A_464 = arith.constant 48 : index
        %get3A_465 = tpu.vector_load %arg14[%get3A_463, %get3A_464] {strides = array<i32>} : memref<128x64xf32, #tpu.memory_space<vmem>>, vector<16xf32>,
        %mul3A_466 = arith.mulf %get3A_465, %gather3A_191 : vector<16xf32>
        %swap3A_467 = arith.index_cast %add3A_441 : i32 to index
        %swap3A_468 = arith.constant 48 : index
        %swap3A_469 = tpu.vector_load %arg14[%swap3A_467, %swap3A_468] {strides = array<i32>} : memref<128x64xf32, #tpu.memory_space<vmem>>, vector<16xf32>,
        tpu.vector_store %arg14[%swap3A_467, %swap3A_468], %mul3A_466 {strides = array<i32>} : memref<128x64xf32, #tpu.memory_space<vmem>>, vector<16xf32>,
        %add3A_470 = arith.constant 8 : i32
        %add3A_471 = arith.addi %mul3A_152, %add3A_470 : i32
        %get3A_472 = arith.index_cast %add3A_471 : i32 to index
        %get3A_473 = arith.constant 0 : index
        %get3A_474 = tpu.vector_load %arg14[%get3A_472, %get3A_473] {strides = array<i32>} : memref<128x64xf32, #tpu.memory_space<vmem>>, vector<16xf32>,
        %mul3A_475 = arith.mulf %get3A_474, %gather3A_196 : vector<16xf32>
        %swap3A_476 = arith.index_cast %add3A_471 : i32 to index
        %swap3A_477 = arith.constant 0 : index
        %swap3A_478 = tpu.vector_load %arg14[%swap3A_476, %swap3A_477] {strides = array<i32>} : memref<128x64xf32, #tpu.memory_space<vmem>>, vector<16xf32>,
        tpu.vector_store %arg14[%swap3A_476, %swap3A_477], %mul3A_475 {strides = array<i32>} : memref<128x64xf32, #tpu.memory_space<vmem>>, vector<16xf32>,
        %get3A_479 = arith.index_cast %add3A_471 : i32 to index
        %get3A_480 = arith.constant 16 : index
        %get3A_481 = tpu.vector_load %arg14[%get3A_479, %get3A_480] {strides = array<i32>} : memref<128x64xf32, #tpu.memory_space<vmem>>, vector<16xf32>,
        %mul3A_482 = arith.mulf %get3A_481, %gather3A_196 : vector<16xf32>
        %swap3A_483 = arith.index_cast %add3A_471 : i32 to index
        %swap3A_484 = arith.constant 16 : index
        %swap3A_485 = tpu.vector_load %arg14[%swap3A_483, %swap3A_484] {strides = array<i32>} : memref<128x64xf32, #tpu.memory_space<vmem>>, vector<16xf32>,
        tpu.vector_store %arg14[%swap3A_483, %swap3A_484], %mul3A_482 {strides = array<i32>} : memref<128x64xf32, #tpu.memory_space<vmem>>, vector<16xf32>,
        %get3A_486 = arith.index_cast %add3A_471 : i32 to index
        %get3A_487 = arith.constant 32 : index
        %get3A_488 = tpu.vector_load %arg14[%get3A_486, %get3A_487] {strides = array<i32>} : memref<128x64xf32, #tpu.memory_space<vmem>>, vector<16xf32>,
        %mul3A_489 = arith.mulf %get3A_488, %gather3A_196 : vector<16xf32>
        %swap3A_490 = arith.index_cast %add3A_471 : i32 to index
        %swap3A_491 = arith.constant 32 : index
        %swap3A_492 = tpu.vector_load %arg14[%swap3A_490, %swap3A_491] {strides = array<i32>} : memref<128x64xf32, #tpu.memory_space<vmem>>, vector<16xf32>,
        tpu.vector_store %arg14[%swap3A_490, %swap3A_491], %mul3A_489 {strides = array<i32>} : memref<128x64xf32, #tpu.memory_space<vmem>>, vector<16xf32>,
        %get3A_493 = arith.index_cast %add3A_471 : i32 to index
        %get3A_494 = arith.constant 48 : index
        %get3A_495 = tpu.vector_load %arg14[%get3A_493, %get3A_494] {strides = array<i32>} : memref<128x64xf32, #tpu.memory_space<vmem>>, vector<16xf32>,
        %mul3A_496 = arith.mulf %get3A_495, %gather3A_196 : vector<16xf32>
        %swap3A_497 = arith.index_cast %add3A_471 : i32 to index
        %swap3A_498 = arith.constant 48 : index
        %swap3A_499 = tpu.vector_load %arg14[%swap3A_497, %swap3A_498] {strides = array<i32>} : memref<128x64xf32, #tpu.memory_space<vmem>>, vector<16xf32>,
        tpu.vector_store %arg14[%swap3A_497, %swap3A_498], %mul3A_496 {strides = array<i32>} : memref<128x64xf32, #tpu.memory_space<vmem>>, vector<16xf32>,
        %add3A_500 = arith.constant 9 : i32
        %add3A_501 = arith.addi %mul3A_152, %add3A_500 : i32
        %get3A_502 = arith.index_cast %add3A_501 : i32 to index
        %get3A_503 = arith.constant 0 : index
        %get3A_504 = tpu.vector_load %arg14[%get3A_502, %get3A_503] {strides = array<i32>} : memref<128x64xf32, #tpu.memory_space<vmem>>, vector<16xf32>,
        %mul3A_505 = arith.mulf %get3A_504, %gather3A_201 : vector<16xf32>
        %swap3A_506 = arith.index_cast %add3A_501 : i32 to index
        %swap3A_507 = arith.constant 0 : index
        %swap3A_508 = tpu.vector_load %arg14[%swap3A_506, %swap3A_507] {strides = array<i32>} : memref<128x64xf32, #tpu.memory_space<vmem>>, vector<16xf32>,
        tpu.vector_store %arg14[%swap3A_506, %swap3A_507], %mul3A_505 {strides = array<i32>} : memref<128x64xf32, #tpu.memory_space<vmem>>, vector<16xf32>,
        %get3A_509 = arith.index_cast %add3A_501 : i32 to index
        %get3A_510 = arith.constant 16 : index
        %get3A_511 = tpu.vector_load %arg14[%get3A_509, %get3A_510] {strides = array<i32>} : memref<128x64xf32, #tpu.memory_space<vmem>>, vector<16xf32>,
        %mul3A_512 = arith.mulf %get3A_511, %gather3A_201 : vector<16xf32>
        %swap3A_513 = arith.index_cast %add3A_501 : i32 to index
        %swap3A_514 = arith.constant 16 : index
        %swap3A_515 = tpu.vector_load %arg14[%swap3A_513, %swap3A_514] {strides = array<i32>} : memref<128x64xf32, #tpu.memory_space<vmem>>, vector<16xf32>,
        tpu.vector_store %arg14[%swap3A_513, %swap3A_514], %mul3A_512 {strides = array<i32>} : memref<128x64xf32, #tpu.memory_space<vmem>>, vector<16xf32>,
        %get3A_516 = arith.index_cast %add3A_501 : i32 to index
        %get3A_517 = arith.constant 32 : index
        %get3A_518 = tpu.vector_load %arg14[%get3A_516, %get3A_517] {strides = array<i32>} : memref<128x64xf32, #tpu.memory_space<vmem>>, vector<16xf32>,
        %mul3A_519 = arith.mulf %get3A_518, %gather3A_201 : vector<16xf32>
        %swap3A_520 = arith.index_cast %add3A_501 : i32 to index
        %swap3A_521 = arith.constant 32 : index
        %swap3A_522 = tpu.vector_load %arg14[%swap3A_520, %swap3A_521] {strides = array<i32>} : memref<128x64xf32, #tpu.memory_space<vmem>>, vector<16xf32>,
        tpu.vector_store %arg14[%swap3A_520, %swap3A_521], %mul3A_519 {strides = array<i32>} : memref<128x64xf32, #tpu.memory_space<vmem>>, vector<16xf32>,
        %get3A_523 = arith.index_cast %add3A_501 : i32 to index
        %get3A_524 = arith.constant 48 : index
        %get3A_525 = tpu.vector_load %arg14[%get3A_523, %get3A_524] {strides = array<i32>} : memref<128x64xf32, #tpu.memory_space<vmem>>, vector<16xf32>,
        %mul3A_526 = arith.mulf %get3A_525, %gather3A_201 : vector<16xf32>
        %swap3A_527 = arith.index_cast %add3A_501 : i32 to index
        %swap3A_528 = arith.constant 48 : index
        %swap3A_529 = tpu.vector_load %arg14[%swap3A_527, %swap3A_528] {strides = array<i32>} : memref<128x64xf32, #tpu.memory_space<vmem>>, vector<16xf32>,
        tpu.vector_store %arg14[%swap3A_527, %swap3A_528], %mul3A_526 {strides = array<i32>} : memref<128x64xf32, #tpu.memory_space<vmem>>, vector<16xf32>,
        %add3A_530 = arith.constant 10 : i32
        %add3A_531 = arith.addi %mul3A_152, %add3A_530 : i32
        %get3A_532 = arith.index_cast %add3A_531 : i32 to index
        %get3A_533 = arith.constant 0 : index
        %get3A_534 = tpu.vector_load %arg14[%get3A_532, %get3A_533] {strides = array<i32>} : memref<128x64xf32, #tpu.memory_space<vmem>>, vector<16xf32>,
        %mul3A_535 = arith.mulf %get3A_534, %gather3A_206 : vector<16xf32>
        %swap3A_536 = arith.index_cast %add3A_531 : i32 to index
        %swap3A_537 = arith.constant 0 : index
        %swap3A_538 = tpu.vector_load %arg14[%swap3A_536, %swap3A_537] {strides = array<i32>} : memref<128x64xf32, #tpu.memory_space<vmem>>, vector<16xf32>,
        tpu.vector_store %arg14[%swap3A_536, %swap3A_537], %mul3A_535 {strides = array<i32>} : memref<128x64xf32, #tpu.memory_space<vmem>>, vector<16xf32>,
        %get3A_539 = arith.index_cast %add3A_531 : i32 to index
        %get3A_540 = arith.constant 16 : index
        %get3A_541 = tpu.vector_load %arg14[%get3A_539, %get3A_540] {strides = array<i32>} : memref<128x64xf32, #tpu.memory_space<vmem>>, vector<16xf32>,
        %mul3A_542 = arith.mulf %get3A_541, %gather3A_206 : vector<16xf32>
        %swap3A_543 = arith.index_cast %add3A_531 : i32 to index
        %swap3A_544 = arith.constant 16 : index
        %swap3A_545 = tpu.vector_load %arg14[%swap3A_543, %swap3A_544] {strides = array<i32>} : memref<128x64xf32, #tpu.memory_space<vmem>>, vector<16xf32>,
        tpu.vector_store %arg14[%swap3A_543, %swap3A_544], %mul3A_542 {strides = array<i32>} : memref<128x64xf32, #tpu.memory_space<vmem>>, vector<16xf32>,
        %get3A_546 = arith.index_cast %add3A_531 : i32 to index
        %get3A_547 = arith.constant 32 : index
        %get3A_548 = tpu.vector_load %arg14[%get3A_546, %get3A_547] {strides = array<i32>} : memref<128x64xf32, #tpu.memory_space<vmem>>, vector<16xf32>,
        %mul3A_549 = arith.mulf %get3A_548, %gather3A_206 : vector<16xf32>
        %swap3A_550 = arith.index_cast %add3A_531 : i32 to index
        %swap3A_551 = arith.constant 32 : index
        %swap3A_552 = tpu.vector_load %arg14[%swap3A_550, %swap3A_551] {strides = array<i32>} : memref<128x64xf32, #tpu.memory_space<vmem>>, vector<16xf32>,
        tpu.vector_store %arg14[%swap3A_550, %swap3A_551], %mul3A_549 {strides = array<i32>} : memref<128x64xf32, #tpu.memory_space<vmem>>, vector<16xf32>,
        %get3A_553 = arith.index_cast %add3A_531 : i32 to index
        %get3A_554 = arith.constant 48 : index
        %get3A_555 = tpu.vector_load %arg14[%get3A_553, %get3A_554] {strides = array<i32>} : memref<128x64xf32, #tpu.memory_space<vmem>>, vector<16xf32>,
        %mul3A_556 = arith.mulf %get3A_555, %gather3A_206 : vector<16xf32>
        %swap3A_557 = arith.index_cast %add3A_531 : i32 to index
        %swap3A_558 = arith.constant 48 : index
        %swap3A_559 = tpu.vector_load %arg14[%swap3A_557, %swap3A_558] {strides = array<i32>} : memref<128x64xf32, #tpu.memory_space<vmem>>, vector<16xf32>,
        tpu.vector_store %arg14[%swap3A_557, %swap3A_558], %mul3A_556 {strides = array<i32>} : memref<128x64xf32, #tpu.memory_space<vmem>>, vector<16xf32>,
        %add3A_560 = arith.constant 11 : i32
        %add3A_561 = arith.addi %mul3A_152, %add3A_560 : i32
        %get3A_562 = arith.index_cast %add3A_561 : i32 to index
        %get3A_563 = arith.constant 0 : index
        %get3A_564 = tpu.vector_load %arg14[%get3A_562, %get3A_563] {strides = array<i32>} : memref<128x64xf32, #tpu.memory_space<vmem>>, vector<16xf32>,
        %mul3A_565 = arith.mulf %get3A_564, %gather3A_211 : vector<16xf32>
        %swap3A_566 = arith.index_cast %add3A_561 : i32 to index
        %swap3A_567 = arith.constant 0 : index
        %swap3A_568 = tpu.vector_load %arg14[%swap3A_566, %swap3A_567] {strides = array<i32>} : memref<128x64xf32, #tpu.memory_space<vmem>>, vector<16xf32>,
        tpu.vector_store %arg14[%swap3A_566, %swap3A_567], %mul3A_565 {strides = array<i32>} : memref<128x64xf32, #tpu.memory_space<vmem>>, vector<16xf32>,
        %get3A_569 = arith.index_cast %add3A_561 : i32 to index
        %get3A_570 = arith.constant 16 : index
        %get3A_571 = tpu.vector_load %arg14[%get3A_569, %get3A_570] {strides = array<i32>} : memref<128x64xf32, #tpu.memory_space<vmem>>, vector<16xf32>,
        %mul3A_572 = arith.mulf %get3A_571, %gather3A_211 : vector<16xf32>
        %swap3A_573 = arith.index_cast %add3A_561 : i32 to index
        %swap3A_574 = arith.constant 16 : index
        %swap3A_575 = tpu.vector_load %arg14[%swap3A_573, %swap3A_574] {strides = array<i32>} : memref<128x64xf32, #tpu.memory_space<vmem>>, vector<16xf32>,
        tpu.vector_store %arg14[%swap3A_573, %swap3A_574], %mul3A_572 {strides = array<i32>} : memref<128x64xf32, #tpu.memory_space<vmem>>, vector<16xf32>,
        %get3A_576 = arith.index_cast %add3A_561 : i32 to index
        %get3A_577 = arith.constant 32 : index
        %get3A_578 = tpu.vector_load %arg14[%get3A_576, %get3A_577] {strides = array<i32>} : memref<128x64xf32, #tpu.memory_space<vmem>>, vector<16xf32>,
        %mul3A_579 = arith.mulf %get3A_578, %gather3A_211 : vector<16xf32>
        %swap3A_580 = arith.index_cast %add3A_561 : i32 to index
        %swap3A_581 = arith.constant 32 : index
        %swap3A_582 = tpu.vector_load %arg14[%swap3A_580, %swap3A_581] {strides = array<i32>} : memref<128x64xf32, #tpu.memory_space<vmem>>, vector<16xf32>,
        tpu.vector_store %arg14[%swap3A_580, %swap3A_581], %mul3A_579 {strides = array<i32>} : memref<128x64xf32, #tpu.memory_space<vmem>>, vector<16xf32>,
        %get3A_583 = arith.index_cast %add3A_561 : i32 to index
        %get3A_584 = arith.constant 48 : index
        %get3A_585 = tpu.vector_load %arg14[%get3A_583, %get3A_584] {strides = array<i32>} : memref<128x64xf32, #tpu.memory_space<vmem>>, vector<16xf32>,
        %mul3A_586 = arith.mulf %get3A_585, %gather3A_211 : vector<16xf32>
        %swap3A_587 = arith.index_cast %add3A_561 : i32 to index
        %swap3A_588 = arith.constant 48 : index
        %swap3A_589 = tpu.vector_load %arg14[%swap3A_587, %swap3A_588] {strides = array<i32>} : memref<128x64xf32, #tpu.memory_space<vmem>>, vector<16xf32>,
        tpu.vector_store %arg14[%swap3A_587, %swap3A_588], %mul3A_586 {strides = array<i32>} : memref<128x64xf32, #tpu.memory_space<vmem>>, vector<16xf32>,
        %add3A_590 = arith.constant 12 : i32
        %add3A_591 = arith.addi %mul3A_152, %add3A_590 : i32
        %get3A_592 = arith.index_cast %add3A_591 : i32 to index
        %get3A_593 = arith.constant 0 : index
        %get3A_594 = tpu.vector_load %arg14[%get3A_592, %get3A_593] {strides = array<i32>} : memref<128x64xf32, #tpu.memory_space<vmem>>, vector<16xf32>,
        %mul3A_595 = arith.mulf %get3A_594, %gather3A_216 : vector<16xf32>
        %swap3A_596 = arith.index_cast %add3A_591 : i32 to index
        %swap3A_597 = arith.constant 0 : index
        %swap3A_598 = tpu.vector_load %arg14[%swap3A_596, %swap3A_597] {strides = array<i32>} : memref<128x64xf32, #tpu.memory_space<vmem>>, vector<16xf32>,
        tpu.vector_store %arg14[%swap3A_596, %swap3A_597], %mul3A_595 {strides = array<i32>} : memref<128x64xf32, #tpu.memory_space<vmem>>, vector<16xf32>,
        %get3A_599 = arith.index_cast %add3A_591 : i32 to index
        %get3A_600 = arith.constant 16 : index
        %get3A_601 = tpu.vector_load %arg14[%get3A_599, %get3A_600] {strides = array<i32>} : memref<128x64xf32, #tpu.memory_space<vmem>>, vector<16xf32>,
        %mul3A_602 = arith.mulf %get3A_601, %gather3A_216 : vector<16xf32>
        %swap3A_603 = arith.index_cast %add3A_591 : i32 to index
        %swap3A_604 = arith.constant 16 : index
        %swap3A_605 = tpu.vector_load %arg14[%swap3A_603, %swap3A_604] {strides = array<i32>} : memref<128x64xf32, #tpu.memory_space<vmem>>, vector<16xf32>,
        tpu.vector_store %arg14[%swap3A_603, %swap3A_604], %mul3A_602 {strides = array<i32>} : memref<128x64xf32, #tpu.memory_space<vmem>>, vector<16xf32>,
        %get3A_606 = arith.index_cast %add3A_591 : i32 to index
        %get3A_607 = arith.constant 32 : index
        %get3A_608 = tpu.vector_load %arg14[%get3A_606, %get3A_607] {strides = array<i32>} : memref<128x64xf32, #tpu.memory_space<vmem>>, vector<16xf32>,
        %mul3A_609 = arith.mulf %get3A_608, %gather3A_216 : vector<16xf32>
        %swap3A_610 = arith.index_cast %add3A_591 : i32 to index
        %swap3A_611 = arith.constant 32 : index
        %swap3A_612 = tpu.vector_load %arg14[%swap3A_610, %swap3A_611] {strides = array<i32>} : memref<128x64xf32, #tpu.memory_space<vmem>>, vector<16xf32>,
        tpu.vector_store %arg14[%swap3A_610, %swap3A_611], %mul3A_609 {strides = array<i32>} : memref<128x64xf32, #tpu.memory_space<vmem>>, vector<16xf32>,
        %get3A_613 = arith.index_cast %add3A_591 : i32 to index
        %get3A_614 = arith.constant 48 : index
        %get3A_615 = tpu.vector_load %arg14[%get3A_613, %get3A_614] {strides = array<i32>} : memref<128x64xf32, #tpu.memory_space<vmem>>, vector<16xf32>,
        %mul3A_616 = arith.mulf %get3A_615, %gather3A_216 : vector<16xf32>
        %swap3A_617 = arith.index_cast %add3A_591 : i32 to index
        %swap3A_618 = arith.constant 48 : index
        %swap3A_619 = tpu.vector_load %arg14[%swap3A_617, %swap3A_618] {strides = array<i32>} : memref<128x64xf32, #tpu.memory_space<vmem>>, vector<16xf32>,
        tpu.vector_store %arg14[%swap3A_617, %swap3A_618], %mul3A_616 {strides = array<i32>} : memref<128x64xf32, #tpu.memory_space<vmem>>, vector<16xf32>,
        %add3A_620 = arith.constant 13 : i32
        %add3A_621 = arith.addi %mul3A_152, %add3A_620 : i32
        %get3A_622 = arith.index_cast %add3A_621 : i32 to index
        %get3A_623 = arith.constant 0 : index
        %get3A_624 = tpu.vector_load %arg14[%get3A_622, %get3A_623] {strides = array<i32>} : memref<128x64xf32, #tpu.memory_space<vmem>>, vector<16xf32>,
        %mul3A_625 = arith.mulf %get3A_624, %gather3A_221 : vector<16xf32>
        %swap3A_626 = arith.index_cast %add3A_621 : i32 to index
        %swap3A_627 = arith.constant 0 : index
        %swap3A_628 = tpu.vector_load %arg14[%swap3A_626, %swap3A_627] {strides = array<i32>} : memref<128x64xf32, #tpu.memory_space<vmem>>, vector<16xf32>,
        tpu.vector_store %arg14[%swap3A_626, %swap3A_627], %mul3A_625 {strides = array<i32>} : memref<128x64xf32, #tpu.memory_space<vmem>>, vector<16xf32>,
        %get3A_629 = arith.index_cast %add3A_621 : i32 to index
        %get3A_630 = arith.constant 16 : index
        %get3A_631 = tpu.vector_load %arg14[%get3A_629, %get3A_630] {strides = array<i32>} : memref<128x64xf32, #tpu.memory_space<vmem>>, vector<16xf32>,
        %mul3A_632 = arith.mulf %get3A_631, %gather3A_221 : vector<16xf32>
        %swap3A_633 = arith.index_cast %add3A_621 : i32 to index
        %swap3A_634 = arith.constant 16 : index
        %swap3A_635 = tpu.vector_load %arg14[%swap3A_633, %swap3A_634] {strides = array<i32>} : memref<128x64xf32, #tpu.memory_space<vmem>>, vector<16xf32>,
        tpu.vector_store %arg14[%swap3A_633, %swap3A_634], %mul3A_632 {strides = array<i32>} : memref<128x64xf32, #tpu.memory_space<vmem>>, vector<16xf32>,
        %get3A_636 = arith.index_cast %add3A_621 : i32 to index
        %get3A_637 = arith.constant 32 : index
        %get3A_638 = tpu.vector_load %arg14[%get3A_636, %get3A_637] {strides = array<i32>} : memref<128x64xf32, #tpu.memory_space<vmem>>, vector<16xf32>,
        %mul3A_639 = arith.mulf %get3A_638, %gather3A_221 : vector<16xf32>
        %swap3A_640 = arith.index_cast %add3A_621 : i32 to index
        %swap3A_641 = arith.constant 32 : index
        %swap3A_642 = tpu.vector_load %arg14[%swap3A_640, %swap3A_641] {strides = array<i32>} : memref<128x64xf32, #tpu.memory_space<vmem>>, vector<16xf32>,
        tpu.vector_store %arg14[%swap3A_640, %swap3A_641], %mul3A_639 {strides = array<i32>} : memref<128x64xf32, #tpu.memory_space<vmem>>, vector<16xf32>,
        %get3A_643 = arith.index_cast %add3A_621 : i32 to index
        %get3A_644 = arith.constant 48 : index
        %get3A_645 = tpu.vector_load %arg14[%get3A_643, %get3A_644] {strides = array<i32>} : memref<128x64xf32, #tpu.memory_space<vmem>>, vector<16xf32>,
        %mul3A_646 = arith.mulf %get3A_645, %gather3A_221 : vector<16xf32>
        %swap3A_647 = arith.index_cast %add3A_621 : i32 to index
        %swap3A_648 = arith.constant 48 : index
        %swap3A_649 = tpu.vector_load %arg14[%swap3A_647, %swap3A_648] {strides = array<i32>} : memref<128x64xf32, #tpu.memory_space<vmem>>, vector<16xf32>,
        tpu.vector_store %arg14[%swap3A_647, %swap3A_648], %mul3A_646 {strides = array<i32>} : memref<128x64xf32, #tpu.memory_space<vmem>>, vector<16xf32>,
        %add3A_650 = arith.constant 14 : i32
        %add3A_651 = arith.addi %mul3A_152, %add3A_650 : i32
        %get3A_652 = arith.index_cast %add3A_651 : i32 to index
        %get3A_653 = arith.constant 0 : index
        %get3A_654 = tpu.vector_load %arg14[%get3A_652, %get3A_653] {strides = array<i32>} : memref<128x64xf32, #tpu.memory_space<vmem>>, vector<16xf32>,
        %mul3A_655 = arith.mulf %get3A_654, %gather3A_226 : vector<16xf32>
        %swap3A_656 = arith.index_cast %add3A_651 : i32 to index
        %swap3A_657 = arith.constant 0 : index
        %swap3A_658 = tpu.vector_load %arg14[%swap3A_656, %swap3A_657] {strides = array<i32>} : memref<128x64xf32, #tpu.memory_space<vmem>>, vector<16xf32>,
        tpu.vector_store %arg14[%swap3A_656, %swap3A_657], %mul3A_655 {strides = array<i32>} : memref<128x64xf32, #tpu.memory_space<vmem>>, vector<16xf32>,
        %get3A_659 = arith.index_cast %add3A_651 : i32 to index
        %get3A_660 = arith.constant 16 : index
        %get3A_661 = tpu.vector_load %arg14[%get3A_659, %get3A_660] {strides = array<i32>} : memref<128x64xf32, #tpu.memory_space<vmem>>, vector<16xf32>,
        %mul3A_662 = arith.mulf %get3A_661, %gather3A_226 : vector<16xf32>
        %swap3A_663 = arith.index_cast %add3A_651 : i32 to index
        %swap3A_664 = arith.constant 16 : index
        %swap3A_665 = tpu.vector_load %arg14[%swap3A_663, %swap3A_664] {strides = array<i32>} : memref<128x64xf32, #tpu.memory_space<vmem>>, vector<16xf32>,
        tpu.vector_store %arg14[%swap3A_663, %swap3A_664], %mul3A_662 {strides = array<i32>} : memref<128x64xf32, #tpu.memory_space<vmem>>, vector<16xf32>,
        %get3A_666 = arith.index_cast %add3A_651 : i32 to index
        %get3A_667 = arith.constant 32 : index
        %get3A_668 = tpu.vector_load %arg14[%get3A_666, %get3A_667] {strides = array<i32>} : memref<128x64xf32, #tpu.memory_space<vmem>>, vector<16xf32>,
        %mul3A_669 = arith.mulf %get3A_668, %gather3A_226 : vector<16xf32>
        %swap3A_670 = arith.index_cast %add3A_651 : i32 to index
        %swap3A_671 = arith.constant 32 : index
        %swap3A_672 = tpu.vector_load %arg14[%swap3A_670, %swap3A_671] {strides = array<i32>} : memref<128x64xf32, #tpu.memory_space<vmem>>, vector<16xf32>,
        tpu.vector_store %arg14[%swap3A_670, %swap3A_671], %mul3A_669 {strides = array<i32>} : memref<128x64xf32, #tpu.memory_space<vmem>>, vector<16xf32>,
        %get3A_673 = arith.index_cast %add3A_651 : i32 to index
        %get3A_674 = arith.constant 48 : index
        %get3A_675 = tpu.vector_load %arg14[%get3A_673, %get3A_674] {strides = array<i32>} : memref<128x64xf32, #tpu.memory_space<vmem>>, vector<16xf32>,
        %mul3A_676 = arith.mulf %get3A_675, %gather3A_226 : vector<16xf32>
        %swap3A_677 = arith.index_cast %add3A_651 : i32 to index
        %swap3A_678 = arith.constant 48 : index
        %swap3A_679 = tpu.vector_load %arg14[%swap3A_677, %swap3A_678] {strides = array<i32>} : memref<128x64xf32, #tpu.memory_space<vmem>>, vector<16xf32>,
        tpu.vector_store %arg14[%swap3A_677, %swap3A_678], %mul3A_676 {strides = array<i32>} : memref<128x64xf32, #tpu.memory_space<vmem>>, vector<16xf32>,
        %add3A_680 = arith.constant 15 : i32
        %add3A_681 = arith.addi %mul3A_152, %add3A_680 : i32
        %get3A_682 = arith.index_cast %add3A_681 : i32 to index
        %get3A_683 = arith.constant 0 : index
        %get3A_684 = tpu.vector_load %arg14[%get3A_682, %get3A_683] {strides = array<i32>} : memref<128x64xf32, #tpu.memory_space<vmem>>, vector<16xf32>,
        %mul3A_685 = arith.mulf %get3A_684, %gather3A_231 : vector<16xf32>
        %swap3A_686 = arith.index_cast %add3A_681 : i32 to index
        %swap3A_687 = arith.constant 0 : index
        %swap3A_688 = tpu.vector_load %arg14[%swap3A_686, %swap3A_687] {strides = array<i32>} : memref<128x64xf32, #tpu.memory_space<vmem>>, vector<16xf32>,
        tpu.vector_store %arg14[%swap3A_686, %swap3A_687], %mul3A_685 {strides = array<i32>} : memref<128x64xf32, #tpu.memory_space<vmem>>, vector<16xf32>,
        %get3A_689 = arith.index_cast %add3A_681 : i32 to index
        %get3A_690 = arith.constant 16 : index
        %get3A_691 = tpu.vector_load %arg14[%get3A_689, %get3A_690] {strides = array<i32>} : memref<128x64xf32, #tpu.memory_space<vmem>>, vector<16xf32>,
        %mul3A_692 = arith.mulf %get3A_691, %gather3A_231 : vector<16xf32>
        %swap3A_693 = arith.index_cast %add3A_681 : i32 to index
        %swap3A_694 = arith.constant 16 : index
        %swap3A_695 = tpu.vector_load %arg14[%swap3A_693, %swap3A_694] {strides = array<i32>} : memref<128x64xf32, #tpu.memory_space<vmem>>, vector<16xf32>,
        tpu.vector_store %arg14[%swap3A_693, %swap3A_694], %mul3A_692 {strides = array<i32>} : memref<128x64xf32, #tpu.memory_space<vmem>>, vector<16xf32>,
        %get3A_696 = arith.index_cast %add3A_681 : i32 to index
        %get3A_697 = arith.constant 32 : index
        %get3A_698 = tpu.vector_load %arg14[%get3A_696, %get3A_697] {strides = array<i32>} : memref<128x64xf32, #tpu.memory_space<vmem>>, vector<16xf32>,
        %mul3A_699 = arith.mulf %get3A_698, %gather3A_231 : vector<16xf32>
        %swap3A_700 = arith.index_cast %add3A_681 : i32 to index
        %swap3A_701 = arith.constant 32 : index
        %swap3A_702 = tpu.vector_load %arg14[%swap3A_700, %swap3A_701] {strides = array<i32>} : memref<128x64xf32, #tpu.memory_space<vmem>>, vector<16xf32>,
        tpu.vector_store %arg14[%swap3A_700, %swap3A_701], %mul3A_699 {strides = array<i32>} : memref<128x64xf32, #tpu.memory_space<vmem>>, vector<16xf32>,
        %get3A_703 = arith.index_cast %add3A_681 : i32 to index
        %get3A_704 = arith.constant 48 : index
        %get3A_705 = tpu.vector_load %arg14[%get3A_703, %get3A_704] {strides = array<i32>} : memref<128x64xf32, #tpu.memory_space<vmem>>, vector<16xf32>,
        %mul3A_706 = arith.mulf %get3A_705, %gather3A_231 : vector<16xf32>
        %swap3A_707 = arith.index_cast %add3A_681 : i32 to index
        %swap3A_708 = arith.constant 48 : index
        %swap3A_709 = tpu.vector_load %arg14[%swap3A_707, %swap3A_708] {strides = array<i32>} : memref<128x64xf32, #tpu.memory_space<vmem>>, vector<16xf32>,
        tpu.vector_store %arg14[%swap3A_707, %swap3A_708], %mul3A_706 {strides = array<i32>} : memref<128x64xf32, #tpu.memory_space<vmem>>, vector<16xf32>,
      }
      %scan3A_138 = arith.constant 8 : i32
      "tpu.region"() ({
        %run_scoped3A = tpu.sem_alloc : memref<!tpu.dma_semaphore, #tpu.memory_space<semaphore_mem>>
        %dma_start3A_146 = arith.constant 0 : i32
        %dma_start3A_147 = tpu.memref_slice %arg11[%add3A_124, %dma_start3A_146] : memref<158x128xi32, #tpu.memory_space<vmem>> -> memref<1x128xi32, #tpu.memory_space<vmem>>
        %dma_start3A_148 = tpu.memref_squeeze %dma_start3A_147 : memref<1x128xi32, #tpu.memory_space<vmem>> -> memref<128xi32, #tpu.memory_space<vmem>>
        %dma_start3A_149 = arith.constant 0 : i32
        %dma_start3A_150 = arith.constant 0 : i32
        %dma_start3A_151 = tpu.memref_slice %arg15[%dma_start3A_149, %dma_start3A_150] : memref<10240x64xf32, #tpu.memory_space<vmem_shared>> -> memref<10240x64xf32, #tpu.memory_space<vmem_shared>>
        tpu.enqueue_indirect_dma source(%arg14 : memref<128x64xf32, #tpu.memory_space<vmem>>) target(%dma_start3A_151 : memref<10240x64xf32, #tpu.memory_space<vmem_shared>>) offsets(%dma_start3A_148 : memref<128xi32, #tpu.memory_space<vmem>>) semaphore(%run_scoped3A : memref<!tpu.dma_semaphore, #tpu.memory_space<semaphore_mem>>) {add = true}
        %dma_wait3A_152 = arith.constant 0 : i32
        %dma_wait3A_153 = tpu.memref_slice %arg11[%add3A_124, %dma_wait3A_152] : memref<158x128xi32, #tpu.memory_space<vmem>> -> memref<1x128xi32, #tpu.memory_space<vmem>>
        %dma_wait3A_154 = tpu.memref_squeeze %dma_wait3A_153 : memref<1x128xi32, #tpu.memory_space<vmem>> -> memref<128xi32, #tpu.memory_space<vmem>>
        %dma_wait3A_155 = arith.constant 0 : i32
        %dma_wait3A_156 = arith.constant 0 : i32
        %dma_wait3A_157 = tpu.memref_slice %arg15[%dma_wait3A_155, %dma_wait3A_156] : memref<10240x64xf32, #tpu.memory_space<vmem_shared>> -> memref<10240x64xf32, #tpu.memory_space<vmem_shared>>
        tpu.wait_indirect_dma semaphore(%run_scoped3A : memref<!tpu.dma_semaphore, #tpu.memory_space<semaphore_mem>>) src(%arg14 : memref<128x64xf32, #tpu.memory_space<vmem>>) dst(%dma_wait3A_157 : memref<10240x64xf32, #tpu.memory_space<vmem_shared>>)
        tpu.yield
      }) : () -> ()
      %add3A_139 = arith.constant 2 : i32
      %add3A_140 = arith.addi %add3A_124, %add3A_139 : i32
      %lt3A_141 = arith.constant 158 : i32
      %lt3A_142 = arith.cmpi slt, %add3A_140, %lt3A_141 : i32
      %convert_element_type3A_143 = arith.extui %lt3A_142 : i1 to i32
      %cond3A_144 = arith.constant 0 : i32
      %cond3A_145 = arith.cmpi ne, %convert_element_type3A_143, %cond3A_144 : i32
      scf.if %cond3A_145 {
        %add3A_146 = arith.constant 2 : i32
        %add3A_147 = arith.addi %add3A_124, %add3A_146 : i32
        %dma_start3A_148 = arith.constant 0 : i32
        %dma_start3A_149 = tpu.memref_slice %arg10[%add3A_147, %dma_start3A_148] : memref<158x128xi32, #tpu.memory_space<vmem>> -> memref<1x128xi32, #tpu.memory_space<vmem>>
        %dma_start3A_150 = tpu.memref_squeeze %dma_start3A_149 : memref<1x128xi32, #tpu.memory_space<vmem>> -> memref<128xi32, #tpu.memory_space<vmem>>
        %dma_start3A_151 = arith.constant 0 : i32
        %dma_start3A_152 = arith.constant 0 : i32
        %dma_start3A_153 = tpu.memref_slice %arg8[%dma_start3A_151, %dma_start3A_152] : memref<20480x64xf32, #tpu.memory_space<hbm>> -> memref<20480x64xf32, #tpu.memory_space<hbm>>
        tpu.enqueue_indirect_dma source(%dma_start3A_153 : memref<20480x64xf32, #tpu.memory_space<hbm>>) target(%arg14 : memref<128x64xf32, #tpu.memory_space<vmem>>) offsets(%dma_start3A_150 : memref<128xi32, #tpu.memory_space<vmem>>) semaphore(%arg17 : memref<!tpu.dma_semaphore, #tpu.memory_space<semaphore_mem>>)
      } else {
      }
    }
    %scan3A_85 = arith.constant 79 : i32
    %barrier3A_86 = arith.constant 0 : index
    tpu.barrier barrier_id(%barrier3A_86)
    %mul3A_87 = arith.constant 640 : i32
    %mul3A_88 = arith.muli %arg1, %mul3A_87 : i32
    %mul3A_89 = arith.constant 10240 : i32
    %mul3A_90 = arith.muli %arg0, %mul3A_89 : i32
    %mul3A_91 = arith.constant 640 : i32
    %mul3A_92 = arith.muli %arg1, %mul3A_91 : i32
    %add3A_93 = arith.addi %mul3A_90, %mul3A_92 : i32
    "tpu.region"() ({
      %run_scoped3A = tpu.sem_alloc : memref<!tpu.dma_semaphore, #tpu.memory_space<semaphore_mem>>
      %dma_start3A_95 = arith.constant 0 : i32
      %dma_start3A_96 = tpu.memref_slice %arg9[%add3A_93, %dma_start3A_95] : memref<20480x64xf32, #tpu.memory_space<hbm>> -> memref<640x64xf32, #tpu.memory_space<hbm>>
      %dma_start3A_97 = arith.constant 0 : i32
      %dma_start3A_98 = tpu.memref_slice %arg15[%mul3A_88, %dma_start3A_97] : memref<10240x64xf32, #tpu.memory_space<vmem_shared>> -> memref<640x64xf32, #tpu.memory_space<vmem_shared>>
      tpu.enqueue_dma source(%dma_start3A_98 : memref<640x64xf32, #tpu.memory_space<vmem_shared>>) target(%dma_start3A_96 : memref<640x64xf32, #tpu.memory_space<hbm>>) target_semaphore(%run_scoped3A : memref<!tpu.dma_semaphore, #tpu.memory_space<semaphore_mem>>)
      %dma_wait3A = arith.constant 0 : i32
      %dma_wait3A_99 = tpu.memref_slice %arg9[%add3A_93, %dma_wait3A] : memref<20480x64xf32, #tpu.memory_space<hbm>> -> memref<640x64xf32, #tpu.memory_space<hbm>>
      %dma_wait3A_100 = arith.constant 0 : i32
      %dma_wait3A_101 = tpu.memref_slice %arg15[%mul3A_88, %dma_wait3A_100] : memref<10240x64xf32, #tpu.memory_space<vmem_shared>> -> memref<640x64xf32, #tpu.memory_space<vmem_shared>>
      tpu.wait_dma2 semaphore(%run_scoped3A : memref<!tpu.dma_semaphore, #tpu.memory_space<semaphore_mem>>) src(%dma_wait3A_101 : memref<640x64xf32, #tpu.memory_space<vmem_shared>>) dst(%dma_wait3A_99 : memref<640x64xf32, #tpu.memory_space<hbm>>)
      tpu.yield
    }) : () -> ()
    %barrier3A_94 = arith.constant 0 : index
    tpu.barrier barrier_id(%barrier3A_94)
    return
  }
}

module attributes {stable_mosaic.version = 14 : i64} {
  func.func @body(%arg0: i32, %arg1: memref<1000x128xf32, #tpu.memory_space<vmem>>, %arg2: memref<2x1000x64xf32, #tpu.memory_space<vmem>>, %arg3: memref<2x1000x64xf32, #tpu.memory_space<vmem>>, %arg4: memref<2x1000x64xf32, #tpu.memory_space<vmem>>, %arg5: memref<1000x128xf32, #tpu.memory_space<vmem>>, %arg6: memref<1000x128xf32, #tpu.memory_space<vmem>>, %arg7: memref<1000x128xf32, #tpu.memory_space<vmem>>, %arg8: memref<1000x128xf32, #tpu.memory_space<vmem>>) attributes {dimension_semantics = [#tpu.dimension_semantics<arbitrary>], iteration_bounds = array<i64: 10>, scalar_prefetch = 0 : i64, scratch_operands = 0 : i64, tpu.core_type = #tpu.core_type<tc>, window_params = [{transform_indices = @transform_0, window_bounds = array<i64: 1000, 128>}, {transform_indices = @transform_1, window_bounds = array<i64: 2, 1000, 64>}, {transform_indices = @transform_2, window_bounds = array<i64: 2, 1000, 64>}, {transform_indices = @transform_3, window_bounds = array<i64: 2, 1000, 64>}, {transform_indices = @transform_4, window_bounds = array<i64: 1000, 128>}, {transform_indices = @transform_5, window_bounds = array<i64: 1000, 128>}, {transform_indices = @transform_6, window_bounds = array<i64: 1000, 128>}, {transform_indices = @transform_7, window_bounds = array<i64: 1000, 128>}]} {
    %get3A = arith.constant 0 : index
    %get3A_0 = arith.constant 0 : index
    %get3A_1 = arith.constant 0 : index
    %get3A_2 = vector.load %arg2[%get3A, %get3A_0, %get3A_1] : memref<2x1000x64xf32, #tpu.memory_space<vmem>>, vector<1x1000x64xf32>
    %get3A_3 = vector.shape_cast %get3A_2 : vector<1x1000x64xf32> to vector<1000x64xf32>
    %get3A_4 = arith.constant 1 : index
    %get3A_5 = arith.constant 0 : index
    %get3A_6 = arith.constant 0 : index
    %get3A_7 = vector.load %arg2[%get3A_4, %get3A_5, %get3A_6] : memref<2x1000x64xf32, #tpu.memory_space<vmem>>, vector<1x1000x64xf32>
    %get3A_8 = vector.shape_cast %get3A_7 : vector<1x1000x64xf32> to vector<1000x64xf32>
    %concatenate3A = tpu.concatenate %get3A_3, %get3A_8 in 1 : vector<1000x64xf32>, vector<1000x64xf32> -> vector<1000x128xf32>
    %get3A_9 = arith.constant 0 : index
    %get3A_10 = arith.constant 0 : index
    %get3A_11 = arith.constant 0 : index
    %get3A_12 = vector.load %arg3[%get3A_9, %get3A_10, %get3A_11] : memref<2x1000x64xf32, #tpu.memory_space<vmem>>, vector<1x1000x64xf32>
    %get3A_13 = vector.shape_cast %get3A_12 : vector<1x1000x64xf32> to vector<1000x64xf32>
    %get3A_14 = arith.constant 1 : index
    %get3A_15 = arith.constant 0 : index
    %get3A_16 = arith.constant 0 : index
    %get3A_17 = vector.load %arg3[%get3A_14, %get3A_15, %get3A_16] : memref<2x1000x64xf32, #tpu.memory_space<vmem>>, vector<1x1000x64xf32>
    %get3A_18 = vector.shape_cast %get3A_17 : vector<1x1000x64xf32> to vector<1000x64xf32>
    %concatenate3A_19 = tpu.concatenate %get3A_13, %get3A_18 in 1 : vector<1000x64xf32>, vector<1000x64xf32> -> vector<1000x128xf32>
    %get3A_20 = arith.constant 0 : index
    %get3A_21 = arith.constant 0 : index
    %get3A_22 = arith.constant 0 : index
    %get3A_23 = vector.load %arg4[%get3A_20, %get3A_21, %get3A_22] : memref<2x1000x64xf32, #tpu.memory_space<vmem>>, vector<1x1000x64xf32>
    %get3A_24 = vector.shape_cast %get3A_23 : vector<1x1000x64xf32> to vector<1000x64xf32>
    %get3A_25 = arith.constant 1 : index
    %get3A_26 = arith.constant 0 : index
    %get3A_27 = arith.constant 0 : index
    %get3A_28 = vector.load %arg4[%get3A_25, %get3A_26, %get3A_27] : memref<2x1000x64xf32, #tpu.memory_space<vmem>>, vector<1x1000x64xf32>
    %get3A_29 = vector.shape_cast %get3A_28 : vector<1x1000x64xf32> to vector<1000x64xf32>
    %concatenate3A_30 = tpu.concatenate %get3A_24, %get3A_29 in 1 : vector<1000x64xf32>, vector<1000x64xf32> -> vector<1000x128xf32>
    %swap3A = arith.constant 0 : index
    %swap3A_31 = arith.constant 0 : index
    %swap3A_32 = vector.load %arg5[%swap3A, %swap3A_31] : memref<1000x128xf32, #tpu.memory_space<vmem>>, vector<1000x128xf32>
    tpu.vector_store %arg5[%swap3A, %swap3A_31], %concatenate3A {strides = array<i32>} : memref<1000x128xf32, #tpu.memory_space<vmem>>, vector<1000x128xf32>,
    %swap3A_33 = arith.constant 0 : index
    %swap3A_34 = arith.constant 0 : index
    %swap3A_35 = vector.load %arg6[%swap3A_33, %swap3A_34] : memref<1000x128xf32, #tpu.memory_space<vmem>>, vector<1000x128xf32>
    tpu.vector_store %arg6[%swap3A_33, %swap3A_34], %concatenate3A_19 {strides = array<i32>} : memref<1000x128xf32, #tpu.memory_space<vmem>>, vector<1000x128xf32>,
    %swap3A_36 = arith.constant 0 : index
    %swap3A_37 = arith.constant 0 : index
    %swap3A_38 = vector.load %arg7[%swap3A_36, %swap3A_37] : memref<1000x128xf32, #tpu.memory_space<vmem>>, vector<1000x128xf32>
    tpu.vector_store %arg7[%swap3A_36, %swap3A_37], %concatenate3A_30 {strides = array<i32>} : memref<1000x128xf32, #tpu.memory_space<vmem>>, vector<1000x128xf32>,
    %get3A_39 = arith.constant 0 : index
    %get3A_40 = arith.constant 0 : index
    %get3A_41 = vector.load %arg1[%get3A_39, %get3A_40] : memref<1000x128xf32, #tpu.memory_space<vmem>>, vector<1000x128xf32>
    %add3A = arith.addf %get3A_41, %concatenate3A : vector<1000x128xf32>
    %add3A_42 = arith.addf %add3A, %concatenate3A_19 : vector<1000x128xf32>
    %add3A_43 = arith.addf %add3A_42, %concatenate3A_30 : vector<1000x128xf32>
    %swap3A_44 = arith.constant 0 : index
    %swap3A_45 = arith.constant 0 : index
    %swap3A_46 = vector.load %arg8[%swap3A_44, %swap3A_45] : memref<1000x128xf32, #tpu.memory_space<vmem>>, vector<1000x128xf32>
    tpu.vector_store %arg8[%swap3A_44, %swap3A_45], %add3A_43 {strides = array<i32>} : memref<1000x128xf32, #tpu.memory_space<vmem>>, vector<1000x128xf32>,
    return
  }
  func.func @transform_0(%arg0: i32) -> (i32, i32) {
    %c0_i32 = arith.constant 0 : i32
    %c0_i32_0 = arith.constant 0 : i32
    return %arg0, %c0_i32 : i32, i32
  }
  func.func @transform_1(%arg0: i32) -> (i32, i32, i32) {
    %c0_i32 = arith.constant 0 : i32
    %c0_i32_0 = arith.constant 0 : i32
    %c0_i32_1 = arith.constant 0 : i32
    return %c0_i32, %arg0, %c0_i32_0 : i32, i32, i32
  }
  func.func @transform_2(%arg0: i32) -> (i32, i32, i32) {
    %c0_i32 = arith.constant 0 : i32
    %c0_i32_0 = arith.constant 0 : i32
    %c0_i32_1 = arith.constant 0 : i32
    return %c0_i32, %arg0, %c0_i32_0 : i32, i32, i32
  }
  func.func @transform_3(%arg0: i32) -> (i32, i32, i32) {
    %c0_i32 = arith.constant 0 : i32
    %c0_i32_0 = arith.constant 0 : i32
    %c0_i32_1 = arith.constant 0 : i32
    return %c0_i32, %arg0, %c0_i32_0 : i32, i32, i32
  }
  func.func @transform_4(%arg0: i32) -> (i32, i32) {
    %c0_i32 = arith.constant 0 : i32
    %c0_i32_0 = arith.constant 0 : i32
    return %arg0, %c0_i32 : i32, i32
  }
  func.func @transform_5(%arg0: i32) -> (i32, i32) {
    %c0_i32 = arith.constant 0 : i32
    %c0_i32_0 = arith.constant 0 : i32
    return %arg0, %c0_i32 : i32, i32
  }
  func.func @transform_6(%arg0: i32) -> (i32, i32) {
    %c0_i32 = arith.constant 0 : i32
    %c0_i32_0 = arith.constant 0 : i32
    return %arg0, %c0_i32 : i32, i32
  }
  func.func @transform_7(%arg0: i32) -> (i32, i32) {
    %c0_i32 = arith.constant 0 : i32
    %c0_i32_0 = arith.constant 0 : i32
    return %arg0, %c0_i32 : i32, i32
  }
}

</mosaic_0001>

<sc_bundles>
// kernel: kernel.4.cloned.1.call-start
scs
__scs_entry_jumppad:
0x0: {  	(pc) =	sbr.rel $0x88, $3  }
0x1: {  	(tag) =	ssettag $0x0;
	lr =	simm.s32 $0x1  }
0x2: {  	[smem:$0x3F9E] =	sst lr;
	_ =	strace $0xD0000000  }
0x3: {  	_ = 	snop  }
0x4: {  	_ = 	snop  }
0x5: {  	_ = 	snop  }
0x6: {  	_ = 	snop  }
0x7: {  	_ = 	snop  }
__scs_overlays_trampoline_lowered:
0x8: {  	[smem:$0x3FAD] =	sst s0  }
0x9: {  	[smem:$0x3FAE] =	sst s1  }
0xa: {  	[smem:$0x3FAF] =	sst s2  }
0xb: {  	[smem:$0x3FB0] =	sst s3  }
0xc: {  	[smem:$0x3FB1] =	sst s4  }
0xd: {  	[smem:$0x3FB2] =	sst s5  }
0xe: {  	[smem:$0x3FB3] =	sst s6  }
0xf: {  	[smem:$0x3FB4] =	sst s7  }
0x10: {  	[smem:$0x3FB5] =	sst s8  }
0x11: {  	[smem:$0x3FB6] =	sst s9;
	s0 =	simm.s32 @!p0 $0x0  }
0x12: {  	s1 =	sld [smem:$0x3F9C];
	s0 =	simm.s32 @p0 $0x1  }
0x13: {  	[smem:$0x3FB7] =	sst s0;
	s0 =	simm.s32 @!p1 $0x0  }
0x14: {  	s2 =	sld [smem:$0x3F9B];
	s0 =	simm.s32 @p1 $0x1  }
0x15: {  	[smem:$0x3FB8] =	sst s0;
	s0 =	simm.s32 @!p2 $0x0  }
0x16: {  	s3 =	sld [smem:$0x3FDB];
	s0 =	simm.s32 @p2 $0x1  }
0x17: {  	s4 =	simm.s32 $0x1BF5;
	[smem:$0x3FBA] =	sst s0  }
0x18: {  	s0 =	sld [smem:$0x3F9D];
	_ =	swait.ge [sflag:s4], $0x0  }
0x19: {  	s7 =	sld [smem:$0x3F9E]  }
0x1a: {  	s8 =	sadd.s32 $0xFFFFE003, lr  }
0x1b: {  	s9 =	sadd.s32 $0xFFFFFEF7, lr;
	s5 =	simm.s32 $0xFFFFFFFF;
	p2 =	slt.u32 s8, $0xFFFFF086  }
0x1c: {  	p1 =	slt.u32 s9, $0xF7A;
	s5 =	simm.s32 @!p2 $0x0  }
0x1d: {  	s5 =	simm.s32 @p1 $0x1;
	p0 =	seq.s32 s7, s2  }
0x1e: {  	s7 =	smul.u32 @!p0 $0xF7A, s2;
	p2 =	seq.s32 @!p0 s5, $0x0  }
0x1f: {  	s9 =	smul.u32 $0xF7A, s1;
	s8 =	simm.s32 @!p0 $0x1BF5;
	p2 =	por !p2, p0  }
0x20: {  	[sflag:s8] =	ssyncset.s32 @!p0 $0xFFFFF086;
	s6 =	sadd.s32 @!p0 s3, s7;
	s7 =	simm.s32 @!p0 $0x108  }
0x21: {  	s3 =	sadd.s32 s3, s9;
	s6 =	sadd.s32 @!p0 $0x88, s6;
	s7 =	simm.s32 @p2 $0x1082  }
0x22: {  	[simem:s7], [sflag:s8] =	dma.local @!p0 [hbm:s6], $0xF7A  }
0x23: {  	s9 =	sor.u32 $0xD0000000, s2;
	s6 =	simm.s32 $0x108;
	_ =	swait.ge @!p0 [sflag:s8], $0x0  }
0x24: {  	s3 =	sadd.s32 $0x88, s3;
	s6 =	simm.s32 @!p1 $0x1082;
	[sflag:s4] =	ssyncset.s32 $0xFFFFF086  }
0x25: {  	[simem:s6], [sflag:s4] =	dma.local [hbm:s3], $0xF7A  }
0x26: {  	[smem:$0x3F9E] =	sst s1;
	(tag) =	ssettag s2;
	_ =	strace s9  }
0x27: {  	s1 =	sld [smem:$0x3FAE]  }
0x28: {  	s2 =	sld [smem:$0x3FAF]  }
0x29: {  	s4 =	sld [smem:$0x3FB1]  }
0x2a: {  	p0 =	seq.s32 s5, $0x0;
	s5 =	sld [smem:$0x3FB2]  }
0x2b: {  	s6 =	sld [smem:$0x3FB3]  }
0x2c: {  	s7 =	sld [smem:$0x3FB4]  }
0x2d: {  	s3 =	simm.s32 $0x108;
	s8 =	sld [smem:$0x3FB5]  }
0x2e: {  	s3 =	simm.s32 @!p0 $0x1082;
	s9 =	sld [smem:$0x3FB6]  }
0x2f: {  	lr =	sadd.s32 s0, s3;
	s0 =	sld [smem:$0x3FAD]  }
0x30: {  	s3 =	sld [smem:$0x3FB0]  }
0x31: {  	[smem:$0x3FB9] =	sst s10  }
0x32: {  	s10 =	sld [smem:$0x3FB7];
	_ =	sdelay $0x3  }
0x33: {  	p0 =	seq.s32 s10, $0x1;
	s10 =	sld [smem:$0x3FB9];
	_ =	sdelay $0x3  }
0x34: {  	[smem:$0x3FB9] =	sst s10  }
0x35: {  	s10 =	sld [smem:$0x3FB8];
	_ =	sdelay $0x3  }
0x36: {  	p1 =	seq.s32 s10, $0x1;
	s10 =	sld [smem:$0x3FB9];
	_ =	sdelay $0x3  }
0x37: {  	[smem:$0x3FB9] =	sst s10  }
0x38: {  	s10 =	sld [smem:$0x3FBA]  }
0x39: {  	_ = 	snop;
	(pc) =	sbr.ind lr, $3  }
0x3a: {  	_ = 	snop  }
0x3b: {  	_ = 	snop  }
0x3c: {  	p2 =	seq.s32 s10, $0x1;
	s10 =	sld [smem:$0x3FB9]  }
0x3d: {  	_ =	shalt  }
0x3e: {  	_ =	shalt  }
0x3f: {  	_ =	shalt  }
0x40: {  	_ =	shalt  }
0x41: {  	_ =	shalt  }
0x42: {  	_ =	shalt  }
0x43: {  	_ =	shalt  }
0x44: {  	_ =	shalt  }
0x45: {  	_ =	shalt  }
0x46: {  	_ =	shalt  }
0x47: {  	_ =	shalt  }
0x48: {  	_ =	shalt  }
0x49: {  	_ =	shalt  }
0x4a: {  	_ =	shalt  }
0x4b: {  	_ =	shalt  }
0x4c: {  	_ =	shalt  }
0x4d: {  	_ =	shalt  }
0x4e: {  	_ =	shalt  }
0x4f: {  	_ =	shalt  }
0x50: {  	_ =	shalt  }
0x51: {  	_ =	shalt  }
0x52: {  	_ =	shalt  }
0x53: {  	_ =	shalt  }
0x54: {  	_ =	shalt  }
0x55: {  	_ =	shalt  }
0x56: {  	_ =	shalt  }
0x57: {  	_ =	shalt  }
0x58: {  	_ =	shalt  }
0x59: {  	_ =	shalt  }
0x5a: {  	_ =	shalt  }
0x5b: {  	_ =	shalt  }
0x5c: {  	_ =	shalt  }
0x5d: {  	_ =	shalt  }
0x5e: {  	_ =	shalt  }
0x5f: {  	_ =	shalt  }
0x60: {  	_ =	shalt  }
0x61: {  	_ =	shalt  }
0x62: {  	_ =	shalt  }
0x63: {  	_ =	shalt  }
0x64: {  	_ =	shalt  }
0x65: {  	_ =	shalt  }
0x66: {  	_ =	shalt  }
0x67: {  	_ =	shalt  }
0x68: {  	_ =	shalt  }
0x69: {  	_ =	shalt  }
0x6a: {  	_ =	shalt  }
0x6b: {  	_ =	shalt  }
0x6c: {  	_ =	shalt  }
0x6d: {  	_ =	shalt  }
0x6e: {  	_ =	shalt  }
0x6f: {  	_ =	shalt  }
0x70: {  	_ =	shalt  }
0x71: {  	_ =	shalt  }
0x72: {  	_ =	shalt  }
0x73: {  	_ =	shalt  }
0x74: {  	_ =	shalt  }
0x75: {  	_ =	shalt  }
0x76: {  	_ =	shalt  }
0x77: {  	_ =	shalt  }
0x78: {  	_ =	shalt  }
0x79: {  	_ =	shalt  }
0x7a: {  	_ =	shalt  }
0x7b: {  	_ =	shalt  }
0x7c: {  	_ =	shalt  }
0x7d: {  	_ =	shalt  }
0x7e: {  	_ =	shalt  }
0x7f: {  	_ =	shalt  }
0x80: {  	_ =	shalt  }
0x81: {  	_ =	shalt  }
0x82: {  	_ =	shalt  }
0x83: {  	_ =	shalt  }
0x84: {  	_ =	shalt  }
0x85: {  	_ =	shalt  }
0x86: {  	_ =	shalt  }
0x87: {  	_ =	shalt  }
.Lfunc_end0:
.L_simem_size_0:
called_computation_lowered:
.L_overlay_start_0:
0x88: {  	s2 =	sld [smem:$0x3FD9]  }
0x89: {  	s3 =	sld [smem:$0x3FFE];
	_ =	sdelay $0x1  }
0x8a: {  	s1 =	srdreg.scid  }
0x8b: {  	s0 =	sand.u32 $0x1, s1  }
0x8c: {  	s14 =	sshll.u32 s0, $0xA;
	s2 =	sadd.s32 s3, s2  }
0x8d: {  	s2 =	sadd.s32 s2, s14  }
0x8e: {  	[smem:$0x3FC5] =	sst s2  }
0x8f: {  	_ = 	snop  }
0x90: {  	s2 =	sld [smem:$0x3FD0];
	_ =	sdelay $0x2  }
0x91: {  	s15 =	simm.s32 $0xA;
	s4 =	simm.s32 $0x10  }
0x92: {  	[smem:s4], [sflag:s15] =	dma.local [hbm:s2], $0x1  }
0x93: {  	_ =	swait.eq [sflag:s15], $0x1  }
0x94: {  	s16 =	sld [smem:$0x10]  }
0x95: {  	s17 =	sld [smem:$0x11];
	[sflag:s15] =	ssyncset.done $0x0  }
0x96: {  	s5 =	sld [smem:$0x13];
	[sflag:s15] =	ssyncadd.s32 $0xFFFFFFFF  }
0x97: {  	s18 =	sld [smem:$0x14];
	(tm) =	ssettm $0x1  }
0x98: {  	s6 =	sld [smem:$0x3FFB];
	_ =	sdelay $0x3  }
0x99: {  	_ =	strace s6  }
0x9a: {  	s6 =	sld [smem:$0x3FFC];
	_ =	sdelay $0x3  }
0x9b: {  	_ =	strace s6  }
0x9c: {  	s6 =	sld [smem:$0x3FFD];
	_ =	sdelay $0x3  }
0x9d: {  	_ =	strace s6  }
0x9e: {  	_ =	strace $0x8FFFFFFF  }
0x9f: {  	s19 =	sld [smem:$0x3FDB];
	_ =	sdelay $0x1  }
0xa0: {  	s7 =	simm.s32 $_scs_section_size  }
0xa1: {  	s8 =	simm.s32 $_size__tile_overlayer_lowered;
	s9 =	simm.s32 $_tile_overlayer_lowered  }
0xa2: {  	s22 =	simm.s32 $0x1BFF;
	s21 =	sshll.u32 s9, $0x1;
	s6 =	sadd.s32 s7, s19  }
0xa3: {  	s10 =	simm.s32 $0x0;
	s20 =	sshll.u32 s8, $0x1;
	s8 =	sadd.s32 s21, s6  }
0xa4: {  	[timem:s10], [sflag:s22] =	dma.local [hbm:s8], s20  }
0xa5: {  	_ =	swait.ge [sflag:s22], s20  }
0xa6: {  	s7 =	ssub.s32 $0x0, s20;
	[sflag:s22] =	ssyncset.done $0x0  }
0xa7: {  	[sflag:s22] =	ssyncadd.s32 s7;
	_ =	sdelay $0x1  }
0xa8: {  	s23 =	simm.s32 $0x1B8B  }
0xa9: {  	_ =	swait.ge [sflag:s23], $0x1  }
0xaa: {  	[sflag:s23] =	ssyncset.done $0x0  }
0xab: {  	s25 =	simm.s32 $0x1B8E;
	s24 =	sld [smem:$0x3FFE];
	[sflag:s23] =	ssyncadd.s32 $0xFFFFFFFF  }
0xac: {  	s26 =	simm.s32 $execute0_lowered;
	[smem:$0x3FD2] =	sst s25  }
0xad: {  	s8 =	sshll.u32 s26, $0x1;
	_ =	strace $0x80000046;
	[dreg:$0x1] =	wrdreg $0xFFFFFFFF  }
0xae: {  	s28 =	simm.s32 $_size_execute0_lowered;
	s6 =	sadd.s32 s6, s8;
	[dreg:$0x0] =	wrdreg $0x0  }
0xaf: {  	s8 =	sshll.u32 s28, $0x1;
	[dreg:$0x2] =	wrdreg s6  }
0xb0: {  	[dreg:$0x3] =	wrdreg s8  }
0xb1: {  	[dreg:$0x4] =	wrdreg $0xC0  }
0xb2: {  	_ =	task [dreg:s10], $0x5FFFF  }
0xb3: {  	[dreg:$0x1] =	wrdreg $0xFFFFFFFF  }
0xb4: {  	[dreg:$0x0] =	wrdreg $0x60  }
0xb5: {  	[dreg:$0x2] =	wrdreg s24  }
0xb6: {  	[dreg:$0x3] =	wrdreg s17  }
0xb7: {  	[dreg:$0x4] =	wrdreg s16  }
0xb8: {  	[dreg:$0x5] =	wrdreg s18  }
0xb9: {  	[dreg:$0x6] =	wrdreg s5  }
0xba: {  	[dreg:$0x7] =	wrdreg $0x12D000  }
0xbb: {  	[dreg:$0x8] =	wrdreg $0x9  }
0xbc: {  	_ =	task.clear_ibuf [dreg:s10], $0x9FFFF;
	_ =	strace $0x90000046  }
0xbd: {  	s29 =	simm.s32 $0x9;
	_ =	strace $0x80000048  }
0xbe: {  	_ =	swait.ge [sflag:s29], $0x1  }
0xbf: {  	[sflag:s29] =	ssyncadd.s32 $0xFFFFFFFF  }
0xc0: {  	_ =	strace $0x90000048  }
0xc1: {  	_ =	sfence  }
0xc2: {  	s30 =	sld [smem:$0x0];
	_ =	sdelay $0x2  }
0xc3: {  	s31 =	sshll.u32 s1, $0xD;
	s1 =	sshrl.u32 s1, $0x2  }
0xc4: {  	s3 =	sand.u32 $0x4000, s31;
	s1 =	sadd.s32 s1, s30  }
0xc5: {  	s0 =	sor.u32 s3, s0;
	s1 =	sshll.u32 s1, $0x11  }
0xc6: {  	s0 =	sor.u32 s1, s0  }
0xc7: {  	s0 =	sadd.s32 $0x8F2B, s0  }
0xc8: {  	[sflag:s0] =	ssyncadd.remote.s32 $0x1  }
0xc9: {  	_ =	sfence.sel $0xFFFF  }
0xca: {  	[dreg:$0x0] =	wrdreg $0xFFFFFFFF;
	(pc) =	sbr.abs _section_cstart, $3  }
0xcb: {  	[dreg:$0x1] =	wrdreg $0xFFFFFFFF  }
0xcc: {  	_ =	task.clear_ibuf [dreg:s10], $0x2FFFF;
	_ =	strace $0x9FFFFFFF  }
0xcd: {  	(tm) =	ssettm $0x7FFFFFFF  }
tec
execute0_lowered:
.L_overlay_start_1:
0x0: {  	(tag) =	ssettag $0x1  }
0x1: {  	s0 =	rddreg [dreg:$0x0]  }
0x2: {  	s8 =	rddreg [dreg:$0x1]  }
0x3: {  	s9 =	rddreg [dreg:$0x2]  }
0x4: {  	s10 =	rddreg [dreg:$0x3]  }
0x5: {  	s1 =	rddreg [dreg:$0x4]  }
0x6: {  	s2 =	rddreg [dreg:$0x5];
	s3 =	srdreg.scid;
	s4 =	simm.s32 $0x0  }
0x7: {  	s28 =	stileid.u32;
	s17 =	simm.s32 $0x9E00;
	s20 =	simm.s32 $0x80  }
0x8: {  	s21 =	simm.s32 $0xED00;
	s22 =	simm.s32 $0x10D00;
	s24 =	simm.s32 $0x2  }
0x9: {  	s25 =	simm.s32 $0x0;
	s7 =	sand.u32 $0x1, s3;
	s11 =	smul.u32 $0x280, s28  }
0xa: {  	[smem:$0x7FF] =	sst s4;
	s5 =	sadd.s32 $0x1400, s0;
	s13 =	smul.u32 $0x9E0, s28  }
0xb: {  	s6 =	sadd.s32 $0x79400, s0;
	s15 =	smul.u32 $0x28000, s28;
	s31 =	sshll.u32 s28, $0x6  }
0xc: {  	s23 =	smul.u32 $0x2800, s7;
	_ =	strace $0x80000047;
	s12 =	ssub.s32 $0x2, s7  }
0xd: {  	s7 =	sadd.s32 $0x29400, s0;
	s18 =	sor.u32 $0x1C03, s31;
	s29 =	sshrl.u32 s12, $0x1  }
0xe: {  	s8 =	sadd.s32 s8, s13;
	s9 =	sadd.s32 s9, s13;
	s30 =	sshrl.u32 s15, $0x2  }
.Ltmp0:
0xf: {  	s10 =	sadd.s32 s10, s13;
	s15 =	simm.s32 $0x3;
	(pc) =	sbr.rel .LBB2_1-.Ltmp0, $4  }
0x10: {  	s11 =	sadd.s32 s11, s23;
	s16 =	ssub.s32 s12, s29;
	s19 =	sadd.s32 s30, s2  }
0x11: {  	v0 =	vmov s23;
	s23 =	simm.s32 $0x1;
	s14 =	sshll.u32 s11, $0x3;
	s19 =	sshrl.u32 s19, $0x3  }
0x12: {  	v1 =	vimm.s32 $0x0;
	vm0 =	vcmask $0x300;
	s0 =	sadd.s32 s14, s0;
	s11 =	sadd.s32 s6, s14;
	s12 =	sadd.s32 s7, s14  }
0x13: {  	v1 =	vsel vm0, $0x3, v1;
	s14 =	smax.u32 s16, $0x1;
	s16 =	simm.s32 $0x4F00;
	s13 =	sadd.s32 $0x51400, s0  }
.LBB2_24:
0x14: {  	[bflag:$0x0] =	sbarrier.arrive $0xFFFF;
	s25 =	sadd.s32 $0x1, s25  }
0x15: {  	[hbm:s13], [sflag:s18] =	dma.local [spmem:s19], $0x1400  }
0x16: {  	p0 =	sne.s32 s25, s14  }
.Ltmp1:
0x17: {  	_ =	swait.ge [sflag:s15], $0x1400;
	(pc) =	sbr.rel @!p0 .LBB2_25-.Ltmp1, $3  }
0x18: {  	[sflag:s15] =	ssyncset.done $0x0  }
0x19: {  	[sflag:s15] =	ssyncadd.s32 $0xFFFFEC00  }
0x1a: {  	[bflag:$0x0] =	sbarrier.arrive $0xFFFF;
	_ =	sdelay $0x1  }
.LBB2_1:
0x1b: {  	[tilespmem:s4], [sflag:$0x3] =	stream.linear.gather [hbm4b:s8+s4], $0x4F00, $0x38;
	[tilespmem:$0x1CD00] =	vst v63  }
0x1c: {  	_ =	swait.ge [sflag:s15], $0x4F00  }
0x1d: {  	[sflag:s15] =	ssyncset.done $0x0  }
0x1e: {  	[sflag:s15] =	ssyncadd.s32 $0xFFFFB100  }
0x1f: {  	[tilespmem:s16], [sflag:$0x3] =	stream.linear.gather [hbm4b:s9+s4], $0x4F00, $0x38;
	[tilespmem:$0x1CD00] =	vst v63  }
0x20: {  	_ =	swait.ge [sflag:s15], $0x4F00  }
0x21: {  	[sflag:s15] =	ssyncset.done $0x0  }
0x22: {  	[sflag:s15] =	ssyncadd.s32 $0xFFFFB100  }
0x23: {  	[tilespmem:s17], [sflag:$0x3] =	stream.linear.gather [hbm4b:s10+s4], $0x4F00, $0x38;
	[tilespmem:$0x1CD00] =	vst v63  }
0x24: {  	s0 =	sand.u32 $0x1FE00, s4;
	_ =	swait.ge [sflag:s15], $0x4F00  }
0x25: {  	s26 =	sand.u32 $0x70, s4;
	s0 =	sshrl.u32 s0, $0x2;
	[sflag:s15] =	ssyncset.done $0x0  }
0x26: {  	s0 =	sor.u32 s26, s0;
	[sflag:s15] =	ssyncadd.s32 $0xFFFFB100  }
0x27: {  	v2 =	vld [tilespmem:s0+$0x0];
	_ =	sdelay $0x2  }
0x28: {  	s28 =	simm.s32 $0x40  }
0x29: {  	s29 =	sand.u32 $0x1FE00, s28;
	s28 =	simm.s32 $0x80;
	s26 =	simm.s32 $0x10  }
.LBB2_2:
0x2a: {  	p0 =	sne.s32 s28, $0x13BC0;
	s30 =	sand.u32 $0x70, s26;
	s29 =	sshrl.u32 s29, $0x2;
	v2 =	vadd.s32 v0, v2  }
0x2b: {  	[tilespmem:s0+$0x0] =	vst v2;
	s0 =	sor.u32 s30, s29  }
.Ltmp2:
0x2c: {  	v2 =	vld [tilespmem:s0+$0x0];
	(pc) =	sbr.rel @p0 .LBB2_2-.Ltmp2, $2  }
0x2d: {  	_ =	sdelay $0x2  }
0x2e: {  	s26 =	sadd.s32 $0x10, s26;
	s29 =	sand.u32 $0x1FE00, s28;
	s28 =	sadd.s32 $0x40, s28  }
0x2f: {  	s26 =	sand.u32 $0x70, s26;
	s28 =	sshrl.u32 s29, $0x2;
	v2 =	vadd.s32 v0, v2  }
0x30: {  	s26 =	sor.u32 s26, s28;
	[tilespmem:s0+$0x0] =	vst v2  }
0x31: {  	v2 =	vld [tilespmem:s26+$0x0];
	_ =	sdelay $0x4  }
0x32: {  	v2 =	vadd.s32 v0, v2  }
0x33: {  	[tilespmem:s26+$0x0] =	vst v2  }
0x34: {  	[spmem:s19], [sflag:s18] =	dma.local [hbm:s1], $0x1400  }
0x35: {  	_ =	swait.ge [sflag:s15], $0x1400  }
0x36: {  	[sflag:s15] =	ssyncset.done $0x0  }
0x37: {  	[sflag:s15] =	ssyncadd.s32 $0xFFFFEC00  }
0x38: {  	s26 =	simm.s32 $0x0;
	[bflag:$0x0] =	sbarrier.arrive $0xFFFF  }
0x39: {  	[tilespmem:s21], [sflag:$0x1] =	stream.indirect.gather [hbm4b:s5+s20], $0x40, s26, s20, $0xb8;
	[tilespmem:$0x1CD00] =	vst v63  }
0x3a: {  	_ = 	snop  }
0x3b: {  	[tilespmem:s22], [sflag:$0x2] =	stream.indirect.gather [hbm4b:s5+s20], $0x40, s20, s20, $0xb8;
	[tilespmem:$0x1CD00] =	vst v63  }
.LBB2_4:
0x3c: {  	_ =	swait.ge [sflag:s23], $0x2000  }
0x3d: {  	s29 =	sshll.u32 s26, $0x8;
	[sflag:s23] =	ssyncset.done $0x0  }
0x3e: {  	s28 =	simm.s32 $0xF;
	s30 =	simm.s32 $0xEF00;
	[sflag:s23] =	ssyncadd.s32 $0xFFFFE000  }
.LBB2_5:
0x3f: {  	s31 =	sadd.s32 s29, s28  }
0x40: {  	s0 =	sadd.s32 $0xFFFFFFF1, s31;
	s3 =	sadd.s32 $0xFFFFFFF2, s31  }
0x41: {  	v17 =	vmov s31;
	v2 =	vmov s0;
	v3 =	vmov s3  }
0x42: {  	s3 =	sadd.s32 $0xFFFFFFF3, s31;
	v17 =	vshrl.u32 v17, $0x3;
	v2 =	vshrl.u32 v2, $0x3;
	v3 =	vshrl.u32 v3, $0x3  }
0x43: {  	v4 =	vmov s3;
	s3 =	sadd.s32 $0xFFFFFFF4, s31;
	v2 =	vshll.u32 v2, v1;
	v3 =	vshll.u32 v3, v1  }
0x44: {  	v4 =	vshrl.u32 v4, $0x3;
	v5 =	vmov s3;
	v2 =	vbroadcast v2, $0x0  }
0x45: {  	s3 =	sadd.s32 $0xFFFFFFF5, s31;
	v3 =	vadd.s32 $0x1, v3;
	v4 =	vshll.u32 v4, v1;
	v5 =	vshrl.u32 v5, $0x3  }
0x46: {  	v6 =	vmov s3;
	s3 =	sadd.s32 $0xFFFFFFF6, s31;
	v3 =	vbroadcast v3, $0x0;
	v4 =	vadd.s32 $0x2, v4  }
0x47: {  	v20 =	vld [tilespmem:s30+$0xFFFFFE00];
	v5 =	vshll.u32 v5, v1;
	v6 =	vshrl.u32 v6, $0x3;
	v7 =	vmov s3  }
0x48: {  	v51 =	vld [tilespmem:s30+$0xFFFFFE10];
	s3 =	sadd.s32 $0xFFFFFFF7, s31;
	v4 =	vbroadcast v4, $0x0;
	v5 =	vadd.s32 $0x3, v5;
	v6 =	vshll.u32 v6, v1  }
0x49: {  	v52 =	vld [tilespmem:s30+$0xFFFFFE20];
	v7 =	vshrl.u32 v7, $0x3;
	v8 =	vmov s3;
	v5 =	vbroadcast v5, $0x0  }
0x4a: {  	v53 =	vld [tilespmem:s30+$0xFFFFFE30];
	s3 =	sadd.s32 $0xFFFFFFF8, s31;
	v6 =	vadd.s32 $0x4, v6;
	v7 =	vshll.u32 v7, v1;
	v8 =	vshrl.u32 v8, $0x3  }
0x4b: {  	v54 =	vld [tilespmem:s30+$0xFFFFFE40];
	v9 =	vmov s3;
	s3 =	sadd.s32 $0xFFFFFFF9, s31;
	v6 =	vbroadcast v6, $0x0;
	v7 =	vadd.s32 $0x5, v7  }
0x4c: {  	v55 =	vld [tilespmem:s30+$0xFFFFFE50];
	v8 =	vshll.u32 v8, v1;
	v9 =	vshrl.u32 v9, $0x3;
	v10 =	vmov s3  }
0x4d: {  	v56 =	vld [tilespmem:s30+$0xFFFFFE60];
	s3 =	sadd.s32 $0xFFFFFFFA, s31;
	v7 =	vbroadcast v7, $0x0;
	v8 =	vadd.s32 $0x6, v8;
	v9 =	vshll.u32 v9, v1  }
0x4e: {  	v23 =	vld [tilespmem:s30+$0xFFFFFF30];
	v11 =	vmov s3;
	v10 =	vshrl.u32 v10, $0x3;
	v8 =	vbroadcast v8, $0x0  }
0x4f: {  	v24 =	vld [tilespmem:s30+$0xFFFFFF40];
	s3 =	sadd.s32 $0xFFFFFFFB, s31;
	v9 =	vadd.s32 $0x7, v9;
	v11 =	vshrl.u32 v11, $0x3;
	v10 =	vshll.u32 v10, v1  }
0x50: {  	v25 =	vld [tilespmem:s30+$0xFFFFFF50];
	v12 =	vmov s3;
	s3 =	sadd.s32 $0xFFFFFFFC, s31;
	v9 =	vbroadcast v9, $0x0;
	v11 =	vshll.u32 v11, v1  }
0x51: {  	v26 =	vld [tilespmem:s30+$0xFFFFFF60];
	v10 =	vbroadcast v10, $0x0;
	v34 =	vshrl.u32 v12, $0x3;
	v35 =	vmov s3  }
0x52: {  	s3 =	sadd.s32 $0xFFFFFFFD, s31;
	v14 =	vld.idx.msk [tilespmem:v3+s17+$0x0], $0xffff;
	v11 =	vadd.s32 $0x1, v11;
	v3 =	vshll.u32 v34, v1;
	v36 =	vshrl.u32 v35, $0x3  }
0x53: {  	v13 =	vld.idx.msk [tilespmem:v2+s17+$0x0], $0xffff;
	v37 =	vmov s3;
	s3 =	sadd.s32 $0xFFFFFFFE, s31;
	v2 =	vbroadcast v11, $0x0;
	v3 =	vadd.s32 $0x2, v3  }
0x54: {  	v15 =	vld.idx.msk [tilespmem:v4+s17+$0x0], $0xffff;
	v38 =	vshll.u32 v36, v1;
	v39 =	vshrl.u32 v37, $0x3;
	v43 =	vmov s3  }
0x55: {  	v40 =	vld.idx.msk [tilespmem:v5+s17+$0x0], $0xffff;
	s3 =	sadd.s32 $0xFFFFFFFF, s31;
	v3 =	vbroadcast v3, $0x0;
	v4 =	vadd.s32 $0x3, v38;
	v41 =	vshll.u32 v39, v1  }
0x56: {  	v42 =	vld.idx.msk [tilespmem:v6+s17+$0x0], $0xffff;
	v6 =	vshrl.u32 v43, $0x3;
	v44 =	vmov s3;
	v4 =	vbroadcast v4, $0x0  }
0x57: {  	v5 =	vadd.s32 $0x4, v41;
	v16 =	vld.idx.msk [tilespmem:v7+s17+$0x0], $0xffff;
	v6 =	vshll.u32 v6, v1;
	v7 =	vshrl.u32 v44, $0x3  }
0x58: {  	v5 =	vbroadcast v5, $0x0;
	v8 =	vld.idx.msk [tilespmem:v8+s17+$0x0], $0xffff;
	v6 =	vadd.s32 $0x5, v6;
	v7 =	vshll.u32 v7, v1  }
0x59: {  	v46 =	vshll.u32 v17, v1;
	v9 =	vld.idx.msk [tilespmem:v9+s17+$0x0], $0xffff;
	v18 =	vbroadcast v6, $0x0;
	v45 =	vadd.s32 $0x6, v7  }
0x5a: {  	v48 =	vadd.s32 $0x7, v46;
	v47 =	vld.idx.msk [tilespmem:v2+s17+$0x0], $0xffff;
	v2 =	vbroadcast v45, $0x0  }
0x5b: {  	v19 =	vbroadcast v48, $0x0;
	v10 =	vld.idx.msk [tilespmem:v10+s17+$0x0], $0xffff  }
0x5c: {  	v49 =	vld.idx.msk [tilespmem:v3+s17+$0x0], $0xffff  }
0x5d: {  	v6 =	vld.idx.msk [tilespmem:v4+s17+$0x0], $0xffff  }
0x5e: {  	v5 =	vld.idx.msk [tilespmem:v5+s17+$0x0], $0xffff  }
0x5f: {  	v4 =	vld.idx.msk [tilespmem:v18+s17+$0x0], $0xffff;
	v18 =	vmul.f32 v51, v13  }
0x60: {  	v11 =	vmul.f32 v23, v42;
	v3 =	vld.idx.msk [tilespmem:v2+s17+$0x0], $0xffff  }
0x61: {  	v2 =	vld.idx.msk [tilespmem:v19+s17+$0x0], $0xffff;
	[tilespmem:s30+$0xFFFFFE10] =	vst v18;
	v18 =	vmul.f32 v52, v13  }
0x62: {  	v57 =	vld [tilespmem:s30+$0xFFFFFE70];
	[tilespmem:s30+$0xFFFFFF30] =	vst v11;
	v11 =	vmul.f32 v24, v16  }
0x63: {  	v27 =	vld [tilespmem:s30+$0xFFFFFF70];
	v50 =	vmul.f32 v20, v13;
	v13 =	vmul.f32 v53, v13;
	[tilespmem:s30+$0xFFFFFE20] =	vst v18  }
0x64: {  	v19 =	vld [tilespmem:s30+$0xFFFFFEF0];
	[tilespmem:s30+$0xFFFFFF40] =	vst v11;
	v11 =	vmul.f32 v25, v16  }
0x65: {  	v28 =	vld [tilespmem:s30+$0xFFFFFF80];
	[tilespmem:s30+$0xFFFFFE30] =	vst v13;
	v13 =	vmul.f32 v54, v14  }
0x66: {  	v58 =	vld [tilespmem:s30+$0xFFFFFE80];
	[tilespmem:s30+$0xFFFFFF50] =	vst v11;
	v11 =	vmul.f32 v26, v16  }
0x67: {  	v29 =	vld [tilespmem:s30+$0xFFFFFF90];
	[tilespmem:s30+$0xFFFFFE40] =	vst v13;
	v13 =	vmul.f32 v55, v14  }
0x68: {  	v30 =	vld [tilespmem:s30+$0xFFFFFFA0];
	[tilespmem:s30+$0xFFFFFF60] =	vst v11;
	v11 =	vmul.f32 v27, v16  }
0x69: {  	v31 =	vld [tilespmem:s30+$0xFFFFFFB0];
	v12 =	vmul.f32 v19, v40;
	[tilespmem:s30+$0xFFFFFE50] =	vst v13  }
0x6a: {  	v59 =	vld [tilespmem:s30+$0xFFFFFE90];
	[tilespmem:s30+$0xFFFFFF70] =	vst v11;
	v11 =	vmul.f32 v28, v8  }
0x6b: {  	v32 =	vld [tilespmem:s30+$0xFFFFFFC0];
	v13 =	vmul.f32 v56, v14;
	[tilespmem:s30+$0xFFFFFEF0] =	vst v12  }
0x6c: {  	v60 =	vld [tilespmem:s30+$0xFFFFFEA0];
	[tilespmem:s30+$0xFFFFFF80] =	vst v11;
	v11 =	vmul.f32 v29, v8  }
0x6d: {  	v33 =	vld [tilespmem:s30+$0xFFFFFFD0];
	[tilespmem:s30+$0xFFFFFE60] =	vst v13;
	v13 =	vmul.f32 v57, v14  }
0x6e: {  	v61 =	vld [tilespmem:s30+$0xFFFFFEB0];
	[tilespmem:s30+$0xFFFFFF90] =	vst v11;
	v11 =	vmul.f32 v30, v8;
	v8 =	vmul.f32 v31, v8  }
0x6f: {  	v34 =	vld [tilespmem:s30+$0xFFFFFFE0];
	[tilespmem:s30+$0xFFFFFE70] =	vst v13;
	v13 =	vmul.f32 v58, v15  }
0x70: {  	v62 =	vld [tilespmem:s30+$0xFFFFFEC0];
	[tilespmem:s30+$0xFFFFFFB0] =	vst v8;
	v8 =	vmul.f32 v32, v9  }
0x71: {  	v35 =	vld [tilespmem:s30+$0xFFFFFFF0];
	[tilespmem:s30+$0xFFFFFE80] =	vst v13;
	v13 =	vmul.f32 v59, v15  }
0x72: {  	v63 =	vld [tilespmem:s30+$0xFFFFFED0];
	[tilespmem:s30+$0xFFFFFFC0] =	vst v8;
	v8 =	vmul.f32 v33, v9  }
0x73: {  	v36 =	vld [tilespmem:s30+$0x0];
	[tilespmem:s30+$0xFFFFFE90] =	vst v13;
	v13 =	vmul.f32 v60, v15  }
0x74: {  	v37 =	vld [tilespmem:s30+$0x10];
	[tilespmem:s30+$0xFFFFFFD0] =	vst v8;
	v8 =	vmul.f32 v34, v9  }
0x75: {  	v20 =	vld [tilespmem:s30+$0xFFFFFF00];
	[tilespmem:s30+$0xFFFFFEA0] =	vst v13;
	v13 =	vmul.f32 v61, v15  }
0x76: {  	v18 =	vld [tilespmem:s30+$0xFFFFFEE0];
	[tilespmem:s30+$0xFFFFFFE0] =	vst v8;
	v8 =	vmul.f32 v35, v9  }
0x77: {  	v38 =	vld [tilespmem:s30+$0x20];
	[tilespmem:s30+$0xFFFFFEB0] =	vst v13;
	v13 =	vmul.f32 v62, v40  }
0x78: {  	v21 =	vld [tilespmem:s30+$0xFFFFFF10];
	[tilespmem:s30+$0xFFFFFFF0] =	vst v8;
	v8 =	vmul.f32 v36, v10  }
0x79: {  	v39 =	vld [tilespmem:s30+$0x30];
	[tilespmem:s30+$0xFFFFFEC0] =	vst v13;
	v13 =	vmul.f32 v63, v40  }
0x7a: {  	v22 =	vld [tilespmem:s30+$0xFFFFFF20];
	[tilespmem:s30+$0x0] =	vst v8;
	v8 =	vmul.f32 v37, v10  }
0x7b: {  	v12 =	vmul.f32 v20, v42;
	[tilespmem:s30+$0xFFFFFED0] =	vst v13;
	v13 =	vmul.f32 v18, v40;
	v40 =	vld [tilespmem:s30+$0x40]  }
0x7c: {  	[tilespmem:s30+$0x10] =	vst v8;
	v8 =	vmul.f32 v38, v10  }
0x7d: {  	v41 =	vld [tilespmem:s30+$0x50];
	[tilespmem:s30+$0xFFFFFF00] =	vst v12;
	v12 =	vmul.f32 v21, v42  }
0x7e: {  	[tilespmem:s30+$0x20] =	vst v8;
	v8 =	vmul.f32 v39, v10  }
0x7f: {  	[tilespmem:s30+$0xFFFFFF10] =	vst v12;
	v12 =	vmul.f32 v22, v42;
	v42 =	vld [tilespmem:s30+$0x60]  }
0x80: {  	[tilespmem:s30+$0x30] =	vst v8;
	v8 =	vmul.f32 v40, v47  }
0x81: {  	v43 =	vld [tilespmem:s30+$0x70]  }
0x82: {  	[tilespmem:s30+$0x40] =	vst v8;
	v8 =	vmul.f32 v41, v47  }
0x83: {  	v44 =	vld [tilespmem:s30+$0x80]  }
0x84: {  	[tilespmem:s30+$0x50] =	vst v8;
	v8 =	vmul.f32 v42, v47  }
0x85: {  	v45 =	vld [tilespmem:s30+$0x90]  }
0x86: {  	v46 =	vld [tilespmem:s30+$0xA0];
	[tilespmem:s30+$0x60] =	vst v8;
	v8 =	vmul.f32 v43, v47  }
0x87: {  	v47 =	vld [tilespmem:s30+$0xB0]  }
0x88: {  	[tilespmem:s30+$0x70] =	vst v8;
	v8 =	vmul.f32 v44, v49;
	_ =	sdelay $0x1  }
0x89: {  	v48 =	vld [tilespmem:s30+$0xC0];
	[tilespmem:s30+$0x80] =	vst v8;
	v8 =	vmul.f32 v45, v49;
	_ =	sdelay $0x1  }
0x8a: {  	v7 =	vmul.f32 v47, v49;
	[tilespmem:s30+$0x90] =	vst v8;
	v8 =	vmul.f32 v46, v49;
	v49 =	vld [tilespmem:s30+$0xD0]  }
0x8b: {  	v51 =	vld [tilespmem:s30+$0xF0]  }
0x8c: {  	[tilespmem:s30+$0xFFFFFE00] =	vst v50;
	v50 =	vld [tilespmem:s30+$0xE0]  }
0x8d: {  	[tilespmem:s30+$0xB0] =	vst v7;
	v7 =	vmul.f32 v48, v6  }
0x8e: {  	v52 =	vld [tilespmem:s30+$0x100]  }
0x8f: {  	[tilespmem:s30+$0xC0] =	vst v7;
	v7 =	vmul.f32 v49, v6  }
0x90: {  	v53 =	vld [tilespmem:s30+$0x110]  }
0x91: {  	v54 =	vld [tilespmem:s30+$0x120];
	[tilespmem:s30+$0xD0] =	vst v7;
	v7 =	vmul.f32 v50, v6;
	v6 =	vmul.f32 v51, v6  }
0x92: {  	v55 =	vld [tilespmem:s30+$0x130]  }
0x93: {  	[tilespmem:s30+$0xF0] =	vst v6;
	v6 =	vmul.f32 v52, v5  }
0x94: {  	v56 =	vld [tilespmem:s30+$0x140]  }
0x95: {  	[tilespmem:s30+$0x100] =	vst v6;
	v6 =	vmul.f32 v53, v5  }
0x96: {  	v57 =	vld [tilespmem:s30+$0x150]  }
0x97: {  	v58 =	vld [tilespmem:s30+$0x160];
	[tilespmem:s30+$0x110] =	vst v6;
	v6 =	vmul.f32 v54, v5;
	v5 =	vmul.f32 v55, v5  }
0x98: {  	v59 =	vld [tilespmem:s30+$0x170]  }
0x99: {  	[tilespmem:s30+$0x130] =	vst v5;
	v5 =	vmul.f32 v56, v4  }
0x9a: {  	v60 =	vld [tilespmem:s30+$0x180]  }
0x9b: {  	[tilespmem:s30+$0x140] =	vst v5;
	v5 =	vmul.f32 v57, v4  }
0x9c: {  	v61 =	vld [tilespmem:s30+$0x190]  }
0x9d: {  	v62 =	vld [tilespmem:s30+$0x1A0];
	[tilespmem:s30+$0x150] =	vst v5;
	v5 =	vmul.f32 v58, v4;
	v4 =	vmul.f32 v59, v4  }
0x9e: {  	v63 =	vld [tilespmem:s30+$0x1B0]  }
0x9f: {  	[tilespmem:s30+$0x170] =	vst v4;
	v4 =	vmul.f32 v60, v3;
	_ =	sdelay $0x1  }
0xa0: {  	[tilespmem:s30+$0x180] =	vst v4;
	v4 =	vmul.f32 v61, v3;
	_ =	sdelay $0x1  }
0xa1: {  	[tilespmem:s30+$0x190] =	vst v4;
	v4 =	vmul.f32 v62, v3;
	v3 =	vmul.f32 v63, v3;
	_ =	sdelay $0x1  }
0xa2: {  	[tilespmem:s30+$0x1B0] =	vst v3;
	v3 =	vld [tilespmem:s30+$0x1C0];
	_ =	sdelay $0x4  }
0xa3: {  	v3 =	vmul.f32 v3, v2;
	_ =	sdelay $0x1  }
0xa4: {  	[tilespmem:s30+$0x1C0] =	vst v3;
	v3 =	vld [tilespmem:s30+$0x1D0];
	_ =	sdelay $0x4  }
0xa5: {  	v3 =	vmul.f32 v3, v2;
	_ =	sdelay $0x1  }
0xa6: {  	[tilespmem:s30+$0x1D0] =	vst v3;
	v3 =	vld [tilespmem:s30+$0x1E0];
	_ =	sdelay $0x4  }
0xa7: {  	[tilespmem:s30+$0xFFFFFF20] =	vst v12;
	v3 =	vmul.f32 v3, v2  }
0xa8: {  	[tilespmem:s30+$0xFFFFFFA0] =	vst v11  }
0xa9: {  	[tilespmem:s30+$0x1E0] =	vst v3;
	v3 =	vld [tilespmem:s30+$0x1F0]  }
0xaa: {  	[tilespmem:s30+$0xFFFFFEE0] =	vst v13  }
0xab: {  	p0 =	sne.s32 s28, $0x7F;
	[tilespmem:s30+$0xA0] =	vst v8  }
.Ltmp3:
0xac: {  	[tilespmem:s30+$0xE0] =	vst v7;
	(pc) =	sbr.rel @p0 .LBB2_5-.Ltmp3, $4  }
0xad: {  	[tilespmem:s30+$0x120] =	vst v6  }
0xae: {  	[tilespmem:s30+$0x160] =	vst v5;
	v2 =	vmul.f32 v3, v2  }
0xaf: {  	[tilespmem:s30+$0x1A0] =	vst v4  }
0xb0: {  	s28 =	sadd.s32 $0x10, s28;
	[tilespmem:s30+$0x1F0] =	vst v2;
	s30 =	sadd.s32 $0x400, s30  }
0xb1: {  	s0 =	sshll.u32 s26, $0xA  }
0xb2: {  	s28 =	sshrl.u32 s0, $0x2  }
0xb3: {  	s30 =	sadd.s32 $0x4F00, s28  }
0xb4: {  	[spmem:s2] =	stream.indirect.scatter.add.f32 [tilespmem:s21], [sflag:$0x3], $0x40, s30, s20, $0xb8;
	[tilespmem:$0x1CD00] =	vst v63  }
0xb5: {  	p0 =	seq.s32 s26, $0x4E;
	_ =	swait.ge [sflag:s15], $0x2000  }
0xb6: {  	s0 =	sshrl.u32 @!p0 s0, $0x2;
	s31 =	simm.s32 @!p0 $0xED00;
	[sflag:s15] =	ssyncset.done $0x0  }
0xb7: {  	s0 =	sadd.s32 @!p0 $0x100, s0;
	s30 =	simm.s32 @!p0 $0x80;
	[sflag:s15] =	ssyncadd.s32 $0xFFFFE000  }
0xb8: {  	[tilespmem:s31], [sflag:$0x1] =	stream.indirect.gather @!p0 [hbm4b:s5+s30], $0x40, s0, s30, $0xb8;
	[tilespmem:$0x1CD00] =	vst v63  }
0xb9: {  	_ =	swait.ge [sflag:s24], $0x2000  }
0xba: {  	s29 =	sor.u32 $0x80, s29;
	[sflag:s24] =	ssyncset.done $0x0  }
0xbb: {  	s30 =	simm.s32 $0xF;
	s31 =	simm.s32 $0x10F00;
	[sflag:s24] =	ssyncadd.s32 $0xFFFFE000  }
.LBB2_7:
0xbc: {  	s0 =	sadd.s32 s29, s30  }
0xbd: {  	s3 =	sadd.s32 $0xFFFFFFF1, s0  }
0xbe: {  	v2 =	vmov s3  }
0xbf: {  	v17 =	vmov s0;
	s3 =	sadd.s32 $0xFFFFFFF2, s0;
	v2 =	vshrl.u32 v2, $0x3  }
0xc0: {  	v17 =	vshrl.u32 v17, $0x3;
	v3 =	vmov s3;
	s3 =	sadd.s32 $0xFFFFFFF3, s0;
	v2 =	vshll.u32 v2, v1  }
0xc1: {  	v3 =	vshrl.u32 v3, $0x3;
	v4 =	vmov s3;
	s3 =	sadd.s32 $0xFFFFFFF4, s0;
	v2 =	vbroadcast v2, $0x0  }
0xc2: {  	v3 =	vshll.u32 v3, v1;
	v4 =	vshrl.u32 v4, $0x3;
	v5 =	vmov s3  }
0xc3: {  	s3 =	sadd.s32 $0xFFFFFFF5, s0;
	v3 =	vadd.s32 $0x1, v3;
	v4 =	vshll.u32 v4, v1;
	v5 =	vshrl.u32 v5, $0x3  }
0xc4: {  	v6 =	vmov s3;
	s3 =	sadd.s32 $0xFFFFFFF6, s0;
	v3 =	vbroadcast v3, $0x0;
	v4 =	vadd.s32 $0x2, v4  }
0xc5: {  	v20 =	vld [tilespmem:s31+$0xFFFFFE00];
	v5 =	vshll.u32 v5, v1;
	v6 =	vshrl.u32 v6, $0x3;
	v7 =	vmov s3  }
0xc6: {  	v51 =	vld [tilespmem:s31+$0xFFFFFE10];
	s3 =	sadd.s32 $0xFFFFFFF7, s0;
	v4 =	vbroadcast v4, $0x0;
	v5 =	vadd.s32 $0x3, v5;
	v6 =	vshll.u32 v6, v1  }
0xc7: {  	v52 =	vld [tilespmem:s31+$0xFFFFFE20];
	v7 =	vshrl.u32 v7, $0x3;
	v8 =	vmov s3;
	v5 =	vbroadcast v5, $0x0  }
0xc8: {  	v53 =	vld [tilespmem:s31+$0xFFFFFE30];
	s3 =	sadd.s32 $0xFFFFFFF8, s0;
	v6 =	vadd.s32 $0x4, v6;
	v7 =	vshll.u32 v7, v1;
	v8 =	vshrl.u32 v8, $0x3  }
0xc9: {  	v54 =	vld [tilespmem:s31+$0xFFFFFE40];
	v9 =	vmov s3;
	s3 =	sadd.s32 $0xFFFFFFF9, s0;
	v6 =	vbroadcast v6, $0x0;
	v7 =	vadd.s32 $0x5, v7  }
0xca: {  	v55 =	vld [tilespmem:s31+$0xFFFFFE50];
	v8 =	vshll.u32 v8, v1;
	v9 =	vshrl.u32 v9, $0x3;
	v10 =	vmov s3  }
0xcb: {  	v56 =	vld [tilespmem:s31+$0xFFFFFE60];
	s3 =	sadd.s32 $0xFFFFFFFA, s0;
	v7 =	vbroadcast v7, $0x0;
	v8 =	vadd.s32 $0x6, v8;
	v9 =	vshll.u32 v9, v1  }
0xcc: {  	v23 =	vld [tilespmem:s31+$0xFFFFFF30];
	v11 =	vmov s3;
	v10 =	vshrl.u32 v10, $0x3;
	v8 =	vbroadcast v8, $0x0  }
0xcd: {  	v24 =	vld [tilespmem:s31+$0xFFFFFF40];
	s3 =	sadd.s32 $0xFFFFFFFB, s0;
	v9 =	vadd.s32 $0x7, v9;
	v11 =	vshrl.u32 v11, $0x3;
	v10 =	vshll.u32 v10, v1  }
0xce: {  	v25 =	vld [tilespmem:s31+$0xFFFFFF50];
	v12 =	vmov s3;
	s3 =	sadd.s32 $0xFFFFFFFC, s0;
	v9 =	vbroadcast v9, $0x0;
	v11 =	vshll.u32 v11, v1  }
0xcf: {  	v26 =	vld [tilespmem:s31+$0xFFFFFF60];
	v10 =	vbroadcast v10, $0x0;
	v34 =	vshrl.u32 v12, $0x3;
	v35 =	vmov s3  }
0xd0: {  	s3 =	sadd.s32 $0xFFFFFFFD, s0;
	v14 =	vld.idx.msk [tilespmem:v3+s17+$0x0], $0xffff;
	v11 =	vadd.s32 $0x1, v11;
	v3 =	vshll.u32 v34, v1;
	v36 =	vshrl.u32 v35, $0x3  }
0xd1: {  	v13 =	vld.idx.msk [tilespmem:v2+s17+$0x0], $0xffff;
	v37 =	vmov s3;
	s3 =	sadd.s32 $0xFFFFFFFE, s0;
	v2 =	vbroadcast v11, $0x0;
	v3 =	vadd.s32 $0x2, v3  }
0xd2: {  	v15 =	vld.idx.msk [tilespmem:v4+s17+$0x0], $0xffff;
	v38 =	vshll.u32 v36, v1;
	v39 =	vshrl.u32 v37, $0x3;
	v43 =	vmov s3  }
0xd3: {  	v40 =	vld.idx.msk [tilespmem:v5+s17+$0x0], $0xffff;
	s3 =	sadd.s32 $0xFFFFFFFF, s0;
	v3 =	vbroadcast v3, $0x0;
	v4 =	vadd.s32 $0x3, v38;
	v41 =	vshll.u32 v39, v1  }
0xd4: {  	v42 =	vld.idx.msk [tilespmem:v6+s17+$0x0], $0xffff;
	v6 =	vshrl.u32 v43, $0x3;
	v44 =	vmov s3;
	v4 =	vbroadcast v4, $0x0  }
0xd5: {  	v5 =	vadd.s32 $0x4, v41;
	v16 =	vld.idx.msk [tilespmem:v7+s17+$0x0], $0xffff;
	v6 =	vshll.u32 v6, v1;
	v7 =	vshrl.u32 v44, $0x3  }
0xd6: {  	v5 =	vbroadcast v5, $0x0;
	v8 =	vld.idx.msk [tilespmem:v8+s17+$0x0], $0xffff;
	v6 =	vadd.s32 $0x5, v6;
	v7 =	vshll.u32 v7, v1  }
0xd7: {  	v46 =	vshll.u32 v17, v1;
	v9 =	vld.idx.msk [tilespmem:v9+s17+$0x0], $0xffff;
	v18 =	vbroadcast v6, $0x0;
	v45 =	vadd.s32 $0x6, v7  }
0xd8: {  	v48 =	vadd.s32 $0x7, v46;
	v47 =	vld.idx.msk [tilespmem:v2+s17+$0x0], $0xffff;
	v2 =	vbroadcast v45, $0x0  }
0xd9: {  	v19 =	vbroadcast v48, $0x0;
	v10 =	vld.idx.msk [tilespmem:v10+s17+$0x0], $0xffff  }
0xda: {  	v49 =	vld.idx.msk [tilespmem:v3+s17+$0x0], $0xffff  }
0xdb: {  	v6 =	vld.idx.msk [tilespmem:v4+s17+$0x0], $0xffff  }
0xdc: {  	v5 =	vld.idx.msk [tilespmem:v5+s17+$0x0], $0xffff  }
0xdd: {  	v4 =	vld.idx.msk [tilespmem:v18+s17+$0x0], $0xffff;
	v18 =	vmul.f32 v51, v13  }
0xde: {  	v11 =	vmul.f32 v23, v42;
	v3 =	vld.idx.msk [tilespmem:v2+s17+$0x0], $0xffff  }
0xdf: {  	v2 =	vld.idx.msk [tilespmem:v19+s17+$0x0], $0xffff;
	[tilespmem:s31+$0xFFFFFE10] =	vst v18;
	v18 =	vmul.f32 v52, v13  }
0xe0: {  	v57 =	vld [tilespmem:s31+$0xFFFFFE70];
	[tilespmem:s31+$0xFFFFFF30] =	vst v11;
	v11 =	vmul.f32 v24, v16  }
0xe1: {  	v27 =	vld [tilespmem:s31+$0xFFFFFF70];
	v50 =	vmul.f32 v20, v13;
	v13 =	vmul.f32 v53, v13;
	[tilespmem:s31+$0xFFFFFE20] =	vst v18  }
0xe2: {  	v19 =	vld [tilespmem:s31+$0xFFFFFEF0];
	[tilespmem:s31+$0xFFFFFF40] =	vst v11;
	v11 =	vmul.f32 v25, v16  }
0xe3: {  	v28 =	vld [tilespmem:s31+$0xFFFFFF80];
	[tilespmem:s31+$0xFFFFFE30] =	vst v13;
	v13 =	vmul.f32 v54, v14  }
0xe4: {  	v58 =	vld [tilespmem:s31+$0xFFFFFE80];
	[tilespmem:s31+$0xFFFFFF50] =	vst v11;
	v11 =	vmul.f32 v26, v16  }
0xe5: {  	v29 =	vld [tilespmem:s31+$0xFFFFFF90];
	[tilespmem:s31+$0xFFFFFE40] =	vst v13;
	v13 =	vmul.f32 v55, v14  }
0xe6: {  	v30 =	vld [tilespmem:s31+$0xFFFFFFA0];
	[tilespmem:s31+$0xFFFFFF60] =	vst v11;
	v11 =	vmul.f32 v27, v16  }
0xe7: {  	v31 =	vld [tilespmem:s31+$0xFFFFFFB0];
	v12 =	vmul.f32 v19, v40;
	[tilespmem:s31+$0xFFFFFE50] =	vst v13  }
0xe8: {  	v59 =	vld [tilespmem:s31+$0xFFFFFE90];
	[tilespmem:s31+$0xFFFFFF70] =	vst v11;
	v11 =	vmul.f32 v28, v8  }
0xe9: {  	v32 =	vld [tilespmem:s31+$0xFFFFFFC0];
	v13 =	vmul.f32 v56, v14;
	[tilespmem:s31+$0xFFFFFEF0] =	vst v12  }
0xea: {  	v60 =	vld [tilespmem:s31+$0xFFFFFEA0];
	[tilespmem:s31+$0xFFFFFF80] =	vst v11;
	v11 =	vmul.f32 v29, v8  }
0xeb: {  	v33 =	vld [tilespmem:s31+$0xFFFFFFD0];
	[tilespmem:s31+$0xFFFFFE60] =	vst v13;
	v13 =	vmul.f32 v57, v14  }
0xec: {  	v61 =	vld [tilespmem:s31+$0xFFFFFEB0];
	[tilespmem:s31+$0xFFFFFF90] =	vst v11;
	v11 =	vmul.f32 v30, v8;
	v8 =	vmul.f32 v31, v8  }
0xed: {  	v34 =	vld [tilespmem:s31+$0xFFFFFFE0];
	[tilespmem:s31+$0xFFFFFE70] =	vst v13;
	v13 =	vmul.f32 v58, v15  }
0xee: {  	v62 =	vld [tilespmem:s31+$0xFFFFFEC0];
	[tilespmem:s31+$0xFFFFFFB0] =	vst v8;
	v8 =	vmul.f32 v32, v9  }
0xef: {  	v35 =	vld [tilespmem:s31+$0xFFFFFFF0];
	[tilespmem:s31+$0xFFFFFE80] =	vst v13;
	v13 =	vmul.f32 v59, v15  }
0xf0: {  	v63 =	vld [tilespmem:s31+$0xFFFFFED0];
	[tilespmem:s31+$0xFFFFFFC0] =	vst v8;
	v8 =	vmul.f32 v33, v9  }
0xf1: {  	v36 =	vld [tilespmem:s31+$0x0];
	[tilespmem:s31+$0xFFFFFE90] =	vst v13;
	v13 =	vmul.f32 v60, v15  }
0xf2: {  	v37 =	vld [tilespmem:s31+$0x10];
	[tilespmem:s31+$0xFFFFFFD0] =	vst v8;
	v8 =	vmul.f32 v34, v9  }
0xf3: {  	v20 =	vld [tilespmem:s31+$0xFFFFFF00];
	[tilespmem:s31+$0xFFFFFEA0] =	vst v13;
	v13 =	vmul.f32 v61, v15  }
0xf4: {  	v18 =	vld [tilespmem:s31+$0xFFFFFEE0];
	[tilespmem:s31+$0xFFFFFFE0] =	vst v8;
	v8 =	vmul.f32 v35, v9  }
0xf5: {  	v38 =	vld [tilespmem:s31+$0x20];
	[tilespmem:s31+$0xFFFFFEB0] =	vst v13;
	v13 =	vmul.f32 v62, v40  }
0xf6: {  	v21 =	vld [tilespmem:s31+$0xFFFFFF10];
	[tilespmem:s31+$0xFFFFFFF0] =	vst v8;
	v8 =	vmul.f32 v36, v10  }
0xf7: {  	v39 =	vld [tilespmem:s31+$0x30];
	[tilespmem:s31+$0xFFFFFEC0] =	vst v13;
	v13 =	vmul.f32 v63, v40  }
0xf8: {  	v22 =	vld [tilespmem:s31+$0xFFFFFF20];
	[tilespmem:s31+$0x0] =	vst v8;
	v8 =	vmul.f32 v37, v10  }
0xf9: {  	v12 =	vmul.f32 v20, v42;
	[tilespmem:s31+$0xFFFFFED0] =	vst v13;
	v13 =	vmul.f32 v18, v40;
	v40 =	vld [tilespmem:s31+$0x40]  }
0xfa: {  	[tilespmem:s31+$0x10] =	vst v8;
	v8 =	vmul.f32 v38, v10  }
0xfb: {  	v41 =	vld [tilespmem:s31+$0x50];
	[tilespmem:s31+$0xFFFFFF00] =	vst v12;
	v12 =	vmul.f32 v21, v42  }
0xfc: {  	[tilespmem:s31+$0x20] =	vst v8;
	v8 =	vmul.f32 v39, v10  }
0xfd: {  	[tilespmem:s31+$0xFFFFFF10] =	vst v12;
	v12 =	vmul.f32 v22, v42;
	v42 =	vld [tilespmem:s31+$0x60]  }
0xfe: {  	[tilespmem:s31+$0x30] =	vst v8;
	v8 =	vmul.f32 v40, v47  }
0xff: {  	v43 =	vld [tilespmem:s31+$0x70]  }
0x100: {  	[tilespmem:s31+$0x40] =	vst v8;
	v8 =	vmul.f32 v41, v47  }
0x101: {  	v44 =	vld [tilespmem:s31+$0x80]  }
0x102: {  	[tilespmem:s31+$0x50] =	vst v8;
	v8 =	vmul.f32 v42, v47  }
0x103: {  	v45 =	vld [tilespmem:s31+$0x90]  }
0x104: {  	v46 =	vld [tilespmem:s31+$0xA0];
	[tilespmem:s31+$0x60] =	vst v8;
	v8 =	vmul.f32 v43, v47  }
0x105: {  	v47 =	vld [tilespmem:s31+$0xB0]  }
0x106: {  	[tilespmem:s31+$0x70] =	vst v8;
	v8 =	vmul.f32 v44, v49;
	_ =	sdelay $0x1  }
0x107: {  	v48 =	vld [tilespmem:s31+$0xC0];
	[tilespmem:s31+$0x80] =	vst v8;
	v8 =	vmul.f32 v45, v49;
	_ =	sdelay $0x1  }
0x108: {  	v7 =	vmul.f32 v47, v49;
	[tilespmem:s31+$0x90] =	vst v8;
	v8 =	vmul.f32 v46, v49;
	v49 =	vld [tilespmem:s31+$0xD0]  }
0x109: {  	v51 =	vld [tilespmem:s31+$0xF0]  }
0x10a: {  	[tilespmem:s31+$0xFFFFFE00] =	vst v50;
	v50 =	vld [tilespmem:s31+$0xE0]  }
0x10b: {  	[tilespmem:s31+$0xB0] =	vst v7;
	v7 =	vmul.f32 v48, v6  }
0x10c: {  	v52 =	vld [tilespmem:s31+$0x100]  }
0x10d: {  	[tilespmem:s31+$0xC0] =	vst v7;
	v7 =	vmul.f32 v49, v6  }
0x10e: {  	v53 =	vld [tilespmem:s31+$0x110]  }
0x10f: {  	v54 =	vld [tilespmem:s31+$0x120];
	[tilespmem:s31+$0xD0] =	vst v7;
	v7 =	vmul.f32 v50, v6;
	v6 =	vmul.f32 v51, v6  }
0x110: {  	v55 =	vld [tilespmem:s31+$0x130]  }
0x111: {  	[tilespmem:s31+$0xF0] =	vst v6;
	v6 =	vmul.f32 v52, v5  }
0x112: {  	v56 =	vld [tilespmem:s31+$0x140]  }
0x113: {  	[tilespmem:s31+$0x100] =	vst v6;
	v6 =	vmul.f32 v53, v5  }
0x114: {  	v57 =	vld [tilespmem:s31+$0x150]  }
0x115: {  	v58 =	vld [tilespmem:s31+$0x160];
	[tilespmem:s31+$0x110] =	vst v6;
	v6 =	vmul.f32 v54, v5;
	v5 =	vmul.f32 v55, v5  }
0x116: {  	v59 =	vld [tilespmem:s31+$0x170]  }
0x117: {  	[tilespmem:s31+$0x130] =	vst v5;
	v5 =	vmul.f32 v56, v4  }
0x118: {  	v60 =	vld [tilespmem:s31+$0x180]  }
0x119: {  	[tilespmem:s31+$0x140] =	vst v5;
	v5 =	vmul.f32 v57, v4  }
0x11a: {  	v61 =	vld [tilespmem:s31+$0x190]  }
0x11b: {  	v62 =	vld [tilespmem:s31+$0x1A0];
	[tilespmem:s31+$0x150] =	vst v5;
	v5 =	vmul.f32 v58, v4;
	v4 =	vmul.f32 v59, v4  }
0x11c: {  	v63 =	vld [tilespmem:s31+$0x1B0]  }
0x11d: {  	[tilespmem:s31+$0x170] =	vst v4;
	v4 =	vmul.f32 v60, v3;
	_ =	sdelay $0x1  }
0x11e: {  	[tilespmem:s31+$0x180] =	vst v4;
	v4 =	vmul.f32 v61, v3;
	_ =	sdelay $0x1  }
0x11f: {  	[tilespmem:s31+$0x190] =	vst v4;
	v4 =	vmul.f32 v62, v3;
	v3 =	vmul.f32 v63, v3;
	_ =	sdelay $0x1  }
0x120: {  	[tilespmem:s31+$0x1B0] =	vst v3;
	v3 =	vld [tilespmem:s31+$0x1C0];
	_ =	sdelay $0x4  }
0x121: {  	v3 =	vmul.f32 v3, v2;
	_ =	sdelay $0x1  }
0x122: {  	[tilespmem:s31+$0x1C0] =	vst v3;
	v3 =	vld [tilespmem:s31+$0x1D0];
	_ =	sdelay $0x4  }
0x123: {  	v3 =	vmul.f32 v3, v2;
	_ =	sdelay $0x1  }
0x124: {  	[tilespmem:s31+$0x1D0] =	vst v3;
	v3 =	vld [tilespmem:s31+$0x1E0];
	_ =	sdelay $0x4  }
0x125: {  	[tilespmem:s31+$0xFFFFFF20] =	vst v12;
	v3 =	vmul.f32 v3, v2  }
0x126: {  	[tilespmem:s31+$0xFFFFFFA0] =	vst v11  }
0x127: {  	[tilespmem:s31+$0x1E0] =	vst v3;
	v3 =	vld [tilespmem:s31+$0x1F0]  }
0x128: {  	[tilespmem:s31+$0xFFFFFEE0] =	vst v13  }
0x129: {  	p1 =	sne.s32 s30, $0x7F;
	[tilespmem:s31+$0xA0] =	vst v8  }
.Ltmp4:
0x12a: {  	[tilespmem:s31+$0xE0] =	vst v7;
	(pc) =	sbr.rel @p1 .LBB2_7-.Ltmp4, $4  }
0x12b: {  	[tilespmem:s31+$0x120] =	vst v6  }
0x12c: {  	[tilespmem:s31+$0x160] =	vst v5;
	v2 =	vmul.f32 v3, v2  }
0x12d: {  	[tilespmem:s31+$0x1A0] =	vst v4  }
0x12e: {  	s30 =	sadd.s32 $0x10, s30;
	[tilespmem:s31+$0x1F0] =	vst v2;
	s31 =	sadd.s32 $0x400, s31  }
.Ltmp5:
0x12f: {  	s0 =	sadd.s32 $0x4F00, s29;
	(pc) =	sbr.rel @p0 .LBB2_10-.Ltmp5, $4  }
0x130: {  	[spmem:s2] =	stream.indirect.scatter.add.f32 [tilespmem:s22], [sflag:$0x3], $0x40, s0, s20, $0xb8;
	[tilespmem:$0x1CD00] =	vst v63  }
0x131: {  	_ =	swait.ge [sflag:s15], $0x2000  }
0x132: {  	[sflag:s15] =	ssyncset.done $0x0  }
0x133: {  	[sflag:s15] =	ssyncadd.s32 $0xFFFFE000  }
.Ltmp6:
0x134: {  	(pc) =	sbr.rel .LBB2_4-.Ltmp6, $3  }
0x135: {  	_ =	sdelay $0x1  }
0x136: {  	s0 =	sadd.s32 $0x180, s28;
	s26 =	sadd.s32 $0x1, s26  }
0x137: {  	[tilespmem:s22], [sflag:$0x2] =	stream.indirect.gather [hbm4b:s5+s20], $0x40, s0, s20, $0xb8;
	[tilespmem:$0x1CD00] =	vst v63  }
.LBB2_10:
0x138: {  	[bflag:$0x0] =	sbarrier.arrive $0xFFFF  }
0x139: {  	[hbm:s11], [sflag:s18] =	dma.local [spmem:s19], $0x1400  }
0x13a: {  	_ =	swait.ge [sflag:s15], $0x1400  }
0x13b: {  	[sflag:s15] =	ssyncset.done $0x0  }
0x13c: {  	[sflag:s15] =	ssyncadd.s32 $0xFFFFEC00  }
0x13d: {  	[bflag:$0x0] =	sbarrier.arrive $0xFFFF  }
0x13e: {  	[spmem:s19], [sflag:s18] =	dma.local [hbm:s1], $0x1400  }
0x13f: {  	_ =	swait.ge [sflag:s15], $0x1400  }
0x140: {  	[sflag:s15] =	ssyncset.done $0x0  }
0x141: {  	[sflag:s15] =	ssyncadd.s32 $0xFFFFEC00  }
0x142: {  	s26 =	simm.s32 $0x0;
	[bflag:$0x0] =	sbarrier.arrive $0xFFFF  }
0x143: {  	[tilespmem:s21], [sflag:$0x1] =	stream.indirect.gather [hbm4b:s6+s20], $0x40, s26, s20, $0xb8;
	[tilespmem:$0x1CD00] =	vst v63  }
0x144: {  	_ = 	snop  }
0x145: {  	[tilespmem:s22], [sflag:$0x2] =	stream.indirect.gather [hbm4b:s6+s20], $0x40, s20, s20, $0xb8;
	[tilespmem:$0x1CD00] =	vst v63  }
.LBB2_11:
0x146: {  	_ =	swait.ge [sflag:s23], $0x2000  }
0x147: {  	s29 =	sshll.u32 s26, $0x8;
	[sflag:s23] =	ssyncset.done $0x0  }
0x148: {  	s28 =	simm.s32 $0xF;
	s30 =	simm.s32 $0xEF00;
	[sflag:s23] =	ssyncadd.s32 $0xFFFFE000  }
.LBB2_12:
0x149: {  	s0 =	sadd.s32 s29, s28  }
0x14a: {  	s3 =	sadd.s32 $0xFFFFFFF1, s0;
	s31 =	sadd.s32 $0xFFFFFFF2, s0  }
0x14b: {  	v17 =	vmov s0;
	v2 =	vmov s3;
	v3 =	vmov s31  }
0x14c: {  	s31 =	sadd.s32 $0xFFFFFFF3, s0;
	v17 =	vshrl.u32 v17, $0x3;
	v2 =	vshrl.u32 v2, $0x3;
	v3 =	vshrl.u32 v3, $0x3  }
0x14d: {  	v4 =	vmov s31;
	s31 =	sadd.s32 $0xFFFFFFF4, s0;
	v2 =	vshll.u32 v2, v1;
	v3 =	vshll.u32 v3, v1  }
0x14e: {  	v4 =	vshrl.u32 v4, $0x3;
	v5 =	vmov s31;
	v2 =	vbroadcast v2, $0x0  }
0x14f: {  	s31 =	sadd.s32 $0xFFFFFFF5, s0;
	v3 =	vadd.s32 $0x1, v3;
	v4 =	vshll.u32 v4, v1;
	v5 =	vshrl.u32 v5, $0x3  }
0x150: {  	v6 =	vmov s31;
	s31 =	sadd.s32 $0xFFFFFFF6, s0;
	v3 =	vbroadcast v3, $0x0;
	v4 =	vadd.s32 $0x2, v4  }
0x151: {  	v20 =	vld [tilespmem:s30+$0xFFFFFE00];
	v5 =	vshll.u32 v5, v1;
	v6 =	vshrl.u32 v6, $0x3;
	v7 =	vmov s31  }
0x152: {  	v51 =	vld [tilespmem:s30+$0xFFFFFE10];
	s31 =	sadd.s32 $0xFFFFFFF7, s0;
	v4 =	vbroadcast v4, $0x0;
	v5 =	vadd.s32 $0x3, v5;
	v6 =	vshll.u32 v6, v1  }
0x153: {  	v52 =	vld [tilespmem:s30+$0xFFFFFE20];
	v7 =	vshrl.u32 v7, $0x3;
	v8 =	vmov s31;
	v5 =	vbroadcast v5, $0x0  }
0x154: {  	v53 =	vld [tilespmem:s30+$0xFFFFFE30];
	s31 =	sadd.s32 $0xFFFFFFF8, s0;
	v6 =	vadd.s32 $0x4, v6;
	v7 =	vshll.u32 v7, v1;
	v8 =	vshrl.u32 v8, $0x3  }
0x155: {  	v54 =	vld [tilespmem:s30+$0xFFFFFE40];
	v9 =	vmov s31;
	s31 =	sadd.s32 $0xFFFFFFF9, s0;
	v6 =	vbroadcast v6, $0x0;
	v7 =	vadd.s32 $0x5, v7  }
0x156: {  	v55 =	vld [tilespmem:s30+$0xFFFFFE50];
	v8 =	vshll.u32 v8, v1;
	v9 =	vshrl.u32 v9, $0x3;
	v10 =	vmov s31  }
0x157: {  	v56 =	vld [tilespmem:s30+$0xFFFFFE60];
	s31 =	sadd.s32 $0xFFFFFFFA, s0;
	v7 =	vbroadcast v7, $0x0;
	v8 =	vadd.s32 $0x6, v8;
	v9 =	vshll.u32 v9, v1  }
0x158: {  	v23 =	vld [tilespmem:s30+$0xFFFFFF30];
	v11 =	vmov s31;
	v10 =	vshrl.u32 v10, $0x3;
	v8 =	vbroadcast v8, $0x0  }
0x159: {  	v24 =	vld [tilespmem:s30+$0xFFFFFF40];
	s31 =	sadd.s32 $0xFFFFFFFB, s0;
	v9 =	vadd.s32 $0x7, v9;
	v11 =	vshrl.u32 v11, $0x3;
	v10 =	vshll.u32 v10, v1  }
0x15a: {  	v25 =	vld [tilespmem:s30+$0xFFFFFF50];
	v12 =	vmov s31;
	s31 =	sadd.s32 $0xFFFFFFFC, s0;
	v9 =	vbroadcast v9, $0x0;
	v11 =	vshll.u32 v11, v1  }
0x15b: {  	v26 =	vld [tilespmem:s30+$0xFFFFFF60];
	v10 =	vbroadcast v10, $0x0;
	v34 =	vshrl.u32 v12, $0x3;
	v35 =	vmov s31  }
0x15c: {  	s31 =	sadd.s32 $0xFFFFFFFD, s0;
	v14 =	vld.idx.msk [tilespmem:v3+s17+$0x0], $0xffff;
	v11 =	vadd.s32 $0x1, v11;
	v3 =	vshll.u32 v34, v1;
	v36 =	vshrl.u32 v35, $0x3  }
0x15d: {  	v13 =	vld.idx.msk [tilespmem:v2+s17+$0x0], $0xffff;
	v37 =	vmov s31;
	s31 =	sadd.s32 $0xFFFFFFFE, s0;
	v2 =	vbroadcast v11, $0x0;
	v3 =	vadd.s32 $0x2, v3  }
0x15e: {  	v15 =	vld.idx.msk [tilespmem:v4+s17+$0x0], $0xffff;
	v38 =	vshll.u32 v36, v1;
	v39 =	vshrl.u32 v37, $0x3;
	v43 =	vmov s31  }
0x15f: {  	v40 =	vld.idx.msk [tilespmem:v5+s17+$0x0], $0xffff;
	s31 =	sadd.s32 $0xFFFFFFFF, s0;
	v3 =	vbroadcast v3, $0x0;
	v4 =	vadd.s32 $0x3, v38;
	v41 =	vshll.u32 v39, v1  }
0x160: {  	v42 =	vld.idx.msk [tilespmem:v6+s17+$0x0], $0xffff;
	v6 =	vshrl.u32 v43, $0x3;
	v44 =	vmov s31;
	v4 =	vbroadcast v4, $0x0  }
0x161: {  	v5 =	vadd.s32 $0x4, v41;
	v16 =	vld.idx.msk [tilespmem:v7+s17+$0x0], $0xffff;
	v6 =	vshll.u32 v6, v1;
	v7 =	vshrl.u32 v44, $0x3  }
0x162: {  	v5 =	vbroadcast v5, $0x0;
	v8 =	vld.idx.msk [tilespmem:v8+s17+$0x0], $0xffff;
	v6 =	vadd.s32 $0x5, v6;
	v7 =	vshll.u32 v7, v1  }
0x163: {  	v46 =	vshll.u32 v17, v1;
	v9 =	vld.idx.msk [tilespmem:v9+s17+$0x0], $0xffff;
	v18 =	vbroadcast v6, $0x0;
	v45 =	vadd.s32 $0x6, v7  }
0x164: {  	v48 =	vadd.s32 $0x7, v46;
	v47 =	vld.idx.msk [tilespmem:v2+s17+$0x0], $0xffff;
	v2 =	vbroadcast v45, $0x0  }
0x165: {  	v19 =	vbroadcast v48, $0x0;
	v10 =	vld.idx.msk [tilespmem:v10+s17+$0x0], $0xffff  }
0x166: {  	v49 =	vld.idx.msk [tilespmem:v3+s17+$0x0], $0xffff  }
0x167: {  	v6 =	vld.idx.msk [tilespmem:v4+s17+$0x0], $0xffff  }
0x168: {  	v5 =	vld.idx.msk [tilespmem:v5+s17+$0x0], $0xffff  }
0x169: {  	v4 =	vld.idx.msk [tilespmem:v18+s17+$0x0], $0xffff;
	v18 =	vmul.f32 v51, v13  }
0x16a: {  	v11 =	vmul.f32 v23, v42;
	v3 =	vld.idx.msk [tilespmem:v2+s17+$0x0], $0xffff  }
0x16b: {  	v2 =	vld.idx.msk [tilespmem:v19+s17+$0x0], $0xffff;
	[tilespmem:s30+$0xFFFFFE10] =	vst v18;
	v18 =	vmul.f32 v52, v13  }
0x16c: {  	v57 =	vld [tilespmem:s30+$0xFFFFFE70];
	[tilespmem:s30+$0xFFFFFF30] =	vst v11;
	v11 =	vmul.f32 v24, v16  }
0x16d: {  	v27 =	vld [tilespmem:s30+$0xFFFFFF70];
	v50 =	vmul.f32 v20, v13;
	v13 =	vmul.f32 v53, v13;
	[tilespmem:s30+$0xFFFFFE20] =	vst v18  }
0x16e: {  	v19 =	vld [tilespmem:s30+$0xFFFFFEF0];
	[tilespmem:s30+$0xFFFFFF40] =	vst v11;
	v11 =	vmul.f32 v25, v16  }
0x16f: {  	v28 =	vld [tilespmem:s30+$0xFFFFFF80];
	[tilespmem:s30+$0xFFFFFE30] =	vst v13;
	v13 =	vmul.f32 v54, v14  }
0x170: {  	v58 =	vld [tilespmem:s30+$0xFFFFFE80];
	[tilespmem:s30+$0xFFFFFF50] =	vst v11;
	v11 =	vmul.f32 v26, v16  }
0x171: {  	v29 =	vld [tilespmem:s30+$0xFFFFFF90];
	[tilespmem:s30+$0xFFFFFE40] =	vst v13;
	v13 =	vmul.f32 v55, v14  }
0x172: {  	v30 =	vld [tilespmem:s30+$0xFFFFFFA0];
	[tilespmem:s30+$0xFFFFFF60] =	vst v11;
	v11 =	vmul.f32 v27, v16  }
0x173: {  	v31 =	vld [tilespmem:s30+$0xFFFFFFB0];
	v12 =	vmul.f32 v19, v40;
	[tilespmem:s30+$0xFFFFFE50] =	vst v13  }
0x174: {  	v59 =	vld [tilespmem:s30+$0xFFFFFE90];
	[tilespmem:s30+$0xFFFFFF70] =	vst v11;
	v11 =	vmul.f32 v28, v8  }
0x175: {  	v32 =	vld [tilespmem:s30+$0xFFFFFFC0];
	v13 =	vmul.f32 v56, v14;
	[tilespmem:s30+$0xFFFFFEF0] =	vst v12  }
0x176: {  	v60 =	vld [tilespmem:s30+$0xFFFFFEA0];
	[tilespmem:s30+$0xFFFFFF80] =	vst v11;
	v11 =	vmul.f32 v29, v8  }
0x177: {  	v33 =	vld [tilespmem:s30+$0xFFFFFFD0];
	[tilespmem:s30+$0xFFFFFE60] =	vst v13;
	v13 =	vmul.f32 v57, v14  }
0x178: {  	v61 =	vld [tilespmem:s30+$0xFFFFFEB0];
	[tilespmem:s30+$0xFFFFFF90] =	vst v11;
	v11 =	vmul.f32 v30, v8;
	v8 =	vmul.f32 v31, v8  }
0x179: {  	v34 =	vld [tilespmem:s30+$0xFFFFFFE0];
	[tilespmem:s30+$0xFFFFFE70] =	vst v13;
	v13 =	vmul.f32 v58, v15  }
0x17a: {  	v62 =	vld [tilespmem:s30+$0xFFFFFEC0];
	[tilespmem:s30+$0xFFFFFFB0] =	vst v8;
	v8 =	vmul.f32 v32, v9  }
0x17b: {  	v35 =	vld [tilespmem:s30+$0xFFFFFFF0];
	[tilespmem:s30+$0xFFFFFE80] =	vst v13;
	v13 =	vmul.f32 v59, v15  }
0x17c: {  	v63 =	vld [tilespmem:s30+$0xFFFFFED0];
	[tilespmem:s30+$0xFFFFFFC0] =	vst v8;
	v8 =	vmul.f32 v33, v9  }
0x17d: {  	v36 =	vld [tilespmem:s30+$0x0];
	[tilespmem:s30+$0xFFFFFE90] =	vst v13;
	v13 =	vmul.f32 v60, v15  }
0x17e: {  	v37 =	vld [tilespmem:s30+$0x10];
	[tilespmem:s30+$0xFFFFFFD0] =	vst v8;
	v8 =	vmul.f32 v34, v9  }
0x17f: {  	v20 =	vld [tilespmem:s30+$0xFFFFFF00];
	[tilespmem:s30+$0xFFFFFEA0] =	vst v13;
	v13 =	vmul.f32 v61, v15  }
0x180: {  	v18 =	vld [tilespmem:s30+$0xFFFFFEE0];
	[tilespmem:s30+$0xFFFFFFE0] =	vst v8;
	v8 =	vmul.f32 v35, v9  }
0x181: {  	v38 =	vld [tilespmem:s30+$0x20];
	[tilespmem:s30+$0xFFFFFEB0] =	vst v13;
	v13 =	vmul.f32 v62, v40  }
0x182: {  	v21 =	vld [tilespmem:s30+$0xFFFFFF10];
	[tilespmem:s30+$0xFFFFFFF0] =	vst v8;
	v8 =	vmul.f32 v36, v10  }
0x183: {  	v39 =	vld [tilespmem:s30+$0x30];
	[tilespmem:s30+$0xFFFFFEC0] =	vst v13;
	v13 =	vmul.f32 v63, v40  }
0x184: {  	v22 =	vld [tilespmem:s30+$0xFFFFFF20];
	[tilespmem:s30+$0x0] =	vst v8;
	v8 =	vmul.f32 v37, v10  }
0x185: {  	v12 =	vmul.f32 v20, v42;
	[tilespmem:s30+$0xFFFFFED0] =	vst v13;
	v13 =	vmul.f32 v18, v40;
	v40 =	vld [tilespmem:s30+$0x40]  }
0x186: {  	[tilespmem:s30+$0x10] =	vst v8;
	v8 =	vmul.f32 v38, v10  }
0x187: {  	v41 =	vld [tilespmem:s30+$0x50];
	[tilespmem:s30+$0xFFFFFF00] =	vst v12;
	v12 =	vmul.f32 v21, v42  }
0x188: {  	[tilespmem:s30+$0x20] =	vst v8;
	v8 =	vmul.f32 v39, v10  }
0x189: {  	[tilespmem:s30+$0xFFFFFF10] =	vst v12;
	v12 =	vmul.f32 v22, v42;
	v42 =	vld [tilespmem:s30+$0x60]  }
0x18a: {  	[tilespmem:s30+$0x30] =	vst v8;
	v8 =	vmul.f32 v40, v47  }
0x18b: {  	v43 =	vld [tilespmem:s30+$0x70]  }
0x18c: {  	[tilespmem:s30+$0x40] =	vst v8;
	v8 =	vmul.f32 v41, v47  }
0x18d: {  	v44 =	vld [tilespmem:s30+$0x80]  }
0x18e: {  	[tilespmem:s30+$0x50] =	vst v8;
	v8 =	vmul.f32 v42, v47  }
0x18f: {  	v45 =	vld [tilespmem:s30+$0x90]  }
0x190: {  	v46 =	vld [tilespmem:s30+$0xA0];
	[tilespmem:s30+$0x60] =	vst v8;
	v8 =	vmul.f32 v43, v47  }
0x191: {  	v47 =	vld [tilespmem:s30+$0xB0]  }
0x192: {  	[tilespmem:s30+$0x70] =	vst v8;
	v8 =	vmul.f32 v44, v49;
	_ =	sdelay $0x1  }
0x193: {  	v48 =	vld [tilespmem:s30+$0xC0];
	[tilespmem:s30+$0x80] =	vst v8;
	v8 =	vmul.f32 v45, v49;
	_ =	sdelay $0x1  }
0x194: {  	v7 =	vmul.f32 v47, v49;
	[tilespmem:s30+$0x90] =	vst v8;
	v8 =	vmul.f32 v46, v49;
	v49 =	vld [tilespmem:s30+$0xD0]  }
0x195: {  	v51 =	vld [tilespmem:s30+$0xF0]  }
0x196: {  	[tilespmem:s30+$0xFFFFFE00] =	vst v50;
	v50 =	vld [tilespmem:s30+$0xE0]  }
0x197: {  	[tilespmem:s30+$0xB0] =	vst v7;
	v7 =	vmul.f32 v48, v6  }
0x198: {  	v52 =	vld [tilespmem:s30+$0x100]  }
0x199: {  	[tilespmem:s30+$0xC0] =	vst v7;
	v7 =	vmul.f32 v49, v6  }
0x19a: {  	v53 =	vld [tilespmem:s30+$0x110]  }
0x19b: {  	v54 =	vld [tilespmem:s30+$0x120];
	[tilespmem:s30+$0xD0] =	vst v7;
	v7 =	vmul.f32 v50, v6;
	v6 =	vmul.f32 v51, v6  }
0x19c: {  	v55 =	vld [tilespmem:s30+$0x130]  }
0x19d: {  	[tilespmem:s30+$0xF0] =	vst v6;
	v6 =	vmul.f32 v52, v5  }
0x19e: {  	v56 =	vld [tilespmem:s30+$0x140]  }
0x19f: {  	[tilespmem:s30+$0x100] =	vst v6;
	v6 =	vmul.f32 v53, v5  }
0x1a0: {  	v57 =	vld [tilespmem:s30+$0x150]  }
0x1a1: {  	v58 =	vld [tilespmem:s30+$0x160];
	[tilespmem:s30+$0x110] =	vst v6;
	v6 =	vmul.f32 v54, v5;
	v5 =	vmul.f32 v55, v5  }
0x1a2: {  	v59 =	vld [tilespmem:s30+$0x170]  }
0x1a3: {  	[tilespmem:s30+$0x130] =	vst v5;
	v5 =	vmul.f32 v56, v4  }
0x1a4: {  	v60 =	vld [tilespmem:s30+$0x180]  }
0x1a5: {  	[tilespmem:s30+$0x140] =	vst v5;
	v5 =	vmul.f32 v57, v4  }
0x1a6: {  	v61 =	vld [tilespmem:s30+$0x190]  }
0x1a7: {  	v62 =	vld [tilespmem:s30+$0x1A0];
	[tilespmem:s30+$0x150] =	vst v5;
	v5 =	vmul.f32 v58, v4;
	v4 =	vmul.f32 v59, v4  }
0x1a8: {  	v63 =	vld [tilespmem:s30+$0x1B0]  }
0x1a9: {  	[tilespmem:s30+$0x170] =	vst v4;
	v4 =	vmul.f32 v60, v3;
	_ =	sdelay $0x1  }
0x1aa: {  	[tilespmem:s30+$0x180] =	vst v4;
	v4 =	vmul.f32 v61, v3;
	_ =	sdelay $0x1  }
0x1ab: {  	[tilespmem:s30+$0x190] =	vst v4;
	v4 =	vmul.f32 v62, v3;
	v3 =	vmul.f32 v63, v3;
	_ =	sdelay $0x1  }
0x1ac: {  	[tilespmem:s30+$0x1B0] =	vst v3;
	v3 =	vld [tilespmem:s30+$0x1C0];
	_ =	sdelay $0x4  }
0x1ad: {  	v3 =	vmul.f32 v3, v2;
	_ =	sdelay $0x1  }
0x1ae: {  	[tilespmem:s30+$0x1C0] =	vst v3;
	v3 =	vld [tilespmem:s30+$0x1D0];
	_ =	sdelay $0x4  }
0x1af: {  	v3 =	vmul.f32 v3, v2;
	_ =	sdelay $0x1  }
0x1b0: {  	[tilespmem:s30+$0x1D0] =	vst v3;
	v3 =	vld [tilespmem:s30+$0x1E0];
	_ =	sdelay $0x4  }
0x1b1: {  	[tilespmem:s30+$0xFFFFFF20] =	vst v12;
	v3 =	vmul.f32 v3, v2  }
0x1b2: {  	[tilespmem:s30+$0xFFFFFFA0] =	vst v11  }
0x1b3: {  	[tilespmem:s30+$0x1E0] =	vst v3;
	v3 =	vld [tilespmem:s30+$0x1F0]  }
0x1b4: {  	[tilespmem:s30+$0xFFFFFEE0] =	vst v13  }
0x1b5: {  	p0 =	sne.s32 s28, $0x7F;
	[tilespmem:s30+$0xA0] =	vst v8  }
.Ltmp7:
0x1b6: {  	[tilespmem:s30+$0xE0] =	vst v7;
	(pc) =	sbr.rel @p0 .LBB2_12-.Ltmp7, $4  }
0x1b7: {  	[tilespmem:s30+$0x120] =	vst v6  }
0x1b8: {  	[tilespmem:s30+$0x160] =	vst v5;
	v2 =	vmul.f32 v3, v2  }
0x1b9: {  	[tilespmem:s30+$0x1A0] =	vst v4  }
0x1ba: {  	s28 =	sadd.s32 $0x10, s28;
	[tilespmem:s30+$0x1F0] =	vst v2;
	s30 =	sadd.s32 $0x400, s30  }
0x1bb: {  	s0 =	sshll.u32 s26, $0xA  }
0x1bc: {  	s28 =	sshrl.u32 s0, $0x2  }
0x1bd: {  	s3 =	sadd.s32 $0x4F00, s28  }
0x1be: {  	[spmem:s2] =	stream.indirect.scatter.add.f32 [tilespmem:s21], [sflag:$0x3], $0x40, s3, s20, $0xb8;
	[tilespmem:$0x1CD00] =	vst v63  }
0x1bf: {  	p0 =	seq.s32 s26, $0x4E;
	_ =	swait.ge [sflag:s15], $0x2000  }
0x1c0: {  	s0 =	sshrl.u32 @!p0 s0, $0x2;
	s30 =	simm.s32 @!p0 $0xED00;
	[sflag:s15] =	ssyncset.done $0x0  }
0x1c1: {  	s0 =	sadd.s32 @!p0 $0x100, s0;
	s3 =	simm.s32 @!p0 $0x80;
	[sflag:s15] =	ssyncadd.s32 $0xFFFFE000  }
0x1c2: {  	[tilespmem:s30], [sflag:$0x1] =	stream.indirect.gather @!p0 [hbm4b:s6+s3], $0x40, s0, s3, $0xb8;
	[tilespmem:$0x1CD00] =	vst v63  }
0x1c3: {  	_ =	swait.ge [sflag:s24], $0x2000  }
0x1c4: {  	s29 =	sor.u32 $0x80, s29;
	[sflag:s24] =	ssyncset.done $0x0  }
0x1c5: {  	s31 =	simm.s32 $0x10F00;
	s30 =	simm.s32 $0xF;
	[sflag:s24] =	ssyncadd.s32 $0xFFFFE000  }
.LBB2_14:
0x1c6: {  	s0 =	sadd.s32 s29, s30  }
0x1c7: {  	s3 =	sadd.s32 $0xFFFFFFF1, s0  }
0x1c8: {  	v2 =	vmov s3  }
0x1c9: {  	v17 =	vmov s0;
	s3 =	sadd.s32 $0xFFFFFFF2, s0;
	v2 =	vshrl.u32 v2, $0x3  }
0x1ca: {  	v17 =	vshrl.u32 v17, $0x3;
	v3 =	vmov s3;
	s3 =	sadd.s32 $0xFFFFFFF3, s0;
	v2 =	vshll.u32 v2, v1  }
0x1cb: {  	v3 =	vshrl.u32 v3, $0x3;
	v4 =	vmov s3;
	s3 =	sadd.s32 $0xFFFFFFF4, s0;
	v2 =	vbroadcast v2, $0x0  }
0x1cc: {  	v3 =	vshll.u32 v3, v1;
	v4 =	vshrl.u32 v4, $0x3;
	v5 =	vmov s3  }
0x1cd: {  	s3 =	sadd.s32 $0xFFFFFFF5, s0;
	v3 =	vadd.s32 $0x1, v3;
	v4 =	vshll.u32 v4, v1;
	v5 =	vshrl.u32 v5, $0x3  }
0x1ce: {  	v6 =	vmov s3;
	s3 =	sadd.s32 $0xFFFFFFF6, s0;
	v3 =	vbroadcast v3, $0x0;
	v4 =	vadd.s32 $0x2, v4  }
0x1cf: {  	v20 =	vld [tilespmem:s31+$0xFFFFFE00];
	v5 =	vshll.u32 v5, v1;
	v6 =	vshrl.u32 v6, $0x3;
	v7 =	vmov s3  }
0x1d0: {  	v51 =	vld [tilespmem:s31+$0xFFFFFE10];
	s3 =	sadd.s32 $0xFFFFFFF7, s0;
	v4 =	vbroadcast v4, $0x0;
	v5 =	vadd.s32 $0x3, v5;
	v6 =	vshll.u32 v6, v1  }
0x1d1: {  	v52 =	vld [tilespmem:s31+$0xFFFFFE20];
	v7 =	vshrl.u32 v7, $0x3;
	v8 =	vmov s3;
	v5 =	vbroadcast v5, $0x0  }
0x1d2: {  	v53 =	vld [tilespmem:s31+$0xFFFFFE30];
	s3 =	sadd.s32 $0xFFFFFFF8, s0;
	v6 =	vadd.s32 $0x4, v6;
	v7 =	vshll.u32 v7, v1;
	v8 =	vshrl.u32 v8, $0x3  }
0x1d3: {  	v54 =	vld [tilespmem:s31+$0xFFFFFE40];
	v9 =	vmov s3;
	s3 =	sadd.s32 $0xFFFFFFF9, s0;
	v6 =	vbroadcast v6, $0x0;
	v7 =	vadd.s32 $0x5, v7  }
0x1d4: {  	v55 =	vld [tilespmem:s31+$0xFFFFFE50];
	v8 =	vshll.u32 v8, v1;
	v9 =	vshrl.u32 v9, $0x3;
	v10 =	vmov s3  }
0x1d5: {  	v56 =	vld [tilespmem:s31+$0xFFFFFE60];
	s3 =	sadd.s32 $0xFFFFFFFA, s0;
	v7 =	vbroadcast v7, $0x0;
	v8 =	vadd.s32 $0x6, v8;
	v9 =	vshll.u32 v9, v1  }
0x1d6: {  	v23 =	vld [tilespmem:s31+$0xFFFFFF30];
	v11 =	vmov s3;
	v10 =	vshrl.u32 v10, $0x3;
	v8 =	vbroadcast v8, $0x0  }
0x1d7: {  	v24 =	vld [tilespmem:s31+$0xFFFFFF40];
	s3 =	sadd.s32 $0xFFFFFFFB, s0;
	v9 =	vadd.s32 $0x7, v9;
	v11 =	vshrl.u32 v11, $0x3;
	v10 =	vshll.u32 v10, v1  }
0x1d8: {  	v25 =	vld [tilespmem:s31+$0xFFFFFF50];
	v12 =	vmov s3;
	s3 =	sadd.s32 $0xFFFFFFFC, s0;
	v9 =	vbroadcast v9, $0x0;
	v11 =	vshll.u32 v11, v1  }
0x1d9: {  	v26 =	vld [tilespmem:s31+$0xFFFFFF60];
	v10 =	vbroadcast v10, $0x0;
	v34 =	vshrl.u32 v12, $0x3;
	v35 =	vmov s3  }
0x1da: {  	s3 =	sadd.s32 $0xFFFFFFFD, s0;
	v14 =	vld.idx.msk [tilespmem:v3+s17+$0x0], $0xffff;
	v11 =	vadd.s32 $0x1, v11;
	v3 =	vshll.u32 v34, v1;
	v36 =	vshrl.u32 v35, $0x3  }
0x1db: {  	v13 =	vld.idx.msk [tilespmem:v2+s17+$0x0], $0xffff;
	v37 =	vmov s3;
	s3 =	sadd.s32 $0xFFFFFFFE, s0;
	v2 =	vbroadcast v11, $0x0;
	v3 =	vadd.s32 $0x2, v3  }
0x1dc: {  	v15 =	vld.idx.msk [tilespmem:v4+s17+$0x0], $0xffff;
	v38 =	vshll.u32 v36, v1;
	v39 =	vshrl.u32 v37, $0x3;
	v43 =	vmov s3  }
0x1dd: {  	v40 =	vld.idx.msk [tilespmem:v5+s17+$0x0], $0xffff;
	s3 =	sadd.s32 $0xFFFFFFFF, s0;
	v3 =	vbroadcast v3, $0x0;
	v4 =	vadd.s32 $0x3, v38;
	v41 =	vshll.u32 v39, v1  }
0x1de: {  	v42 =	vld.idx.msk [tilespmem:v6+s17+$0x0], $0xffff;
	v6 =	vshrl.u32 v43, $0x3;
	v44 =	vmov s3;
	v4 =	vbroadcast v4, $0x0  }
0x1df: {  	v5 =	vadd.s32 $0x4, v41;
	v16 =	vld.idx.msk [tilespmem:v7+s17+$0x0], $0xffff;
	v6 =	vshll.u32 v6, v1;
	v7 =	vshrl.u32 v44, $0x3  }
0x1e0: {  	v5 =	vbroadcast v5, $0x0;
	v8 =	vld.idx.msk [tilespmem:v8+s17+$0x0], $0xffff;
	v6 =	vadd.s32 $0x5, v6;
	v7 =	vshll.u32 v7, v1  }
0x1e1: {  	v46 =	vshll.u32 v17, v1;
	v9 =	vld.idx.msk [tilespmem:v9+s17+$0x0], $0xffff;
	v18 =	vbroadcast v6, $0x0;
	v45 =	vadd.s32 $0x6, v7  }
0x1e2: {  	v48 =	vadd.s32 $0x7, v46;
	v47 =	vld.idx.msk [tilespmem:v2+s17+$0x0], $0xffff;
	v2 =	vbroadcast v45, $0x0  }
0x1e3: {  	v19 =	vbroadcast v48, $0x0;
	v10 =	vld.idx.msk [tilespmem:v10+s17+$0x0], $0xffff  }
0x1e4: {  	v49 =	vld.idx.msk [tilespmem:v3+s17+$0x0], $0xffff  }
0x1e5: {  	v6 =	vld.idx.msk [tilespmem:v4+s17+$0x0], $0xffff  }
0x1e6: {  	v5 =	vld.idx.msk [tilespmem:v5+s17+$0x0], $0xffff  }
0x1e7: {  	v4 =	vld.idx.msk [tilespmem:v18+s17+$0x0], $0xffff;
	v18 =	vmul.f32 v51, v13  }
0x1e8: {  	v11 =	vmul.f32 v23, v42;
	v3 =	vld.idx.msk [tilespmem:v2+s17+$0x0], $0xffff  }
0x1e9: {  	v2 =	vld.idx.msk [tilespmem:v19+s17+$0x0], $0xffff;
	[tilespmem:s31+$0xFFFFFE10] =	vst v18;
	v18 =	vmul.f32 v52, v13  }
0x1ea: {  	v57 =	vld [tilespmem:s31+$0xFFFFFE70];
	[tilespmem:s31+$0xFFFFFF30] =	vst v11;
	v11 =	vmul.f32 v24, v16  }
0x1eb: {  	v27 =	vld [tilespmem:s31+$0xFFFFFF70];
	v50 =	vmul.f32 v20, v13;
	v13 =	vmul.f32 v53, v13;
	[tilespmem:s31+$0xFFFFFE20] =	vst v18  }
0x1ec: {  	v19 =	vld [tilespmem:s31+$0xFFFFFEF0];
	[tilespmem:s31+$0xFFFFFF40] =	vst v11;
	v11 =	vmul.f32 v25, v16  }
0x1ed: {  	v28 =	vld [tilespmem:s31+$0xFFFFFF80];
	[tilespmem:s31+$0xFFFFFE30] =	vst v13;
	v13 =	vmul.f32 v54, v14  }
0x1ee: {  	v58 =	vld [tilespmem:s31+$0xFFFFFE80];
	[tilespmem:s31+$0xFFFFFF50] =	vst v11;
	v11 =	vmul.f32 v26, v16  }
0x1ef: {  	v29 =	vld [tilespmem:s31+$0xFFFFFF90];
	[tilespmem:s31+$0xFFFFFE40] =	vst v13;
	v13 =	vmul.f32 v55, v14  }
0x1f0: {  	v30 =	vld [tilespmem:s31+$0xFFFFFFA0];
	[tilespmem:s31+$0xFFFFFF60] =	vst v11;
	v11 =	vmul.f32 v27, v16  }
0x1f1: {  	v31 =	vld [tilespmem:s31+$0xFFFFFFB0];
	v12 =	vmul.f32 v19, v40;
	[tilespmem:s31+$0xFFFFFE50] =	vst v13  }
0x1f2: {  	v59 =	vld [tilespmem:s31+$0xFFFFFE90];
	[tilespmem:s31+$0xFFFFFF70] =	vst v11;
	v11 =	vmul.f32 v28, v8  }
0x1f3: {  	v32 =	vld [tilespmem:s31+$0xFFFFFFC0];
	v13 =	vmul.f32 v56, v14;
	[tilespmem:s31+$0xFFFFFEF0] =	vst v12  }
0x1f4: {  	v60 =	vld [tilespmem:s31+$0xFFFFFEA0];
	[tilespmem:s31+$0xFFFFFF80] =	vst v11;
	v11 =	vmul.f32 v29, v8  }
0x1f5: {  	v33 =	vld [tilespmem:s31+$0xFFFFFFD0];
	[tilespmem:s31+$0xFFFFFE60] =	vst v13;
	v13 =	vmul.f32 v57, v14  }
0x1f6: {  	v61 =	vld [tilespmem:s31+$0xFFFFFEB0];
	[tilespmem:s31+$0xFFFFFF90] =	vst v11;
	v11 =	vmul.f32 v30, v8;
	v8 =	vmul.f32 v31, v8  }
0x1f7: {  	v34 =	vld [tilespmem:s31+$0xFFFFFFE0];
	[tilespmem:s31+$0xFFFFFE70] =	vst v13;
	v13 =	vmul.f32 v58, v15  }
0x1f8: {  	v62 =	vld [tilespmem:s31+$0xFFFFFEC0];
	[tilespmem:s31+$0xFFFFFFB0] =	vst v8;
	v8 =	vmul.f32 v32, v9  }
0x1f9: {  	v35 =	vld [tilespmem:s31+$0xFFFFFFF0];
	[tilespmem:s31+$0xFFFFFE80] =	vst v13;
	v13 =	vmul.f32 v59, v15  }
0x1fa: {  	v63 =	vld [tilespmem:s31+$0xFFFFFED0];
	[tilespmem:s31+$0xFFFFFFC0] =	vst v8;
	v8 =	vmul.f32 v33, v9  }
0x1fb: {  	v36 =	vld [tilespmem:s31+$0x0];
	[tilespmem:s31+$0xFFFFFE90] =	vst v13;
	v13 =	vmul.f32 v60, v15  }
0x1fc: {  	v37 =	vld [tilespmem:s31+$0x10];
	[tilespmem:s31+$0xFFFFFFD0] =	vst v8;
	v8 =	vmul.f32 v34, v9  }
0x1fd: {  	v20 =	vld [tilespmem:s31+$0xFFFFFF00];
	[tilespmem:s31+$0xFFFFFEA0] =	vst v13;
	v13 =	vmul.f32 v61, v15  }
0x1fe: {  	v18 =	vld [tilespmem:s31+$0xFFFFFEE0];
	[tilespmem:s31+$0xFFFFFFE0] =	vst v8;
	v8 =	vmul.f32 v35, v9  }
0x1ff: {  	v38 =	vld [tilespmem:s31+$0x20];
	[tilespmem:s31+$0xFFFFFEB0] =	vst v13;
	v13 =	vmul.f32 v62, v40  }
0x200: {  	v21 =	vld [tilespmem:s31+$0xFFFFFF10];
	[tilespmem:s31+$0xFFFFFFF0] =	vst v8;
	v8 =	vmul.f32 v36, v10  }
0x201: {  	v39 =	vld [tilespmem:s31+$0x30];
	[tilespmem:s31+$0xFFFFFEC0] =	vst v13;
	v13 =	vmul.f32 v63, v40  }
0x202: {  	v22 =	vld [tilespmem:s31+$0xFFFFFF20];
	[tilespmem:s31+$0x0] =	vst v8;
	v8 =	vmul.f32 v37, v10  }
0x203: {  	v12 =	vmul.f32 v20, v42;
	[tilespmem:s31+$0xFFFFFED0] =	vst v13;
	v13 =	vmul.f32 v18, v40;
	v40 =	vld [tilespmem:s31+$0x40]  }
0x204: {  	[tilespmem:s31+$0x10] =	vst v8;
	v8 =	vmul.f32 v38, v10  }
0x205: {  	v41 =	vld [tilespmem:s31+$0x50];
	[tilespmem:s31+$0xFFFFFF00] =	vst v12;
	v12 =	vmul.f32 v21, v42  }
0x206: {  	[tilespmem:s31+$0x20] =	vst v8;
	v8 =	vmul.f32 v39, v10  }
0x207: {  	[tilespmem:s31+$0xFFFFFF10] =	vst v12;
	v12 =	vmul.f32 v22, v42;
	v42 =	vld [tilespmem:s31+$0x60]  }
0x208: {  	[tilespmem:s31+$0x30] =	vst v8;
	v8 =	vmul.f32 v40, v47  }
0x209: {  	v43 =	vld [tilespmem:s31+$0x70]  }
0x20a: {  	[tilespmem:s31+$0x40] =	vst v8;
	v8 =	vmul.f32 v41, v47  }
0x20b: {  	v44 =	vld [tilespmem:s31+$0x80]  }
0x20c: {  	[tilespmem:s31+$0x50] =	vst v8;
	v8 =	vmul.f32 v42, v47  }
0x20d: {  	v45 =	vld [tilespmem:s31+$0x90]  }
0x20e: {  	v46 =	vld [tilespmem:s31+$0xA0];
	[tilespmem:s31+$0x60] =	vst v8;
	v8 =	vmul.f32 v43, v47  }
0x20f: {  	v47 =	vld [tilespmem:s31+$0xB0]  }
0x210: {  	[tilespmem:s31+$0x70] =	vst v8;
	v8 =	vmul.f32 v44, v49;
	_ =	sdelay $0x1  }
0x211: {  	v48 =	vld [tilespmem:s31+$0xC0];
	[tilespmem:s31+$0x80] =	vst v8;
	v8 =	vmul.f32 v45, v49;
	_ =	sdelay $0x1  }
0x212: {  	v7 =	vmul.f32 v47, v49;
	[tilespmem:s31+$0x90] =	vst v8;
	v8 =	vmul.f32 v46, v49;
	v49 =	vld [tilespmem:s31+$0xD0]  }
0x213: {  	v51 =	vld [tilespmem:s31+$0xF0]  }
0x214: {  	[tilespmem:s31+$0xFFFFFE00] =	vst v50;
	v50 =	vld [tilespmem:s31+$0xE0]  }
0x215: {  	[tilespmem:s31+$0xB0] =	vst v7;
	v7 =	vmul.f32 v48, v6  }
0x216: {  	v52 =	vld [tilespmem:s31+$0x100]  }
0x217: {  	[tilespmem:s31+$0xC0] =	vst v7;
	v7 =	vmul.f32 v49, v6  }
0x218: {  	v53 =	vld [tilespmem:s31+$0x110]  }
0x219: {  	v54 =	vld [tilespmem:s31+$0x120];
	[tilespmem:s31+$0xD0] =	vst v7;
	v7 =	vmul.f32 v50, v6;
	v6 =	vmul.f32 v51, v6  }
0x21a: {  	v55 =	vld [tilespmem:s31+$0x130]  }
0x21b: {  	[tilespmem:s31+$0xF0] =	vst v6;
	v6 =	vmul.f32 v52, v5  }
0x21c: {  	v56 =	vld [tilespmem:s31+$0x140]  }
0x21d: {  	[tilespmem:s31+$0x100] =	vst v6;
	v6 =	vmul.f32 v53, v5  }
0x21e: {  	v57 =	vld [tilespmem:s31+$0x150]  }
0x21f: {  	v58 =	vld [tilespmem:s31+$0x160];
	[tilespmem:s31+$0x110] =	vst v6;
	v6 =	vmul.f32 v54, v5;
	v5 =	vmul.f32 v55, v5  }
0x220: {  	v59 =	vld [tilespmem:s31+$0x170]  }
0x221: {  	[tilespmem:s31+$0x130] =	vst v5;
	v5 =	vmul.f32 v56, v4  }
0x222: {  	v60 =	vld [tilespmem:s31+$0x180]  }
0x223: {  	[tilespmem:s31+$0x140] =	vst v5;
	v5 =	vmul.f32 v57, v4  }
0x224: {  	v61 =	vld [tilespmem:s31+$0x190]  }
0x225: {  	v62 =	vld [tilespmem:s31+$0x1A0];
	[tilespmem:s31+$0x150] =	vst v5;
	v5 =	vmul.f32 v58, v4;
	v4 =	vmul.f32 v59, v4  }
0x226: {  	v63 =	vld [tilespmem:s31+$0x1B0]  }
0x227: {  	[tilespmem:s31+$0x170] =	vst v4;
	v4 =	vmul.f32 v60, v3;
	_ =	sdelay $0x1  }
0x228: {  	[tilespmem:s31+$0x180] =	vst v4;
	v4 =	vmul.f32 v61, v3;
	_ =	sdelay $0x1  }
0x229: {  	[tilespmem:s31+$0x190] =	vst v4;
	v4 =	vmul.f32 v62, v3;
	v3 =	vmul.f32 v63, v3;
	_ =	sdelay $0x1  }
0x22a: {  	[tilespmem:s31+$0x1B0] =	vst v3;
	v3 =	vld [tilespmem:s31+$0x1C0];
	_ =	sdelay $0x4  }
0x22b: {  	v3 =	vmul.f32 v3, v2;
	_ =	sdelay $0x1  }
0x22c: {  	[tilespmem:s31+$0x1C0] =	vst v3;
	v3 =	vld [tilespmem:s31+$0x1D0];
	_ =	sdelay $0x4  }
0x22d: {  	v3 =	vmul.f32 v3, v2;
	_ =	sdelay $0x1  }
0x22e: {  	[tilespmem:s31+$0x1D0] =	vst v3;
	v3 =	vld [tilespmem:s31+$0x1E0];
	_ =	sdelay $0x4  }
0x22f: {  	[tilespmem:s31+$0xFFFFFF20] =	vst v12;
	v3 =	vmul.f32 v3, v2  }
0x230: {  	[tilespmem:s31+$0xFFFFFFA0] =	vst v11  }
0x231: {  	[tilespmem:s31+$0x1E0] =	vst v3;
	v3 =	vld [tilespmem:s31+$0x1F0]  }
0x232: {  	[tilespmem:s31+$0xFFFFFEE0] =	vst v13  }
0x233: {  	p1 =	sne.s32 s30, $0x7F;
	[tilespmem:s31+$0xA0] =	vst v8  }
.Ltmp8:
0x234: {  	[tilespmem:s31+$0xE0] =	vst v7;
	(pc) =	sbr.rel @p1 .LBB2_14-.Ltmp8, $4  }
0x235: {  	[tilespmem:s31+$0x120] =	vst v6  }
0x236: {  	[tilespmem:s31+$0x160] =	vst v5;
	v2 =	vmul.f32 v3, v2  }
0x237: {  	[tilespmem:s31+$0x1A0] =	vst v4  }
0x238: {  	s30 =	sadd.s32 $0x10, s30;
	[tilespmem:s31+$0x1F0] =	vst v2;
	s31 =	sadd.s32 $0x400, s31  }
.Ltmp9:
0x239: {  	s0 =	sadd.s32 $0x4F00, s29;
	(pc) =	sbr.rel @p0 .LBB2_17-.Ltmp9, $4  }
0x23a: {  	[spmem:s2] =	stream.indirect.scatter.add.f32 [tilespmem:s22], [sflag:$0x3], $0x40, s0, s20, $0xb8;
	[tilespmem:$0x1CD00] =	vst v63  }
0x23b: {  	_ =	swait.ge [sflag:s15], $0x2000  }
0x23c: {  	[sflag:s15] =	ssyncset.done $0x0  }
0x23d: {  	[sflag:s15] =	ssyncadd.s32 $0xFFFFE000  }
.Ltmp10:
0x23e: {  	(pc) =	sbr.rel .LBB2_11-.Ltmp10, $3  }
0x23f: {  	_ =	sdelay $0x1  }
0x240: {  	s0 =	sadd.s32 $0x180, s28;
	s26 =	sadd.s32 $0x1, s26  }
0x241: {  	[tilespmem:s22], [sflag:$0x2] =	stream.indirect.gather [hbm4b:s6+s20], $0x40, s0, s20, $0xb8;
	[tilespmem:$0x1CD00] =	vst v63  }
.LBB2_17:
0x242: {  	[bflag:$0x0] =	sbarrier.arrive $0xFFFF  }
0x243: {  	[hbm:s12], [sflag:s18] =	dma.local [spmem:s19], $0x1400  }
0x244: {  	_ =	swait.ge [sflag:s15], $0x1400  }
0x245: {  	[sflag:s15] =	ssyncset.done $0x0  }
0x246: {  	[sflag:s15] =	ssyncadd.s32 $0xFFFFEC00  }
0x247: {  	[bflag:$0x0] =	sbarrier.arrive $0xFFFF  }
0x248: {  	[spmem:s19], [sflag:s18] =	dma.local [hbm:s1], $0x1400  }
0x249: {  	_ =	swait.ge [sflag:s15], $0x1400  }
0x24a: {  	[sflag:s15] =	ssyncset.done $0x0  }
0x24b: {  	[sflag:s15] =	ssyncadd.s32 $0xFFFFEC00  }
0x24c: {  	s26 =	simm.s32 $0x0;
	[bflag:$0x0] =	sbarrier.arrive $0xFFFF  }
0x24d: {  	[tilespmem:s21], [sflag:$0x1] =	stream.indirect.gather [hbm4b:s7+s20], $0x40, s26, s20, $0xb8;
	[tilespmem:$0x1CD00] =	vst v63  }
0x24e: {  	_ = 	snop  }
0x24f: {  	[tilespmem:s22], [sflag:$0x2] =	stream.indirect.gather [hbm4b:s7+s20], $0x40, s20, s20, $0xb8;
	[tilespmem:$0x1CD00] =	vst v63  }
.LBB2_18:
0x250: {  	_ =	swait.ge [sflag:s23], $0x2000  }
0x251: {  	s29 =	sshll.u32 s26, $0x8;
	[sflag:s23] =	ssyncset.done $0x0  }
0x252: {  	s28 =	simm.s32 $0xF;
	s30 =	simm.s32 $0xEF00;
	[sflag:s23] =	ssyncadd.s32 $0xFFFFE000  }
.LBB2_19:
0x253: {  	s0 =	sadd.s32 s29, s28  }
0x254: {  	s3 =	sadd.s32 $0xFFFFFFF1, s0;
	s31 =	sadd.s32 $0xFFFFFFF2, s0  }
0x255: {  	v17 =	vmov s0;
	v2 =	vmov s3;
	v3 =	vmov s31  }
0x256: {  	s31 =	sadd.s32 $0xFFFFFFF3, s0;
	v17 =	vshrl.u32 v17, $0x3;
	v2 =	vshrl.u32 v2, $0x3;
	v3 =	vshrl.u32 v3, $0x3  }
0x257: {  	v4 =	vmov s31;
	s31 =	sadd.s32 $0xFFFFFFF4, s0;
	v2 =	vshll.u32 v2, v1;
	v3 =	vshll.u32 v3, v1  }
0x258: {  	v4 =	vshrl.u32 v4, $0x3;
	v5 =	vmov s31;
	v2 =	vbroadcast v2, $0x0  }
0x259: {  	s31 =	sadd.s32 $0xFFFFFFF5, s0;
	v3 =	vadd.s32 $0x1, v3;
	v4 =	vshll.u32 v4, v1;
	v5 =	vshrl.u32 v5, $0x3  }
0x25a: {  	v6 =	vmov s31;
	s31 =	sadd.s32 $0xFFFFFFF6, s0;
	v3 =	vbroadcast v3, $0x0;
	v4 =	vadd.s32 $0x2, v4  }
0x25b: {  	v20 =	vld [tilespmem:s30+$0xFFFFFE00];
	v5 =	vshll.u32 v5, v1;
	v6 =	vshrl.u32 v6, $0x3;
	v7 =	vmov s31  }
0x25c: {  	v51 =	vld [tilespmem:s30+$0xFFFFFE10];
	s31 =	sadd.s32 $0xFFFFFFF7, s0;
	v4 =	vbroadcast v4, $0x0;
	v5 =	vadd.s32 $0x3, v5;
	v6 =	vshll.u32 v6, v1  }
0x25d: {  	v52 =	vld [tilespmem:s30+$0xFFFFFE20];
	v7 =	vshrl.u32 v7, $0x3;
	v8 =	vmov s31;
	v5 =	vbroadcast v5, $0x0  }
0x25e: {  	v53 =	vld [tilespmem:s30+$0xFFFFFE30];
	s31 =	sadd.s32 $0xFFFFFFF8, s0;
	v6 =	vadd.s32 $0x4, v6;
	v7 =	vshll.u32 v7, v1;
	v8 =	vshrl.u32 v8, $0x3  }
0x25f: {  	v54 =	vld [tilespmem:s30+$0xFFFFFE40];
	v9 =	vmov s31;
	s31 =	sadd.s32 $0xFFFFFFF9, s0;
	v6 =	vbroadcast v6, $0x0;
	v7 =	vadd.s32 $0x5, v7  }
0x260: {  	v55 =	vld [tilespmem:s30+$0xFFFFFE50];
	v8 =	vshll.u32 v8, v1;
	v9 =	vshrl.u32 v9, $0x3;
	v10 =	vmov s31  }
0x261: {  	v56 =	vld [tilespmem:s30+$0xFFFFFE60];
	s31 =	sadd.s32 $0xFFFFFFFA, s0;
	v7 =	vbroadcast v7, $0x0;
	v8 =	vadd.s32 $0x6, v8;
	v9 =	vshll.u32 v9, v1  }
0x262: {  	v23 =	vld [tilespmem:s30+$0xFFFFFF30];
	v11 =	vmov s31;
	v10 =	vshrl.u32 v10, $0x3;
	v8 =	vbroadcast v8, $0x0  }
0x263: {  	v24 =	vld [tilespmem:s30+$0xFFFFFF40];
	s31 =	sadd.s32 $0xFFFFFFFB, s0;
	v9 =	vadd.s32 $0x7, v9;
	v11 =	vshrl.u32 v11, $0x3;
	v10 =	vshll.u32 v10, v1  }
0x264: {  	v25 =	vld [tilespmem:s30+$0xFFFFFF50];
	v12 =	vmov s31;
	s31 =	sadd.s32 $0xFFFFFFFC, s0;
	v9 =	vbroadcast v9, $0x0;
	v11 =	vshll.u32 v11, v1  }
0x265: {  	v26 =	vld [tilespmem:s30+$0xFFFFFF60];
	v10 =	vbroadcast v10, $0x0;
	v34 =	vshrl.u32 v12, $0x3;
	v35 =	vmov s31  }
0x266: {  	s31 =	sadd.s32 $0xFFFFFFFD, s0;
	v14 =	vld.idx.msk [tilespmem:v3+s17+$0x0], $0xffff;
	v11 =	vadd.s32 $0x1, v11;
	v3 =	vshll.u32 v34, v1;
	v36 =	vshrl.u32 v35, $0x3  }
0x267: {  	v13 =	vld.idx.msk [tilespmem:v2+s17+$0x0], $0xffff;
	v37 =	vmov s31;
	s31 =	sadd.s32 $0xFFFFFFFE, s0;
	v2 =	vbroadcast v11, $0x0;
	v3 =	vadd.s32 $0x2, v3  }
0x268: {  	v15 =	vld.idx.msk [tilespmem:v4+s17+$0x0], $0xffff;
	v38 =	vshll.u32 v36, v1;
	v39 =	vshrl.u32 v37, $0x3;
	v43 =	vmov s31  }
0x269: {  	v40 =	vld.idx.msk [tilespmem:v5+s17+$0x0], $0xffff;
	s31 =	sadd.s32 $0xFFFFFFFF, s0;
	v3 =	vbroadcast v3, $0x0;
	v4 =	vadd.s32 $0x3, v38;
	v41 =	vshll.u32 v39, v1  }
0x26a: {  	v42 =	vld.idx.msk [tilespmem:v6+s17+$0x0], $0xffff;
	v6 =	vshrl.u32 v43, $0x3;
	v44 =	vmov s31;
	v4 =	vbroadcast v4, $0x0  }
0x26b: {  	v5 =	vadd.s32 $0x4, v41;
	v16 =	vld.idx.msk [tilespmem:v7+s17+$0x0], $0xffff;
	v6 =	vshll.u32 v6, v1;
	v7 =	vshrl.u32 v44, $0x3  }
0x26c: {  	v5 =	vbroadcast v5, $0x0;
	v8 =	vld.idx.msk [tilespmem:v8+s17+$0x0], $0xffff;
	v6 =	vadd.s32 $0x5, v6;
	v7 =	vshll.u32 v7, v1  }
0x26d: {  	v46 =	vshll.u32 v17, v1;
	v9 =	vld.idx.msk [tilespmem:v9+s17+$0x0], $0xffff;
	v18 =	vbroadcast v6, $0x0;
	v45 =	vadd.s32 $0x6, v7  }
0x26e: {  	v48 =	vadd.s32 $0x7, v46;
	v47 =	vld.idx.msk [tilespmem:v2+s17+$0x0], $0xffff;
	v2 =	vbroadcast v45, $0x0  }
0x26f: {  	v19 =	vbroadcast v48, $0x0;
	v10 =	vld.idx.msk [tilespmem:v10+s17+$0x0], $0xffff  }
0x270: {  	v49 =	vld.idx.msk [tilespmem:v3+s17+$0x0], $0xffff  }
0x271: {  	v6 =	vld.idx.msk [tilespmem:v4+s17+$0x0], $0xffff  }
0x272: {  	v5 =	vld.idx.msk [tilespmem:v5+s17+$0x0], $0xffff  }
0x273: {  	v4 =	vld.idx.msk [tilespmem:v18+s17+$0x0], $0xffff;
	v18 =	vmul.f32 v51, v13  }
0x274: {  	v11 =	vmul.f32 v23, v42;
	v3 =	vld.idx.msk [tilespmem:v2+s17+$0x0], $0xffff  }
0x275: {  	v2 =	vld.idx.msk [tilespmem:v19+s17+$0x0], $0xffff;
	[tilespmem:s30+$0xFFFFFE10] =	vst v18;
	v18 =	vmul.f32 v52, v13  }
0x276: {  	v57 =	vld [tilespmem:s30+$0xFFFFFE70];
	[tilespmem:s30+$0xFFFFFF30] =	vst v11;
	v11 =	vmul.f32 v24, v16  }
0x277: {  	v27 =	vld [tilespmem:s30+$0xFFFFFF70];
	v50 =	vmul.f32 v20, v13;
	v13 =	vmul.f32 v53, v13;
	[tilespmem:s30+$0xFFFFFE20] =	vst v18  }
0x278: {  	v19 =	vld [tilespmem:s30+$0xFFFFFEF0];
	[tilespmem:s30+$0xFFFFFF40] =	vst v11;
	v11 =	vmul.f32 v25, v16  }
0x279: {  	v28 =	vld [tilespmem:s30+$0xFFFFFF80];
	[tilespmem:s30+$0xFFFFFE30] =	vst v13;
	v13 =	vmul.f32 v54, v14  }
0x27a: {  	v58 =	vld [tilespmem:s30+$0xFFFFFE80];
	[tilespmem:s30+$0xFFFFFF50] =	vst v11;
	v11 =	vmul.f32 v26, v16  }
0x27b: {  	v29 =	vld [tilespmem:s30+$0xFFFFFF90];
	[tilespmem:s30+$0xFFFFFE40] =	vst v13;
	v13 =	vmul.f32 v55, v14  }
0x27c: {  	v30 =	vld [tilespmem:s30+$0xFFFFFFA0];
	[tilespmem:s30+$0xFFFFFF60] =	vst v11;
	v11 =	vmul.f32 v27, v16  }
0x27d: {  	v31 =	vld [tilespmem:s30+$0xFFFFFFB0];
	v12 =	vmul.f32 v19, v40;
	[tilespmem:s30+$0xFFFFFE50] =	vst v13  }
0x27e: {  	v59 =	vld [tilespmem:s30+$0xFFFFFE90];
	[tilespmem:s30+$0xFFFFFF70] =	vst v11;
	v11 =	vmul.f32 v28, v8  }
0x27f: {  	v32 =	vld [tilespmem:s30+$0xFFFFFFC0];
	v13 =	vmul.f32 v56, v14;
	[tilespmem:s30+$0xFFFFFEF0] =	vst v12  }
0x280: {  	v60 =	vld [tilespmem:s30+$0xFFFFFEA0];
	[tilespmem:s30+$0xFFFFFF80] =	vst v11;
	v11 =	vmul.f32 v29, v8  }
0x281: {  	v33 =	vld [tilespmem:s30+$0xFFFFFFD0];
	[tilespmem:s30+$0xFFFFFE60] =	vst v13;
	v13 =	vmul.f32 v57, v14  }
0x282: {  	v61 =	vld [tilespmem:s30+$0xFFFFFEB0];
	[tilespmem:s30+$0xFFFFFF90] =	vst v11;
	v11 =	vmul.f32 v30, v8;
	v8 =	vmul.f32 v31, v8  }
0x283: {  	v34 =	vld [tilespmem:s30+$0xFFFFFFE0];
	[tilespmem:s30+$0xFFFFFE70] =	vst v13;
	v13 =	vmul.f32 v58, v15  }
0x284: {  	v62 =	vld [tilespmem:s30+$0xFFFFFEC0];
	[tilespmem:s30+$0xFFFFFFB0] =	vst v8;
	v8 =	vmul.f32 v32, v9  }
0x285: {  	v35 =	vld [tilespmem:s30+$0xFFFFFFF0];
	[tilespmem:s30+$0xFFFFFE80] =	vst v13;
	v13 =	vmul.f32 v59, v15  }
0x286: {  	v63 =	vld [tilespmem:s30+$0xFFFFFED0];
	[tilespmem:s30+$0xFFFFFFC0] =	vst v8;
	v8 =	vmul.f32 v33, v9  }
0x287: {  	v36 =	vld [tilespmem:s30+$0x0];
	[tilespmem:s30+$0xFFFFFE90] =	vst v13;
	v13 =	vmul.f32 v60, v15  }
0x288: {  	v37 =	vld [tilespmem:s30+$0x10];
	[tilespmem:s30+$0xFFFFFFD0] =	vst v8;
	v8 =	vmul.f32 v34, v9  }
0x289: {  	v20 =	vld [tilespmem:s30+$0xFFFFFF00];
	[tilespmem:s30+$0xFFFFFEA0] =	vst v13;
	v13 =	vmul.f32 v61, v15  }
0x28a: {  	v18 =	vld [tilespmem:s30+$0xFFFFFEE0];
	[tilespmem:s30+$0xFFFFFFE0] =	vst v8;
	v8 =	vmul.f32 v35, v9  }
0x28b: {  	v38 =	vld [tilespmem:s30+$0x20];
	[tilespmem:s30+$0xFFFFFEB0] =	vst v13;
	v13 =	vmul.f32 v62, v40  }
0x28c: {  	v21 =	vld [tilespmem:s30+$0xFFFFFF10];
	[tilespmem:s30+$0xFFFFFFF0] =	vst v8;
	v8 =	vmul.f32 v36, v10  }
0x28d: {  	v39 =	vld [tilespmem:s30+$0x30];
	[tilespmem:s30+$0xFFFFFEC0] =	vst v13;
	v13 =	vmul.f32 v63, v40  }
0x28e: {  	v22 =	vld [tilespmem:s30+$0xFFFFFF20];
	[tilespmem:s30+$0x0] =	vst v8;
	v8 =	vmul.f32 v37, v10  }
0x28f: {  	v12 =	vmul.f32 v20, v42;
	[tilespmem:s30+$0xFFFFFED0] =	vst v13;
	v13 =	vmul.f32 v18, v40;
	v40 =	vld [tilespmem:s30+$0x40]  }
0x290: {  	[tilespmem:s30+$0x10] =	vst v8;
	v8 =	vmul.f32 v38, v10  }
0x291: {  	v41 =	vld [tilespmem:s30+$0x50];
	[tilespmem:s30+$0xFFFFFF00] =	vst v12;
	v12 =	vmul.f32 v21, v42  }
0x292: {  	[tilespmem:s30+$0x20] =	vst v8;
	v8 =	vmul.f32 v39, v10  }
0x293: {  	[tilespmem:s30+$0xFFFFFF10] =	vst v12;
	v12 =	vmul.f32 v22, v42;
	v42 =	vld [tilespmem:s30+$0x60]  }
0x294: {  	[tilespmem:s30+$0x30] =	vst v8;
	v8 =	vmul.f32 v40, v47  }
0x295: {  	v43 =	vld [tilespmem:s30+$0x70]  }
0x296: {  	[tilespmem:s30+$0x40] =	vst v8;
	v8 =	vmul.f32 v41, v47  }
0x297: {  	v44 =	vld [tilespmem:s30+$0x80]  }
0x298: {  	[tilespmem:s30+$0x50] =	vst v8;
	v8 =	vmul.f32 v42, v47  }
0x299: {  	v45 =	vld [tilespmem:s30+$0x90]  }
0x29a: {  	v46 =	vld [tilespmem:s30+$0xA0];
	[tilespmem:s30+$0x60] =	vst v8;
	v8 =	vmul.f32 v43, v47  }
0x29b: {  	v47 =	vld [tilespmem:s30+$0xB0]  }
0x29c: {  	[tilespmem:s30+$0x70] =	vst v8;
	v8 =	vmul.f32 v44, v49;
	_ =	sdelay $0x1  }
0x29d: {  	v48 =	vld [tilespmem:s30+$0xC0];
	[tilespmem:s30+$0x80] =	vst v8;
	v8 =	vmul.f32 v45, v49;
	_ =	sdelay $0x1  }
0x29e: {  	v7 =	vmul.f32 v47, v49;
	[tilespmem:s30+$0x90] =	vst v8;
	v8 =	vmul.f32 v46, v49;
	v49 =	vld [tilespmem:s30+$0xD0]  }
0x29f: {  	v51 =	vld [tilespmem:s30+$0xF0]  }
0x2a0: {  	[tilespmem:s30+$0xFFFFFE00] =	vst v50;
	v50 =	vld [tilespmem:s30+$0xE0]  }
0x2a1: {  	[tilespmem:s30+$0xB0] =	vst v7;
	v7 =	vmul.f32 v48, v6  }
0x2a2: {  	v52 =	vld [tilespmem:s30+$0x100]  }
0x2a3: {  	[tilespmem:s30+$0xC0] =	vst v7;
	v7 =	vmul.f32 v49, v6  }
0x2a4: {  	v53 =	vld [tilespmem:s30+$0x110]  }
0x2a5: {  	v54 =	vld [tilespmem:s30+$0x120];
	[tilespmem:s30+$0xD0] =	vst v7;
	v7 =	vmul.f32 v50, v6;
	v6 =	vmul.f32 v51, v6  }
0x2a6: {  	v55 =	vld [tilespmem:s30+$0x130]  }
0x2a7: {  	[tilespmem:s30+$0xF0] =	vst v6;
	v6 =	vmul.f32 v52, v5  }
0x2a8: {  	v56 =	vld [tilespmem:s30+$0x140]  }
0x2a9: {  	[tilespmem:s30+$0x100] =	vst v6;
	v6 =	vmul.f32 v53, v5  }
0x2aa: {  	v57 =	vld [tilespmem:s30+$0x150]  }
0x2ab: {  	v58 =	vld [tilespmem:s30+$0x160];
	[tilespmem:s30+$0x110] =	vst v6;
	v6 =	vmul.f32 v54, v5;
	v5 =	vmul.f32 v55, v5  }
0x2ac: {  	v59 =	vld [tilespmem:s30+$0x170]  }
0x2ad: {  	[tilespmem:s30+$0x130] =	vst v5;
	v5 =	vmul.f32 v56, v4  }
0x2ae: {  	v60 =	vld [tilespmem:s30+$0x180]  }
0x2af: {  	[tilespmem:s30+$0x140] =	vst v5;
	v5 =	vmul.f32 v57, v4  }
0x2b0: {  	v61 =	vld [tilespmem:s30+$0x190]  }
0x2b1: {  	v62 =	vld [tilespmem:s30+$0x1A0];
	[tilespmem:s30+$0x150] =	vst v5;
	v5 =	vmul.f32 v58, v4;
	v4 =	vmul.f32 v59, v4  }
0x2b2: {  	v63 =	vld [tilespmem:s30+$0x1B0]  }
0x2b3: {  	[tilespmem:s30+$0x170] =	vst v4;
	v4 =	vmul.f32 v60, v3;
	_ =	sdelay $0x1  }
0x2b4: {  	[tilespmem:s30+$0x180] =	vst v4;
	v4 =	vmul.f32 v61, v3;
	_ =	sdelay $0x1  }
0x2b5: {  	[tilespmem:s30+$0x190] =	vst v4;
	v4 =	vmul.f32 v62, v3;
	v3 =	vmul.f32 v63, v3;
	_ =	sdelay $0x1  }
0x2b6: {  	[tilespmem:s30+$0x1B0] =	vst v3;
	v3 =	vld [tilespmem:s30+$0x1C0];
	_ =	sdelay $0x4  }
0x2b7: {  	v3 =	vmul.f32 v3, v2;
	_ =	sdelay $0x1  }
0x2b8: {  	[tilespmem:s30+$0x1C0] =	vst v3;
	v3 =	vld [tilespmem:s30+$0x1D0];
	_ =	sdelay $0x4  }
0x2b9: {  	v3 =	vmul.f32 v3, v2;
	_ =	sdelay $0x1  }
0x2ba: {  	[tilespmem:s30+$0x1D0] =	vst v3;
	v3 =	vld [tilespmem:s30+$0x1E0];
	_ =	sdelay $0x4  }
0x2bb: {  	[tilespmem:s30+$0xFFFFFF20] =	vst v12;
	v3 =	vmul.f32 v3, v2  }
0x2bc: {  	[tilespmem:s30+$0xFFFFFFA0] =	vst v11  }
0x2bd: {  	[tilespmem:s30+$0x1E0] =	vst v3;
	v3 =	vld [tilespmem:s30+$0x1F0]  }
0x2be: {  	[tilespmem:s30+$0xFFFFFEE0] =	vst v13  }
0x2bf: {  	p0 =	sne.s32 s28, $0x7F;
	[tilespmem:s30+$0xA0] =	vst v8  }
.Ltmp11:
0x2c0: {  	[tilespmem:s30+$0xE0] =	vst v7;
	(pc) =	sbr.rel @p0 .LBB2_19-.Ltmp11, $4  }
0x2c1: {  	[tilespmem:s30+$0x120] =	vst v6  }
0x2c2: {  	[tilespmem:s30+$0x160] =	vst v5;
	v2 =	vmul.f32 v3, v2  }
0x2c3: {  	[tilespmem:s30+$0x1A0] =	vst v4  }
0x2c4: {  	s28 =	sadd.s32 $0x10, s28;
	[tilespmem:s30+$0x1F0] =	vst v2;
	s30 =	sadd.s32 $0x400, s30  }
0x2c5: {  	s0 =	sshll.u32 s26, $0xA  }
0x2c6: {  	s28 =	sshrl.u32 s0, $0x2  }
0x2c7: {  	s3 =	sadd.s32 $0x4F00, s28  }
0x2c8: {  	[spmem:s2] =	stream.indirect.scatter.add.f32 [tilespmem:s21], [sflag:$0x3], $0x40, s3, s20, $0xb8;
	[tilespmem:$0x1CD00] =	vst v63  }
0x2c9: {  	p0 =	seq.s32 s26, $0x4E;
	_ =	swait.ge [sflag:s15], $0x2000  }
0x2ca: {  	s0 =	sshrl.u32 @!p0 s0, $0x2;
	s30 =	simm.s32 @!p0 $0xED00;
	[sflag:s15] =	ssyncset.done $0x0  }
0x2cb: {  	s0 =	sadd.s32 @!p0 $0x100, s0;
	s3 =	simm.s32 @!p0 $0x80;
	[sflag:s15] =	ssyncadd.s32 $0xFFFFE000  }
0x2cc: {  	[tilespmem:s30], [sflag:$0x1] =	stream.indirect.gather @!p0 [hbm4b:s7+s3], $0x40, s0, s3, $0xb8;
	[tilespmem:$0x1CD00] =	vst v63  }
0x2cd: {  	_ =	swait.ge [sflag:s24], $0x2000  }
0x2ce: {  	s29 =	sor.u32 $0x80, s29;
	[sflag:s24] =	ssyncset.done $0x0  }
0x2cf: {  	s31 =	simm.s32 $0x10F00;
	s30 =	simm.s32 $0xF;
	[sflag:s24] =	ssyncadd.s32 $0xFFFFE000  }
.LBB2_21:
0x2d0: {  	s0 =	sadd.s32 s29, s30  }
0x2d1: {  	s3 =	sadd.s32 $0xFFFFFFF1, s0  }
0x2d2: {  	v2 =	vmov s3  }
0x2d3: {  	v17 =	vmov s0;
	s3 =	sadd.s32 $0xFFFFFFF2, s0;
	v2 =	vshrl.u32 v2, $0x3  }
0x2d4: {  	v17 =	vshrl.u32 v17, $0x3;
	v3 =	vmov s3;
	s3 =	sadd.s32 $0xFFFFFFF3, s0;
	v2 =	vshll.u32 v2, v1  }
0x2d5: {  	v3 =	vshrl.u32 v3, $0x3;
	v4 =	vmov s3;
	s3 =	sadd.s32 $0xFFFFFFF4, s0;
	v2 =	vbroadcast v2, $0x0  }
0x2d6: {  	v3 =	vshll.u32 v3, v1;
	v4 =	vshrl.u32 v4, $0x3;
	v5 =	vmov s3  }
0x2d7: {  	s3 =	sadd.s32 $0xFFFFFFF5, s0;
	v3 =	vadd.s32 $0x1, v3;
	v4 =	vshll.u32 v4, v1;
	v5 =	vshrl.u32 v5, $0x3  }
0x2d8: {  	v6 =	vmov s3;
	s3 =	sadd.s32 $0xFFFFFFF6, s0;
	v3 =	vbroadcast v3, $0x0;
	v4 =	vadd.s32 $0x2, v4  }
0x2d9: {  	v20 =	vld [tilespmem:s31+$0xFFFFFE00];
	v5 =	vshll.u32 v5, v1;
	v6 =	vshrl.u32 v6, $0x3;
	v7 =	vmov s3  }
0x2da: {  	v51 =	vld [tilespmem:s31+$0xFFFFFE10];
	s3 =	sadd.s32 $0xFFFFFFF7, s0;
	v4 =	vbroadcast v4, $0x0;
	v5 =	vadd.s32 $0x3, v5;
	v6 =	vshll.u32 v6, v1  }
0x2db: {  	v52 =	vld [tilespmem:s31+$0xFFFFFE20];
	v7 =	vshrl.u32 v7, $0x3;
	v8 =	vmov s3;
	v5 =	vbroadcast v5, $0x0  }
0x2dc: {  	v53 =	vld [tilespmem:s31+$0xFFFFFE30];
	s3 =	sadd.s32 $0xFFFFFFF8, s0;
	v6 =	vadd.s32 $0x4, v6;
	v7 =	vshll.u32 v7, v1;
	v8 =	vshrl.u32 v8, $0x3  }
0x2dd: {  	v54 =	vld [tilespmem:s31+$0xFFFFFE40];
	v9 =	vmov s3;
	s3 =	sadd.s32 $0xFFFFFFF9, s0;
	v6 =	vbroadcast v6, $0x0;
	v7 =	vadd.s32 $0x5, v7  }
0x2de: {  	v55 =	vld [tilespmem:s31+$0xFFFFFE50];
	v8 =	vshll.u32 v8, v1;
	v9 =	vshrl.u32 v9, $0x3;
	v10 =	vmov s3  }
0x2df: {  	v56 =	vld [tilespmem:s31+$0xFFFFFE60];
	s3 =	sadd.s32 $0xFFFFFFFA, s0;
	v7 =	vbroadcast v7, $0x0;
	v8 =	vadd.s32 $0x6, v8;
	v9 =	vshll.u32 v9, v1  }
0x2e0: {  	v23 =	vld [tilespmem:s31+$0xFFFFFF30];
	v11 =	vmov s3;
	v10 =	vshrl.u32 v10, $0x3;
	v8 =	vbroadcast v8, $0x0  }
0x2e1: {  	v24 =	vld [tilespmem:s31+$0xFFFFFF40];
	s3 =	sadd.s32 $0xFFFFFFFB, s0;
	v9 =	vadd.s32 $0x7, v9;
	v11 =	vshrl.u32 v11, $0x3;
	v10 =	vshll.u32 v10, v1  }
0x2e2: {  	v25 =	vld [tilespmem:s31+$0xFFFFFF50];
	v12 =	vmov s3;
	s3 =	sadd.s32 $0xFFFFFFFC, s0;
	v9 =	vbroadcast v9, $0x0;
	v11 =	vshll.u32 v11, v1  }
0x2e3: {  	v26 =	vld [tilespmem:s31+$0xFFFFFF60];
	v10 =	vbroadcast v10, $0x0;
	v34 =	vshrl.u32 v12, $0x3;
	v35 =	vmov s3  }
0x2e4: {  	s3 =	sadd.s32 $0xFFFFFFFD, s0;
	v14 =	vld.idx.msk [tilespmem:v3+s17+$0x0], $0xffff;
	v11 =	vadd.s32 $0x1, v11;
	v3 =	vshll.u32 v34, v1;
	v36 =	vshrl.u32 v35, $0x3  }
0x2e5: {  	v13 =	vld.idx.msk [tilespmem:v2+s17+$0x0], $0xffff;
	v37 =	vmov s3;
	s3 =	sadd.s32 $0xFFFFFFFE, s0;
	v2 =	vbroadcast v11, $0x0;
	v3 =	vadd.s32 $0x2, v3  }
0x2e6: {  	v15 =	vld.idx.msk [tilespmem:v4+s17+$0x0], $0xffff;
	v38 =	vshll.u32 v36, v1;
	v39 =	vshrl.u32 v37, $0x3;
	v43 =	vmov s3  }
0x2e7: {  	v40 =	vld.idx.msk [tilespmem:v5+s17+$0x0], $0xffff;
	s3 =	sadd.s32 $0xFFFFFFFF, s0;
	v3 =	vbroadcast v3, $0x0;
	v4 =	vadd.s32 $0x3, v38;
	v41 =	vshll.u32 v39, v1  }
0x2e8: {  	v42 =	vld.idx.msk [tilespmem:v6+s17+$0x0], $0xffff;
	v6 =	vshrl.u32 v43, $0x3;
	v44 =	vmov s3;
	v4 =	vbroadcast v4, $0x0  }
0x2e9: {  	v5 =	vadd.s32 $0x4, v41;
	v16 =	vld.idx.msk [tilespmem:v7+s17+$0x0], $0xffff;
	v6 =	vshll.u32 v6, v1;
	v7 =	vshrl.u32 v44, $0x3  }
0x2ea: {  	v5 =	vbroadcast v5, $0x0;
	v8 =	vld.idx.msk [tilespmem:v8+s17+$0x0], $0xffff;
	v6 =	vadd.s32 $0x5, v6;
	v7 =	vshll.u32 v7, v1  }
0x2eb: {  	v46 =	vshll.u32 v17, v1;
	v9 =	vld.idx.msk [tilespmem:v9+s17+$0x0], $0xffff;
	v18 =	vbroadcast v6, $0x0;
	v45 =	vadd.s32 $0x6, v7  }
0x2ec: {  	v48 =	vadd.s32 $0x7, v46;
	v47 =	vld.idx.msk [tilespmem:v2+s17+$0x0], $0xffff;
	v2 =	vbroadcast v45, $0x0  }
0x2ed: {  	v19 =	vbroadcast v48, $0x0;
	v10 =	vld.idx.msk [tilespmem:v10+s17+$0x0], $0xffff  }
0x2ee: {  	v49 =	vld.idx.msk [tilespmem:v3+s17+$0x0], $0xffff  }
0x2ef: {  	v6 =	vld.idx.msk [tilespmem:v4+s17+$0x0], $0xffff  }
0x2f0: {  	v5 =	vld.idx.msk [tilespmem:v5+s17+$0x0], $0xffff  }
0x2f1: {  	v4 =	vld.idx.msk [tilespmem:v18+s17+$0x0], $0xffff;
	v18 =	vmul.f32 v51, v13  }
0x2f2: {  	v11 =	vmul.f32 v23, v42;
	v3 =	vld.idx.msk [tilespmem:v2+s17+$0x0], $0xffff  }
0x2f3: {  	v2 =	vld.idx.msk [tilespmem:v19+s17+$0x0], $0xffff;
	[tilespmem:s31+$0xFFFFFE10] =	vst v18;
	v18 =	vmul.f32 v52, v13  }
0x2f4: {  	v57 =	vld [tilespmem:s31+$0xFFFFFE70];
	[tilespmem:s31+$0xFFFFFF30] =	vst v11;
	v11 =	vmul.f32 v24, v16  }
0x2f5: {  	v27 =	vld [tilespmem:s31+$0xFFFFFF70];
	v50 =	vmul.f32 v20, v13;
	v13 =	vmul.f32 v53, v13;
	[tilespmem:s31+$0xFFFFFE20] =	vst v18  }
0x2f6: {  	v19 =	vld [tilespmem:s31+$0xFFFFFEF0];
	[tilespmem:s31+$0xFFFFFF40] =	vst v11;
	v11 =	vmul.f32 v25, v16  }
0x2f7: {  	v28 =	vld [tilespmem:s31+$0xFFFFFF80];
	[tilespmem:s31+$0xFFFFFE30] =	vst v13;
	v13 =	vmul.f32 v54, v14  }
0x2f8: {  	v58 =	vld [tilespmem:s31+$0xFFFFFE80];
	[tilespmem:s31+$0xFFFFFF50] =	vst v11;
	v11 =	vmul.f32 v26, v16  }
0x2f9: {  	v29 =	vld [tilespmem:s31+$0xFFFFFF90];
	[tilespmem:s31+$0xFFFFFE40] =	vst v13;
	v13 =	vmul.f32 v55, v14  }
0x2fa: {  	v30 =	vld [tilespmem:s31+$0xFFFFFFA0];
	[tilespmem:s31+$0xFFFFFF60] =	vst v11;
	v11 =	vmul.f32 v27, v16  }
0x2fb: {  	v31 =	vld [tilespmem:s31+$0xFFFFFFB0];
	v12 =	vmul.f32 v19, v40;
	[tilespmem:s31+$0xFFFFFE50] =	vst v13  }
0x2fc: {  	v59 =	vld [tilespmem:s31+$0xFFFFFE90];
	[tilespmem:s31+$0xFFFFFF70] =	vst v11;
	v11 =	vmul.f32 v28, v8  }
0x2fd: {  	v32 =	vld [tilespmem:s31+$0xFFFFFFC0];
	v13 =	vmul.f32 v56, v14;
	[tilespmem:s31+$0xFFFFFEF0] =	vst v12  }
0x2fe: {  	v60 =	vld [tilespmem:s31+$0xFFFFFEA0];
	[tilespmem:s31+$0xFFFFFF80] =	vst v11;
	v11 =	vmul.f32 v29, v8  }
0x2ff: {  	v33 =	vld [tilespmem:s31+$0xFFFFFFD0];
	[tilespmem:s31+$0xFFFFFE60] =	vst v13;
	v13 =	vmul.f32 v57, v14  }
0x300: {  	v61 =	vld [tilespmem:s31+$0xFFFFFEB0];
	[tilespmem:s31+$0xFFFFFF90] =	vst v11;
	v11 =	vmul.f32 v30, v8;
	v8 =	vmul.f32 v31, v8  }
0x301: {  	v34 =	vld [tilespmem:s31+$0xFFFFFFE0];
	[tilespmem:s31+$0xFFFFFE70] =	vst v13;
	v13 =	vmul.f32 v58, v15  }
0x302: {  	v62 =	vld [tilespmem:s31+$0xFFFFFEC0];
	[tilespmem:s31+$0xFFFFFFB0] =	vst v8;
	v8 =	vmul.f32 v32, v9  }
0x303: {  	v35 =	vld [tilespmem:s31+$0xFFFFFFF0];
	[tilespmem:s31+$0xFFFFFE80] =	vst v13;
	v13 =	vmul.f32 v59, v15  }
0x304: {  	v63 =	vld [tilespmem:s31+$0xFFFFFED0];
	[tilespmem:s31+$0xFFFFFFC0] =	vst v8;
	v8 =	vmul.f32 v33, v9  }
0x305: {  	v36 =	vld [tilespmem:s31+$0x0];
	[tilespmem:s31+$0xFFFFFE90] =	vst v13;
	v13 =	vmul.f32 v60, v15  }
0x306: {  	v37 =	vld [tilespmem:s31+$0x10];
	[tilespmem:s31+$0xFFFFFFD0] =	vst v8;
	v8 =	vmul.f32 v34, v9  }
0x307: {  	v20 =	vld [tilespmem:s31+$0xFFFFFF00];
	[tilespmem:s31+$0xFFFFFEA0] =	vst v13;
	v13 =	vmul.f32 v61, v15  }
0x308: {  	v18 =	vld [tilespmem:s31+$0xFFFFFEE0];
	[tilespmem:s31+$0xFFFFFFE0] =	vst v8;
	v8 =	vmul.f32 v35, v9  }
0x309: {  	v38 =	vld [tilespmem:s31+$0x20];
	[tilespmem:s31+$0xFFFFFEB0] =	vst v13;
	v13 =	vmul.f32 v62, v40  }
0x30a: {  	v21 =	vld [tilespmem:s31+$0xFFFFFF10];
	[tilespmem:s31+$0xFFFFFFF0] =	vst v8;
	v8 =	vmul.f32 v36, v10  }
0x30b: {  	v39 =	vld [tilespmem:s31+$0x30];
	[tilespmem:s31+$0xFFFFFEC0] =	vst v13;
	v13 =	vmul.f32 v63, v40  }
0x30c: {  	v22 =	vld [tilespmem:s31+$0xFFFFFF20];
	[tilespmem:s31+$0x0] =	vst v8;
	v8 =	vmul.f32 v37, v10  }
0x30d: {  	v12 =	vmul.f32 v20, v42;
	[tilespmem:s31+$0xFFFFFED0] =	vst v13;
	v13 =	vmul.f32 v18, v40;
	v40 =	vld [tilespmem:s31+$0x40]  }
0x30e: {  	[tilespmem:s31+$0x10] =	vst v8;
	v8 =	vmul.f32 v38, v10  }
0x30f: {  	v41 =	vld [tilespmem:s31+$0x50];
	[tilespmem:s31+$0xFFFFFF00] =	vst v12;
	v12 =	vmul.f32 v21, v42  }
0x310: {  	[tilespmem:s31+$0x20] =	vst v8;
	v8 =	vmul.f32 v39, v10  }
0x311: {  	[tilespmem:s31+$0xFFFFFF10] =	vst v12;
	v12 =	vmul.f32 v22, v42;
	v42 =	vld [tilespmem:s31+$0x60]  }
0x312: {  	[tilespmem:s31+$0x30] =	vst v8;
	v8 =	vmul.f32 v40, v47  }
0x313: {  	v43 =	vld [tilespmem:s31+$0x70]  }
0x314: {  	[tilespmem:s31+$0x40] =	vst v8;
	v8 =	vmul.f32 v41, v47  }
0x315: {  	v44 =	vld [tilespmem:s31+$0x80]  }
0x316: {  	[tilespmem:s31+$0x50] =	vst v8;
	v8 =	vmul.f32 v42, v47  }
0x317: {  	v45 =	vld [tilespmem:s31+$0x90]  }
0x318: {  	v46 =	vld [tilespmem:s31+$0xA0];
	[tilespmem:s31+$0x60] =	vst v8;
	v8 =	vmul.f32 v43, v47  }
0x319: {  	v47 =	vld [tilespmem:s31+$0xB0]  }
0x31a: {  	[tilespmem:s31+$0x70] =	vst v8;
	v8 =	vmul.f32 v44, v49;
	_ =	sdelay $0x1  }
0x31b: {  	v48 =	vld [tilespmem:s31+$0xC0];
	[tilespmem:s31+$0x80] =	vst v8;
	v8 =	vmul.f32 v45, v49;
	_ =	sdelay $0x1  }
0x31c: {  	v7 =	vmul.f32 v47, v49;
	[tilespmem:s31+$0x90] =	vst v8;
	v8 =	vmul.f32 v46, v49;
	v49 =	vld [tilespmem:s31+$0xD0]  }
0x31d: {  	v51 =	vld [tilespmem:s31+$0xF0]  }
0x31e: {  	[tilespmem:s31+$0xFFFFFE00] =	vst v50;
	v50 =	vld [tilespmem:s31+$0xE0]  }
0x31f: {  	[tilespmem:s31+$0xB0] =	vst v7;
	v7 =	vmul.f32 v48, v6  }
0x320: {  	v52 =	vld [tilespmem:s31+$0x100]  }
0x321: {  	[tilespmem:s31+$0xC0] =	vst v7;
	v7 =	vmul.f32 v49, v6  }
0x322: {  	v53 =	vld [tilespmem:s31+$0x110]  }
0x323: {  	v54 =	vld [tilespmem:s31+$0x120];
	[tilespmem:s31+$0xD0] =	vst v7;
	v7 =	vmul.f32 v50, v6;
	v6 =	vmul.f32 v51, v6  }
0x324: {  	v55 =	vld [tilespmem:s31+$0x130]  }
0x325: {  	[tilespmem:s31+$0xF0] =	vst v6;
	v6 =	vmul.f32 v52, v5  }
0x326: {  	v56 =	vld [tilespmem:s31+$0x140]  }
0x327: {  	[tilespmem:s31+$0x100] =	vst v6;
	v6 =	vmul.f32 v53, v5  }
0x328: {  	v57 =	vld [tilespmem:s31+$0x150]  }
0x329: {  	v58 =	vld [tilespmem:s31+$0x160];
	[tilespmem:s31+$0x110] =	vst v6;
	v6 =	vmul.f32 v54, v5;
	v5 =	vmul.f32 v55, v5  }
0x32a: {  	v59 =	vld [tilespmem:s31+$0x170]  }
0x32b: {  	[tilespmem:s31+$0x130] =	vst v5;
	v5 =	vmul.f32 v56, v4  }
0x32c: {  	v60 =	vld [tilespmem:s31+$0x180]  }
0x32d: {  	[tilespmem:s31+$0x140] =	vst v5;
	v5 =	vmul.f32 v57, v4  }
0x32e: {  	v61 =	vld [tilespmem:s31+$0x190]  }
0x32f: {  	v62 =	vld [tilespmem:s31+$0x1A0];
	[tilespmem:s31+$0x150] =	vst v5;
	v5 =	vmul.f32 v58, v4;
	v4 =	vmul.f32 v59, v4  }
0x330: {  	v63 =	vld [tilespmem:s31+$0x1B0]  }
0x331: {  	[tilespmem:s31+$0x170] =	vst v4;
	v4 =	vmul.f32 v60, v3;
	_ =	sdelay $0x1  }
0x332: {  	[tilespmem:s31+$0x180] =	vst v4;
	v4 =	vmul.f32 v61, v3;
	_ =	sdelay $0x1  }
0x333: {  	[tilespmem:s31+$0x190] =	vst v4;
	v4 =	vmul.f32 v62, v3;
	v3 =	vmul.f32 v63, v3;
	_ =	sdelay $0x1  }
0x334: {  	[tilespmem:s31+$0x1B0] =	vst v3;
	v3 =	vld [tilespmem:s31+$0x1C0];
	_ =	sdelay $0x4  }
0x335: {  	v3 =	vmul.f32 v3, v2;
	_ =	sdelay $0x1  }
0x336: {  	[tilespmem:s31+$0x1C0] =	vst v3;
	v3 =	vld [tilespmem:s31+$0x1D0];
	_ =	sdelay $0x4  }
0x337: {  	v3 =	vmul.f32 v3, v2;
	_ =	sdelay $0x1  }
0x338: {  	[tilespmem:s31+$0x1D0] =	vst v3;
	v3 =	vld [tilespmem:s31+$0x1E0];
	_ =	sdelay $0x4  }
0x339: {  	[tilespmem:s31+$0xFFFFFF20] =	vst v12;
	v3 =	vmul.f32 v3, v2  }
0x33a: {  	[tilespmem:s31+$0xFFFFFFA0] =	vst v11  }
0x33b: {  	[tilespmem:s31+$0x1E0] =	vst v3;
	v3 =	vld [tilespmem:s31+$0x1F0]  }
0x33c: {  	[tilespmem:s31+$0xFFFFFEE0] =	vst v13  }
0x33d: {  	p1 =	sne.s32 s30, $0x7F;
	[tilespmem:s31+$0xA0] =	vst v8  }
.Ltmp12:
0x33e: {  	[tilespmem:s31+$0xE0] =	vst v7;
	(pc) =	sbr.rel @p1 .LBB2_21-.Ltmp12, $4  }
0x33f: {  	[tilespmem:s31+$0x120] =	vst v6  }
0x340: {  	[tilespmem:s31+$0x160] =	vst v5;
	v2 =	vmul.f32 v3, v2  }
0x341: {  	[tilespmem:s31+$0x1A0] =	vst v4  }
0x342: {  	s30 =	sadd.s32 $0x10, s30;
	[tilespmem:s31+$0x1F0] =	vst v2;
	s31 =	sadd.s32 $0x400, s31  }
.Ltmp13:
0x343: {  	s0 =	sadd.s32 $0x4F00, s29;
	(pc) =	sbr.rel @p0 .LBB2_24-.Ltmp13, $4  }
0x344: {  	[spmem:s2] =	stream.indirect.scatter.add.f32 [tilespmem:s22], [sflag:$0x3], $0x40, s0, s20, $0xb8;
	[tilespmem:$0x1CD00] =	vst v63  }
0x345: {  	_ =	swait.ge [sflag:s15], $0x2000  }
0x346: {  	[sflag:s15] =	ssyncset.done $0x0  }
0x347: {  	[sflag:s15] =	ssyncadd.s32 $0xFFFFE000  }
.Ltmp14:
0x348: {  	(pc) =	sbr.rel .LBB2_18-.Ltmp14, $3  }
0x349: {  	_ =	sdelay $0x1  }
0x34a: {  	s0 =	sadd.s32 $0x180, s28;
	s26 =	sadd.s32 $0x1, s26  }
0x34b: {  	[tilespmem:s22], [sflag:$0x2] =	stream.indirect.gather [hbm4b:s7+s20], $0x40, s0, s20, $0xb8;
	[tilespmem:$0x1CD00] =	vst v63  }
.LBB2_25:
0x34c: {  	_ =	sfence.sel $0x180000  }
0x34d: {  	[bflag:$0x0] =	sbarrier.arrive $0xFFFF  }
0x34e: {  	_ =	strace $0x90000047  }
0x34f: {  	s0 =	stileid.u32;
	[bflag:$0x2] =	sbarrier.arrive $0xFFFF  }
0x350: {  	p0 =	sne.s32 s0, $0x0;
	s0 =	rddreg [dreg:$0x6]  }
0x351: {  	s0 =	sadd.s32 @!p0 $0x100000, s0  }
0x352: {  	[sflag:s0] =	ssyncadd.tile.s32 @!p0 $0x1;
	_ =	shalt  }
.Lfunc_end2:
_tile_overlayer_lowered:
.L_overlay_start_2:
0x353: {  	(tag) =	ssettag $0x2  }
0x354: {  	s0 =	rddreg [dreg:$0x0];
	s2 =	stileid.u32  }
0x355: {  	s1 =	rddreg [dreg:$0x1];
	p0 =	sne.s32 s2, $0x0  }
0x356: {  	s3 =	rddreg [dreg:$0x2];
	[bflag:$0x3] =	sbarrier.arrive $0xFFFF;
	s2 =	simm.s32 @!p0 $0x1C03  }
0x357: {  	[timem:s3], [sflag:s2] =	dma.local @!p0 [hbm:s0], s1  }
0x358: {  	s0 =	simm.s32 @!p0 $0x3  }
0x359: {  	_ =	swait.ge @!p0 [sflag:s0], s1  }
0x35a: {  	s1 =	ssub.s32 @!p0 $0x0, s1;
	[sflag:s0] =	ssyncset.done @!p0 $0x0  }
0x35b: {  	[sflag:s0] =	ssyncadd.s32 @!p0 s1  }
0x35c: {  	[bflag:$0x3] =	sbarrier.arrive $0xFFFF  }
0x35d: {  	_ =	shalt  }

</sc_bundles>
